<compile_context>
chip_gen: v7x
topology: tpu7x:2x2x1
jax: 0.10.2.dev20260603
libtpu: 0.0.44.dev20260713+nightly
codegen_flags: <defaults>
</compile_context>

<pallas_src>
import functools

import jax
import jax.numpy as jnp
from jax import lax
from jax.experimental import pallas as pl
from jax.experimental.pallas import tpu as pltpu
from jax.experimental.pallas import tpu_sc as plsc

_NC = 2
_NS = 16
_NW = _NC * _NS
_CH = 64
_BLK = 2000


_NR = 4
_NI = 8


def _seg_sum_call(ps, src3, dst3, npad, split_cols):
    if split_cols:
        _, n, w = ps.shape
    else:
        n, w = ps.shape
    dt = ps.dtype
    lanes = 32 if dt == jnp.bfloat16 else 16
    _, nch, _ = src3.shape
    rpt = npad // _NS
    spt = n // _NS
    mesh = plsc.VectorSubcoreMesh(core_axis_name="c", subcore_axis_name="s")

    @functools.partial(
        pl.kernel,
        mesh=mesh,
        out_type=jax.ShapeDtypeStruct((_NC, npad, w), dt),
        scratch_types=(
            [pltpu.VMEM((_CH,), jnp.int32) for _ in range(2 * _NI)]
            + [pltpu.VMEM((_CH, w), dt) for _ in range(_NR)]
            + [
                pltpu.VMEM_SHARED((n, w), dt),
                pltpu.VMEM_SHARED((npad, w), dt),
            ]
            + [pltpu.SemaphoreType.DMA for _ in range(_NR + _NI)]
        ),
        compiler_params=pltpu.CompilerParams(use_tc_tiling_on_sc=False),
    )
    def k(p_hbm, src_hbm, dst_hbm, out_hbm, *scr):
        sidx = scr[:_NI]
        didx = scr[_NI : 2 * _NI]
        rows = scr[2 * _NI : 2 * _NI + _NR]
        stage = scr[2 * _NI + _NR]
        acc = scr[2 * _NI + _NR + 1]
        gs = scr[2 * _NI + _NR + 2 : 2 * _NI + _NR + 2 + _NR]
        fs = scr[2 * _NI + _NR + 2 + _NR :]
        cid = lax.axis_index("c")
        sid = lax.axis_index("s")
        wid = sid if split_cols else cid * _NS + sid
        zero = jnp.zeros((lanes,), dt)

        for q in range(_NI):
            pltpu.async_copy(src_hbm.at[wid, q], sidx[q], fs[q])
            pltpu.async_copy(dst_hbm.at[wid, q], didx[q], fs[q])

        if split_cols:
            pltpu.sync_copy(
                p_hbm.at[cid, pl.ds(sid * spt, spt)], stage.at[pl.ds(sid * spt, spt)]
            )
        else:
            pltpu.sync_copy(
                p_hbm.at[pl.ds(sid * spt, spt)], stage.at[pl.ds(sid * spt, spt)]
            )

        def zrow(r, carry):
            for c in range(w // lanes):
                rows[0][r, pl.ds(c * lanes, lanes)] = zero
            return carry

        lax.fori_loop(0, _CH, zrow, 0)
        for z in range(rpt // _CH):
            pltpu.sync_copy(rows[0], acc.at[pl.ds(sid * rpt + z * _CH, _CH)])
        plsc.subcore_barrier()
        for q in range(_NR - 1):
            pltpu.make_async_copy(src_hbm.at[wid, q], sidx[q], fs[q]).wait()
            pltpu.make_async_copy(dst_hbm.at[wid, q], didx[q], fs[q]).wait()
            pltpu.async_copy(stage.at[sidx[q]], rows[q], gs[q])

        def block(i, carry):
            for b in range(_NI):
                j = _NI * i + b
                r = b % _NR
                rn = (b + _NR - 1) % _NR
                fn = (b + _NR - 1) % _NI
                pltpu.make_async_copy(stage.at[sidx[b]], rows[r], gs[r]).wait()

                @pl.when(j + _NR - 1 < nch)
                def _():
                    pltpu.make_async_copy(
                        src_hbm.at[wid, 0], sidx[fn], fs[fn]
                    ).wait()
                    pltpu.make_async_copy(
                        dst_hbm.at[wid, 0], didx[fn], fs[fn]
                    ).wait()
                    pltpu.async_copy(stage.at[sidx[fn]], rows[rn], gs[rn])

                pltpu.sync_copy(rows[r], acc.at[didx[b]], add=True)

                @pl.when(j + _NI < nch)
                def _():
                    pltpu.async_copy(src_hbm.at[wid, j + _NI], sidx[b], fs[b])
                    pltpu.async_copy(dst_hbm.at[wid, j + _NI], didx[b], fs[b])
            return carry

        lax.fori_loop(0, nch // _NI, block, 0)
        plsc.subcore_barrier()
        pltpu.sync_copy(
            acc.at[pl.ds(sid * rpt, rpt)], out_hbm.at[cid, pl.ds(sid * rpt, rpt)]
        )

    return k(ps, src3, dst3)


def _deg_call(dst3, npad):
    w = 16
    _, nch, _ = dst3.shape
    rpt = npad // _NS
    mesh = plsc.VectorSubcoreMesh(core_axis_name="c", subcore_axis_name="s")

    @functools.partial(
        pl.kernel,
        mesh=mesh,
        out_type=jax.ShapeDtypeStruct((_NC, npad, w), jnp.float32),
        scratch_types=[
            pltpu.VMEM((nch, _CH), jnp.int32),
            pltpu.VMEM((_CH, w), jnp.float32),
            pltpu.VMEM((_CH, w), jnp.float32),
            pltpu.VMEM_SHARED((npad, w), jnp.float32),
            pltpu.SemaphoreType.DMA,
        ],
        compiler_params=pltpu.CompilerParams(use_tc_tiling_on_sc=False),
    )
    def k(dst_hbm, out_hbm, didx, ones_v, zrows, acc, sem):
        cid = lax.axis_index("c")
        sid = lax.axis_index("s")
        wid = cid * _NS + sid
        one = jnp.ones((16,), jnp.float32)
        zero = jnp.zeros((16,), jnp.float32)

        pltpu.sync_copy(dst_hbm.at[wid], didx)

        def fill(r, carry):
            ones_v[r, pl.ds(0, 16)] = one
            zrows[r, pl.ds(0, 16)] = zero
            return carry

        lax.fori_loop(0, _CH, fill, 0)
        for z in range(rpt // _CH):
            pltpu.sync_copy(zrows, acc.at[pl.ds(sid * rpt + z * _CH, _CH)])
        plsc.subcore_barrier()

        pltpu.async_copy(ones_v, acc.at[didx.at[0]], sem, add=True)

        def step(i, carry):
            pltpu.async_copy(ones_v, acc.at[didx.at[i + 1]], sem, add=True)
            pltpu.make_async_copy(ones_v, acc.at[didx.at[i]], sem).wait()
            return carry

        lax.fori_loop(0, nch - 1, step, 0)
        pltpu.make_async_copy(ones_v, acc.at[didx.at[nch - 1]], sem).wait()
        plsc.subcore_barrier()
        pltpu.sync_copy(
            acc.at[pl.ds(sid * rpt, rpt)], out_hbm.at[cid, pl.ds(sid * rpt, rpt)]
        )

    return k(dst3)


def _tc1_call(x, degp, w0r, w00, wfa, wf0, bfr):
    n, d = x.shape
    hid = w0r.shape[1]
    emb = wfa.shape[1]
    g = n // _BLK

    def body(x_ref, dp_ref, w0r_ref, w00_ref, wfa_ref, wf0_ref, bf_ref, p1_ref, oa_ref):
        deg = dp_ref[0, :, 0:1] + dp_ref[1, :, 0:1]
        xb = x_ref[...]
        p1_ref[...] = (jnp.dot(xb, w0r_ref[...]) + deg * w00_ref[...]).astype(
            jnp.bfloat16
        )
        oa_ref[...] = jnp.dot(xb, wfa_ref[...]) + deg * wf0_ref[...] + bf_ref[...]

    return pl.pallas_call(
        body,
        grid=(g,),
        in_specs=[
            pl.BlockSpec((_BLK, d), lambda i: (i, 0)),
            pl.BlockSpec((_NC, _BLK, 16), lambda i: (0, i, 0)),
            pl.BlockSpec((d, hid), lambda i: (0, 0)),
            pl.BlockSpec((1, hid), lambda i: (0, 0)),
            pl.BlockSpec((d, emb), lambda i: (0, 0)),
            pl.BlockSpec((1, emb), lambda i: (0, 0)),
            pl.BlockSpec((1, emb), lambda i: (0, 0)),
        ],
        out_specs=[
            pl.BlockSpec((_BLK, hid), lambda i: (i, 0)),
            pl.BlockSpec((_BLK, emb), lambda i: (i, 0)),
        ],
        out_shape=[
            jax.ShapeDtypeStruct((n, hid), jnp.bfloat16),
            jax.ShapeDtypeStruct((n, emb), jnp.float32),
        ],
    )(x, degp, w0r, w00, wfa, wf0, bfr)


def _tc2_call(s1p, degp, p1, b0r, w1, wfb, oa):
    n, hid = p1.shape
    emb = w1.shape[1]
    g = n // _BLK

    def body(s_ref, dp_ref, p1_ref, b0_ref, w1_ref, wfb_ref, oa_ref, p2_ref, o2_ref):
        deg = dp_ref[0, :, 0:1] + dp_ref[1, :, 0:1]
        degc = jnp.maximum(deg, 1.0)
        pos = deg > 0.0
        s = s_ref[0].astype(jnp.float32) + s_ref[1].astype(jnp.float32)
        agg = jnp.where(pos, s / degc, p1_ref[...].astype(jnp.float32))
        h2 = jnp.maximum(agg + b0_ref[...], 0.0)
        p2_ref[...] = jnp.dot(h2, w1_ref[...]).astype(jnp.bfloat16)
        o2_ref[...] = oa_ref[...] + jnp.dot(h2, wfb_ref[...])

    return pl.pallas_call(
        body,
        grid=(g,),
        in_specs=[
            pl.BlockSpec((_NC, _BLK, hid), lambda i: (0, i, 0)),
            pl.BlockSpec((_NC, _BLK, 16), lambda i: (0, i, 0)),
            pl.BlockSpec((_BLK, hid), lambda i: (i, 0)),
            pl.BlockSpec((1, hid), lambda i: (0, 0)),
            pl.BlockSpec((hid, emb), lambda i: (0, 0)),
            pl.BlockSpec((hid, emb), lambda i: (0, 0)),
            pl.BlockSpec((_BLK, emb), lambda i: (i, 0)),
        ],
        out_specs=[
            pl.BlockSpec((_BLK, emb), lambda i: (i, 0)),
            pl.BlockSpec((_BLK, emb), lambda i: (i, 0)),
        ],
        out_shape=[
            jax.ShapeDtypeStruct((n, emb), jnp.bfloat16),
            jax.ShapeDtypeStruct((n, emb), jnp.float32),
        ],
    )(s1p, degp, p1, b0r, w1, wfb, oa)


def _tc3_call(s2p, degp, p2, b1r, wfc, o2):
    n, emb = p2.shape
    g = n // _BLK

    def body(s_ref, dp_ref, p2_ref, b1_ref, wfc_ref, o2_ref, out_ref):
        deg = dp_ref[0, :, 0:1] + dp_ref[1, :, 0:1]
        s = s_ref[0].astype(jnp.float32) + s_ref[1].astype(jnp.float32)
        mean = s / jnp.maximum(deg, 1.0)
        agg = jnp.where(deg > 0.0, mean, p2_ref[...].astype(jnp.float32))
        h3 = jnp.maximum(agg + b1_ref[...], 0.0)
        out_ref[...] = o2_ref[...] + jnp.dot(h3, wfc_ref[...])

    return pl.pallas_call(
        body,
        grid=(g,),
        in_specs=[
            pl.BlockSpec((_NC, _BLK, emb), lambda i: (0, i, 0)),
            pl.BlockSpec((_NC, _BLK, 16), lambda i: (0, i, 0)),
            pl.BlockSpec((_BLK, emb), lambda i: (i, 0)),
            pl.BlockSpec((1, emb), lambda i: (0, 0)),
            pl.BlockSpec((emb, emb), lambda i: (0, 0)),
            pl.BlockSpec((_BLK, emb), lambda i: (i, 0)),
        ],
        out_specs=pl.BlockSpec((_BLK, emb), lambda i: (i, 0)),
        out_shape=jax.ShapeDtypeStruct((n, emb), jnp.float32),
    )(s2p, degp, p2, b1r, wfc, o2)


def kernel(x, edge_index, W0, b0, W1, b1, Wf, bf):
    n, d = x.shape
    e = edge_index.shape[1]
    hid = W0.shape[1]
    emb = W1.shape[1]

    grain = _NS * _CH
    npad = -(-(n + 1) // grain) * grain
    egrain = _NW * _CH * _NI
    epad = -(-e // egrain) * egrain
    nch = epad // (_NW * _CH)

    pad = epad - e
    spare = npad - n
    pad_src = jnp.zeros((pad,), jnp.int32)
    pad_dst = jnp.arange(pad, dtype=jnp.int32) % spare + n
    srcp = jnp.concatenate([edge_index[0], pad_src])
    dstp = jnp.concatenate([edge_index[1], pad_dst])
    src3 = srcp.reshape(_NW, nch, _CH)
    dst3 = dstp.reshape(_NW, nch, _CH)

    degp = _deg_call(dst3, npad)

    p1, oa = _tc1_call(
        x,
        degp,
        W0[1:],
        W0[0:1],
        Wf[1 : d + 1],
        Wf[0:1],
        bf.reshape(1, emb),
    )

    s1p = _seg_sum_call(p1, src3, dst3, npad, split_cols=False)
    p2, o2 = _tc2_call(
        s1p, degp, p1, b0.reshape(1, hid), W1, Wf[d + 1 : d + 1 + hid], oa
    )

    s2p = _seg_sum_call(p2, src3, dst3, npad, split_cols=False)
    out = _tc3_call(s2p, degp, p2, b1.reshape(1, emb), Wf[d + 1 + hid :], o2)
    return out

# --- scband reference (transcript-rebuilt; emitter-appended) ---
"""Pipeline reference for scband-node-embedding-84731114815819 (READ-ONLY COPY).

The authoritative reference and input builder live on the scoring server;
editing this copy changes nothing except your own understanding.
"""

import jax, jax.numpy as jnp
import numpy as np

N = 10000
E = 320000
D = 128
IN_DIM = 129
HID = 128
EMB = 32


def setup_inputs(seed: int = 0) -> dict:
    key = jax.random.key(seed)
    ks = jax.random.split(key, 10)
    x = jax.random.normal(ks[0], (N, D), dtype=jnp.float32)
    edge_index = jax.random.randint(ks[1], (2, E), 0, N, dtype=jnp.int32)
    W0 = jax.random.normal(ks[2], (IN_DIM, HID), dtype=jnp.float32) * (1.0 / np.sqrt(IN_DIM))
    b0 = jnp.zeros((HID,), dtype=jnp.float32)
    W1 = jax.random.normal(ks[3], (HID, EMB), dtype=jnp.float32) * (1.0 / np.sqrt(HID))
    b1 = jnp.zeros((EMB,), dtype=jnp.float32)
    Wf = jax.random.normal(ks[4], (IN_DIM + HID + EMB, EMB), dtype=jnp.float32) * (1.0 / np.sqrt(IN_DIM + HID + EMB))
    bf = jnp.zeros((EMB,), dtype=jnp.float32)
    return {"x": x, "edge_index": edge_index, "W0": W0, "b0": b0, "W1": W1, "b1": b1, "Wf": Wf, "bf": bf}


def _gcn_layer(h, src, dst, deg, W, b):
    # copy_src message: m = h[src]; mean reduce per dst node.
    msum = jax.ops.segment_sum(h[src], dst, num_segments=N)
    mean = msum / jnp.maximum(deg, 1.0)[:, None]
    # DGL: zero in-degree nodes are not updated by update_all -> keep original h
    agg = jnp.where(deg[:, None] > 0, mean, h)
    # apply_nodes: ReLU(W h + b)
    return jax.nn.relu(agg @ W + b)


def reference(x, edge_index, W0, b0, W1, b1, Wf, bf):
    src = edge_index[0]
    dst = edge_index[1]
    deg = jax.ops.segment_sum(jnp.ones((E,), dtype=jnp.float32), dst, num_segments=N)
    # h1 = [in_degrees, features]
    h1 = jnp.concatenate([deg[:, None], x], axis=1)
    h2 = _gcn_layer(h1, src, dst, deg, W0, b0)
    h3 = _gcn_layer(h2, src, dst, deg, W1, b1)
    out = jnp.concatenate([h1, h2, h3], axis=1) @ Wf + bf
    return out

if __name__ == "__main__":
    import jax
    _d = setup_inputs()
    print(jax.jit(kernel)(*tuple(_d.values())))

</pallas_src>

<mosaic_0001>
#map = affine_map<(d0, d1) -> (0, 0, 0)>
module attributes {stable_mosaic.version = 14 : i64} {
  func.func @k(%arg0: i32, %arg1: i32, %arg2: memref<32x160x64xi32, #tpu.memory_space<hbm>>, %arg3: memref<2x10240x16xf32, #tpu.memory_space<hbm>>, %arg4: memref<160x64xi32, #tpu.memory_space<vmem>>, %arg5: memref<64x16xf32, #tpu.memory_space<vmem>>, %arg6: memref<64x16xf32, #tpu.memory_space<vmem>>, %arg7: memref<10240x16xf32, #tpu.memory_space<vmem_shared>>, %arg8: memref<!tpu.dma_semaphore, #tpu.memory_space<semaphore_mem>>) attributes {dimension_semantics = [#tpu.dimension_semantics<core_parallel>, #tpu.dimension_semantics<subcore_parallel>], iteration_bounds = array<i64: 2, 16>, scalar_prefetch = 0 : i64, scratch_operands = 5 : i64, tpu.core_type = #tpu.core_type<sc_vector_subcore>, window_params = [{transform_indices = #map}, {transform_indices = #map}]} {
    %mul3A = arith.constant 16 : i32
    %mul3A_0 = arith.muli %arg0, %mul3A : i32
    %add3A = arith.addi %mul3A_0, %arg1 : i32
    %broadcast_in_dim3A = arith.constant 1.000000e+00 : f32
    %broadcast_in_dim3A_1 = vector.broadcast %broadcast_in_dim3A : f32 to vector<16xf32>
    %broadcast_in_dim3A_2 = arith.constant 0.000000e+00 : f32
    %broadcast_in_dim3A_3 = vector.broadcast %broadcast_in_dim3A_2 : f32 to vector<16xf32>
    "tpu.region"() ({
      %run_scoped3A = tpu.sem_alloc : memref<!tpu.dma_semaphore, #tpu.memory_space<semaphore_mem>>
      %dma_start3A_72 = arith.constant 0 : i32
      %dma_start3A_73 = arith.constant 0 : i32
      %dma_start3A_74 = tpu.memref_slice %arg2[%add3A, %dma_start3A_72, %dma_start3A_73] : memref<32x160x64xi32, #tpu.memory_space<hbm>> -> memref<1x160x64xi32, #tpu.memory_space<hbm>>
      %dma_start3A_75 = tpu.memref_squeeze %dma_start3A_74 : memref<1x160x64xi32, #tpu.memory_space<hbm>> -> memref<160x64xi32, #tpu.memory_space<hbm>>
      %dma_start3A_76 = arith.constant 0 : i32
      %dma_start3A_77 = arith.constant 0 : i32
      %dma_start3A_78 = tpu.memref_slice %arg2[%add3A, %dma_start3A_76, %dma_start3A_77] : memref<32x160x64xi32, #tpu.memory_space<hbm>> -> memref<1x160x64xi32, #tpu.memory_space<hbm>>
      %dma_start3A_79 = tpu.memref_squeeze %dma_start3A_78 : memref<1x160x64xi32, #tpu.memory_space<hbm>> -> memref<160x64xi32, #tpu.memory_space<hbm>>
      tpu.enqueue_dma source(%dma_start3A_79 : memref<160x64xi32, #tpu.memory_space<hbm>>) target(%arg4 : memref<160x64xi32, #tpu.memory_space<vmem>>) target_semaphore(%run_scoped3A : memref<!tpu.dma_semaphore, #tpu.memory_space<semaphore_mem>>)
      %dma_wait3A_80 = arith.constant 0 : i32
      %dma_wait3A_81 = arith.constant 0 : i32
      %dma_wait3A_82 = tpu.memref_slice %arg2[%add3A, %dma_wait3A_80, %dma_wait3A_81] : memref<32x160x64xi32, #tpu.memory_space<hbm>> -> memref<1x160x64xi32, #tpu.memory_space<hbm>>
      %dma_wait3A_83 = tpu.memref_squeeze %dma_wait3A_82 : memref<1x160x64xi32, #tpu.memory_space<hbm>> -> memref<160x64xi32, #tpu.memory_space<hbm>>
      %dma_wait3A_84 = arith.constant 0 : i32
      %dma_wait3A_85 = arith.constant 0 : i32
      %dma_wait3A_86 = tpu.memref_slice %arg2[%add3A, %dma_wait3A_84, %dma_wait3A_85] : memref<32x160x64xi32, #tpu.memory_space<hbm>> -> memref<1x160x64xi32, #tpu.memory_space<hbm>>
      %dma_wait3A_87 = tpu.memref_squeeze %dma_wait3A_86 : memref<1x160x64xi32, #tpu.memory_space<hbm>> -> memref<160x64xi32, #tpu.memory_space<hbm>>
      tpu.wait_dma2 semaphore(%run_scoped3A : memref<!tpu.dma_semaphore, #tpu.memory_space<semaphore_mem>>) src(%dma_wait3A_87 : memref<160x64xi32, #tpu.memory_space<hbm>>) dst(%arg4 : memref<160x64xi32, #tpu.memory_space<vmem>>)
      tpu.yield
    }) : () -> ()
    %scan3A = arith.constant 0 : i32
    %scan3A_4 = arith.constant 0 : i32
    %scan3A_5 = arith.constant 64 : i32
    %scan3A_6 = arith.addi %scan3A_4, %scan3A_5 : i32
    %scan3A_7 = arith.constant 1 : i32
    scf.for %scan3A_72 = %scan3A_4 to %scan3A_6 step %scan3A_7  : i32 {
      %swap3A = arith.index_cast %scan3A_72 : i32 to index
      %swap3A_73 = arith.constant 0 : index
      %swap3A_74 = tpu.vector_load %arg5[%swap3A, %swap3A_73] {strides = array<i32>} : memref<64x16xf32, #tpu.memory_space<vmem>>, vector<1x16xf32>,
      %swap3A_75 = vector.shape_cast %swap3A_74 : vector<1x16xf32> to vector<16xf32>
      %swap3A_76 = vector.shape_cast %broadcast_in_dim3A_1 : vector<16xf32> to vector<1x16xf32>
      tpu.vector_store %arg5[%swap3A, %swap3A_73], %swap3A_76 {strides = array<i32>} : memref<64x16xf32, #tpu.memory_space<vmem>>, vector<1x16xf32>,
      %swap3A_77 = arith.index_cast %scan3A_72 : i32 to index
      %swap3A_78 = arith.constant 0 : index
      %swap3A_79 = tpu.vector_load %arg6[%swap3A_77, %swap3A_78] {strides = array<i32>} : memref<64x16xf32, #tpu.memory_space<vmem>>, vector<1x16xf32>,
      %swap3A_80 = vector.shape_cast %swap3A_79 : vector<1x16xf32> to vector<16xf32>
      %swap3A_81 = vector.shape_cast %broadcast_in_dim3A_3 : vector<16xf32> to vector<1x16xf32>
      tpu.vector_store %arg6[%swap3A_77, %swap3A_78], %swap3A_81 {strides = array<i32>} : memref<64x16xf32, #tpu.memory_space<vmem>>, vector<1x16xf32>,
    }
    %scan3A_8 = arith.constant 64 : i32
    %mul3A_9 = arith.constant 640 : i32
    %mul3A_10 = arith.muli %arg1, %mul3A_9 : i32
    %add3A_11 = arith.constant 0 : i32
    %add3A_12 = arith.addi %mul3A_10, %add3A_11 : i32
    "tpu.region"() ({
      %run_scoped3A = tpu.sem_alloc : memref<!tpu.dma_semaphore, #tpu.memory_space<semaphore_mem>>
      %dma_start3A_72 = arith.constant 0 : i32
      %dma_start3A_73 = tpu.memref_slice %arg7[%add3A_12, %dma_start3A_72] : memref<10240x16xf32, #tpu.memory_space<vmem_shared>> -> memref<64x16xf32, #tpu.memory_space<vmem_shared>>
      %dma_start3A_74 = arith.constant 0 : i32
      %dma_start3A_75 = tpu.memref_slice %arg7[%add3A_12, %dma_start3A_74] : memref<10240x16xf32, #tpu.memory_space<vmem_shared>> -> memref<64x16xf32, #tpu.memory_space<vmem_shared>>
      tpu.enqueue_dma source(%arg6 : memref<64x16xf32, #tpu.memory_space<vmem>>) target(%dma_start3A_75 : memref<64x16xf32, #tpu.memory_space<vmem_shared>>) target_semaphore(%run_scoped3A : memref<!tpu.dma_semaphore, #tpu.memory_space<semaphore_mem>>)
      %dma_wait3A_76 = arith.constant 0 : i32
      %dma_wait3A_77 = tpu.memref_slice %arg7[%add3A_12, %dma_wait3A_76] : memref<10240x16xf32, #tpu.memory_space<vmem_shared>> -> memref<64x16xf32, #tpu.memory_space<vmem_shared>>
      %dma_wait3A_78 = arith.constant 0 : i32
      %dma_wait3A_79 = tpu.memref_slice %arg7[%add3A_12, %dma_wait3A_78] : memref<10240x16xf32, #tpu.memory_space<vmem_shared>> -> memref<64x16xf32, #tpu.memory_space<vmem_shared>>
      tpu.wait_dma2 semaphore(%run_scoped3A : memref<!tpu.dma_semaphore, #tpu.memory_space<semaphore_mem>>) src(%arg6 : memref<64x16xf32, #tpu.memory_space<vmem>>) dst(%dma_wait3A_79 : memref<64x16xf32, #tpu.memory_space<vmem_shared>>)
      tpu.yield
    }) : () -> ()
    %mul3A_13 = arith.constant 640 : i32
    %mul3A_14 = arith.muli %arg1, %mul3A_13 : i32
    %add3A_15 = arith.constant 64 : i32
    %add3A_16 = arith.addi %mul3A_14, %add3A_15 : i32
    "tpu.region"() ({
      %run_scoped3A = tpu.sem_alloc : memref<!tpu.dma_semaphore, #tpu.memory_space<semaphore_mem>>
      %dma_start3A_72 = arith.constant 0 : i32
      %dma_start3A_73 = tpu.memref_slice %arg7[%add3A_16, %dma_start3A_72] : memref<10240x16xf32, #tpu.memory_space<vmem_shared>> -> memref<64x16xf32, #tpu.memory_space<vmem_shared>>
      %dma_start3A_74 = arith.constant 0 : i32
      %dma_start3A_75 = tpu.memref_slice %arg7[%add3A_16, %dma_start3A_74] : memref<10240x16xf32, #tpu.memory_space<vmem_shared>> -> memref<64x16xf32, #tpu.memory_space<vmem_shared>>
      tpu.enqueue_dma source(%arg6 : memref<64x16xf32, #tpu.memory_space<vmem>>) target(%dma_start3A_75 : memref<64x16xf32, #tpu.memory_space<vmem_shared>>) target_semaphore(%run_scoped3A : memref<!tpu.dma_semaphore, #tpu.memory_space<semaphore_mem>>)
      %dma_wait3A_76 = arith.constant 0 : i32
      %dma_wait3A_77 = tpu.memref_slice %arg7[%add3A_16, %dma_wait3A_76] : memref<10240x16xf32, #tpu.memory_space<vmem_shared>> -> memref<64x16xf32, #tpu.memory_space<vmem_shared>>
      %dma_wait3A_78 = arith.constant 0 : i32
      %dma_wait3A_79 = tpu.memref_slice %arg7[%add3A_16, %dma_wait3A_78] : memref<10240x16xf32, #tpu.memory_space<vmem_shared>> -> memref<64x16xf32, #tpu.memory_space<vmem_shared>>
      tpu.wait_dma2 semaphore(%run_scoped3A : memref<!tpu.dma_semaphore, #tpu.memory_space<semaphore_mem>>) src(%arg6 : memref<64x16xf32, #tpu.memory_space<vmem>>) dst(%dma_wait3A_79 : memref<64x16xf32, #tpu.memory_space<vmem_shared>>)
      tpu.yield
    }) : () -> ()
    %mul3A_17 = arith.constant 640 : i32
    %mul3A_18 = arith.muli %arg1, %mul3A_17 : i32
    %add3A_19 = arith.constant 128 : i32
    %add3A_20 = arith.addi %mul3A_18, %add3A_19 : i32
    "tpu.region"() ({
      %run_scoped3A = tpu.sem_alloc : memref<!tpu.dma_semaphore, #tpu.memory_space<semaphore_mem>>
      %dma_start3A_72 = arith.constant 0 : i32
      %dma_start3A_73 = tpu.memref_slice %arg7[%add3A_20, %dma_start3A_72] : memref<10240x16xf32, #tpu.memory_space<vmem_shared>> -> memref<64x16xf32, #tpu.memory_space<vmem_shared>>
      %dma_start3A_74 = arith.constant 0 : i32
      %dma_start3A_75 = tpu.memref_slice %arg7[%add3A_20, %dma_start3A_74] : memref<10240x16xf32, #tpu.memory_space<vmem_shared>> -> memref<64x16xf32, #tpu.memory_space<vmem_shared>>
      tpu.enqueue_dma source(%arg6 : memref<64x16xf32, #tpu.memory_space<vmem>>) target(%dma_start3A_75 : memref<64x16xf32, #tpu.memory_space<vmem_shared>>) target_semaphore(%run_scoped3A : memref<!tpu.dma_semaphore, #tpu.memory_space<semaphore_mem>>)
      %dma_wait3A_76 = arith.constant 0 : i32
      %dma_wait3A_77 = tpu.memref_slice %arg7[%add3A_20, %dma_wait3A_76] : memref<10240x16xf32, #tpu.memory_space<vmem_shared>> -> memref<64x16xf32, #tpu.memory_space<vmem_shared>>
      %dma_wait3A_78 = arith.constant 0 : i32
      %dma_wait3A_79 = tpu.memref_slice %arg7[%add3A_20, %dma_wait3A_78] : memref<10240x16xf32, #tpu.memory_space<vmem_shared>> -> memref<64x16xf32, #tpu.memory_space<vmem_shared>>
      tpu.wait_dma2 semaphore(%run_scoped3A : memref<!tpu.dma_semaphore, #tpu.memory_space<semaphore_mem>>) src(%arg6 : memref<64x16xf32, #tpu.memory_space<vmem>>) dst(%dma_wait3A_79 : memref<64x16xf32, #tpu.memory_space<vmem_shared>>)
      tpu.yield
    }) : () -> ()
    %mul3A_21 = arith.constant 640 : i32
    %mul3A_22 = arith.muli %arg1, %mul3A_21 : i32
    %add3A_23 = arith.constant 192 : i32
    %add3A_24 = arith.addi %mul3A_22, %add3A_23 : i32
    "tpu.region"() ({
      %run_scoped3A = tpu.sem_alloc : memref<!tpu.dma_semaphore, #tpu.memory_space<semaphore_mem>>
      %dma_start3A_72 = arith.constant 0 : i32
      %dma_start3A_73 = tpu.memref_slice %arg7[%add3A_24, %dma_start3A_72] : memref<10240x16xf32, #tpu.memory_space<vmem_shared>> -> memref<64x16xf32, #tpu.memory_space<vmem_shared>>
      %dma_start3A_74 = arith.constant 0 : i32
      %dma_start3A_75 = tpu.memref_slice %arg7[%add3A_24, %dma_start3A_74] : memref<10240x16xf32, #tpu.memory_space<vmem_shared>> -> memref<64x16xf32, #tpu.memory_space<vmem_shared>>
      tpu.enqueue_dma source(%arg6 : memref<64x16xf32, #tpu.memory_space<vmem>>) target(%dma_start3A_75 : memref<64x16xf32, #tpu.memory_space<vmem_shared>>) target_semaphore(%run_scoped3A : memref<!tpu.dma_semaphore, #tpu.memory_space<semaphore_mem>>)
      %dma_wait3A_76 = arith.constant 0 : i32
      %dma_wait3A_77 = tpu.memref_slice %arg7[%add3A_24, %dma_wait3A_76] : memref<10240x16xf32, #tpu.memory_space<vmem_shared>> -> memref<64x16xf32, #tpu.memory_space<vmem_shared>>
      %dma_wait3A_78 = arith.constant 0 : i32
      %dma_wait3A_79 = tpu.memref_slice %arg7[%add3A_24, %dma_wait3A_78] : memref<10240x16xf32, #tpu.memory_space<vmem_shared>> -> memref<64x16xf32, #tpu.memory_space<vmem_shared>>
      tpu.wait_dma2 semaphore(%run_scoped3A : memref<!tpu.dma_semaphore, #tpu.memory_space<semaphore_mem>>) src(%arg6 : memref<64x16xf32, #tpu.memory_space<vmem>>) dst(%dma_wait3A_79 : memref<64x16xf32, #tpu.memory_space<vmem_shared>>)
      tpu.yield
    }) : () -> ()
    %mul3A_25 = arith.constant 640 : i32
    %mul3A_26 = arith.muli %arg1, %mul3A_25 : i32
    %add3A_27 = arith.constant 256 : i32
    %add3A_28 = arith.addi %mul3A_26, %add3A_27 : i32
    "tpu.region"() ({
      %run_scoped3A = tpu.sem_alloc : memref<!tpu.dma_semaphore, #tpu.memory_space<semaphore_mem>>
      %dma_start3A_72 = arith.constant 0 : i32
      %dma_start3A_73 = tpu.memref_slice %arg7[%add3A_28, %dma_start3A_72] : memref<10240x16xf32, #tpu.memory_space<vmem_shared>> -> memref<64x16xf32, #tpu.memory_space<vmem_shared>>
      %dma_start3A_74 = arith.constant 0 : i32
      %dma_start3A_75 = tpu.memref_slice %arg7[%add3A_28, %dma_start3A_74] : memref<10240x16xf32, #tpu.memory_space<vmem_shared>> -> memref<64x16xf32, #tpu.memory_space<vmem_shared>>
      tpu.enqueue_dma source(%arg6 : memref<64x16xf32, #tpu.memory_space<vmem>>) target(%dma_start3A_75 : memref<64x16xf32, #tpu.memory_space<vmem_shared>>) target_semaphore(%run_scoped3A : memref<!tpu.dma_semaphore, #tpu.memory_space<semaphore_mem>>)
      %dma_wait3A_76 = arith.constant 0 : i32
      %dma_wait3A_77 = tpu.memref_slice %arg7[%add3A_28, %dma_wait3A_76] : memref<10240x16xf32, #tpu.memory_space<vmem_shared>> -> memref<64x16xf32, #tpu.memory_space<vmem_shared>>
      %dma_wait3A_78 = arith.constant 0 : i32
      %dma_wait3A_79 = tpu.memref_slice %arg7[%add3A_28, %dma_wait3A_78] : memref<10240x16xf32, #tpu.memory_space<vmem_shared>> -> memref<64x16xf32, #tpu.memory_space<vmem_shared>>
      tpu.wait_dma2 semaphore(%run_scoped3A : memref<!tpu.dma_semaphore, #tpu.memory_space<semaphore_mem>>) src(%arg6 : memref<64x16xf32, #tpu.memory_space<vmem>>) dst(%dma_wait3A_79 : memref<64x16xf32, #tpu.memory_space<vmem_shared>>)
      tpu.yield
    }) : () -> ()
    %mul3A_29 = arith.constant 640 : i32
    %mul3A_30 = arith.muli %arg1, %mul3A_29 : i32
    %add3A_31 = arith.constant 320 : i32
    %add3A_32 = arith.addi %mul3A_30, %add3A_31 : i32
    "tpu.region"() ({
      %run_scoped3A = tpu.sem_alloc : memref<!tpu.dma_semaphore, #tpu.memory_space<semaphore_mem>>
      %dma_start3A_72 = arith.constant 0 : i32
      %dma_start3A_73 = tpu.memref_slice %arg7[%add3A_32, %dma_start3A_72] : memref<10240x16xf32, #tpu.memory_space<vmem_shared>> -> memref<64x16xf32, #tpu.memory_space<vmem_shared>>
      %dma_start3A_74 = arith.constant 0 : i32
      %dma_start3A_75 = tpu.memref_slice %arg7[%add3A_32, %dma_start3A_74] : memref<10240x16xf32, #tpu.memory_space<vmem_shared>> -> memref<64x16xf32, #tpu.memory_space<vmem_shared>>
      tpu.enqueue_dma source(%arg6 : memref<64x16xf32, #tpu.memory_space<vmem>>) target(%dma_start3A_75 : memref<64x16xf32, #tpu.memory_space<vmem_shared>>) target_semaphore(%run_scoped3A : memref<!tpu.dma_semaphore, #tpu.memory_space<semaphore_mem>>)
      %dma_wait3A_76 = arith.constant 0 : i32
      %dma_wait3A_77 = tpu.memref_slice %arg7[%add3A_32, %dma_wait3A_76] : memref<10240x16xf32, #tpu.memory_space<vmem_shared>> -> memref<64x16xf32, #tpu.memory_space<vmem_shared>>
      %dma_wait3A_78 = arith.constant 0 : i32
      %dma_wait3A_79 = tpu.memref_slice %arg7[%add3A_32, %dma_wait3A_78] : memref<10240x16xf32, #tpu.memory_space<vmem_shared>> -> memref<64x16xf32, #tpu.memory_space<vmem_shared>>
      tpu.wait_dma2 semaphore(%run_scoped3A : memref<!tpu.dma_semaphore, #tpu.memory_space<semaphore_mem>>) src(%arg6 : memref<64x16xf32, #tpu.memory_space<vmem>>) dst(%dma_wait3A_79 : memref<64x16xf32, #tpu.memory_space<vmem_shared>>)
      tpu.yield
    }) : () -> ()
    %mul3A_33 = arith.constant 640 : i32
    %mul3A_34 = arith.muli %arg1, %mul3A_33 : i32
    %add3A_35 = arith.constant 384 : i32
    %add3A_36 = arith.addi %mul3A_34, %add3A_35 : i32
    "tpu.region"() ({
      %run_scoped3A = tpu.sem_alloc : memref<!tpu.dma_semaphore, #tpu.memory_space<semaphore_mem>>
      %dma_start3A_72 = arith.constant 0 : i32
      %dma_start3A_73 = tpu.memref_slice %arg7[%add3A_36, %dma_start3A_72] : memref<10240x16xf32, #tpu.memory_space<vmem_shared>> -> memref<64x16xf32, #tpu.memory_space<vmem_shared>>
      %dma_start3A_74 = arith.constant 0 : i32
      %dma_start3A_75 = tpu.memref_slice %arg7[%add3A_36, %dma_start3A_74] : memref<10240x16xf32, #tpu.memory_space<vmem_shared>> -> memref<64x16xf32, #tpu.memory_space<vmem_shared>>
      tpu.enqueue_dma source(%arg6 : memref<64x16xf32, #tpu.memory_space<vmem>>) target(%dma_start3A_75 : memref<64x16xf32, #tpu.memory_space<vmem_shared>>) target_semaphore(%run_scoped3A : memref<!tpu.dma_semaphore, #tpu.memory_space<semaphore_mem>>)
      %dma_wait3A_76 = arith.constant 0 : i32
      %dma_wait3A_77 = tpu.memref_slice %arg7[%add3A_36, %dma_wait3A_76] : memref<10240x16xf32, #tpu.memory_space<vmem_shared>> -> memref<64x16xf32, #tpu.memory_space<vmem_shared>>
      %dma_wait3A_78 = arith.constant 0 : i32
      %dma_wait3A_79 = tpu.memref_slice %arg7[%add3A_36, %dma_wait3A_78] : memref<10240x16xf32, #tpu.memory_space<vmem_shared>> -> memref<64x16xf32, #tpu.memory_space<vmem_shared>>
      tpu.wait_dma2 semaphore(%run_scoped3A : memref<!tpu.dma_semaphore, #tpu.memory_space<semaphore_mem>>) src(%arg6 : memref<64x16xf32, #tpu.memory_space<vmem>>) dst(%dma_wait3A_79 : memref<64x16xf32, #tpu.memory_space<vmem_shared>>)
      tpu.yield
    }) : () -> ()
    %mul3A_37 = arith.constant 640 : i32
    %mul3A_38 = arith.muli %arg1, %mul3A_37 : i32
    %add3A_39 = arith.constant 448 : i32
    %add3A_40 = arith.addi %mul3A_38, %add3A_39 : i32
    "tpu.region"() ({
      %run_scoped3A = tpu.sem_alloc : memref<!tpu.dma_semaphore, #tpu.memory_space<semaphore_mem>>
      %dma_start3A_72 = arith.constant 0 : i32
      %dma_start3A_73 = tpu.memref_slice %arg7[%add3A_40, %dma_start3A_72] : memref<10240x16xf32, #tpu.memory_space<vmem_shared>> -> memref<64x16xf32, #tpu.memory_space<vmem_shared>>
      %dma_start3A_74 = arith.constant 0 : i32
      %dma_start3A_75 = tpu.memref_slice %arg7[%add3A_40, %dma_start3A_74] : memref<10240x16xf32, #tpu.memory_space<vmem_shared>> -> memref<64x16xf32, #tpu.memory_space<vmem_shared>>
      tpu.enqueue_dma source(%arg6 : memref<64x16xf32, #tpu.memory_space<vmem>>) target(%dma_start3A_75 : memref<64x16xf32, #tpu.memory_space<vmem_shared>>) target_semaphore(%run_scoped3A : memref<!tpu.dma_semaphore, #tpu.memory_space<semaphore_mem>>)
      %dma_wait3A_76 = arith.constant 0 : i32
      %dma_wait3A_77 = tpu.memref_slice %arg7[%add3A_40, %dma_wait3A_76] : memref<10240x16xf32, #tpu.memory_space<vmem_shared>> -> memref<64x16xf32, #tpu.memory_space<vmem_shared>>
      %dma_wait3A_78 = arith.constant 0 : i32
      %dma_wait3A_79 = tpu.memref_slice %arg7[%add3A_40, %dma_wait3A_78] : memref<10240x16xf32, #tpu.memory_space<vmem_shared>> -> memref<64x16xf32, #tpu.memory_space<vmem_shared>>
      tpu.wait_dma2 semaphore(%run_scoped3A : memref<!tpu.dma_semaphore, #tpu.memory_space<semaphore_mem>>) src(%arg6 : memref<64x16xf32, #tpu.memory_space<vmem>>) dst(%dma_wait3A_79 : memref<64x16xf32, #tpu.memory_space<vmem_shared>>)
      tpu.yield
    }) : () -> ()
    %mul3A_41 = arith.constant 640 : i32
    %mul3A_42 = arith.muli %arg1, %mul3A_41 : i32
    %add3A_43 = arith.constant 512 : i32
    %add3A_44 = arith.addi %mul3A_42, %add3A_43 : i32
    "tpu.region"() ({
      %run_scoped3A = tpu.sem_alloc : memref<!tpu.dma_semaphore, #tpu.memory_space<semaphore_mem>>
      %dma_start3A_72 = arith.constant 0 : i32
      %dma_start3A_73 = tpu.memref_slice %arg7[%add3A_44, %dma_start3A_72] : memref<10240x16xf32, #tpu.memory_space<vmem_shared>> -> memref<64x16xf32, #tpu.memory_space<vmem_shared>>
      %dma_start3A_74 = arith.constant 0 : i32
      %dma_start3A_75 = tpu.memref_slice %arg7[%add3A_44, %dma_start3A_74] : memref<10240x16xf32, #tpu.memory_space<vmem_shared>> -> memref<64x16xf32, #tpu.memory_space<vmem_shared>>
      tpu.enqueue_dma source(%arg6 : memref<64x16xf32, #tpu.memory_space<vmem>>) target(%dma_start3A_75 : memref<64x16xf32, #tpu.memory_space<vmem_shared>>) target_semaphore(%run_scoped3A : memref<!tpu.dma_semaphore, #tpu.memory_space<semaphore_mem>>)
      %dma_wait3A_76 = arith.constant 0 : i32
      %dma_wait3A_77 = tpu.memref_slice %arg7[%add3A_44, %dma_wait3A_76] : memref<10240x16xf32, #tpu.memory_space<vmem_shared>> -> memref<64x16xf32, #tpu.memory_space<vmem_shared>>
      %dma_wait3A_78 = arith.constant 0 : i32
      %dma_wait3A_79 = tpu.memref_slice %arg7[%add3A_44, %dma_wait3A_78] : memref<10240x16xf32, #tpu.memory_space<vmem_shared>> -> memref<64x16xf32, #tpu.memory_space<vmem_shared>>
      tpu.wait_dma2 semaphore(%run_scoped3A : memref<!tpu.dma_semaphore, #tpu.memory_space<semaphore_mem>>) src(%arg6 : memref<64x16xf32, #tpu.memory_space<vmem>>) dst(%dma_wait3A_79 : memref<64x16xf32, #tpu.memory_space<vmem_shared>>)
      tpu.yield
    }) : () -> ()
    %mul3A_45 = arith.constant 640 : i32
    %mul3A_46 = arith.muli %arg1, %mul3A_45 : i32
    %add3A_47 = arith.constant 576 : i32
    %add3A_48 = arith.addi %mul3A_46, %add3A_47 : i32
    "tpu.region"() ({
      %run_scoped3A = tpu.sem_alloc : memref<!tpu.dma_semaphore, #tpu.memory_space<semaphore_mem>>
      %dma_start3A_72 = arith.constant 0 : i32
      %dma_start3A_73 = tpu.memref_slice %arg7[%add3A_48, %dma_start3A_72] : memref<10240x16xf32, #tpu.memory_space<vmem_shared>> -> memref<64x16xf32, #tpu.memory_space<vmem_shared>>
      %dma_start3A_74 = arith.constant 0 : i32
      %dma_start3A_75 = tpu.memref_slice %arg7[%add3A_48, %dma_start3A_74] : memref<10240x16xf32, #tpu.memory_space<vmem_shared>> -> memref<64x16xf32, #tpu.memory_space<vmem_shared>>
      tpu.enqueue_dma source(%arg6 : memref<64x16xf32, #tpu.memory_space<vmem>>) target(%dma_start3A_75 : memref<64x16xf32, #tpu.memory_space<vmem_shared>>) target_semaphore(%run_scoped3A : memref<!tpu.dma_semaphore, #tpu.memory_space<semaphore_mem>>)
      %dma_wait3A_76 = arith.constant 0 : i32
      %dma_wait3A_77 = tpu.memref_slice %arg7[%add3A_48, %dma_wait3A_76] : memref<10240x16xf32, #tpu.memory_space<vmem_shared>> -> memref<64x16xf32, #tpu.memory_space<vmem_shared>>
      %dma_wait3A_78 = arith.constant 0 : i32
      %dma_wait3A_79 = tpu.memref_slice %arg7[%add3A_48, %dma_wait3A_78] : memref<10240x16xf32, #tpu.memory_space<vmem_shared>> -> memref<64x16xf32, #tpu.memory_space<vmem_shared>>
      tpu.wait_dma2 semaphore(%run_scoped3A : memref<!tpu.dma_semaphore, #tpu.memory_space<semaphore_mem>>) src(%arg6 : memref<64x16xf32, #tpu.memory_space<vmem>>) dst(%dma_wait3A_79 : memref<64x16xf32, #tpu.memory_space<vmem_shared>>)
      tpu.yield
    }) : () -> ()
    %barrier3A = arith.constant 0 : index
    tpu.barrier barrier_id(%barrier3A)
    %dma_start3A = arith.constant 0 : i32
    %dma_start3A_49 = arith.constant 0 : i32
    %dma_start3A_50 = tpu.memref_slice %arg4[%dma_start3A, %dma_start3A_49] : memref<160x64xi32, #tpu.memory_space<vmem>> -> memref<1x64xi32, #tpu.memory_space<vmem>>
    %dma_start3A_51 = tpu.memref_squeeze %dma_start3A_50 : memref<1x64xi32, #tpu.memory_space<vmem>> -> memref<64xi32, #tpu.memory_space<vmem>>
    %dma_start3A_52 = arith.constant 0 : i32
    %dma_start3A_53 = arith.constant 0 : i32
    %dma_start3A_54 = tpu.memref_slice %arg7[%dma_start3A_52, %dma_start3A_53] : memref<10240x16xf32, #tpu.memory_space<vmem_shared>> -> memref<10240x16xf32, #tpu.memory_space<vmem_shared>>
    tpu.enqueue_indirect_dma source(%arg5 : memref<64x16xf32, #tpu.memory_space<vmem>>) target(%dma_start3A_54 : memref<10240x16xf32, #tpu.memory_space<vmem_shared>>) offsets(%dma_start3A_51 : memref<64xi32, #tpu.memory_space<vmem>>) semaphore(%arg8 : memref<!tpu.dma_semaphore, #tpu.memory_space<semaphore_mem>>) {add = true}
    %scan3A_55 = arith.constant 0 : i32
    %scan3A_56 = arith.constant 0 : i32
    %scan3A_57 = arith.constant 159 : i32
    %scan3A_58 = arith.addi %scan3A_56, %scan3A_57 : i32
    %scan3A_59 = arith.constant 1 : i32
    scf.for %scan3A_72 = %scan3A_56 to %scan3A_58 step %scan3A_59  : i32 {
      %add3A_73 = arith.constant 1 : i32
      %add3A_74 = arith.addi %scan3A_72, %add3A_73 : i32
      %dma_start3A_75 = arith.constant 0 : i32
      %dma_start3A_76 = tpu.memref_slice %arg4[%add3A_74, %dma_start3A_75] : memref<160x64xi32, #tpu.memory_space<vmem>> -> memref<1x64xi32, #tpu.memory_space<vmem>>
      %dma_start3A_77 = tpu.memref_squeeze %dma_start3A_76 : memref<1x64xi32, #tpu.memory_space<vmem>> -> memref<64xi32, #tpu.memory_space<vmem>>
      %dma_start3A_78 = arith.constant 0 : i32
      %dma_start3A_79 = arith.constant 0 : i32
      %dma_start3A_80 = tpu.memref_slice %arg7[%dma_start3A_78, %dma_start3A_79] : memref<10240x16xf32, #tpu.memory_space<vmem_shared>> -> memref<10240x16xf32, #tpu.memory_space<vmem_shared>>
      tpu.enqueue_indirect_dma source(%arg5 : memref<64x16xf32, #tpu.memory_space<vmem>>) target(%dma_start3A_80 : memref<10240x16xf32, #tpu.memory_space<vmem_shared>>) offsets(%dma_start3A_77 : memref<64xi32, #tpu.memory_space<vmem>>) semaphore(%arg8 : memref<!tpu.dma_semaphore, #tpu.memory_space<semaphore_mem>>) {add = true}
      %dma_wait3A_81 = arith.constant 0 : i32
      %dma_wait3A_82 = tpu.memref_slice %arg4[%scan3A_72, %dma_wait3A_81] : memref<160x64xi32, #tpu.memory_space<vmem>> -> memref<1x64xi32, #tpu.memory_space<vmem>>
      %dma_wait3A_83 = tpu.memref_squeeze %dma_wait3A_82 : memref<1x64xi32, #tpu.memory_space<vmem>> -> memref<64xi32, #tpu.memory_space<vmem>>
      %dma_wait3A_84 = arith.constant 0 : i32
      %dma_wait3A_85 = arith.constant 0 : i32
      %dma_wait3A_86 = tpu.memref_slice %arg7[%dma_wait3A_84, %dma_wait3A_85] : memref<10240x16xf32, #tpu.memory_space<vmem_shared>> -> memref<10240x16xf32, #tpu.memory_space<vmem_shared>>
      tpu.wait_indirect_dma semaphore(%arg8 : memref<!tpu.dma_semaphore, #tpu.memory_space<semaphore_mem>>) src(%arg5 : memref<64x16xf32, #tpu.memory_space<vmem>>) dst(%dma_wait3A_86 : memref<10240x16xf32, #tpu.memory_space<vmem_shared>>)
    }
    %scan3A_60 = arith.constant 159 : i32
    %dma_wait3A = arith.constant 159 : i32
    %dma_wait3A_61 = arith.constant 0 : i32
    %dma_wait3A_62 = tpu.memref_slice %arg4[%dma_wait3A, %dma_wait3A_61] : memref<160x64xi32, #tpu.memory_space<vmem>> -> memref<1x64xi32, #tpu.memory_space<vmem>>
    %dma_wait3A_63 = tpu.memref_squeeze %dma_wait3A_62 : memref<1x64xi32, #tpu.memory_space<vmem>> -> memref<64xi32, #tpu.memory_space<vmem>>
    %dma_wait3A_64 = arith.constant 0 : i32
    %dma_wait3A_65 = arith.constant 0 : i32
    %dma_wait3A_66 = tpu.memref_slice %arg7[%dma_wait3A_64, %dma_wait3A_65] : memref<10240x16xf32, #tpu.memory_space<vmem_shared>> -> memref<10240x16xf32, #tpu.memory_space<vmem_shared>>
    tpu.wait_indirect_dma semaphore(%arg8 : memref<!tpu.dma_semaphore, #tpu.memory_space<semaphore_mem>>) src(%arg5 : memref<64x16xf32, #tpu.memory_space<vmem>>) dst(%dma_wait3A_66 : memref<10240x16xf32, #tpu.memory_space<vmem_shared>>)
    %barrier3A_67 = arith.constant 0 : index
    tpu.barrier barrier_id(%barrier3A_67)
    %mul3A_68 = arith.constant 640 : i32
    %mul3A_69 = arith.muli %arg1, %mul3A_68 : i32
    %mul3A_70 = arith.constant 640 : i32
    %mul3A_71 = arith.muli %arg1, %mul3A_70 : i32
    "tpu.region"() ({
      %run_scoped3A = tpu.sem_alloc : memref<!tpu.dma_semaphore, #tpu.memory_space<semaphore_mem>>
      %dma_start3A_72 = arith.constant 0 : i32
      %dma_start3A_73 = tpu.memref_slice %arg3[%arg0, %mul3A_71, %dma_start3A_72] : memref<2x10240x16xf32, #tpu.memory_space<hbm>> -> memref<1x640x16xf32, #tpu.memory_space<hbm>>
      %dma_start3A_74 = tpu.memref_squeeze %dma_start3A_73 : memref<1x640x16xf32, #tpu.memory_space<hbm>> -> memref<640x16xf32, #tpu.memory_space<hbm>>
      %dma_start3A_75 = arith.constant 0 : i32
      %dma_start3A_76 = tpu.memref_slice %arg7[%mul3A_69, %dma_start3A_75] : memref<10240x16xf32, #tpu.memory_space<vmem_shared>> -> memref<640x16xf32, #tpu.memory_space<vmem_shared>>
      tpu.enqueue_dma source(%dma_start3A_76 : memref<640x16xf32, #tpu.memory_space<vmem_shared>>) target(%dma_start3A_74 : memref<640x16xf32, #tpu.memory_space<hbm>>) target_semaphore(%run_scoped3A : memref<!tpu.dma_semaphore, #tpu.memory_space<semaphore_mem>>)
      %dma_wait3A_77 = arith.constant 0 : i32
      %dma_wait3A_78 = tpu.memref_slice %arg3[%arg0, %mul3A_71, %dma_wait3A_77] : memref<2x10240x16xf32, #tpu.memory_space<hbm>> -> memref<1x640x16xf32, #tpu.memory_space<hbm>>
      %dma_wait3A_79 = tpu.memref_squeeze %dma_wait3A_78 : memref<1x640x16xf32, #tpu.memory_space<hbm>> -> memref<640x16xf32, #tpu.memory_space<hbm>>
      %dma_wait3A_80 = arith.constant 0 : i32
      %dma_wait3A_81 = tpu.memref_slice %arg7[%mul3A_69, %dma_wait3A_80] : memref<10240x16xf32, #tpu.memory_space<vmem_shared>> -> memref<640x16xf32, #tpu.memory_space<vmem_shared>>
      tpu.wait_dma2 semaphore(%run_scoped3A : memref<!tpu.dma_semaphore, #tpu.memory_space<semaphore_mem>>) src(%dma_wait3A_81 : memref<640x16xf32, #tpu.memory_space<vmem_shared>>) dst(%dma_wait3A_79 : memref<640x16xf32, #tpu.memory_space<hbm>>)
      tpu.yield
    }) : () -> ()
    return
  }
}

#map = affine_map<(d0, d1) -> (0, 0)>
#map1 = affine_map<(d0, d1) -> (0, 0, 0)>
module attributes {stable_mosaic.version = 14 : i64} {
  func.func @k(%arg0: i32, %arg1: i32, %arg2: memref<10000x32xbf16, #tpu.memory_space<hbm>>, %arg3: memref<32x160x64xi32, #tpu.memory_space<hbm>>, %arg4: memref<32x160x64xi32, #tpu.memory_space<hbm>>, %arg5: memref<2x10240x32xbf16, #tpu.memory_space<hbm>>, %arg6: memref<64xi32, #tpu.memory_space<vmem>>, %arg7: memref<64xi32, #tpu.memory_space<vmem>>, %arg8: memref<64xi32, #tpu.memory_space<vmem>>, %arg9: memref<64xi32, #tpu.memory_space<vmem>>, %arg10: memref<64xi32, #tpu.memory_space<vmem>>, %arg11: memref<64xi32, #tpu.memory_space<vmem>>, %arg12: memref<64xi32, #tpu.memory_space<vmem>>, %arg13: memref<64xi32, #tpu.memory_space<vmem>>, %arg14: memref<64xi32, #tpu.memory_space<vmem>>, %arg15: memref<64xi32, #tpu.memory_space<vmem>>, %arg16: memref<64xi32, #tpu.memory_space<vmem>>, %arg17: memref<64xi32, #tpu.memory_space<vmem>>, %arg18: memref<64xi32, #tpu.memory_space<vmem>>, %arg19: memref<64xi32, #tpu.memory_space<vmem>>, %arg20: memref<64xi32, #tpu.memory_space<vmem>>, %arg21: memref<64xi32, #tpu.memory_space<vmem>>, %arg22: memref<64x32xbf16, #tpu.memory_space<vmem>>, %arg23: memref<64x32xbf16, #tpu.memory_space<vmem>>, %arg24: memref<64x32xbf16, #tpu.memory_space<vmem>>, %arg25: memref<64x32xbf16, #tpu.memory_space<vmem>>, %arg26: memref<10000x32xbf16, #tpu.memory_space<vmem_shared>>, %arg27: memref<10240x32xbf16, #tpu.memory_space<vmem_shared>>, %arg28: memref<!tpu.dma_semaphore, #tpu.memory_space<semaphore_mem>>, %arg29: memref<!tpu.dma_semaphore, #tpu.memory_space<semaphore_mem>>, %arg30: memref<!tpu.dma_semaphore, #tpu.memory_space<semaphore_mem>>, %arg31: memref<!tpu.dma_semaphore, #tpu.memory_space<semaphore_mem>>, %arg32: memref<!tpu.dma_semaphore, #tpu.memory_space<semaphore_mem>>, %arg33: memref<!tpu.dma_semaphore, #tpu.memory_space<semaphore_mem>>, %arg34: memref<!tpu.dma_semaphore, #tpu.memory_space<semaphore_mem>>, %arg35: memref<!tpu.dma_semaphore, #tpu.memory_space<semaphore_mem>>, %arg36: memref<!tpu.dma_semaphore, #tpu.memory_space<semaphore_mem>>, %arg37: memref<!tpu.dma_semaphore, #tpu.memory_space<semaphore_mem>>, %arg38: memref<!tpu.dma_semaphore, #tpu.memory_space<semaphore_mem>>, %arg39: memref<!tpu.dma_semaphore, #tpu.memory_space<semaphore_mem>>) attributes {dimension_semantics = [#tpu.dimension_semantics<core_parallel>, #tpu.dimension_semantics<subcore_parallel>], iteration_bounds = array<i64: 2, 16>, scalar_prefetch = 0 : i64, scratch_operands = 34 : i64, tpu.core_type = #tpu.core_type<sc_vector_subcore>, window_params = [{transform_indices = #map}, {transform_indices = #map1}, {transform_indices = #map1}, {transform_indices = #map1}]} {
    %mul3A = arith.constant 16 : i32
    %mul3A_0 = arith.muli %arg0, %mul3A : i32
    %add3A = arith.addi %mul3A_0, %arg1 : i32
    %broadcast_in_dim3A = arith.constant 0.000000e+00 : bf16
    %broadcast_in_dim3A_1 = vector.broadcast %broadcast_in_dim3A : bf16 to vector<32xbf16>
    %dma_start3A = arith.constant 0 : i32
    %dma_start3A_2 = arith.constant 0 : i32
    %dma_start3A_3 = tpu.memref_slice %arg3[%add3A, %dma_start3A, %dma_start3A_2] : memref<32x160x64xi32, #tpu.memory_space<hbm>> -> memref<1x1x64xi32, #tpu.memory_space<hbm>>
    %dma_start3A_4 = tpu.memref_squeeze %dma_start3A_3 : memref<1x1x64xi32, #tpu.memory_space<hbm>> -> memref<64xi32, #tpu.memory_space<hbm>>
    %dma_start3A_5 = arith.constant 0 : i32
    %dma_start3A_6 = tpu.memref_slice %arg3[%add3A, %dma_start3A, %dma_start3A_5] : memref<32x160x64xi32, #tpu.memory_space<hbm>> -> memref<1x1x64xi32, #tpu.memory_space<hbm>>
    %dma_start3A_7 = tpu.memref_squeeze %dma_start3A_6 : memref<1x1x64xi32, #tpu.memory_space<hbm>> -> memref<64xi32, #tpu.memory_space<hbm>>
    tpu.enqueue_dma source(%dma_start3A_7 : memref<64xi32, #tpu.memory_space<hbm>>) target(%arg6 : memref<64xi32, #tpu.memory_space<vmem>>) target_semaphore(%arg32 : memref<!tpu.dma_semaphore, #tpu.memory_space<semaphore_mem>>)
    %dma_start3A_8 = arith.constant 0 : i32
    %dma_start3A_9 = arith.constant 0 : i32
    %dma_start3A_10 = tpu.memref_slice %arg4[%add3A, %dma_start3A_8, %dma_start3A_9] : memref<32x160x64xi32, #tpu.memory_space<hbm>> -> memref<1x1x64xi32, #tpu.memory_space<hbm>>
    %dma_start3A_11 = tpu.memref_squeeze %dma_start3A_10 : memref<1x1x64xi32, #tpu.memory_space<hbm>> -> memref<64xi32, #tpu.memory_space<hbm>>
    %dma_start3A_12 = arith.constant 0 : i32
    %dma_start3A_13 = tpu.memref_slice %arg4[%add3A, %dma_start3A_8, %dma_start3A_12] : memref<32x160x64xi32, #tpu.memory_space<hbm>> -> memref<1x1x64xi32, #tpu.memory_space<hbm>>
    %dma_start3A_14 = tpu.memref_squeeze %dma_start3A_13 : memref<1x1x64xi32, #tpu.memory_space<hbm>> -> memref<64xi32, #tpu.memory_space<hbm>>
    tpu.enqueue_dma source(%dma_start3A_14 : memref<64xi32, #tpu.memory_space<hbm>>) target(%arg14 : memref<64xi32, #tpu.memory_space<vmem>>) target_semaphore(%arg32 : memref<!tpu.dma_semaphore, #tpu.memory_space<semaphore_mem>>)
    %dma_start3A_15 = arith.constant 1 : i32
    %dma_start3A_16 = arith.constant 0 : i32
    %dma_start3A_17 = tpu.memref_slice %arg3[%add3A, %dma_start3A_15, %dma_start3A_16] : memref<32x160x64xi32, #tpu.memory_space<hbm>> -> memref<1x1x64xi32, #tpu.memory_space<hbm>>
    %dma_start3A_18 = tpu.memref_squeeze %dma_start3A_17 : memref<1x1x64xi32, #tpu.memory_space<hbm>> -> memref<64xi32, #tpu.memory_space<hbm>>
    %dma_start3A_19 = arith.constant 0 : i32
    %dma_start3A_20 = tpu.memref_slice %arg3[%add3A, %dma_start3A_15, %dma_start3A_19] : memref<32x160x64xi32, #tpu.memory_space<hbm>> -> memref<1x1x64xi32, #tpu.memory_space<hbm>>
    %dma_start3A_21 = tpu.memref_squeeze %dma_start3A_20 : memref<1x1x64xi32, #tpu.memory_space<hbm>> -> memref<64xi32, #tpu.memory_space<hbm>>
    tpu.enqueue_dma source(%dma_start3A_21 : memref<64xi32, #tpu.memory_space<hbm>>) target(%arg7 : memref<64xi32, #tpu.memory_space<vmem>>) target_semaphore(%arg33 : memref<!tpu.dma_semaphore, #tpu.memory_space<semaphore_mem>>)
    %dma_start3A_22 = arith.constant 1 : i32
    %dma_start3A_23 = arith.constant 0 : i32
    %dma_start3A_24 = tpu.memref_slice %arg4[%add3A, %dma_start3A_22, %dma_start3A_23] : memref<32x160x64xi32, #tpu.memory_space<hbm>> -> memref<1x1x64xi32, #tpu.memory_space<hbm>>
    %dma_start3A_25 = tpu.memref_squeeze %dma_start3A_24 : memref<1x1x64xi32, #tpu.memory_space<hbm>> -> memref<64xi32, #tpu.memory_space<hbm>>
    %dma_start3A_26 = arith.constant 0 : i32
    %dma_start3A_27 = tpu.memref_slice %arg4[%add3A, %dma_start3A_22, %dma_start3A_26] : memref<32x160x64xi32, #tpu.memory_space<hbm>> -> memref<1x1x64xi32, #tpu.memory_space<hbm>>
    %dma_start3A_28 = tpu.memref_squeeze %dma_start3A_27 : memref<1x1x64xi32, #tpu.memory_space<hbm>> -> memref<64xi32, #tpu.memory_space<hbm>>
    tpu.enqueue_dma source(%dma_start3A_28 : memref<64xi32, #tpu.memory_space<hbm>>) target(%arg15 : memref<64xi32, #tpu.memory_space<vmem>>) target_semaphore(%arg33 : memref<!tpu.dma_semaphore, #tpu.memory_space<semaphore_mem>>)
    %dma_start3A_29 = arith.constant 2 : i32
    %dma_start3A_30 = arith.constant 0 : i32
    %dma_start3A_31 = tpu.memref_slice %arg3[%add3A, %dma_start3A_29, %dma_start3A_30] : memref<32x160x64xi32, #tpu.memory_space<hbm>> -> memref<1x1x64xi32, #tpu.memory_space<hbm>>
    %dma_start3A_32 = tpu.memref_squeeze %dma_start3A_31 : memref<1x1x64xi32, #tpu.memory_space<hbm>> -> memref<64xi32, #tpu.memory_space<hbm>>
    %dma_start3A_33 = arith.constant 0 : i32
    %dma_start3A_34 = tpu.memref_slice %arg3[%add3A, %dma_start3A_29, %dma_start3A_33] : memref<32x160x64xi32, #tpu.memory_space<hbm>> -> memref<1x1x64xi32, #tpu.memory_space<hbm>>
    %dma_start3A_35 = tpu.memref_squeeze %dma_start3A_34 : memref<1x1x64xi32, #tpu.memory_space<hbm>> -> memref<64xi32, #tpu.memory_space<hbm>>
    tpu.enqueue_dma source(%dma_start3A_35 : memref<64xi32, #tpu.memory_space<hbm>>) target(%arg8 : memref<64xi32, #tpu.memory_space<vmem>>) target_semaphore(%arg34 : memref<!tpu.dma_semaphore, #tpu.memory_space<semaphore_mem>>)
    %dma_start3A_36 = arith.constant 2 : i32
    %dma_start3A_37 = arith.constant 0 : i32
    %dma_start3A_38 = tpu.memref_slice %arg4[%add3A, %dma_start3A_36, %dma_start3A_37] : memref<32x160x64xi32, #tpu.memory_space<hbm>> -> memref<1x1x64xi32, #tpu.memory_space<hbm>>
    %dma_start3A_39 = tpu.memref_squeeze %dma_start3A_38 : memref<1x1x64xi32, #tpu.memory_space<hbm>> -> memref<64xi32, #tpu.memory_space<hbm>>
    %dma_start3A_40 = arith.constant 0 : i32
    %dma_start3A_41 = tpu.memref_slice %arg4[%add3A, %dma_start3A_36, %dma_start3A_40] : memref<32x160x64xi32, #tpu.memory_space<hbm>> -> memref<1x1x64xi32, #tpu.memory_space<hbm>>
    %dma_start3A_42 = tpu.memref_squeeze %dma_start3A_41 : memref<1x1x64xi32, #tpu.memory_space<hbm>> -> memref<64xi32, #tpu.memory_space<hbm>>
    tpu.enqueue_dma source(%dma_start3A_42 : memref<64xi32, #tpu.memory_space<hbm>>) target(%arg16 : memref<64xi32, #tpu.memory_space<vmem>>) target_semaphore(%arg34 : memref<!tpu.dma_semaphore, #tpu.memory_space<semaphore_mem>>)
    %dma_start3A_43 = arith.constant 3 : i32
    %dma_start3A_44 = arith.constant 0 : i32
    %dma_start3A_45 = tpu.memref_slice %arg3[%add3A, %dma_start3A_43, %dma_start3A_44] : memref<32x160x64xi32, #tpu.memory_space<hbm>> -> memref<1x1x64xi32, #tpu.memory_space<hbm>>
    %dma_start3A_46 = tpu.memref_squeeze %dma_start3A_45 : memref<1x1x64xi32, #tpu.memory_space<hbm>> -> memref<64xi32, #tpu.memory_space<hbm>>
    %dma_start3A_47 = arith.constant 0 : i32
    %dma_start3A_48 = tpu.memref_slice %arg3[%add3A, %dma_start3A_43, %dma_start3A_47] : memref<32x160x64xi32, #tpu.memory_space<hbm>> -> memref<1x1x64xi32, #tpu.memory_space<hbm>>
    %dma_start3A_49 = tpu.memref_squeeze %dma_start3A_48 : memref<1x1x64xi32, #tpu.memory_space<hbm>> -> memref<64xi32, #tpu.memory_space<hbm>>
    tpu.enqueue_dma source(%dma_start3A_49 : memref<64xi32, #tpu.memory_space<hbm>>) target(%arg9 : memref<64xi32, #tpu.memory_space<vmem>>) target_semaphore(%arg35 : memref<!tpu.dma_semaphore, #tpu.memory_space<semaphore_mem>>)
    %dma_start3A_50 = arith.constant 3 : i32
    %dma_start3A_51 = arith.constant 0 : i32
    %dma_start3A_52 = tpu.memref_slice %arg4[%add3A, %dma_start3A_50, %dma_start3A_51] : memref<32x160x64xi32, #tpu.memory_space<hbm>> -> memref<1x1x64xi32, #tpu.memory_space<hbm>>
    %dma_start3A_53 = tpu.memref_squeeze %dma_start3A_52 : memref<1x1x64xi32, #tpu.memory_space<hbm>> -> memref<64xi32, #tpu.memory_space<hbm>>
    %dma_start3A_54 = arith.constant 0 : i32
    %dma_start3A_55 = tpu.memref_slice %arg4[%add3A, %dma_start3A_50, %dma_start3A_54] : memref<32x160x64xi32, #tpu.memory_space<hbm>> -> memref<1x1x64xi32, #tpu.memory_space<hbm>>
    %dma_start3A_56 = tpu.memref_squeeze %dma_start3A_55 : memref<1x1x64xi32, #tpu.memory_space<hbm>> -> memref<64xi32, #tpu.memory_space<hbm>>
    tpu.enqueue_dma source(%dma_start3A_56 : memref<64xi32, #tpu.memory_space<hbm>>) target(%arg17 : memref<64xi32, #tpu.memory_space<vmem>>) target_semaphore(%arg35 : memref<!tpu.dma_semaphore, #tpu.memory_space<semaphore_mem>>)
    %dma_start3A_57 = arith.constant 4 : i32
    %dma_start3A_58 = arith.constant 0 : i32
    %dma_start3A_59 = tpu.memref_slice %arg3[%add3A, %dma_start3A_57, %dma_start3A_58] : memref<32x160x64xi32, #tpu.memory_space<hbm>> -> memref<1x1x64xi32, #tpu.memory_space<hbm>>
    %dma_start3A_60 = tpu.memref_squeeze %dma_start3A_59 : memref<1x1x64xi32, #tpu.memory_space<hbm>> -> memref<64xi32, #tpu.memory_space<hbm>>
    %dma_start3A_61 = arith.constant 0 : i32
    %dma_start3A_62 = tpu.memref_slice %arg3[%add3A, %dma_start3A_57, %dma_start3A_61] : memref<32x160x64xi32, #tpu.memory_space<hbm>> -> memref<1x1x64xi32, #tpu.memory_space<hbm>>
    %dma_start3A_63 = tpu.memref_squeeze %dma_start3A_62 : memref<1x1x64xi32, #tpu.memory_space<hbm>> -> memref<64xi32, #tpu.memory_space<hbm>>
    tpu.enqueue_dma source(%dma_start3A_63 : memref<64xi32, #tpu.memory_space<hbm>>) target(%arg10 : memref<64xi32, #tpu.memory_space<vmem>>) target_semaphore(%arg36 : memref<!tpu.dma_semaphore, #tpu.memory_space<semaphore_mem>>)
    %dma_start3A_64 = arith.constant 4 : i32
    %dma_start3A_65 = arith.constant 0 : i32
    %dma_start3A_66 = tpu.memref_slice %arg4[%add3A, %dma_start3A_64, %dma_start3A_65] : memref<32x160x64xi32, #tpu.memory_space<hbm>> -> memref<1x1x64xi32, #tpu.memory_space<hbm>>
    %dma_start3A_67 = tpu.memref_squeeze %dma_start3A_66 : memref<1x1x64xi32, #tpu.memory_space<hbm>> -> memref<64xi32, #tpu.memory_space<hbm>>
    %dma_start3A_68 = arith.constant 0 : i32
    %dma_start3A_69 = tpu.memref_slice %arg4[%add3A, %dma_start3A_64, %dma_start3A_68] : memref<32x160x64xi32, #tpu.memory_space<hbm>> -> memref<1x1x64xi32, #tpu.memory_space<hbm>>
    %dma_start3A_70 = tpu.memref_squeeze %dma_start3A_69 : memref<1x1x64xi32, #tpu.memory_space<hbm>> -> memref<64xi32, #tpu.memory_space<hbm>>
    tpu.enqueue_dma source(%dma_start3A_70 : memref<64xi32, #tpu.memory_space<hbm>>) target(%arg18 : memref<64xi32, #tpu.memory_space<vmem>>) target_semaphore(%arg36 : memref<!tpu.dma_semaphore, #tpu.memory_space<semaphore_mem>>)
    %dma_start3A_71 = arith.constant 5 : i32
    %dma_start3A_72 = arith.constant 0 : i32
    %dma_start3A_73 = tpu.memref_slice %arg3[%add3A, %dma_start3A_71, %dma_start3A_72] : memref<32x160x64xi32, #tpu.memory_space<hbm>> -> memref<1x1x64xi32, #tpu.memory_space<hbm>>
    %dma_start3A_74 = tpu.memref_squeeze %dma_start3A_73 : memref<1x1x64xi32, #tpu.memory_space<hbm>> -> memref<64xi32, #tpu.memory_space<hbm>>
    %dma_start3A_75 = arith.constant 0 : i32
    %dma_start3A_76 = tpu.memref_slice %arg3[%add3A, %dma_start3A_71, %dma_start3A_75] : memref<32x160x64xi32, #tpu.memory_space<hbm>> -> memref<1x1x64xi32, #tpu.memory_space<hbm>>
    %dma_start3A_77 = tpu.memref_squeeze %dma_start3A_76 : memref<1x1x64xi32, #tpu.memory_space<hbm>> -> memref<64xi32, #tpu.memory_space<hbm>>
    tpu.enqueue_dma source(%dma_start3A_77 : memref<64xi32, #tpu.memory_space<hbm>>) target(%arg11 : memref<64xi32, #tpu.memory_space<vmem>>) target_semaphore(%arg37 : memref<!tpu.dma_semaphore, #tpu.memory_space<semaphore_mem>>)
    %dma_start3A_78 = arith.constant 5 : i32
    %dma_start3A_79 = arith.constant 0 : i32
    %dma_start3A_80 = tpu.memref_slice %arg4[%add3A, %dma_start3A_78, %dma_start3A_79] : memref<32x160x64xi32, #tpu.memory_space<hbm>> -> memref<1x1x64xi32, #tpu.memory_space<hbm>>
    %dma_start3A_81 = tpu.memref_squeeze %dma_start3A_80 : memref<1x1x64xi32, #tpu.memory_space<hbm>> -> memref<64xi32, #tpu.memory_space<hbm>>
    %dma_start3A_82 = arith.constant 0 : i32
    %dma_start3A_83 = tpu.memref_slice %arg4[%add3A, %dma_start3A_78, %dma_start3A_82] : memref<32x160x64xi32, #tpu.memory_space<hbm>> -> memref<1x1x64xi32, #tpu.memory_space<hbm>>
    %dma_start3A_84 = tpu.memref_squeeze %dma_start3A_83 : memref<1x1x64xi32, #tpu.memory_space<hbm>> -> memref<64xi32, #tpu.memory_space<hbm>>
    tpu.enqueue_dma source(%dma_start3A_84 : memref<64xi32, #tpu.memory_space<hbm>>) target(%arg19 : memref<64xi32, #tpu.memory_space<vmem>>) target_semaphore(%arg37 : memref<!tpu.dma_semaphore, #tpu.memory_space<semaphore_mem>>)
    %dma_start3A_85 = arith.constant 6 : i32
    %dma_start3A_86 = arith.constant 0 : i32
    %dma_start3A_87 = tpu.memref_slice %arg3[%add3A, %dma_start3A_85, %dma_start3A_86] : memref<32x160x64xi32, #tpu.memory_space<hbm>> -> memref<1x1x64xi32, #tpu.memory_space<hbm>>
    %dma_start3A_88 = tpu.memref_squeeze %dma_start3A_87 : memref<1x1x64xi32, #tpu.memory_space<hbm>> -> memref<64xi32, #tpu.memory_space<hbm>>
    %dma_start3A_89 = arith.constant 0 : i32
    %dma_start3A_90 = tpu.memref_slice %arg3[%add3A, %dma_start3A_85, %dma_start3A_89] : memref<32x160x64xi32, #tpu.memory_space<hbm>> -> memref<1x1x64xi32, #tpu.memory_space<hbm>>
    %dma_start3A_91 = tpu.memref_squeeze %dma_start3A_90 : memref<1x1x64xi32, #tpu.memory_space<hbm>> -> memref<64xi32, #tpu.memory_space<hbm>>
    tpu.enqueue_dma source(%dma_start3A_91 : memref<64xi32, #tpu.memory_space<hbm>>) target(%arg12 : memref<64xi32, #tpu.memory_space<vmem>>) target_semaphore(%arg38 : memref<!tpu.dma_semaphore, #tpu.memory_space<semaphore_mem>>)
    %dma_start3A_92 = arith.constant 6 : i32
    %dma_start3A_93 = arith.constant 0 : i32
    %dma_start3A_94 = tpu.memref_slice %arg4[%add3A, %dma_start3A_92, %dma_start3A_93] : memref<32x160x64xi32, #tpu.memory_space<hbm>> -> memref<1x1x64xi32, #tpu.memory_space<hbm>>
    %dma_start3A_95 = tpu.memref_squeeze %dma_start3A_94 : memref<1x1x64xi32, #tpu.memory_space<hbm>> -> memref<64xi32, #tpu.memory_space<hbm>>
    %dma_start3A_96 = arith.constant 0 : i32
    %dma_start3A_97 = tpu.memref_slice %arg4[%add3A, %dma_start3A_92, %dma_start3A_96] : memref<32x160x64xi32, #tpu.memory_space<hbm>> -> memref<1x1x64xi32, #tpu.memory_space<hbm>>
    %dma_start3A_98 = tpu.memref_squeeze %dma_start3A_97 : memref<1x1x64xi32, #tpu.memory_space<hbm>> -> memref<64xi32, #tpu.memory_space<hbm>>
    tpu.enqueue_dma source(%dma_start3A_98 : memref<64xi32, #tpu.memory_space<hbm>>) target(%arg20 : memref<64xi32, #tpu.memory_space<vmem>>) target_semaphore(%arg38 : memref<!tpu.dma_semaphore, #tpu.memory_space<semaphore_mem>>)
    %dma_start3A_99 = arith.constant 7 : i32
    %dma_start3A_100 = arith.constant 0 : i32
    %dma_start3A_101 = tpu.memref_slice %arg3[%add3A, %dma_start3A_99, %dma_start3A_100] : memref<32x160x64xi32, #tpu.memory_space<hbm>> -> memref<1x1x64xi32, #tpu.memory_space<hbm>>
    %dma_start3A_102 = tpu.memref_squeeze %dma_start3A_101 : memref<1x1x64xi32, #tpu.memory_space<hbm>> -> memref<64xi32, #tpu.memory_space<hbm>>
    %dma_start3A_103 = arith.constant 0 : i32
    %dma_start3A_104 = tpu.memref_slice %arg3[%add3A, %dma_start3A_99, %dma_start3A_103] : memref<32x160x64xi32, #tpu.memory_space<hbm>> -> memref<1x1x64xi32, #tpu.memory_space<hbm>>
    %dma_start3A_105 = tpu.memref_squeeze %dma_start3A_104 : memref<1x1x64xi32, #tpu.memory_space<hbm>> -> memref<64xi32, #tpu.memory_space<hbm>>
    tpu.enqueue_dma source(%dma_start3A_105 : memref<64xi32, #tpu.memory_space<hbm>>) target(%arg13 : memref<64xi32, #tpu.memory_space<vmem>>) target_semaphore(%arg39 : memref<!tpu.dma_semaphore, #tpu.memory_space<semaphore_mem>>)
    %dma_start3A_106 = arith.constant 7 : i32
    %dma_start3A_107 = arith.constant 0 : i32
    %dma_start3A_108 = tpu.memref_slice %arg4[%add3A, %dma_start3A_106, %dma_start3A_107] : memref<32x160x64xi32, #tpu.memory_space<hbm>> -> memref<1x1x64xi32, #tpu.memory_space<hbm>>
    %dma_start3A_109 = tpu.memref_squeeze %dma_start3A_108 : memref<1x1x64xi32, #tpu.memory_space<hbm>> -> memref<64xi32, #tpu.memory_space<hbm>>
    %dma_start3A_110 = arith.constant 0 : i32
    %dma_start3A_111 = tpu.memref_slice %arg4[%add3A, %dma_start3A_106, %dma_start3A_110] : memref<32x160x64xi32, #tpu.memory_space<hbm>> -> memref<1x1x64xi32, #tpu.memory_space<hbm>>
    %dma_start3A_112 = tpu.memref_squeeze %dma_start3A_111 : memref<1x1x64xi32, #tpu.memory_space<hbm>> -> memref<64xi32, #tpu.memory_space<hbm>>
    tpu.enqueue_dma source(%dma_start3A_112 : memref<64xi32, #tpu.memory_space<hbm>>) target(%arg21 : memref<64xi32, #tpu.memory_space<vmem>>) target_semaphore(%arg39 : memref<!tpu.dma_semaphore, #tpu.memory_space<semaphore_mem>>)
    %mul3A_113 = arith.constant 625 : i32
    %mul3A_114 = arith.muli %arg1, %mul3A_113 : i32
    %mul3A_115 = arith.constant 625 : i32
    %mul3A_116 = arith.muli %arg1, %mul3A_115 : i32
    "tpu.region"() ({
      %run_scoped3A = tpu.sem_alloc : memref<!tpu.dma_semaphore, #tpu.memory_space<semaphore_mem>>
      %dma_start3A_223 = arith.constant 0 : i32
      %dma_start3A_224 = tpu.memref_slice %arg26[%mul3A_116, %dma_start3A_223] : memref<10000x32xbf16, #tpu.memory_space<vmem_shared>> -> memref<625x32xbf16, #tpu.memory_space<vmem_shared>>
      %dma_start3A_225 = arith.constant 0 : i32
      %dma_start3A_226 = tpu.memref_slice %arg2[%mul3A_114, %dma_start3A_225] : memref<10000x32xbf16, #tpu.memory_space<hbm>> -> memref<625x32xbf16, #tpu.memory_space<hbm>>
      tpu.enqueue_dma source(%dma_start3A_226 : memref<625x32xbf16, #tpu.memory_space<hbm>>) target(%dma_start3A_224 : memref<625x32xbf16, #tpu.memory_space<vmem_shared>>) target_semaphore(%run_scoped3A : memref<!tpu.dma_semaphore, #tpu.memory_space<semaphore_mem>>)
      %dma_wait3A_227 = arith.constant 0 : i32
      %dma_wait3A_228 = tpu.memref_slice %arg26[%mul3A_116, %dma_wait3A_227] : memref<10000x32xbf16, #tpu.memory_space<vmem_shared>> -> memref<625x32xbf16, #tpu.memory_space<vmem_shared>>
      %dma_wait3A_229 = arith.constant 0 : i32
      %dma_wait3A_230 = tpu.memref_slice %arg2[%mul3A_114, %dma_wait3A_229] : memref<10000x32xbf16, #tpu.memory_space<hbm>> -> memref<625x32xbf16, #tpu.memory_space<hbm>>
      tpu.wait_dma2 semaphore(%run_scoped3A : memref<!tpu.dma_semaphore, #tpu.memory_space<semaphore_mem>>) src(%dma_wait3A_230 : memref<625x32xbf16, #tpu.memory_space<hbm>>) dst(%dma_wait3A_228 : memref<625x32xbf16, #tpu.memory_space<vmem_shared>>)
      tpu.yield
    }) : () -> ()
    %scan3A = arith.constant 0 : i32
    %scan3A_117 = arith.constant 0 : i32
    %scan3A_118 = arith.constant 64 : i32
    %scan3A_119 = arith.addi %scan3A_117, %scan3A_118 : i32
    %scan3A_120 = arith.constant 1 : i32
    scf.for %scan3A_223 = %scan3A_117 to %scan3A_119 step %scan3A_120  : i32 {
      %swap3A = arith.index_cast %scan3A_223 : i32 to index
      %swap3A_224 = arith.constant 0 : index
      %swap3A_225 = tpu.vector_load %arg22[%swap3A, %swap3A_224] {strides = array<i32>} : memref<64x32xbf16, #tpu.memory_space<vmem>>, vector<1x32xbf16>,
      %swap3A_226 = vector.shape_cast %swap3A_225 : vector<1x32xbf16> to vector<32xbf16>
      %swap3A_227 = vector.shape_cast %broadcast_in_dim3A_1 : vector<32xbf16> to vector<1x32xbf16>
      tpu.vector_store %arg22[%swap3A, %swap3A_224], %swap3A_227 {strides = array<i32>} : memref<64x32xbf16, #tpu.memory_space<vmem>>, vector<1x32xbf16>,
    }
    %scan3A_121 = arith.constant 64 : i32
    %mul3A_122 = arith.constant 640 : i32
    %mul3A_123 = arith.muli %arg1, %mul3A_122 : i32
    %add3A_124 = arith.constant 0 : i32
    %add3A_125 = arith.addi %mul3A_123, %add3A_124 : i32
    "tpu.region"() ({
      %run_scoped3A = tpu.sem_alloc : memref<!tpu.dma_semaphore, #tpu.memory_space<semaphore_mem>>
      %dma_start3A_223 = arith.constant 0 : i32
      %dma_start3A_224 = tpu.memref_slice %arg27[%add3A_125, %dma_start3A_223] : memref<10240x32xbf16, #tpu.memory_space<vmem_shared>> -> memref<64x32xbf16, #tpu.memory_space<vmem_shared>>
      %dma_start3A_225 = arith.constant 0 : i32
      %dma_start3A_226 = tpu.memref_slice %arg27[%add3A_125, %dma_start3A_225] : memref<10240x32xbf16, #tpu.memory_space<vmem_shared>> -> memref<64x32xbf16, #tpu.memory_space<vmem_shared>>
      tpu.enqueue_dma source(%arg22 : memref<64x32xbf16, #tpu.memory_space<vmem>>) target(%dma_start3A_226 : memref<64x32xbf16, #tpu.memory_space<vmem_shared>>) target_semaphore(%run_scoped3A : memref<!tpu.dma_semaphore, #tpu.memory_space<semaphore_mem>>)
      %dma_wait3A_227 = arith.constant 0 : i32
      %dma_wait3A_228 = tpu.memref_slice %arg27[%add3A_125, %dma_wait3A_227] : memref<10240x32xbf16, #tpu.memory_space<vmem_shared>> -> memref<64x32xbf16, #tpu.memory_space<vmem_shared>>
      %dma_wait3A_229 = arith.constant 0 : i32
      %dma_wait3A_230 = tpu.memref_slice %arg27[%add3A_125, %dma_wait3A_229] : memref<10240x32xbf16, #tpu.memory_space<vmem_shared>> -> memref<64x32xbf16, #tpu.memory_space<vmem_shared>>
      tpu.wait_dma2 semaphore(%run_scoped3A : memref<!tpu.dma_semaphore, #tpu.memory_space<semaphore_mem>>) src(%arg22 : memref<64x32xbf16, #tpu.memory_space<vmem>>) dst(%dma_wait3A_230 : memref<64x32xbf16, #tpu.memory_space<vmem_shared>>)
      tpu.yield
    }) : () -> ()
    %mul3A_126 = arith.constant 640 : i32
    %mul3A_127 = arith.muli %arg1, %mul3A_126 : i32
    %add3A_128 = arith.constant 64 : i32
    %add3A_129 = arith.addi %mul3A_127, %add3A_128 : i32
    "tpu.region"() ({
      %run_scoped3A = tpu.sem_alloc : memref<!tpu.dma_semaphore, #tpu.memory_space<semaphore_mem>>
      %dma_start3A_223 = arith.constant 0 : i32
      %dma_start3A_224 = tpu.memref_slice %arg27[%add3A_129, %dma_start3A_223] : memref<10240x32xbf16, #tpu.memory_space<vmem_shared>> -> memref<64x32xbf16, #tpu.memory_space<vmem_shared>>
      %dma_start3A_225 = arith.constant 0 : i32
      %dma_start3A_226 = tpu.memref_slice %arg27[%add3A_129, %dma_start3A_225] : memref<10240x32xbf16, #tpu.memory_space<vmem_shared>> -> memref<64x32xbf16, #tpu.memory_space<vmem_shared>>
      tpu.enqueue_dma source(%arg22 : memref<64x32xbf16, #tpu.memory_space<vmem>>) target(%dma_start3A_226 : memref<64x32xbf16, #tpu.memory_space<vmem_shared>>) target_semaphore(%run_scoped3A : memref<!tpu.dma_semaphore, #tpu.memory_space<semaphore_mem>>)
      %dma_wait3A_227 = arith.constant 0 : i32
      %dma_wait3A_228 = tpu.memref_slice %arg27[%add3A_129, %dma_wait3A_227] : memref<10240x32xbf16, #tpu.memory_space<vmem_shared>> -> memref<64x32xbf16, #tpu.memory_space<vmem_shared>>
      %dma_wait3A_229 = arith.constant 0 : i32
      %dma_wait3A_230 = tpu.memref_slice %arg27[%add3A_129, %dma_wait3A_229] : memref<10240x32xbf16, #tpu.memory_space<vmem_shared>> -> memref<64x32xbf16, #tpu.memory_space<vmem_shared>>
      tpu.wait_dma2 semaphore(%run_scoped3A : memref<!tpu.dma_semaphore, #tpu.memory_space<semaphore_mem>>) src(%arg22 : memref<64x32xbf16, #tpu.memory_space<vmem>>) dst(%dma_wait3A_230 : memref<64x32xbf16, #tpu.memory_space<vmem_shared>>)
      tpu.yield
    }) : () -> ()
    %mul3A_130 = arith.constant 640 : i32
    %mul3A_131 = arith.muli %arg1, %mul3A_130 : i32
    %add3A_132 = arith.constant 128 : i32
    %add3A_133 = arith.addi %mul3A_131, %add3A_132 : i32
    "tpu.region"() ({
      %run_scoped3A = tpu.sem_alloc : memref<!tpu.dma_semaphore, #tpu.memory_space<semaphore_mem>>
      %dma_start3A_223 = arith.constant 0 : i32
      %dma_start3A_224 = tpu.memref_slice %arg27[%add3A_133, %dma_start3A_223] : memref<10240x32xbf16, #tpu.memory_space<vmem_shared>> -> memref<64x32xbf16, #tpu.memory_space<vmem_shared>>
      %dma_start3A_225 = arith.constant 0 : i32
      %dma_start3A_226 = tpu.memref_slice %arg27[%add3A_133, %dma_start3A_225] : memref<10240x32xbf16, #tpu.memory_space<vmem_shared>> -> memref<64x32xbf16, #tpu.memory_space<vmem_shared>>
      tpu.enqueue_dma source(%arg22 : memref<64x32xbf16, #tpu.memory_space<vmem>>) target(%dma_start3A_226 : memref<64x32xbf16, #tpu.memory_space<vmem_shared>>) target_semaphore(%run_scoped3A : memref<!tpu.dma_semaphore, #tpu.memory_space<semaphore_mem>>)
      %dma_wait3A_227 = arith.constant 0 : i32
      %dma_wait3A_228 = tpu.memref_slice %arg27[%add3A_133, %dma_wait3A_227] : memref<10240x32xbf16, #tpu.memory_space<vmem_shared>> -> memref<64x32xbf16, #tpu.memory_space<vmem_shared>>
      %dma_wait3A_229 = arith.constant 0 : i32
      %dma_wait3A_230 = tpu.memref_slice %arg27[%add3A_133, %dma_wait3A_229] : memref<10240x32xbf16, #tpu.memory_space<vmem_shared>> -> memref<64x32xbf16, #tpu.memory_space<vmem_shared>>
      tpu.wait_dma2 semaphore(%run_scoped3A : memref<!tpu.dma_semaphore, #tpu.memory_space<semaphore_mem>>) src(%arg22 : memref<64x32xbf16, #tpu.memory_space<vmem>>) dst(%dma_wait3A_230 : memref<64x32xbf16, #tpu.memory_space<vmem_shared>>)
      tpu.yield
    }) : () -> ()
    %mul3A_134 = arith.constant 640 : i32
    %mul3A_135 = arith.muli %arg1, %mul3A_134 : i32
    %add3A_136 = arith.constant 192 : i32
    %add3A_137 = arith.addi %mul3A_135, %add3A_136 : i32
    "tpu.region"() ({
      %run_scoped3A = tpu.sem_alloc : memref<!tpu.dma_semaphore, #tpu.memory_space<semaphore_mem>>
      %dma_start3A_223 = arith.constant 0 : i32
      %dma_start3A_224 = tpu.memref_slice %arg27[%add3A_137, %dma_start3A_223] : memref<10240x32xbf16, #tpu.memory_space<vmem_shared>> -> memref<64x32xbf16, #tpu.memory_space<vmem_shared>>
      %dma_start3A_225 = arith.constant 0 : i32
      %dma_start3A_226 = tpu.memref_slice %arg27[%add3A_137, %dma_start3A_225] : memref<10240x32xbf16, #tpu.memory_space<vmem_shared>> -> memref<64x32xbf16, #tpu.memory_space<vmem_shared>>
      tpu.enqueue_dma source(%arg22 : memref<64x32xbf16, #tpu.memory_space<vmem>>) target(%dma_start3A_226 : memref<64x32xbf16, #tpu.memory_space<vmem_shared>>) target_semaphore(%run_scoped3A : memref<!tpu.dma_semaphore, #tpu.memory_space<semaphore_mem>>)
      %dma_wait3A_227 = arith.constant 0 : i32
      %dma_wait3A_228 = tpu.memref_slice %arg27[%add3A_137, %dma_wait3A_227] : memref<10240x32xbf16, #tpu.memory_space<vmem_shared>> -> memref<64x32xbf16, #tpu.memory_space<vmem_shared>>
      %dma_wait3A_229 = arith.constant 0 : i32
      %dma_wait3A_230 = tpu.memref_slice %arg27[%add3A_137, %dma_wait3A_229] : memref<10240x32xbf16, #tpu.memory_space<vmem_shared>> -> memref<64x32xbf16, #tpu.memory_space<vmem_shared>>
      tpu.wait_dma2 semaphore(%run_scoped3A : memref<!tpu.dma_semaphore, #tpu.memory_space<semaphore_mem>>) src(%arg22 : memref<64x32xbf16, #tpu.memory_space<vmem>>) dst(%dma_wait3A_230 : memref<64x32xbf16, #tpu.memory_space<vmem_shared>>)
      tpu.yield
    }) : () -> ()
    %mul3A_138 = arith.constant 640 : i32
    %mul3A_139 = arith.muli %arg1, %mul3A_138 : i32
    %add3A_140 = arith.constant 256 : i32
    %add3A_141 = arith.addi %mul3A_139, %add3A_140 : i32
    "tpu.region"() ({
      %run_scoped3A = tpu.sem_alloc : memref<!tpu.dma_semaphore, #tpu.memory_space<semaphore_mem>>
      %dma_start3A_223 = arith.constant 0 : i32
      %dma_start3A_224 = tpu.memref_slice %arg27[%add3A_141, %dma_start3A_223] : memref<10240x32xbf16, #tpu.memory_space<vmem_shared>> -> memref<64x32xbf16, #tpu.memory_space<vmem_shared>>
      %dma_start3A_225 = arith.constant 0 : i32
      %dma_start3A_226 = tpu.memref_slice %arg27[%add3A_141, %dma_start3A_225] : memref<10240x32xbf16, #tpu.memory_space<vmem_shared>> -> memref<64x32xbf16, #tpu.memory_space<vmem_shared>>
      tpu.enqueue_dma source(%arg22 : memref<64x32xbf16, #tpu.memory_space<vmem>>) target(%dma_start3A_226 : memref<64x32xbf16, #tpu.memory_space<vmem_shared>>) target_semaphore(%run_scoped3A : memref<!tpu.dma_semaphore, #tpu.memory_space<semaphore_mem>>)
      %dma_wait3A_227 = arith.constant 0 : i32
      %dma_wait3A_228 = tpu.memref_slice %arg27[%add3A_141, %dma_wait3A_227] : memref<10240x32xbf16, #tpu.memory_space<vmem_shared>> -> memref<64x32xbf16, #tpu.memory_space<vmem_shared>>
      %dma_wait3A_229 = arith.constant 0 : i32
      %dma_wait3A_230 = tpu.memref_slice %arg27[%add3A_141, %dma_wait3A_229] : memref<10240x32xbf16, #tpu.memory_space<vmem_shared>> -> memref<64x32xbf16, #tpu.memory_space<vmem_shared>>
      tpu.wait_dma2 semaphore(%run_scoped3A : memref<!tpu.dma_semaphore, #tpu.memory_space<semaphore_mem>>) src(%arg22 : memref<64x32xbf16, #tpu.memory_space<vmem>>) dst(%dma_wait3A_230 : memref<64x32xbf16, #tpu.memory_space<vmem_shared>>)
      tpu.yield
    }) : () -> ()
    %mul3A_142 = arith.constant 640 : i32
    %mul3A_143 = arith.muli %arg1, %mul3A_142 : i32
    %add3A_144 = arith.constant 320 : i32
    %add3A_145 = arith.addi %mul3A_143, %add3A_144 : i32
    "tpu.region"() ({
      %run_scoped3A = tpu.sem_alloc : memref<!tpu.dma_semaphore, #tpu.memory_space<semaphore_mem>>
      %dma_start3A_223 = arith.constant 0 : i32
      %dma_start3A_224 = tpu.memref_slice %arg27[%add3A_145, %dma_start3A_223] : memref<10240x32xbf16, #tpu.memory_space<vmem_shared>> -> memref<64x32xbf16, #tpu.memory_space<vmem_shared>>
      %dma_start3A_225 = arith.constant 0 : i32
      %dma_start3A_226 = tpu.memref_slice %arg27[%add3A_145, %dma_start3A_225] : memref<10240x32xbf16, #tpu.memory_space<vmem_shared>> -> memref<64x32xbf16, #tpu.memory_space<vmem_shared>>
      tpu.enqueue_dma source(%arg22 : memref<64x32xbf16, #tpu.memory_space<vmem>>) target(%dma_start3A_226 : memref<64x32xbf16, #tpu.memory_space<vmem_shared>>) target_semaphore(%run_scoped3A : memref<!tpu.dma_semaphore, #tpu.memory_space<semaphore_mem>>)
      %dma_wait3A_227 = arith.constant 0 : i32
      %dma_wait3A_228 = tpu.memref_slice %arg27[%add3A_145, %dma_wait3A_227] : memref<10240x32xbf16, #tpu.memory_space<vmem_shared>> -> memref<64x32xbf16, #tpu.memory_space<vmem_shared>>
      %dma_wait3A_229 = arith.constant 0 : i32
      %dma_wait3A_230 = tpu.memref_slice %arg27[%add3A_145, %dma_wait3A_229] : memref<10240x32xbf16, #tpu.memory_space<vmem_shared>> -> memref<64x32xbf16, #tpu.memory_space<vmem_shared>>
      tpu.wait_dma2 semaphore(%run_scoped3A : memref<!tpu.dma_semaphore, #tpu.memory_space<semaphore_mem>>) src(%arg22 : memref<64x32xbf16, #tpu.memory_space<vmem>>) dst(%dma_wait3A_230 : memref<64x32xbf16, #tpu.memory_space<vmem_shared>>)
      tpu.yield
    }) : () -> ()
    %mul3A_146 = arith.constant 640 : i32
    %mul3A_147 = arith.muli %arg1, %mul3A_146 : i32
    %add3A_148 = arith.constant 384 : i32
    %add3A_149 = arith.addi %mul3A_147, %add3A_148 : i32
    "tpu.region"() ({
      %run_scoped3A = tpu.sem_alloc : memref<!tpu.dma_semaphore, #tpu.memory_space<semaphore_mem>>
      %dma_start3A_223 = arith.constant 0 : i32
      %dma_start3A_224 = tpu.memref_slice %arg27[%add3A_149, %dma_start3A_223] : memref<10240x32xbf16, #tpu.memory_space<vmem_shared>> -> memref<64x32xbf16, #tpu.memory_space<vmem_shared>>
      %dma_start3A_225 = arith.constant 0 : i32
      %dma_start3A_226 = tpu.memref_slice %arg27[%add3A_149, %dma_start3A_225] : memref<10240x32xbf16, #tpu.memory_space<vmem_shared>> -> memref<64x32xbf16, #tpu.memory_space<vmem_shared>>
      tpu.enqueue_dma source(%arg22 : memref<64x32xbf16, #tpu.memory_space<vmem>>) target(%dma_start3A_226 : memref<64x32xbf16, #tpu.memory_space<vmem_shared>>) target_semaphore(%run_scoped3A : memref<!tpu.dma_semaphore, #tpu.memory_space<semaphore_mem>>)
      %dma_wait3A_227 = arith.constant 0 : i32
      %dma_wait3A_228 = tpu.memref_slice %arg27[%add3A_149, %dma_wait3A_227] : memref<10240x32xbf16, #tpu.memory_space<vmem_shared>> -> memref<64x32xbf16, #tpu.memory_space<vmem_shared>>
      %dma_wait3A_229 = arith.constant 0 : i32
      %dma_wait3A_230 = tpu.memref_slice %arg27[%add3A_149, %dma_wait3A_229] : memref<10240x32xbf16, #tpu.memory_space<vmem_shared>> -> memref<64x32xbf16, #tpu.memory_space<vmem_shared>>
      tpu.wait_dma2 semaphore(%run_scoped3A : memref<!tpu.dma_semaphore, #tpu.memory_space<semaphore_mem>>) src(%arg22 : memref<64x32xbf16, #tpu.memory_space<vmem>>) dst(%dma_wait3A_230 : memref<64x32xbf16, #tpu.memory_space<vmem_shared>>)
      tpu.yield
    }) : () -> ()
    %mul3A_150 = arith.constant 640 : i32
    %mul3A_151 = arith.muli %arg1, %mul3A_150 : i32
    %add3A_152 = arith.constant 448 : i32
    %add3A_153 = arith.addi %mul3A_151, %add3A_152 : i32
    "tpu.region"() ({
      %run_scoped3A = tpu.sem_alloc : memref<!tpu.dma_semaphore, #tpu.memory_space<semaphore_mem>>
      %dma_start3A_223 = arith.constant 0 : i32
      %dma_start3A_224 = tpu.memref_slice %arg27[%add3A_153, %dma_start3A_223] : memref<10240x32xbf16, #tpu.memory_space<vmem_shared>> -> memref<64x32xbf16, #tpu.memory_space<vmem_shared>>
      %dma_start3A_225 = arith.constant 0 : i32
      %dma_start3A_226 = tpu.memref_slice %arg27[%add3A_153, %dma_start3A_225] : memref<10240x32xbf16, #tpu.memory_space<vmem_shared>> -> memref<64x32xbf16, #tpu.memory_space<vmem_shared>>
      tpu.enqueue_dma source(%arg22 : memref<64x32xbf16, #tpu.memory_space<vmem>>) target(%dma_start3A_226 : memref<64x32xbf16, #tpu.memory_space<vmem_shared>>) target_semaphore(%run_scoped3A : memref<!tpu.dma_semaphore, #tpu.memory_space<semaphore_mem>>)
      %dma_wait3A_227 = arith.constant 0 : i32
      %dma_wait3A_228 = tpu.memref_slice %arg27[%add3A_153, %dma_wait3A_227] : memref<10240x32xbf16, #tpu.memory_space<vmem_shared>> -> memref<64x32xbf16, #tpu.memory_space<vmem_shared>>
      %dma_wait3A_229 = arith.constant 0 : i32
      %dma_wait3A_230 = tpu.memref_slice %arg27[%add3A_153, %dma_wait3A_229] : memref<10240x32xbf16, #tpu.memory_space<vmem_shared>> -> memref<64x32xbf16, #tpu.memory_space<vmem_shared>>
      tpu.wait_dma2 semaphore(%run_scoped3A : memref<!tpu.dma_semaphore, #tpu.memory_space<semaphore_mem>>) src(%arg22 : memref<64x32xbf16, #tpu.memory_space<vmem>>) dst(%dma_wait3A_230 : memref<64x32xbf16, #tpu.memory_space<vmem_shared>>)
      tpu.yield
    }) : () -> ()
    %mul3A_154 = arith.constant 640 : i32
    %mul3A_155 = arith.muli %arg1, %mul3A_154 : i32
    %add3A_156 = arith.constant 512 : i32
    %add3A_157 = arith.addi %mul3A_155, %add3A_156 : i32
    "tpu.region"() ({
      %run_scoped3A = tpu.sem_alloc : memref<!tpu.dma_semaphore, #tpu.memory_space<semaphore_mem>>
      %dma_start3A_223 = arith.constant 0 : i32
      %dma_start3A_224 = tpu.memref_slice %arg27[%add3A_157, %dma_start3A_223] : memref<10240x32xbf16, #tpu.memory_space<vmem_shared>> -> memref<64x32xbf16, #tpu.memory_space<vmem_shared>>
      %dma_start3A_225 = arith.constant 0 : i32
      %dma_start3A_226 = tpu.memref_slice %arg27[%add3A_157, %dma_start3A_225] : memref<10240x32xbf16, #tpu.memory_space<vmem_shared>> -> memref<64x32xbf16, #tpu.memory_space<vmem_shared>>
      tpu.enqueue_dma source(%arg22 : memref<64x32xbf16, #tpu.memory_space<vmem>>) target(%dma_start3A_226 : memref<64x32xbf16, #tpu.memory_space<vmem_shared>>) target_semaphore(%run_scoped3A : memref<!tpu.dma_semaphore, #tpu.memory_space<semaphore_mem>>)
      %dma_wait3A_227 = arith.constant 0 : i32
      %dma_wait3A_228 = tpu.memref_slice %arg27[%add3A_157, %dma_wait3A_227] : memref<10240x32xbf16, #tpu.memory_space<vmem_shared>> -> memref<64x32xbf16, #tpu.memory_space<vmem_shared>>
      %dma_wait3A_229 = arith.constant 0 : i32
      %dma_wait3A_230 = tpu.memref_slice %arg27[%add3A_157, %dma_wait3A_229] : memref<10240x32xbf16, #tpu.memory_space<vmem_shared>> -> memref<64x32xbf16, #tpu.memory_space<vmem_shared>>
      tpu.wait_dma2 semaphore(%run_scoped3A : memref<!tpu.dma_semaphore, #tpu.memory_space<semaphore_mem>>) src(%arg22 : memref<64x32xbf16, #tpu.memory_space<vmem>>) dst(%dma_wait3A_230 : memref<64x32xbf16, #tpu.memory_space<vmem_shared>>)
      tpu.yield
    }) : () -> ()
    %mul3A_158 = arith.constant 640 : i32
    %mul3A_159 = arith.muli %arg1, %mul3A_158 : i32
    %add3A_160 = arith.constant 576 : i32
    %add3A_161 = arith.addi %mul3A_159, %add3A_160 : i32
    "tpu.region"() ({
      %run_scoped3A = tpu.sem_alloc : memref<!tpu.dma_semaphore, #tpu.memory_space<semaphore_mem>>
      %dma_start3A_223 = arith.constant 0 : i32
      %dma_start3A_224 = tpu.memref_slice %arg27[%add3A_161, %dma_start3A_223] : memref<10240x32xbf16, #tpu.memory_space<vmem_shared>> -> memref<64x32xbf16, #tpu.memory_space<vmem_shared>>
      %dma_start3A_225 = arith.constant 0 : i32
      %dma_start3A_226 = tpu.memref_slice %arg27[%add3A_161, %dma_start3A_225] : memref<10240x32xbf16, #tpu.memory_space<vmem_shared>> -> memref<64x32xbf16, #tpu.memory_space<vmem_shared>>
      tpu.enqueue_dma source(%arg22 : memref<64x32xbf16, #tpu.memory_space<vmem>>) target(%dma_start3A_226 : memref<64x32xbf16, #tpu.memory_space<vmem_shared>>) target_semaphore(%run_scoped3A : memref<!tpu.dma_semaphore, #tpu.memory_space<semaphore_mem>>)
      %dma_wait3A_227 = arith.constant 0 : i32
      %dma_wait3A_228 = tpu.memref_slice %arg27[%add3A_161, %dma_wait3A_227] : memref<10240x32xbf16, #tpu.memory_space<vmem_shared>> -> memref<64x32xbf16, #tpu.memory_space<vmem_shared>>
      %dma_wait3A_229 = arith.constant 0 : i32
      %dma_wait3A_230 = tpu.memref_slice %arg27[%add3A_161, %dma_wait3A_229] : memref<10240x32xbf16, #tpu.memory_space<vmem_shared>> -> memref<64x32xbf16, #tpu.memory_space<vmem_shared>>
      tpu.wait_dma2 semaphore(%run_scoped3A : memref<!tpu.dma_semaphore, #tpu.memory_space<semaphore_mem>>) src(%arg22 : memref<64x32xbf16, #tpu.memory_space<vmem>>) dst(%dma_wait3A_230 : memref<64x32xbf16, #tpu.memory_space<vmem_shared>>)
      tpu.yield
    }) : () -> ()
    %barrier3A = arith.constant 0 : index
    tpu.barrier barrier_id(%barrier3A)
    %dma_wait3A = arith.constant 0 : i32
    %dma_wait3A_162 = arith.constant 0 : i32
    %dma_wait3A_163 = tpu.memref_slice %arg3[%add3A, %dma_wait3A, %dma_wait3A_162] : memref<32x160x64xi32, #tpu.memory_space<hbm>> -> memref<1x1x64xi32, #tpu.memory_space<hbm>>
    %dma_wait3A_164 = tpu.memref_squeeze %dma_wait3A_163 : memref<1x1x64xi32, #tpu.memory_space<hbm>> -> memref<64xi32, #tpu.memory_space<hbm>>
    %dma_wait3A_165 = arith.constant 0 : i32
    %dma_wait3A_166 = tpu.memref_slice %arg3[%add3A, %dma_wait3A, %dma_wait3A_165] : memref<32x160x64xi32, #tpu.memory_space<hbm>> -> memref<1x1x64xi32, #tpu.memory_space<hbm>>
    %dma_wait3A_167 = tpu.memref_squeeze %dma_wait3A_166 : memref<1x1x64xi32, #tpu.memory_space<hbm>> -> memref<64xi32, #tpu.memory_space<hbm>>
    tpu.wait_dma2 semaphore(%arg32 : memref<!tpu.dma_semaphore, #tpu.memory_space<semaphore_mem>>) src(%dma_wait3A_167 : memref<64xi32, #tpu.memory_space<hbm>>) dst(%arg6 : memref<64xi32, #tpu.memory_space<vmem>>)
    %dma_wait3A_168 = arith.constant 0 : i32
    %dma_wait3A_169 = arith.constant 0 : i32
    %dma_wait3A_170 = tpu.memref_slice %arg4[%add3A, %dma_wait3A_168, %dma_wait3A_169] : memref<32x160x64xi32, #tpu.memory_space<hbm>> -> memref<1x1x64xi32, #tpu.memory_space<hbm>>
    %dma_wait3A_171 = tpu.memref_squeeze %dma_wait3A_170 : memref<1x1x64xi32, #tpu.memory_space<hbm>> -> memref<64xi32, #tpu.memory_space<hbm>>
    %dma_wait3A_172 = arith.constant 0 : i32
    %dma_wait3A_173 = tpu.memref_slice %arg4[%add3A, %dma_wait3A_168, %dma_wait3A_172] : memref<32x160x64xi32, #tpu.memory_space<hbm>> -> memref<1x1x64xi32, #tpu.memory_space<hbm>>
    %dma_wait3A_174 = tpu.memref_squeeze %dma_wait3A_173 : memref<1x1x64xi32, #tpu.memory_space<hbm>> -> memref<64xi32, #tpu.memory_space<hbm>>
    tpu.wait_dma2 semaphore(%arg32 : memref<!tpu.dma_semaphore, #tpu.memory_space<semaphore_mem>>) src(%dma_wait3A_174 : memref<64xi32, #tpu.memory_space<hbm>>) dst(%arg14 : memref<64xi32, #tpu.memory_space<vmem>>)
    %dma_start3A_175 = arith.constant 0 : i32
    %dma_start3A_176 = arith.constant 0 : i32
    %dma_start3A_177 = tpu.memref_slice %arg26[%dma_start3A_175, %dma_start3A_176] : memref<10000x32xbf16, #tpu.memory_space<vmem_shared>> -> memref<10000x32xbf16, #tpu.memory_space<vmem_shared>>
    tpu.enqueue_indirect_dma source(%dma_start3A_177 : memref<10000x32xbf16, #tpu.memory_space<vmem_shared>>) target(%arg22 : memref<64x32xbf16, #tpu.memory_space<vmem>>) offsets(%arg6 : memref<64xi32, #tpu.memory_space<vmem>>) semaphore(%arg28 : memref<!tpu.dma_semaphore, #tpu.memory_space<semaphore_mem>>)
    %dma_wait3A_178 = arith.constant 1 : i32
    %dma_wait3A_179 = arith.constant 0 : i32
    %dma_wait3A_180 = tpu.memref_slice %arg3[%add3A, %dma_wait3A_178, %dma_wait3A_179] : memref<32x160x64xi32, #tpu.memory_space<hbm>> -> memref<1x1x64xi32, #tpu.memory_space<hbm>>
    %dma_wait3A_181 = tpu.memref_squeeze %dma_wait3A_180 : memref<1x1x64xi32, #tpu.memory_space<hbm>> -> memref<64xi32, #tpu.memory_space<hbm>>
    %dma_wait3A_182 = arith.constant 0 : i32
    %dma_wait3A_183 = tpu.memref_slice %arg3[%add3A, %dma_wait3A_178, %dma_wait3A_182] : memref<32x160x64xi32, #tpu.memory_space<hbm>> -> memref<1x1x64xi32, #tpu.memory_space<hbm>>
    %dma_wait3A_184 = tpu.memref_squeeze %dma_wait3A_183 : memref<1x1x64xi32, #tpu.memory_space<hbm>> -> memref<64xi32, #tpu.memory_space<hbm>>
    tpu.wait_dma2 semaphore(%arg33 : memref<!tpu.dma_semaphore, #tpu.memory_space<semaphore_mem>>) src(%dma_wait3A_184 : memref<64xi32, #tpu.memory_space<hbm>>) dst(%arg7 : memref<64xi32, #tpu.memory_space<vmem>>)
    %dma_wait3A_185 = arith.constant 1 : i32
    %dma_wait3A_186 = arith.constant 0 : i32
    %dma_wait3A_187 = tpu.memref_slice %arg4[%add3A, %dma_wait3A_185, %dma_wait3A_186] : memref<32x160x64xi32, #tpu.memory_space<hbm>> -> memref<1x1x64xi32, #tpu.memory_space<hbm>>
    %dma_wait3A_188 = tpu.memref_squeeze %dma_wait3A_187 : memref<1x1x64xi32, #tpu.memory_space<hbm>> -> memref<64xi32, #tpu.memory_space<hbm>>
    %dma_wait3A_189 = arith.constant 0 : i32
    %dma_wait3A_190 = tpu.memref_slice %arg4[%add3A, %dma_wait3A_185, %dma_wait3A_189] : memref<32x160x64xi32, #tpu.memory_space<hbm>> -> memref<1x1x64xi32, #tpu.memory_space<hbm>>
    %dma_wait3A_191 = tpu.memref_squeeze %dma_wait3A_190 : memref<1x1x64xi32, #tpu.memory_space<hbm>> -> memref<64xi32, #tpu.memory_space<hbm>>
    tpu.wait_dma2 semaphore(%arg33 : memref<!tpu.dma_semaphore, #tpu.memory_space<semaphore_mem>>) src(%dma_wait3A_191 : memref<64xi32, #tpu.memory_space<hbm>>) dst(%arg15 : memref<64xi32, #tpu.memory_space<vmem>>)
    %dma_start3A_192 = arith.constant 0 : i32
    %dma_start3A_193 = arith.constant 0 : i32
    %dma_start3A_194 = tpu.memref_slice %arg26[%dma_start3A_192, %dma_start3A_193] : memref<10000x32xbf16, #tpu.memory_space<vmem_shared>> -> memref<10000x32xbf16, #tpu.memory_space<vmem_shared>>
    tpu.enqueue_indirect_dma source(%dma_start3A_194 : memref<10000x32xbf16, #tpu.memory_space<vmem_shared>>) target(%arg23 : memref<64x32xbf16, #tpu.memory_space<vmem>>) offsets(%arg7 : memref<64xi32, #tpu.memory_space<vmem>>) semaphore(%arg29 : memref<!tpu.dma_semaphore, #tpu.memory_space<semaphore_mem>>)
    %dma_wait3A_195 = arith.constant 2 : i32
    %dma_wait3A_196 = arith.constant 0 : i32
    %dma_wait3A_197 = tpu.memref_slice %arg3[%add3A, %dma_wait3A_195, %dma_wait3A_196] : memref<32x160x64xi32, #tpu.memory_space<hbm>> -> memref<1x1x64xi32, #tpu.memory_space<hbm>>
    %dma_wait3A_198 = tpu.memref_squeeze %dma_wait3A_197 : memref<1x1x64xi32, #tpu.memory_space<hbm>> -> memref<64xi32, #tpu.memory_space<hbm>>
    %dma_wait3A_199 = arith.constant 0 : i32
    %dma_wait3A_200 = tpu.memref_slice %arg3[%add3A, %dma_wait3A_195, %dma_wait3A_199] : memref<32x160x64xi32, #tpu.memory_space<hbm>> -> memref<1x1x64xi32, #tpu.memory_space<hbm>>
    %dma_wait3A_201 = tpu.memref_squeeze %dma_wait3A_200 : memref<1x1x64xi32, #tpu.memory_space<hbm>> -> memref<64xi32, #tpu.memory_space<hbm>>
    tpu.wait_dma2 semaphore(%arg34 : memref<!tpu.dma_semaphore, #tpu.memory_space<semaphore_mem>>) src(%dma_wait3A_201 : memref<64xi32, #tpu.memory_space<hbm>>) dst(%arg8 : memref<64xi32, #tpu.memory_space<vmem>>)
    %dma_wait3A_202 = arith.constant 2 : i32
    %dma_wait3A_203 = arith.constant 0 : i32
    %dma_wait3A_204 = tpu.memref_slice %arg4[%add3A, %dma_wait3A_202, %dma_wait3A_203] : memref<32x160x64xi32, #tpu.memory_space<hbm>> -> memref<1x1x64xi32, #tpu.memory_space<hbm>>
    %dma_wait3A_205 = tpu.memref_squeeze %dma_wait3A_204 : memref<1x1x64xi32, #tpu.memory_space<hbm>> -> memref<64xi32, #tpu.memory_space<hbm>>
    %dma_wait3A_206 = arith.constant 0 : i32
    %dma_wait3A_207 = tpu.memref_slice %arg4[%add3A, %dma_wait3A_202, %dma_wait3A_206] : memref<32x160x64xi32, #tpu.memory_space<hbm>> -> memref<1x1x64xi32, #tpu.memory_space<hbm>>
    %dma_wait3A_208 = tpu.memref_squeeze %dma_wait3A_207 : memref<1x1x64xi32, #tpu.memory_space<hbm>> -> memref<64xi32, #tpu.memory_space<hbm>>
    tpu.wait_dma2 semaphore(%arg34 : memref<!tpu.dma_semaphore, #tpu.memory_space<semaphore_mem>>) src(%dma_wait3A_208 : memref<64xi32, #tpu.memory_space<hbm>>) dst(%arg16 : memref<64xi32, #tpu.memory_space<vmem>>)
    %dma_start3A_209 = arith.constant 0 : i32
    %dma_start3A_210 = arith.constant 0 : i32
    %dma_start3A_211 = tpu.memref_slice %arg26[%dma_start3A_209, %dma_start3A_210] : memref<10000x32xbf16, #tpu.memory_space<vmem_shared>> -> memref<10000x32xbf16, #tpu.memory_space<vmem_shared>>
    tpu.enqueue_indirect_dma source(%dma_start3A_211 : memref<10000x32xbf16, #tpu.memory_space<vmem_shared>>) target(%arg24 : memref<64x32xbf16, #tpu.memory_space<vmem>>) offsets(%arg8 : memref<64xi32, #tpu.memory_space<vmem>>) semaphore(%arg30 : memref<!tpu.dma_semaphore, #tpu.memory_space<semaphore_mem>>)
    %scan3A_212 = arith.constant 0 : i32
    %scan3A_213 = arith.constant 0 : i32
    %scan3A_214 = arith.constant 20 : i32
    %scan3A_215 = arith.addi %scan3A_213, %scan3A_214 : i32
    %scan3A_216 = arith.constant 1 : i32
    scf.for %scan3A_223 = %scan3A_213 to %scan3A_215 step %scan3A_216  : i32 {
      %mul3A_224 = arith.constant 8 : i32
      %mul3A_225 = arith.muli %mul3A_224, %scan3A_223 : i32
      %add3A_226 = arith.constant 0 : i32
      %add3A_227 = arith.addi %mul3A_225, %add3A_226 : i32
      %dma_wait3A_228 = arith.constant 0 : i32
      %dma_wait3A_229 = arith.constant 0 : i32
      %dma_wait3A_230 = tpu.memref_slice %arg26[%dma_wait3A_228, %dma_wait3A_229] : memref<10000x32xbf16, #tpu.memory_space<vmem_shared>> -> memref<10000x32xbf16, #tpu.memory_space<vmem_shared>>
      tpu.wait_indirect_dma semaphore(%arg28 : memref<!tpu.dma_semaphore, #tpu.memory_space<semaphore_mem>>) src(%dma_wait3A_230 : memref<10000x32xbf16, #tpu.memory_space<vmem_shared>>) dst(%arg22 : memref<64x32xbf16, #tpu.memory_space<vmem>>)
      %add3A_231 = arith.constant 4 : i32
      %add3A_232 = arith.addi %add3A_227, %add3A_231 : i32
      %sub3A = arith.constant 1 : i32
      %sub3A_233 = arith.subi %add3A_232, %sub3A : i32
      %lt3A = arith.constant 160 : i32
      %lt3A_234 = arith.cmpi slt, %sub3A_233, %lt3A : i32
      %convert_element_type3A = arith.extui %lt3A_234 : i1 to i32
      %cond3A = arith.constant 0 : i32
      %cond3A_235 = arith.cmpi ne, %convert_element_type3A, %cond3A : i32
      scf.if %cond3A_235 {
        %dma_wait3A_404 = arith.constant 0 : i32
        %dma_wait3A_405 = arith.constant 0 : i32
        %dma_wait3A_406 = tpu.memref_slice %arg3[%add3A, %dma_wait3A_404, %dma_wait3A_405] : memref<32x160x64xi32, #tpu.memory_space<hbm>> -> memref<1x1x64xi32, #tpu.memory_space<hbm>>
        %dma_wait3A_407 = tpu.memref_squeeze %dma_wait3A_406 : memref<1x1x64xi32, #tpu.memory_space<hbm>> -> memref<64xi32, #tpu.memory_space<hbm>>
        %dma_wait3A_408 = arith.constant 0 : i32
        %dma_wait3A_409 = tpu.memref_slice %arg3[%add3A, %dma_wait3A_404, %dma_wait3A_408] : memref<32x160x64xi32, #tpu.memory_space<hbm>> -> memref<1x1x64xi32, #tpu.memory_space<hbm>>
        %dma_wait3A_410 = tpu.memref_squeeze %dma_wait3A_409 : memref<1x1x64xi32, #tpu.memory_space<hbm>> -> memref<64xi32, #tpu.memory_space<hbm>>
        tpu.wait_dma2 semaphore(%arg35 : memref<!tpu.dma_semaphore, #tpu.memory_space<semaphore_mem>>) src(%dma_wait3A_410 : memref<64xi32, #tpu.memory_space<hbm>>) dst(%arg9 : memref<64xi32, #tpu.memory_space<vmem>>)
        %dma_wait3A_411 = arith.constant 0 : i32
        %dma_wait3A_412 = arith.constant 0 : i32
        %dma_wait3A_413 = tpu.memref_slice %arg4[%add3A, %dma_wait3A_411, %dma_wait3A_412] : memref<32x160x64xi32, #tpu.memory_space<hbm>> -> memref<1x1x64xi32, #tpu.memory_space<hbm>>
        %dma_wait3A_414 = tpu.memref_squeeze %dma_wait3A_413 : memref<1x1x64xi32, #tpu.memory_space<hbm>> -> memref<64xi32, #tpu.memory_space<hbm>>
        %dma_wait3A_415 = arith.constant 0 : i32
        %dma_wait3A_416 = tpu.memref_slice %arg4[%add3A, %dma_wait3A_411, %dma_wait3A_415] : memref<32x160x64xi32, #tpu.memory_space<hbm>> -> memref<1x1x64xi32, #tpu.memory_space<hbm>>
        %dma_wait3A_417 = tpu.memref_squeeze %dma_wait3A_416 : memref<1x1x64xi32, #tpu.memory_space<hbm>> -> memref<64xi32, #tpu.memory_space<hbm>>
        tpu.wait_dma2 semaphore(%arg35 : memref<!tpu.dma_semaphore, #tpu.memory_space<semaphore_mem>>) src(%dma_wait3A_417 : memref<64xi32, #tpu.memory_space<hbm>>) dst(%arg17 : memref<64xi32, #tpu.memory_space<vmem>>)
        %dma_start3A_418 = arith.constant 0 : i32
        %dma_start3A_419 = arith.constant 0 : i32
        %dma_start3A_420 = tpu.memref_slice %arg26[%dma_start3A_418, %dma_start3A_419] : memref<10000x32xbf16, #tpu.memory_space<vmem_shared>> -> memref<10000x32xbf16, #tpu.memory_space<vmem_shared>>
        tpu.enqueue_indirect_dma source(%dma_start3A_420 : memref<10000x32xbf16, #tpu.memory_space<vmem_shared>>) target(%arg25 : memref<64x32xbf16, #tpu.memory_space<vmem>>) offsets(%arg9 : memref<64xi32, #tpu.memory_space<vmem>>) semaphore(%arg31 : memref<!tpu.dma_semaphore, #tpu.memory_space<semaphore_mem>>)
      } else {
      }
      "tpu.region"() ({
        %run_scoped3A = tpu.sem_alloc : memref<!tpu.dma_semaphore, #tpu.memory_space<semaphore_mem>>
        %dma_start3A_404 = arith.constant 0 : i32
        %dma_start3A_405 = arith.constant 0 : i32
        %dma_start3A_406 = tpu.memref_slice %arg27[%dma_start3A_404, %dma_start3A_405] : memref<10240x32xbf16, #tpu.memory_space<vmem_shared>> -> memref<10240x32xbf16, #tpu.memory_space<vmem_shared>>
        tpu.enqueue_indirect_dma source(%arg22 : memref<64x32xbf16, #tpu.memory_space<vmem>>) target(%dma_start3A_406 : memref<10240x32xbf16, #tpu.memory_space<vmem_shared>>) offsets(%arg14 : memref<64xi32, #tpu.memory_space<vmem>>) semaphore(%run_scoped3A : memref<!tpu.dma_semaphore, #tpu.memory_space<semaphore_mem>>) {add = true}
        %dma_wait3A_407 = arith.constant 0 : i32
        %dma_wait3A_408 = arith.constant 0 : i32
        %dma_wait3A_409 = tpu.memref_slice %arg27[%dma_wait3A_407, %dma_wait3A_408] : memref<10240x32xbf16, #tpu.memory_space<vmem_shared>> -> memref<10240x32xbf16, #tpu.memory_space<vmem_shared>>
        tpu.wait_indirect_dma semaphore(%run_scoped3A : memref<!tpu.dma_semaphore, #tpu.memory_space<semaphore_mem>>) src(%arg22 : memref<64x32xbf16, #tpu.memory_space<vmem>>) dst(%dma_wait3A_409 : memref<10240x32xbf16, #tpu.memory_space<vmem_shared>>)
        tpu.yield
      }) : () -> ()
      %add3A_236 = arith.constant 8 : i32
      %add3A_237 = arith.addi %add3A_227, %add3A_236 : i32
      %lt3A_238 = arith.constant 160 : i32
      %lt3A_239 = arith.cmpi slt, %add3A_237, %lt3A_238 : i32
      %convert_element_type3A_240 = arith.extui %lt3A_239 : i1 to i32
      %cond3A_241 = arith.constant 0 : i32
      %cond3A_242 = arith.cmpi ne, %convert_element_type3A_240, %cond3A_241 : i32
      scf.if %cond3A_242 {
        %add3A_404 = arith.constant 8 : i32
        %add3A_405 = arith.addi %add3A_227, %add3A_404 : i32
        %dma_start3A_406 = arith.constant 0 : i32
        %dma_start3A_407 = tpu.memref_slice %arg3[%add3A, %add3A_405, %dma_start3A_406] : memref<32x160x64xi32, #tpu.memory_space<hbm>> -> memref<1x1x64xi32, #tpu.memory_space<hbm>>
        %dma_start3A_408 = tpu.memref_squeeze %dma_start3A_407 : memref<1x1x64xi32, #tpu.memory_space<hbm>> -> memref<64xi32, #tpu.memory_space<hbm>>
        %dma_start3A_409 = arith.constant 0 : i32
        %dma_start3A_410 = tpu.memref_slice %arg3[%add3A, %add3A_405, %dma_start3A_409] : memref<32x160x64xi32, #tpu.memory_space<hbm>> -> memref<1x1x64xi32, #tpu.memory_space<hbm>>
        %dma_start3A_411 = tpu.memref_squeeze %dma_start3A_410 : memref<1x1x64xi32, #tpu.memory_space<hbm>> -> memref<64xi32, #tpu.memory_space<hbm>>
        tpu.enqueue_dma source(%dma_start3A_411 : memref<64xi32, #tpu.memory_space<hbm>>) target(%arg6 : memref<64xi32, #tpu.memory_space<vmem>>) target_semaphore(%arg32 : memref<!tpu.dma_semaphore, #tpu.memory_space<semaphore_mem>>)
        %add3A_412 = arith.constant 8 : i32
        %add3A_413 = arith.addi %add3A_227, %add3A_412 : i32
        %dma_start3A_414 = arith.constant 0 : i32
        %dma_start3A_415 = tpu.memref_slice %arg4[%add3A, %add3A_413, %dma_start3A_414] : memref<32x160x64xi32, #tpu.memory_space<hbm>> -> memref<1x1x64xi32, #tpu.memory_space<hbm>>
        %dma_start3A_416 = tpu.memref_squeeze %dma_start3A_415 : memref<1x1x64xi32, #tpu.memory_space<hbm>> -> memref<64xi32, #tpu.memory_space<hbm>>
        %dma_start3A_417 = arith.constant 0 : i32
        %dma_start3A_418 = tpu.memref_slice %arg4[%add3A, %add3A_413, %dma_start3A_417] : memref<32x160x64xi32, #tpu.memory_space<hbm>> -> memref<1x1x64xi32, #tpu.memory_space<hbm>>
        %dma_start3A_419 = tpu.memref_squeeze %dma_start3A_418 : memref<1x1x64xi32, #tpu.memory_space<hbm>> -> memref<64xi32, #tpu.memory_space<hbm>>
        tpu.enqueue_dma source(%dma_start3A_419 : memref<64xi32, #tpu.memory_space<hbm>>) target(%arg14 : memref<64xi32, #tpu.memory_space<vmem>>) target_semaphore(%arg32 : memref<!tpu.dma_semaphore, #tpu.memory_space<semaphore_mem>>)
      } else {
      }
      %mul3A_243 = arith.constant 8 : i32
      %mul3A_244 = arith.muli %mul3A_243, %scan3A_223 : i32
      %add3A_245 = arith.constant 1 : i32
      %add3A_246 = arith.addi %mul3A_244, %add3A_245 : i32
      %dma_wait3A_247 = arith.constant 0 : i32
      %dma_wait3A_248 = arith.constant 0 : i32
      %dma_wait3A_249 = tpu.memref_slice %arg26[%dma_wait3A_247, %dma_wait3A_248] : memref<10000x32xbf16, #tpu.memory_space<vmem_shared>> -> memref<10000x32xbf16, #tpu.memory_space<vmem_shared>>
      tpu.wait_indirect_dma semaphore(%arg29 : memref<!tpu.dma_semaphore, #tpu.memory_space<semaphore_mem>>) src(%dma_wait3A_249 : memref<10000x32xbf16, #tpu.memory_space<vmem_shared>>) dst(%arg23 : memref<64x32xbf16, #tpu.memory_space<vmem>>)
      %add3A_250 = arith.constant 4 : i32
      %add3A_251 = arith.addi %add3A_246, %add3A_250 : i32
      %sub3A_252 = arith.constant 1 : i32
      %sub3A_253 = arith.subi %add3A_251, %sub3A_252 : i32
      %lt3A_254 = arith.constant 160 : i32
      %lt3A_255 = arith.cmpi slt, %sub3A_253, %lt3A_254 : i32
      %convert_element_type3A_256 = arith.extui %lt3A_255 : i1 to i32
      %cond3A_257 = arith.constant 0 : i32
      %cond3A_258 = arith.cmpi ne, %convert_element_type3A_256, %cond3A_257 : i32
      scf.if %cond3A_258 {
        %dma_wait3A_404 = arith.constant 0 : i32
        %dma_wait3A_405 = arith.constant 0 : i32
        %dma_wait3A_406 = tpu.memref_slice %arg3[%add3A, %dma_wait3A_404, %dma_wait3A_405] : memref<32x160x64xi32, #tpu.memory_space<hbm>> -> memref<1x1x64xi32, #tpu.memory_space<hbm>>
        %dma_wait3A_407 = tpu.memref_squeeze %dma_wait3A_406 : memref<1x1x64xi32, #tpu.memory_space<hbm>> -> memref<64xi32, #tpu.memory_space<hbm>>
        %dma_wait3A_408 = arith.constant 0 : i32
        %dma_wait3A_409 = tpu.memref_slice %arg3[%add3A, %dma_wait3A_404, %dma_wait3A_408] : memref<32x160x64xi32, #tpu.memory_space<hbm>> -> memref<1x1x64xi32, #tpu.memory_space<hbm>>
        %dma_wait3A_410 = tpu.memref_squeeze %dma_wait3A_409 : memref<1x1x64xi32, #tpu.memory_space<hbm>> -> memref<64xi32, #tpu.memory_space<hbm>>
        tpu.wait_dma2 semaphore(%arg36 : memref<!tpu.dma_semaphore, #tpu.memory_space<semaphore_mem>>) src(%dma_wait3A_410 : memref<64xi32, #tpu.memory_space<hbm>>) dst(%arg10 : memref<64xi32, #tpu.memory_space<vmem>>)
        %dma_wait3A_411 = arith.constant 0 : i32
        %dma_wait3A_412 = arith.constant 0 : i32
        %dma_wait3A_413 = tpu.memref_slice %arg4[%add3A, %dma_wait3A_411, %dma_wait3A_412] : memref<32x160x64xi32, #tpu.memory_space<hbm>> -> memref<1x1x64xi32, #tpu.memory_space<hbm>>
        %dma_wait3A_414 = tpu.memref_squeeze %dma_wait3A_413 : memref<1x1x64xi32, #tpu.memory_space<hbm>> -> memref<64xi32, #tpu.memory_space<hbm>>
        %dma_wait3A_415 = arith.constant 0 : i32
        %dma_wait3A_416 = tpu.memref_slice %arg4[%add3A, %dma_wait3A_411, %dma_wait3A_415] : memref<32x160x64xi32, #tpu.memory_space<hbm>> -> memref<1x1x64xi32, #tpu.memory_space<hbm>>
        %dma_wait3A_417 = tpu.memref_squeeze %dma_wait3A_416 : memref<1x1x64xi32, #tpu.memory_space<hbm>> -> memref<64xi32, #tpu.memory_space<hbm>>
        tpu.wait_dma2 semaphore(%arg36 : memref<!tpu.dma_semaphore, #tpu.memory_space<semaphore_mem>>) src(%dma_wait3A_417 : memref<64xi32, #tpu.memory_space<hbm>>) dst(%arg18 : memref<64xi32, #tpu.memory_space<vmem>>)
        %dma_start3A_418 = arith.constant 0 : i32
        %dma_start3A_419 = arith.constant 0 : i32
        %dma_start3A_420 = tpu.memref_slice %arg26[%dma_start3A_418, %dma_start3A_419] : memref<10000x32xbf16, #tpu.memory_space<vmem_shared>> -> memref<10000x32xbf16, #tpu.memory_space<vmem_shared>>
        tpu.enqueue_indirect_dma source(%dma_start3A_420 : memref<10000x32xbf16, #tpu.memory_space<vmem_shared>>) target(%arg22 : memref<64x32xbf16, #tpu.memory_space<vmem>>) offsets(%arg10 : memref<64xi32, #tpu.memory_space<vmem>>) semaphore(%arg28 : memref<!tpu.dma_semaphore, #tpu.memory_space<semaphore_mem>>)
      } else {
      }
      "tpu.region"() ({
        %run_scoped3A = tpu.sem_alloc : memref<!tpu.dma_semaphore, #tpu.memory_space<semaphore_mem>>
        %dma_start3A_404 = arith.constant 0 : i32
        %dma_start3A_405 = arith.constant 0 : i32
        %dma_start3A_406 = tpu.memref_slice %arg27[%dma_start3A_404, %dma_start3A_405] : memref<10240x32xbf16, #tpu.memory_space<vmem_shared>> -> memref<10240x32xbf16, #tpu.memory_space<vmem_shared>>
        tpu.enqueue_indirect_dma source(%arg23 : memref<64x32xbf16, #tpu.memory_space<vmem>>) target(%dma_start3A_406 : memref<10240x32xbf16, #tpu.memory_space<vmem_shared>>) offsets(%arg15 : memref<64xi32, #tpu.memory_space<vmem>>) semaphore(%run_scoped3A : memref<!tpu.dma_semaphore, #tpu.memory_space<semaphore_mem>>) {add = true}
        %dma_wait3A_407 = arith.constant 0 : i32
        %dma_wait3A_408 = arith.constant 0 : i32
        %dma_wait3A_409 = tpu.memref_slice %arg27[%dma_wait3A_407, %dma_wait3A_408] : memref<10240x32xbf16, #tpu.memory_space<vmem_shared>> -> memref<10240x32xbf16, #tpu.memory_space<vmem_shared>>
        tpu.wait_indirect_dma semaphore(%run_scoped3A : memref<!tpu.dma_semaphore, #tpu.memory_space<semaphore_mem>>) src(%arg23 : memref<64x32xbf16, #tpu.memory_space<vmem>>) dst(%dma_wait3A_409 : memref<10240x32xbf16, #tpu.memory_space<vmem_shared>>)
        tpu.yield
      }) : () -> ()
      %add3A_259 = arith.constant 8 : i32
      %add3A_260 = arith.addi %add3A_246, %add3A_259 : i32
      %lt3A_261 = arith.constant 160 : i32
      %lt3A_262 = arith.cmpi slt, %add3A_260, %lt3A_261 : i32
      %convert_element_type3A_263 = arith.extui %lt3A_262 : i1 to i32
      %cond3A_264 = arith.constant 0 : i32
      %cond3A_265 = arith.cmpi ne, %convert_element_type3A_263, %cond3A_264 : i32
      scf.if %cond3A_265 {
        %add3A_404 = arith.constant 8 : i32
        %add3A_405 = arith.addi %add3A_246, %add3A_404 : i32
        %dma_start3A_406 = arith.constant 0 : i32
        %dma_start3A_407 = tpu.memref_slice %arg3[%add3A, %add3A_405, %dma_start3A_406] : memref<32x160x64xi32, #tpu.memory_space<hbm>> -> memref<1x1x64xi32, #tpu.memory_space<hbm>>
        %dma_start3A_408 = tpu.memref_squeeze %dma_start3A_407 : memref<1x1x64xi32, #tpu.memory_space<hbm>> -> memref<64xi32, #tpu.memory_space<hbm>>
        %dma_start3A_409 = arith.constant 0 : i32
        %dma_start3A_410 = tpu.memref_slice %arg3[%add3A, %add3A_405, %dma_start3A_409] : memref<32x160x64xi32, #tpu.memory_space<hbm>> -> memref<1x1x64xi32, #tpu.memory_space<hbm>>
        %dma_start3A_411 = tpu.memref_squeeze %dma_start3A_410 : memref<1x1x64xi32, #tpu.memory_space<hbm>> -> memref<64xi32, #tpu.memory_space<hbm>>
        tpu.enqueue_dma source(%dma_start3A_411 : memref<64xi32, #tpu.memory_space<hbm>>) target(%arg7 : memref<64xi32, #tpu.memory_space<vmem>>) target_semaphore(%arg33 : memref<!tpu.dma_semaphore, #tpu.memory_space<semaphore_mem>>)
        %add3A_412 = arith.constant 8 : i32
        %add3A_413 = arith.addi %add3A_246, %add3A_412 : i32
        %dma_start3A_414 = arith.constant 0 : i32
        %dma_start3A_415 = tpu.memref_slice %arg4[%add3A, %add3A_413, %dma_start3A_414] : memref<32x160x64xi32, #tpu.memory_space<hbm>> -> memref<1x1x64xi32, #tpu.memory_space<hbm>>
        %dma_start3A_416 = tpu.memref_squeeze %dma_start3A_415 : memref<1x1x64xi32, #tpu.memory_space<hbm>> -> memref<64xi32, #tpu.memory_space<hbm>>
        %dma_start3A_417 = arith.constant 0 : i32
        %dma_start3A_418 = tpu.memref_slice %arg4[%add3A, %add3A_413, %dma_start3A_417] : memref<32x160x64xi32, #tpu.memory_space<hbm>> -> memref<1x1x64xi32, #tpu.memory_space<hbm>>
        %dma_start3A_419 = tpu.memref_squeeze %dma_start3A_418 : memref<1x1x64xi32, #tpu.memory_space<hbm>> -> memref<64xi32, #tpu.memory_space<hbm>>
        tpu.enqueue_dma source(%dma_start3A_419 : memref<64xi32, #tpu.memory_space<hbm>>) target(%arg15 : memref<64xi32, #tpu.memory_space<vmem>>) target_semaphore(%arg33 : memref<!tpu.dma_semaphore, #tpu.memory_space<semaphore_mem>>)
      } else {
      }
      %mul3A_266 = arith.constant 8 : i32
      %mul3A_267 = arith.muli %mul3A_266, %scan3A_223 : i32
      %add3A_268 = arith.constant 2 : i32
      %add3A_269 = arith.addi %mul3A_267, %add3A_268 : i32
      %dma_wait3A_270 = arith.constant 0 : i32
      %dma_wait3A_271 = arith.constant 0 : i32
      %dma_wait3A_272 = tpu.memref_slice %arg26[%dma_wait3A_270, %dma_wait3A_271] : memref<10000x32xbf16, #tpu.memory_space<vmem_shared>> -> memref<10000x32xbf16, #tpu.memory_space<vmem_shared>>
      tpu.wait_indirect_dma semaphore(%arg30 : memref<!tpu.dma_semaphore, #tpu.memory_space<semaphore_mem>>) src(%dma_wait3A_272 : memref<10000x32xbf16, #tpu.memory_space<vmem_shared>>) dst(%arg24 : memref<64x32xbf16, #tpu.memory_space<vmem>>)
      %add3A_273 = arith.constant 4 : i32
      %add3A_274 = arith.addi %add3A_269, %add3A_273 : i32
      %sub3A_275 = arith.constant 1 : i32
      %sub3A_276 = arith.subi %add3A_274, %sub3A_275 : i32
      %lt3A_277 = arith.constant 160 : i32
      %lt3A_278 = arith.cmpi slt, %sub3A_276, %lt3A_277 : i32
      %convert_element_type3A_279 = arith.extui %lt3A_278 : i1 to i32
      %cond3A_280 = arith.constant 0 : i32
      %cond3A_281 = arith.cmpi ne, %convert_element_type3A_279, %cond3A_280 : i32
      scf.if %cond3A_281 {
        %dma_wait3A_404 = arith.constant 0 : i32
        %dma_wait3A_405 = arith.constant 0 : i32
        %dma_wait3A_406 = tpu.memref_slice %arg3[%add3A, %dma_wait3A_404, %dma_wait3A_405] : memref<32x160x64xi32, #tpu.memory_space<hbm>> -> memref<1x1x64xi32, #tpu.memory_space<hbm>>
        %dma_wait3A_407 = tpu.memref_squeeze %dma_wait3A_406 : memref<1x1x64xi32, #tpu.memory_space<hbm>> -> memref<64xi32, #tpu.memory_space<hbm>>
        %dma_wait3A_408 = arith.constant 0 : i32
        %dma_wait3A_409 = tpu.memref_slice %arg3[%add3A, %dma_wait3A_404, %dma_wait3A_408] : memref<32x160x64xi32, #tpu.memory_space<hbm>> -> memref<1x1x64xi32, #tpu.memory_space<hbm>>
        %dma_wait3A_410 = tpu.memref_squeeze %dma_wait3A_409 : memref<1x1x64xi32, #tpu.memory_space<hbm>> -> memref<64xi32, #tpu.memory_space<hbm>>
        tpu.wait_dma2 semaphore(%arg37 : memref<!tpu.dma_semaphore, #tpu.memory_space<semaphore_mem>>) src(%dma_wait3A_410 : memref<64xi32, #tpu.memory_space<hbm>>) dst(%arg11 : memref<64xi32, #tpu.memory_space<vmem>>)
        %dma_wait3A_411 = arith.constant 0 : i32
        %dma_wait3A_412 = arith.constant 0 : i32
        %dma_wait3A_413 = tpu.memref_slice %arg4[%add3A, %dma_wait3A_411, %dma_wait3A_412] : memref<32x160x64xi32, #tpu.memory_space<hbm>> -> memref<1x1x64xi32, #tpu.memory_space<hbm>>
        %dma_wait3A_414 = tpu.memref_squeeze %dma_wait3A_413 : memref<1x1x64xi32, #tpu.memory_space<hbm>> -> memref<64xi32, #tpu.memory_space<hbm>>
        %dma_wait3A_415 = arith.constant 0 : i32
        %dma_wait3A_416 = tpu.memref_slice %arg4[%add3A, %dma_wait3A_411, %dma_wait3A_415] : memref<32x160x64xi32, #tpu.memory_space<hbm>> -> memref<1x1x64xi32, #tpu.memory_space<hbm>>
        %dma_wait3A_417 = tpu.memref_squeeze %dma_wait3A_416 : memref<1x1x64xi32, #tpu.memory_space<hbm>> -> memref<64xi32, #tpu.memory_space<hbm>>
        tpu.wait_dma2 semaphore(%arg37 : memref<!tpu.dma_semaphore, #tpu.memory_space<semaphore_mem>>) src(%dma_wait3A_417 : memref<64xi32, #tpu.memory_space<hbm>>) dst(%arg19 : memref<64xi32, #tpu.memory_space<vmem>>)
        %dma_start3A_418 = arith.constant 0 : i32
        %dma_start3A_419 = arith.constant 0 : i32
        %dma_start3A_420 = tpu.memref_slice %arg26[%dma_start3A_418, %dma_start3A_419] : memref<10000x32xbf16, #tpu.memory_space<vmem_shared>> -> memref<10000x32xbf16, #tpu.memory_space<vmem_shared>>
        tpu.enqueue_indirect_dma source(%dma_start3A_420 : memref<10000x32xbf16, #tpu.memory_space<vmem_shared>>) target(%arg23 : memref<64x32xbf16, #tpu.memory_space<vmem>>) offsets(%arg11 : memref<64xi32, #tpu.memory_space<vmem>>) semaphore(%arg29 : memref<!tpu.dma_semaphore, #tpu.memory_space<semaphore_mem>>)
      } else {
      }
      "tpu.region"() ({
        %run_scoped3A = tpu.sem_alloc : memref<!tpu.dma_semaphore, #tpu.memory_space<semaphore_mem>>
        %dma_start3A_404 = arith.constant 0 : i32
        %dma_start3A_405 = arith.constant 0 : i32
        %dma_start3A_406 = tpu.memref_slice %arg27[%dma_start3A_404, %dma_start3A_405] : memref<10240x32xbf16, #tpu.memory_space<vmem_shared>> -> memref<10240x32xbf16, #tpu.memory_space<vmem_shared>>
        tpu.enqueue_indirect_dma source(%arg24 : memref<64x32xbf16, #tpu.memory_space<vmem>>) target(%dma_start3A_406 : memref<10240x32xbf16, #tpu.memory_space<vmem_shared>>) offsets(%arg16 : memref<64xi32, #tpu.memory_space<vmem>>) semaphore(%run_scoped3A : memref<!tpu.dma_semaphore, #tpu.memory_space<semaphore_mem>>) {add = true}
        %dma_wait3A_407 = arith.constant 0 : i32
        %dma_wait3A_408 = arith.constant 0 : i32
        %dma_wait3A_409 = tpu.memref_slice %arg27[%dma_wait3A_407, %dma_wait3A_408] : memref<10240x32xbf16, #tpu.memory_space<vmem_shared>> -> memref<10240x32xbf16, #tpu.memory_space<vmem_shared>>
        tpu.wait_indirect_dma semaphore(%run_scoped3A : memref<!tpu.dma_semaphore, #tpu.memory_space<semaphore_mem>>) src(%arg24 : memref<64x32xbf16, #tpu.memory_space<vmem>>) dst(%dma_wait3A_409 : memref<10240x32xbf16, #tpu.memory_space<vmem_shared>>)
        tpu.yield
      }) : () -> ()
      %add3A_282 = arith.constant 8 : i32
      %add3A_283 = arith.addi %add3A_269, %add3A_282 : i32
      %lt3A_284 = arith.constant 160 : i32
      %lt3A_285 = arith.cmpi slt, %add3A_283, %lt3A_284 : i32
      %convert_element_type3A_286 = arith.extui %lt3A_285 : i1 to i32
      %cond3A_287 = arith.constant 0 : i32
      %cond3A_288 = arith.cmpi ne, %convert_element_type3A_286, %cond3A_287 : i32
      scf.if %cond3A_288 {
        %add3A_404 = arith.constant 8 : i32
        %add3A_405 = arith.addi %add3A_269, %add3A_404 : i32
        %dma_start3A_406 = arith.constant 0 : i32
        %dma_start3A_407 = tpu.memref_slice %arg3[%add3A, %add3A_405, %dma_start3A_406] : memref<32x160x64xi32, #tpu.memory_space<hbm>> -> memref<1x1x64xi32, #tpu.memory_space<hbm>>
        %dma_start3A_408 = tpu.memref_squeeze %dma_start3A_407 : memref<1x1x64xi32, #tpu.memory_space<hbm>> -> memref<64xi32, #tpu.memory_space<hbm>>
        %dma_start3A_409 = arith.constant 0 : i32
        %dma_start3A_410 = tpu.memref_slice %arg3[%add3A, %add3A_405, %dma_start3A_409] : memref<32x160x64xi32, #tpu.memory_space<hbm>> -> memref<1x1x64xi32, #tpu.memory_space<hbm>>
        %dma_start3A_411 = tpu.memref_squeeze %dma_start3A_410 : memref<1x1x64xi32, #tpu.memory_space<hbm>> -> memref<64xi32, #tpu.memory_space<hbm>>
        tpu.enqueue_dma source(%dma_start3A_411 : memref<64xi32, #tpu.memory_space<hbm>>) target(%arg8 : memref<64xi32, #tpu.memory_space<vmem>>) target_semaphore(%arg34 : memref<!tpu.dma_semaphore, #tpu.memory_space<semaphore_mem>>)
        %add3A_412 = arith.constant 8 : i32
        %add3A_413 = arith.addi %add3A_269, %add3A_412 : i32
        %dma_start3A_414 = arith.constant 0 : i32
        %dma_start3A_415 = tpu.memref_slice %arg4[%add3A, %add3A_413, %dma_start3A_414] : memref<32x160x64xi32, #tpu.memory_space<hbm>> -> memref<1x1x64xi32, #tpu.memory_space<hbm>>
        %dma_start3A_416 = tpu.memref_squeeze %dma_start3A_415 : memref<1x1x64xi32, #tpu.memory_space<hbm>> -> memref<64xi32, #tpu.memory_space<hbm>>
        %dma_start3A_417 = arith.constant 0 : i32
        %dma_start3A_418 = tpu.memref_slice %arg4[%add3A, %add3A_413, %dma_start3A_417] : memref<32x160x64xi32, #tpu.memory_space<hbm>> -> memref<1x1x64xi32, #tpu.memory_space<hbm>>
        %dma_start3A_419 = tpu.memref_squeeze %dma_start3A_418 : memref<1x1x64xi32, #tpu.memory_space<hbm>> -> memref<64xi32, #tpu.memory_space<hbm>>
        tpu.enqueue_dma source(%dma_start3A_419 : memref<64xi32, #tpu.memory_space<hbm>>) target(%arg16 : memref<64xi32, #tpu.memory_space<vmem>>) target_semaphore(%arg34 : memref<!tpu.dma_semaphore, #tpu.memory_space<semaphore_mem>>)
      } else {
      }
      %mul3A_289 = arith.constant 8 : i32
      %mul3A_290 = arith.muli %mul3A_289, %scan3A_223 : i32
      %add3A_291 = arith.constant 3 : i32
      %add3A_292 = arith.addi %mul3A_290, %add3A_291 : i32
      %dma_wait3A_293 = arith.constant 0 : i32
      %dma_wait3A_294 = arith.constant 0 : i32
      %dma_wait3A_295 = tpu.memref_slice %arg26[%dma_wait3A_293, %dma_wait3A_294] : memref<10000x32xbf16, #tpu.memory_space<vmem_shared>> -> memref<10000x32xbf16, #tpu.memory_space<vmem_shared>>
      tpu.wait_indirect_dma semaphore(%arg31 : memref<!tpu.dma_semaphore, #tpu.memory_space<semaphore_mem>>) src(%dma_wait3A_295 : memref<10000x32xbf16, #tpu.memory_space<vmem_shared>>) dst(%arg25 : memref<64x32xbf16, #tpu.memory_space<vmem>>)
      %add3A_296 = arith.constant 4 : i32
      %add3A_297 = arith.addi %add3A_292, %add3A_296 : i32
      %sub3A_298 = arith.constant 1 : i32
      %sub3A_299 = arith.subi %add3A_297, %sub3A_298 : i32
      %lt3A_300 = arith.constant 160 : i32
      %lt3A_301 = arith.cmpi slt, %sub3A_299, %lt3A_300 : i32
      %convert_element_type3A_302 = arith.extui %lt3A_301 : i1 to i32
      %cond3A_303 = arith.constant 0 : i32
      %cond3A_304 = arith.cmpi ne, %convert_element_type3A_302, %cond3A_303 : i32
      scf.if %cond3A_304 {
        %dma_wait3A_404 = arith.constant 0 : i32
        %dma_wait3A_405 = arith.constant 0 : i32
        %dma_wait3A_406 = tpu.memref_slice %arg3[%add3A, %dma_wait3A_404, %dma_wait3A_405] : memref<32x160x64xi32, #tpu.memory_space<hbm>> -> memref<1x1x64xi32, #tpu.memory_space<hbm>>
        %dma_wait3A_407 = tpu.memref_squeeze %dma_wait3A_406 : memref<1x1x64xi32, #tpu.memory_space<hbm>> -> memref<64xi32, #tpu.memory_space<hbm>>
        %dma_wait3A_408 = arith.constant 0 : i32
        %dma_wait3A_409 = tpu.memref_slice %arg3[%add3A, %dma_wait3A_404, %dma_wait3A_408] : memref<32x160x64xi32, #tpu.memory_space<hbm>> -> memref<1x1x64xi32, #tpu.memory_space<hbm>>
        %dma_wait3A_410 = tpu.memref_squeeze %dma_wait3A_409 : memref<1x1x64xi32, #tpu.memory_space<hbm>> -> memref<64xi32, #tpu.memory_space<hbm>>
        tpu.wait_dma2 semaphore(%arg38 : memref<!tpu.dma_semaphore, #tpu.memory_space<semaphore_mem>>) src(%dma_wait3A_410 : memref<64xi32, #tpu.memory_space<hbm>>) dst(%arg12 : memref<64xi32, #tpu.memory_space<vmem>>)
        %dma_wait3A_411 = arith.constant 0 : i32
        %dma_wait3A_412 = arith.constant 0 : i32
        %dma_wait3A_413 = tpu.memref_slice %arg4[%add3A, %dma_wait3A_411, %dma_wait3A_412] : memref<32x160x64xi32, #tpu.memory_space<hbm>> -> memref<1x1x64xi32, #tpu.memory_space<hbm>>
        %dma_wait3A_414 = tpu.memref_squeeze %dma_wait3A_413 : memref<1x1x64xi32, #tpu.memory_space<hbm>> -> memref<64xi32, #tpu.memory_space<hbm>>
        %dma_wait3A_415 = arith.constant 0 : i32
        %dma_wait3A_416 = tpu.memref_slice %arg4[%add3A, %dma_wait3A_411, %dma_wait3A_415] : memref<32x160x64xi32, #tpu.memory_space<hbm>> -> memref<1x1x64xi32, #tpu.memory_space<hbm>>
        %dma_wait3A_417 = tpu.memref_squeeze %dma_wait3A_416 : memref<1x1x64xi32, #tpu.memory_space<hbm>> -> memref<64xi32, #tpu.memory_space<hbm>>
        tpu.wait_dma2 semaphore(%arg38 : memref<!tpu.dma_semaphore, #tpu.memory_space<semaphore_mem>>) src(%dma_wait3A_417 : memref<64xi32, #tpu.memory_space<hbm>>) dst(%arg20 : memref<64xi32, #tpu.memory_space<vmem>>)
        %dma_start3A_418 = arith.constant 0 : i32
        %dma_start3A_419 = arith.constant 0 : i32
        %dma_start3A_420 = tpu.memref_slice %arg26[%dma_start3A_418, %dma_start3A_419] : memref<10000x32xbf16, #tpu.memory_space<vmem_shared>> -> memref<10000x32xbf16, #tpu.memory_space<vmem_shared>>
        tpu.enqueue_indirect_dma source(%dma_start3A_420 : memref<10000x32xbf16, #tpu.memory_space<vmem_shared>>) target(%arg24 : memref<64x32xbf16, #tpu.memory_space<vmem>>) offsets(%arg12 : memref<64xi32, #tpu.memory_space<vmem>>) semaphore(%arg30 : memref<!tpu.dma_semaphore, #tpu.memory_space<semaphore_mem>>)
      } else {
      }
      "tpu.region"() ({
        %run_scoped3A = tpu.sem_alloc : memref<!tpu.dma_semaphore, #tpu.memory_space<semaphore_mem>>
        %dma_start3A_404 = arith.constant 0 : i32
        %dma_start3A_405 = arith.constant 0 : i32
        %dma_start3A_406 = tpu.memref_slice %arg27[%dma_start3A_404, %dma_start3A_405] : memref<10240x32xbf16, #tpu.memory_space<vmem_shared>> -> memref<10240x32xbf16, #tpu.memory_space<vmem_shared>>
        tpu.enqueue_indirect_dma source(%arg25 : memref<64x32xbf16, #tpu.memory_space<vmem>>) target(%dma_start3A_406 : memref<10240x32xbf16, #tpu.memory_space<vmem_shared>>) offsets(%arg17 : memref<64xi32, #tpu.memory_space<vmem>>) semaphore(%run_scoped3A : memref<!tpu.dma_semaphore, #tpu.memory_space<semaphore_mem>>) {add = true}
        %dma_wait3A_407 = arith.constant 0 : i32
        %dma_wait3A_408 = arith.constant 0 : i32
        %dma_wait3A_409 = tpu.memref_slice %arg27[%dma_wait3A_407, %dma_wait3A_408] : memref<10240x32xbf16, #tpu.memory_space<vmem_shared>> -> memref<10240x32xbf16, #tpu.memory_space<vmem_shared>>
        tpu.wait_indirect_dma semaphore(%run_scoped3A : memref<!tpu.dma_semaphore, #tpu.memory_space<semaphore_mem>>) src(%arg25 : memref<64x32xbf16, #tpu.memory_space<vmem>>) dst(%dma_wait3A_409 : memref<10240x32xbf16, #tpu.memory_space<vmem_shared>>)
        tpu.yield
      }) : () -> ()
      %add3A_305 = arith.constant 8 : i32
      %add3A_306 = arith.addi %add3A_292, %add3A_305 : i32
      %lt3A_307 = arith.constant 160 : i32
      %lt3A_308 = arith.cmpi slt, %add3A_306, %lt3A_307 : i32
      %convert_element_type3A_309 = arith.extui %lt3A_308 : i1 to i32
      %cond3A_310 = arith.constant 0 : i32
      %cond3A_311 = arith.cmpi ne, %convert_element_type3A_309, %cond3A_310 : i32
      scf.if %cond3A_311 {
        %add3A_404 = arith.constant 8 : i32
        %add3A_405 = arith.addi %add3A_292, %add3A_404 : i32
        %dma_start3A_406 = arith.constant 0 : i32
        %dma_start3A_407 = tpu.memref_slice %arg3[%add3A, %add3A_405, %dma_start3A_406] : memref<32x160x64xi32, #tpu.memory_space<hbm>> -> memref<1x1x64xi32, #tpu.memory_space<hbm>>
        %dma_start3A_408 = tpu.memref_squeeze %dma_start3A_407 : memref<1x1x64xi32, #tpu.memory_space<hbm>> -> memref<64xi32, #tpu.memory_space<hbm>>
        %dma_start3A_409 = arith.constant 0 : i32
        %dma_start3A_410 = tpu.memref_slice %arg3[%add3A, %add3A_405, %dma_start3A_409] : memref<32x160x64xi32, #tpu.memory_space<hbm>> -> memref<1x1x64xi32, #tpu.memory_space<hbm>>
        %dma_start3A_411 = tpu.memref_squeeze %dma_start3A_410 : memref<1x1x64xi32, #tpu.memory_space<hbm>> -> memref<64xi32, #tpu.memory_space<hbm>>
        tpu.enqueue_dma source(%dma_start3A_411 : memref<64xi32, #tpu.memory_space<hbm>>) target(%arg9 : memref<64xi32, #tpu.memory_space<vmem>>) target_semaphore(%arg35 : memref<!tpu.dma_semaphore, #tpu.memory_space<semaphore_mem>>)
        %add3A_412 = arith.constant 8 : i32
        %add3A_413 = arith.addi %add3A_292, %add3A_412 : i32
        %dma_start3A_414 = arith.constant 0 : i32
        %dma_start3A_415 = tpu.memref_slice %arg4[%add3A, %add3A_413, %dma_start3A_414] : memref<32x160x64xi32, #tpu.memory_space<hbm>> -> memref<1x1x64xi32, #tpu.memory_space<hbm>>
        %dma_start3A_416 = tpu.memref_squeeze %dma_start3A_415 : memref<1x1x64xi32, #tpu.memory_space<hbm>> -> memref<64xi32, #tpu.memory_space<hbm>>
        %dma_start3A_417 = arith.constant 0 : i32
        %dma_start3A_418 = tpu.memref_slice %arg4[%add3A, %add3A_413, %dma_start3A_417] : memref<32x160x64xi32, #tpu.memory_space<hbm>> -> memref<1x1x64xi32, #tpu.memory_space<hbm>>
        %dma_start3A_419 = tpu.memref_squeeze %dma_start3A_418 : memref<1x1x64xi32, #tpu.memory_space<hbm>> -> memref<64xi32, #tpu.memory_space<hbm>>
        tpu.enqueue_dma source(%dma_start3A_419 : memref<64xi32, #tpu.memory_space<hbm>>) target(%arg17 : memref<64xi32, #tpu.memory_space<vmem>>) target_semaphore(%arg35 : memref<!tpu.dma_semaphore, #tpu.memory_space<semaphore_mem>>)
      } else {
      }
      %mul3A_312 = arith.constant 8 : i32
      %mul3A_313 = arith.muli %mul3A_312, %scan3A_223 : i32
      %add3A_314 = arith.constant 4 : i32
      %add3A_315 = arith.addi %mul3A_313, %add3A_314 : i32
      %dma_wait3A_316 = arith.constant 0 : i32
      %dma_wait3A_317 = arith.constant 0 : i32
      %dma_wait3A_318 = tpu.memref_slice %arg26[%dma_wait3A_316, %dma_wait3A_317] : memref<10000x32xbf16, #tpu.memory_space<vmem_shared>> -> memref<10000x32xbf16, #tpu.memory_space<vmem_shared>>
      tpu.wait_indirect_dma semaphore(%arg28 : memref<!tpu.dma_semaphore, #tpu.memory_space<semaphore_mem>>) src(%dma_wait3A_318 : memref<10000x32xbf16, #tpu.memory_space<vmem_shared>>) dst(%arg22 : memref<64x32xbf16, #tpu.memory_space<vmem>>)
      %add3A_319 = arith.constant 4 : i32
      %add3A_320 = arith.addi %add3A_315, %add3A_319 : i32
      %sub3A_321 = arith.constant 1 : i32
      %sub3A_322 = arith.subi %add3A_320, %sub3A_321 : i32
      %lt3A_323 = arith.constant 160 : i32
      %lt3A_324 = arith.cmpi slt, %sub3A_322, %lt3A_323 : i32
      %convert_element_type3A_325 = arith.extui %lt3A_324 : i1 to i32
      %cond3A_326 = arith.constant 0 : i32
      %cond3A_327 = arith.cmpi ne, %convert_element_type3A_325, %cond3A_326 : i32
      scf.if %cond3A_327 {
        %dma_wait3A_404 = arith.constant 0 : i32
        %dma_wait3A_405 = arith.constant 0 : i32
        %dma_wait3A_406 = tpu.memref_slice %arg3[%add3A, %dma_wait3A_404, %dma_wait3A_405] : memref<32x160x64xi32, #tpu.memory_space<hbm>> -> memref<1x1x64xi32, #tpu.memory_space<hbm>>
        %dma_wait3A_407 = tpu.memref_squeeze %dma_wait3A_406 : memref<1x1x64xi32, #tpu.memory_space<hbm>> -> memref<64xi32, #tpu.memory_space<hbm>>
        %dma_wait3A_408 = arith.constant 0 : i32
        %dma_wait3A_409 = tpu.memref_slice %arg3[%add3A, %dma_wait3A_404, %dma_wait3A_408] : memref<32x160x64xi32, #tpu.memory_space<hbm>> -> memref<1x1x64xi32, #tpu.memory_space<hbm>>
        %dma_wait3A_410 = tpu.memref_squeeze %dma_wait3A_409 : memref<1x1x64xi32, #tpu.memory_space<hbm>> -> memref<64xi32, #tpu.memory_space<hbm>>
        tpu.wait_dma2 semaphore(%arg39 : memref<!tpu.dma_semaphore, #tpu.memory_space<semaphore_mem>>) src(%dma_wait3A_410 : memref<64xi32, #tpu.memory_space<hbm>>) dst(%arg13 : memref<64xi32, #tpu.memory_space<vmem>>)
        %dma_wait3A_411 = arith.constant 0 : i32
        %dma_wait3A_412 = arith.constant 0 : i32
        %dma_wait3A_413 = tpu.memref_slice %arg4[%add3A, %dma_wait3A_411, %dma_wait3A_412] : memref<32x160x64xi32, #tpu.memory_space<hbm>> -> memref<1x1x64xi32, #tpu.memory_space<hbm>>
        %dma_wait3A_414 = tpu.memref_squeeze %dma_wait3A_413 : memref<1x1x64xi32, #tpu.memory_space<hbm>> -> memref<64xi32, #tpu.memory_space<hbm>>
        %dma_wait3A_415 = arith.constant 0 : i32
        %dma_wait3A_416 = tpu.memref_slice %arg4[%add3A, %dma_wait3A_411, %dma_wait3A_415] : memref<32x160x64xi32, #tpu.memory_space<hbm>> -> memref<1x1x64xi32, #tpu.memory_space<hbm>>
        %dma_wait3A_417 = tpu.memref_squeeze %dma_wait3A_416 : memref<1x1x64xi32, #tpu.memory_space<hbm>> -> memref<64xi32, #tpu.memory_space<hbm>>
        tpu.wait_dma2 semaphore(%arg39 : memref<!tpu.dma_semaphore, #tpu.memory_space<semaphore_mem>>) src(%dma_wait3A_417 : memref<64xi32, #tpu.memory_space<hbm>>) dst(%arg21 : memref<64xi32, #tpu.memory_space<vmem>>)
        %dma_start3A_418 = arith.constant 0 : i32
        %dma_start3A_419 = arith.constant 0 : i32
        %dma_start3A_420 = tpu.memref_slice %arg26[%dma_start3A_418, %dma_start3A_419] : memref<10000x32xbf16, #tpu.memory_space<vmem_shared>> -> memref<10000x32xbf16, #tpu.memory_space<vmem_shared>>
        tpu.enqueue_indirect_dma source(%dma_start3A_420 : memref<10000x32xbf16, #tpu.memory_space<vmem_shared>>) target(%arg25 : memref<64x32xbf16, #tpu.memory_space<vmem>>) offsets(%arg13 : memref<64xi32, #tpu.memory_space<vmem>>) semaphore(%arg31 : memref<!tpu.dma_semaphore, #tpu.memory_space<semaphore_mem>>)
      } else {
      }
      "tpu.region"() ({
        %run_scoped3A = tpu.sem_alloc : memref<!tpu.dma_semaphore, #tpu.memory_space<semaphore_mem>>
        %dma_start3A_404 = arith.constant 0 : i32
        %dma_start3A_405 = arith.constant 0 : i32
        %dma_start3A_406 = tpu.memref_slice %arg27[%dma_start3A_404, %dma_start3A_405] : memref<10240x32xbf16, #tpu.memory_space<vmem_shared>> -> memref<10240x32xbf16, #tpu.memory_space<vmem_shared>>
        tpu.enqueue_indirect_dma source(%arg22 : memref<64x32xbf16, #tpu.memory_space<vmem>>) target(%dma_start3A_406 : memref<10240x32xbf16, #tpu.memory_space<vmem_shared>>) offsets(%arg18 : memref<64xi32, #tpu.memory_space<vmem>>) semaphore(%run_scoped3A : memref<!tpu.dma_semaphore, #tpu.memory_space<semaphore_mem>>) {add = true}
        %dma_wait3A_407 = arith.constant 0 : i32
        %dma_wait3A_408 = arith.constant 0 : i32
        %dma_wait3A_409 = tpu.memref_slice %arg27[%dma_wait3A_407, %dma_wait3A_408] : memref<10240x32xbf16, #tpu.memory_space<vmem_shared>> -> memref<10240x32xbf16, #tpu.memory_space<vmem_shared>>
        tpu.wait_indirect_dma semaphore(%run_scoped3A : memref<!tpu.dma_semaphore, #tpu.memory_space<semaphore_mem>>) src(%arg22 : memref<64x32xbf16, #tpu.memory_space<vmem>>) dst(%dma_wait3A_409 : memref<10240x32xbf16, #tpu.memory_space<vmem_shared>>)
        tpu.yield
      }) : () -> ()
      %add3A_328 = arith.constant 8 : i32
      %add3A_329 = arith.addi %add3A_315, %add3A_328 : i32
      %lt3A_330 = arith.constant 160 : i32
      %lt3A_331 = arith.cmpi slt, %add3A_329, %lt3A_330 : i32
      %convert_element_type3A_332 = arith.extui %lt3A_331 : i1 to i32
      %cond3A_333 = arith.constant 0 : i32
      %cond3A_334 = arith.cmpi ne, %convert_element_type3A_332, %cond3A_333 : i32
      scf.if %cond3A_334 {
        %add3A_404 = arith.constant 8 : i32
        %add3A_405 = arith.addi %add3A_315, %add3A_404 : i32
        %dma_start3A_406 = arith.constant 0 : i32
        %dma_start3A_407 = tpu.memref_slice %arg3[%add3A, %add3A_405, %dma_start3A_406] : memref<32x160x64xi32, #tpu.memory_space<hbm>> -> memref<1x1x64xi32, #tpu.memory_space<hbm>>
        %dma_start3A_408 = tpu.memref_squeeze %dma_start3A_407 : memref<1x1x64xi32, #tpu.memory_space<hbm>> -> memref<64xi32, #tpu.memory_space<hbm>>
        %dma_start3A_409 = arith.constant 0 : i32
        %dma_start3A_410 = tpu.memref_slice %arg3[%add3A, %add3A_405, %dma_start3A_409] : memref<32x160x64xi32, #tpu.memory_space<hbm>> -> memref<1x1x64xi32, #tpu.memory_space<hbm>>
        %dma_start3A_411 = tpu.memref_squeeze %dma_start3A_410 : memref<1x1x64xi32, #tpu.memory_space<hbm>> -> memref<64xi32, #tpu.memory_space<hbm>>
        tpu.enqueue_dma source(%dma_start3A_411 : memref<64xi32, #tpu.memory_space<hbm>>) target(%arg10 : memref<64xi32, #tpu.memory_space<vmem>>) target_semaphore(%arg36 : memref<!tpu.dma_semaphore, #tpu.memory_space<semaphore_mem>>)
        %add3A_412 = arith.constant 8 : i32
        %add3A_413 = arith.addi %add3A_315, %add3A_412 : i32
        %dma_start3A_414 = arith.constant 0 : i32
        %dma_start3A_415 = tpu.memref_slice %arg4[%add3A, %add3A_413, %dma_start3A_414] : memref<32x160x64xi32, #tpu.memory_space<hbm>> -> memref<1x1x64xi32, #tpu.memory_space<hbm>>
        %dma_start3A_416 = tpu.memref_squeeze %dma_start3A_415 : memref<1x1x64xi32, #tpu.memory_space<hbm>> -> memref<64xi32, #tpu.memory_space<hbm>>
        %dma_start3A_417 = arith.constant 0 : i32
        %dma_start3A_418 = tpu.memref_slice %arg4[%add3A, %add3A_413, %dma_start3A_417] : memref<32x160x64xi32, #tpu.memory_space<hbm>> -> memref<1x1x64xi32, #tpu.memory_space<hbm>>
        %dma_start3A_419 = tpu.memref_squeeze %dma_start3A_418 : memref<1x1x64xi32, #tpu.memory_space<hbm>> -> memref<64xi32, #tpu.memory_space<hbm>>
        tpu.enqueue_dma source(%dma_start3A_419 : memref<64xi32, #tpu.memory_space<hbm>>) target(%arg18 : memref<64xi32, #tpu.memory_space<vmem>>) target_semaphore(%arg36 : memref<!tpu.dma_semaphore, #tpu.memory_space<semaphore_mem>>)
      } else {
      }
      %mul3A_335 = arith.constant 8 : i32
      %mul3A_336 = arith.muli %mul3A_335, %scan3A_223 : i32
      %add3A_337 = arith.constant 5 : i32
      %add3A_338 = arith.addi %mul3A_336, %add3A_337 : i32
      %dma_wait3A_339 = arith.constant 0 : i32
      %dma_wait3A_340 = arith.constant 0 : i32
      %dma_wait3A_341 = tpu.memref_slice %arg26[%dma_wait3A_339, %dma_wait3A_340] : memref<10000x32xbf16, #tpu.memory_space<vmem_shared>> -> memref<10000x32xbf16, #tpu.memory_space<vmem_shared>>
      tpu.wait_indirect_dma semaphore(%arg29 : memref<!tpu.dma_semaphore, #tpu.memory_space<semaphore_mem>>) src(%dma_wait3A_341 : memref<10000x32xbf16, #tpu.memory_space<vmem_shared>>) dst(%arg23 : memref<64x32xbf16, #tpu.memory_space<vmem>>)
      %add3A_342 = arith.constant 4 : i32
      %add3A_343 = arith.addi %add3A_338, %add3A_342 : i32
      %sub3A_344 = arith.constant 1 : i32
      %sub3A_345 = arith.subi %add3A_343, %sub3A_344 : i32
      %lt3A_346 = arith.constant 160 : i32
      %lt3A_347 = arith.cmpi slt, %sub3A_345, %lt3A_346 : i32
      %convert_element_type3A_348 = arith.extui %lt3A_347 : i1 to i32
      %cond3A_349 = arith.constant 0 : i32
      %cond3A_350 = arith.cmpi ne, %convert_element_type3A_348, %cond3A_349 : i32
      scf.if %cond3A_350 {
        %dma_wait3A_404 = arith.constant 0 : i32
        %dma_wait3A_405 = arith.constant 0 : i32
        %dma_wait3A_406 = tpu.memref_slice %arg3[%add3A, %dma_wait3A_404, %dma_wait3A_405] : memref<32x160x64xi32, #tpu.memory_space<hbm>> -> memref<1x1x64xi32, #tpu.memory_space<hbm>>
        %dma_wait3A_407 = tpu.memref_squeeze %dma_wait3A_406 : memref<1x1x64xi32, #tpu.memory_space<hbm>> -> memref<64xi32, #tpu.memory_space<hbm>>
        %dma_wait3A_408 = arith.constant 0 : i32
        %dma_wait3A_409 = tpu.memref_slice %arg3[%add3A, %dma_wait3A_404, %dma_wait3A_408] : memref<32x160x64xi32, #tpu.memory_space<hbm>> -> memref<1x1x64xi32, #tpu.memory_space<hbm>>
        %dma_wait3A_410 = tpu.memref_squeeze %dma_wait3A_409 : memref<1x1x64xi32, #tpu.memory_space<hbm>> -> memref<64xi32, #tpu.memory_space<hbm>>
        tpu.wait_dma2 semaphore(%arg32 : memref<!tpu.dma_semaphore, #tpu.memory_space<semaphore_mem>>) src(%dma_wait3A_410 : memref<64xi32, #tpu.memory_space<hbm>>) dst(%arg6 : memref<64xi32, #tpu.memory_space<vmem>>)
        %dma_wait3A_411 = arith.constant 0 : i32
        %dma_wait3A_412 = arith.constant 0 : i32
        %dma_wait3A_413 = tpu.memref_slice %arg4[%add3A, %dma_wait3A_411, %dma_wait3A_412] : memref<32x160x64xi32, #tpu.memory_space<hbm>> -> memref<1x1x64xi32, #tpu.memory_space<hbm>>
        %dma_wait3A_414 = tpu.memref_squeeze %dma_wait3A_413 : memref<1x1x64xi32, #tpu.memory_space<hbm>> -> memref<64xi32, #tpu.memory_space<hbm>>
        %dma_wait3A_415 = arith.constant 0 : i32
        %dma_wait3A_416 = tpu.memref_slice %arg4[%add3A, %dma_wait3A_411, %dma_wait3A_415] : memref<32x160x64xi32, #tpu.memory_space<hbm>> -> memref<1x1x64xi32, #tpu.memory_space<hbm>>
        %dma_wait3A_417 = tpu.memref_squeeze %dma_wait3A_416 : memref<1x1x64xi32, #tpu.memory_space<hbm>> -> memref<64xi32, #tpu.memory_space<hbm>>
        tpu.wait_dma2 semaphore(%arg32 : memref<!tpu.dma_semaphore, #tpu.memory_space<semaphore_mem>>) src(%dma_wait3A_417 : memref<64xi32, #tpu.memory_space<hbm>>) dst(%arg14 : memref<64xi32, #tpu.memory_space<vmem>>)
        %dma_start3A_418 = arith.constant 0 : i32
        %dma_start3A_419 = arith.constant 0 : i32
        %dma_start3A_420 = tpu.memref_slice %arg26[%dma_start3A_418, %dma_start3A_419] : memref<10000x32xbf16, #tpu.memory_space<vmem_shared>> -> memref<10000x32xbf16, #tpu.memory_space<vmem_shared>>
        tpu.enqueue_indirect_dma source(%dma_start3A_420 : memref<10000x32xbf16, #tpu.memory_space<vmem_shared>>) target(%arg22 : memref<64x32xbf16, #tpu.memory_space<vmem>>) offsets(%arg6 : memref<64xi32, #tpu.memory_space<vmem>>) semaphore(%arg28 : memref<!tpu.dma_semaphore, #tpu.memory_space<semaphore_mem>>)
      } else {
      }
      "tpu.region"() ({
        %run_scoped3A = tpu.sem_alloc : memref<!tpu.dma_semaphore, #tpu.memory_space<semaphore_mem>>
        %dma_start3A_404 = arith.constant 0 : i32
        %dma_start3A_405 = arith.constant 0 : i32
        %dma_start3A_406 = tpu.memref_slice %arg27[%dma_start3A_404, %dma_start3A_405] : memref<10240x32xbf16, #tpu.memory_space<vmem_shared>> -> memref<10240x32xbf16, #tpu.memory_space<vmem_shared>>
        tpu.enqueue_indirect_dma source(%arg23 : memref<64x32xbf16, #tpu.memory_space<vmem>>) target(%dma_start3A_406 : memref<10240x32xbf16, #tpu.memory_space<vmem_shared>>) offsets(%arg19 : memref<64xi32, #tpu.memory_space<vmem>>) semaphore(%run_scoped3A : memref<!tpu.dma_semaphore, #tpu.memory_space<semaphore_mem>>) {add = true}
        %dma_wait3A_407 = arith.constant 0 : i32
        %dma_wait3A_408 = arith.constant 0 : i32
        %dma_wait3A_409 = tpu.memref_slice %arg27[%dma_wait3A_407, %dma_wait3A_408] : memref<10240x32xbf16, #tpu.memory_space<vmem_shared>> -> memref<10240x32xbf16, #tpu.memory_space<vmem_shared>>
        tpu.wait_indirect_dma semaphore(%run_scoped3A : memref<!tpu.dma_semaphore, #tpu.memory_space<semaphore_mem>>) src(%arg23 : memref<64x32xbf16, #tpu.memory_space<vmem>>) dst(%dma_wait3A_409 : memref<10240x32xbf16, #tpu.memory_space<vmem_shared>>)
        tpu.yield
      }) : () -> ()
      %add3A_351 = arith.constant 8 : i32
      %add3A_352 = arith.addi %add3A_338, %add3A_351 : i32
      %lt3A_353 = arith.constant 160 : i32
      %lt3A_354 = arith.cmpi slt, %add3A_352, %lt3A_353 : i32
      %convert_element_type3A_355 = arith.extui %lt3A_354 : i1 to i32
      %cond3A_356 = arith.constant 0 : i32
      %cond3A_357 = arith.cmpi ne, %convert_element_type3A_355, %cond3A_356 : i32
      scf.if %cond3A_357 {
        %add3A_404 = arith.constant 8 : i32
        %add3A_405 = arith.addi %add3A_338, %add3A_404 : i32
        %dma_start3A_406 = arith.constant 0 : i32
        %dma_start3A_407 = tpu.memref_slice %arg3[%add3A, %add3A_405, %dma_start3A_406] : memref<32x160x64xi32, #tpu.memory_space<hbm>> -> memref<1x1x64xi32, #tpu.memory_space<hbm>>
        %dma_start3A_408 = tpu.memref_squeeze %dma_start3A_407 : memref<1x1x64xi32, #tpu.memory_space<hbm>> -> memref<64xi32, #tpu.memory_space<hbm>>
        %dma_start3A_409 = arith.constant 0 : i32
        %dma_start3A_410 = tpu.memref_slice %arg3[%add3A, %add3A_405, %dma_start3A_409] : memref<32x160x64xi32, #tpu.memory_space<hbm>> -> memref<1x1x64xi32, #tpu.memory_space<hbm>>
        %dma_start3A_411 = tpu.memref_squeeze %dma_start3A_410 : memref<1x1x64xi32, #tpu.memory_space<hbm>> -> memref<64xi32, #tpu.memory_space<hbm>>
        tpu.enqueue_dma source(%dma_start3A_411 : memref<64xi32, #tpu.memory_space<hbm>>) target(%arg11 : memref<64xi32, #tpu.memory_space<vmem>>) target_semaphore(%arg37 : memref<!tpu.dma_semaphore, #tpu.memory_space<semaphore_mem>>)
        %add3A_412 = arith.constant 8 : i32
        %add3A_413 = arith.addi %add3A_338, %add3A_412 : i32
        %dma_start3A_414 = arith.constant 0 : i32
        %dma_start3A_415 = tpu.memref_slice %arg4[%add3A, %add3A_413, %dma_start3A_414] : memref<32x160x64xi32, #tpu.memory_space<hbm>> -> memref<1x1x64xi32, #tpu.memory_space<hbm>>
        %dma_start3A_416 = tpu.memref_squeeze %dma_start3A_415 : memref<1x1x64xi32, #tpu.memory_space<hbm>> -> memref<64xi32, #tpu.memory_space<hbm>>
        %dma_start3A_417 = arith.constant 0 : i32
        %dma_start3A_418 = tpu.memref_slice %arg4[%add3A, %add3A_413, %dma_start3A_417] : memref<32x160x64xi32, #tpu.memory_space<hbm>> -> memref<1x1x64xi32, #tpu.memory_space<hbm>>
        %dma_start3A_419 = tpu.memref_squeeze %dma_start3A_418 : memref<1x1x64xi32, #tpu.memory_space<hbm>> -> memref<64xi32, #tpu.memory_space<hbm>>
        tpu.enqueue_dma source(%dma_start3A_419 : memref<64xi32, #tpu.memory_space<hbm>>) target(%arg19 : memref<64xi32, #tpu.memory_space<vmem>>) target_semaphore(%arg37 : memref<!tpu.dma_semaphore, #tpu.memory_space<semaphore_mem>>)
      } else {
      }
      %mul3A_358 = arith.constant 8 : i32
      %mul3A_359 = arith.muli %mul3A_358, %scan3A_223 : i32
      %add3A_360 = arith.constant 6 : i32
      %add3A_361 = arith.addi %mul3A_359, %add3A_360 : i32
      %dma_wait3A_362 = arith.constant 0 : i32
      %dma_wait3A_363 = arith.constant 0 : i32
      %dma_wait3A_364 = tpu.memref_slice %arg26[%dma_wait3A_362, %dma_wait3A_363] : memref<10000x32xbf16, #tpu.memory_space<vmem_shared>> -> memref<10000x32xbf16, #tpu.memory_space<vmem_shared>>
      tpu.wait_indirect_dma semaphore(%arg30 : memref<!tpu.dma_semaphore, #tpu.memory_space<semaphore_mem>>) src(%dma_wait3A_364 : memref<10000x32xbf16, #tpu.memory_space<vmem_shared>>) dst(%arg24 : memref<64x32xbf16, #tpu.memory_space<vmem>>)
      %add3A_365 = arith.constant 4 : i32
      %add3A_366 = arith.addi %add3A_361, %add3A_365 : i32
      %sub3A_367 = arith.constant 1 : i32
      %sub3A_368 = arith.subi %add3A_366, %sub3A_367 : i32
      %lt3A_369 = arith.constant 160 : i32
      %lt3A_370 = arith.cmpi slt, %sub3A_368, %lt3A_369 : i32
      %convert_element_type3A_371 = arith.extui %lt3A_370 : i1 to i32
      %cond3A_372 = arith.constant 0 : i32
      %cond3A_373 = arith.cmpi ne, %convert_element_type3A_371, %cond3A_372 : i32
      scf.if %cond3A_373 {
        %dma_wait3A_404 = arith.constant 0 : i32
        %dma_wait3A_405 = arith.constant 0 : i32
        %dma_wait3A_406 = tpu.memref_slice %arg3[%add3A, %dma_wait3A_404, %dma_wait3A_405] : memref<32x160x64xi32, #tpu.memory_space<hbm>> -> memref<1x1x64xi32, #tpu.memory_space<hbm>>
        %dma_wait3A_407 = tpu.memref_squeeze %dma_wait3A_406 : memref<1x1x64xi32, #tpu.memory_space<hbm>> -> memref<64xi32, #tpu.memory_space<hbm>>
        %dma_wait3A_408 = arith.constant 0 : i32
        %dma_wait3A_409 = tpu.memref_slice %arg3[%add3A, %dma_wait3A_404, %dma_wait3A_408] : memref<32x160x64xi32, #tpu.memory_space<hbm>> -> memref<1x1x64xi32, #tpu.memory_space<hbm>>
        %dma_wait3A_410 = tpu.memref_squeeze %dma_wait3A_409 : memref<1x1x64xi32, #tpu.memory_space<hbm>> -> memref<64xi32, #tpu.memory_space<hbm>>
        tpu.wait_dma2 semaphore(%arg33 : memref<!tpu.dma_semaphore, #tpu.memory_space<semaphore_mem>>) src(%dma_wait3A_410 : memref<64xi32, #tpu.memory_space<hbm>>) dst(%arg7 : memref<64xi32, #tpu.memory_space<vmem>>)
        %dma_wait3A_411 = arith.constant 0 : i32
        %dma_wait3A_412 = arith.constant 0 : i32
        %dma_wait3A_413 = tpu.memref_slice %arg4[%add3A, %dma_wait3A_411, %dma_wait3A_412] : memref<32x160x64xi32, #tpu.memory_space<hbm>> -> memref<1x1x64xi32, #tpu.memory_space<hbm>>
        %dma_wait3A_414 = tpu.memref_squeeze %dma_wait3A_413 : memref<1x1x64xi32, #tpu.memory_space<hbm>> -> memref<64xi32, #tpu.memory_space<hbm>>
        %dma_wait3A_415 = arith.constant 0 : i32
        %dma_wait3A_416 = tpu.memref_slice %arg4[%add3A, %dma_wait3A_411, %dma_wait3A_415] : memref<32x160x64xi32, #tpu.memory_space<hbm>> -> memref<1x1x64xi32, #tpu.memory_space<hbm>>
        %dma_wait3A_417 = tpu.memref_squeeze %dma_wait3A_416 : memref<1x1x64xi32, #tpu.memory_space<hbm>> -> memref<64xi32, #tpu.memory_space<hbm>>
        tpu.wait_dma2 semaphore(%arg33 : memref<!tpu.dma_semaphore, #tpu.memory_space<semaphore_mem>>) src(%dma_wait3A_417 : memref<64xi32, #tpu.memory_space<hbm>>) dst(%arg15 : memref<64xi32, #tpu.memory_space<vmem>>)
        %dma_start3A_418 = arith.constant 0 : i32
        %dma_start3A_419 = arith.constant 0 : i32
        %dma_start3A_420 = tpu.memref_slice %arg26[%dma_start3A_418, %dma_start3A_419] : memref<10000x32xbf16, #tpu.memory_space<vmem_shared>> -> memref<10000x32xbf16, #tpu.memory_space<vmem_shared>>
        tpu.enqueue_indirect_dma source(%dma_start3A_420 : memref<10000x32xbf16, #tpu.memory_space<vmem_shared>>) target(%arg23 : memref<64x32xbf16, #tpu.memory_space<vmem>>) offsets(%arg7 : memref<64xi32, #tpu.memory_space<vmem>>) semaphore(%arg29 : memref<!tpu.dma_semaphore, #tpu.memory_space<semaphore_mem>>)
      } else {
      }
      "tpu.region"() ({
        %run_scoped3A = tpu.sem_alloc : memref<!tpu.dma_semaphore, #tpu.memory_space<semaphore_mem>>
        %dma_start3A_404 = arith.constant 0 : i32
        %dma_start3A_405 = arith.constant 0 : i32
        %dma_start3A_406 = tpu.memref_slice %arg27[%dma_start3A_404, %dma_start3A_405] : memref<10240x32xbf16, #tpu.memory_space<vmem_shared>> -> memref<10240x32xbf16, #tpu.memory_space<vmem_shared>>
        tpu.enqueue_indirect_dma source(%arg24 : memref<64x32xbf16, #tpu.memory_space<vmem>>) target(%dma_start3A_406 : memref<10240x32xbf16, #tpu.memory_space<vmem_shared>>) offsets(%arg20 : memref<64xi32, #tpu.memory_space<vmem>>) semaphore(%run_scoped3A : memref<!tpu.dma_semaphore, #tpu.memory_space<semaphore_mem>>) {add = true}
        %dma_wait3A_407 = arith.constant 0 : i32
        %dma_wait3A_408 = arith.constant 0 : i32
        %dma_wait3A_409 = tpu.memref_slice %arg27[%dma_wait3A_407, %dma_wait3A_408] : memref<10240x32xbf16, #tpu.memory_space<vmem_shared>> -> memref<10240x32xbf16, #tpu.memory_space<vmem_shared>>
        tpu.wait_indirect_dma semaphore(%run_scoped3A : memref<!tpu.dma_semaphore, #tpu.memory_space<semaphore_mem>>) src(%arg24 : memref<64x32xbf16, #tpu.memory_space<vmem>>) dst(%dma_wait3A_409 : memref<10240x32xbf16, #tpu.memory_space<vmem_shared>>)
        tpu.yield
      }) : () -> ()
      %add3A_374 = arith.constant 8 : i32
      %add3A_375 = arith.addi %add3A_361, %add3A_374 : i32
      %lt3A_376 = arith.constant 160 : i32
      %lt3A_377 = arith.cmpi slt, %add3A_375, %lt3A_376 : i32
      %convert_element_type3A_378 = arith.extui %lt3A_377 : i1 to i32
      %cond3A_379 = arith.constant 0 : i32
      %cond3A_380 = arith.cmpi ne, %convert_element_type3A_378, %cond3A_379 : i32
      scf.if %cond3A_380 {
        %add3A_404 = arith.constant 8 : i32
        %add3A_405 = arith.addi %add3A_361, %add3A_404 : i32
        %dma_start3A_406 = arith.constant 0 : i32
        %dma_start3A_407 = tpu.memref_slice %arg3[%add3A, %add3A_405, %dma_start3A_406] : memref<32x160x64xi32, #tpu.memory_space<hbm>> -> memref<1x1x64xi32, #tpu.memory_space<hbm>>
        %dma_start3A_408 = tpu.memref_squeeze %dma_start3A_407 : memref<1x1x64xi32, #tpu.memory_space<hbm>> -> memref<64xi32, #tpu.memory_space<hbm>>
        %dma_start3A_409 = arith.constant 0 : i32
        %dma_start3A_410 = tpu.memref_slice %arg3[%add3A, %add3A_405, %dma_start3A_409] : memref<32x160x64xi32, #tpu.memory_space<hbm>> -> memref<1x1x64xi32, #tpu.memory_space<hbm>>
        %dma_start3A_411 = tpu.memref_squeeze %dma_start3A_410 : memref<1x1x64xi32, #tpu.memory_space<hbm>> -> memref<64xi32, #tpu.memory_space<hbm>>
        tpu.enqueue_dma source(%dma_start3A_411 : memref<64xi32, #tpu.memory_space<hbm>>) target(%arg12 : memref<64xi32, #tpu.memory_space<vmem>>) target_semaphore(%arg38 : memref<!tpu.dma_semaphore, #tpu.memory_space<semaphore_mem>>)
        %add3A_412 = arith.constant 8 : i32
        %add3A_413 = arith.addi %add3A_361, %add3A_412 : i32
        %dma_start3A_414 = arith.constant 0 : i32
        %dma_start3A_415 = tpu.memref_slice %arg4[%add3A, %add3A_413, %dma_start3A_414] : memref<32x160x64xi32, #tpu.memory_space<hbm>> -> memref<1x1x64xi32, #tpu.memory_space<hbm>>
        %dma_start3A_416 = tpu.memref_squeeze %dma_start3A_415 : memref<1x1x64xi32, #tpu.memory_space<hbm>> -> memref<64xi32, #tpu.memory_space<hbm>>
        %dma_start3A_417 = arith.constant 0 : i32
        %dma_start3A_418 = tpu.memref_slice %arg4[%add3A, %add3A_413, %dma_start3A_417] : memref<32x160x64xi32, #tpu.memory_space<hbm>> -> memref<1x1x64xi32, #tpu.memory_space<hbm>>
        %dma_start3A_419 = tpu.memref_squeeze %dma_start3A_418 : memref<1x1x64xi32, #tpu.memory_space<hbm>> -> memref<64xi32, #tpu.memory_space<hbm>>
        tpu.enqueue_dma source(%dma_start3A_419 : memref<64xi32, #tpu.memory_space<hbm>>) target(%arg20 : memref<64xi32, #tpu.memory_space<vmem>>) target_semaphore(%arg38 : memref<!tpu.dma_semaphore, #tpu.memory_space<semaphore_mem>>)
      } else {
      }
      %mul3A_381 = arith.constant 8 : i32
      %mul3A_382 = arith.muli %mul3A_381, %scan3A_223 : i32
      %add3A_383 = arith.constant 7 : i32
      %add3A_384 = arith.addi %mul3A_382, %add3A_383 : i32
      %dma_wait3A_385 = arith.constant 0 : i32
      %dma_wait3A_386 = arith.constant 0 : i32
      %dma_wait3A_387 = tpu.memref_slice %arg26[%dma_wait3A_385, %dma_wait3A_386] : memref<10000x32xbf16, #tpu.memory_space<vmem_shared>> -> memref<10000x32xbf16, #tpu.memory_space<vmem_shared>>
      tpu.wait_indirect_dma semaphore(%arg31 : memref<!tpu.dma_semaphore, #tpu.memory_space<semaphore_mem>>) src(%dma_wait3A_387 : memref<10000x32xbf16, #tpu.memory_space<vmem_shared>>) dst(%arg25 : memref<64x32xbf16, #tpu.memory_space<vmem>>)
      %add3A_388 = arith.constant 4 : i32
      %add3A_389 = arith.addi %add3A_384, %add3A_388 : i32
      %sub3A_390 = arith.constant 1 : i32
      %sub3A_391 = arith.subi %add3A_389, %sub3A_390 : i32
      %lt3A_392 = arith.constant 160 : i32
      %lt3A_393 = arith.cmpi slt, %sub3A_391, %lt3A_392 : i32
      %convert_element_type3A_394 = arith.extui %lt3A_393 : i1 to i32
      %cond3A_395 = arith.constant 0 : i32
      %cond3A_396 = arith.cmpi ne, %convert_element_type3A_394, %cond3A_395 : i32
      scf.if %cond3A_396 {
        %dma_wait3A_404 = arith.constant 0 : i32
        %dma_wait3A_405 = arith.constant 0 : i32
        %dma_wait3A_406 = tpu.memref_slice %arg3[%add3A, %dma_wait3A_404, %dma_wait3A_405] : memref<32x160x64xi32, #tpu.memory_space<hbm>> -> memref<1x1x64xi32, #tpu.memory_space<hbm>>
        %dma_wait3A_407 = tpu.memref_squeeze %dma_wait3A_406 : memref<1x1x64xi32, #tpu.memory_space<hbm>> -> memref<64xi32, #tpu.memory_space<hbm>>
        %dma_wait3A_408 = arith.constant 0 : i32
        %dma_wait3A_409 = tpu.memref_slice %arg3[%add3A, %dma_wait3A_404, %dma_wait3A_408] : memref<32x160x64xi32, #tpu.memory_space<hbm>> -> memref<1x1x64xi32, #tpu.memory_space<hbm>>
        %dma_wait3A_410 = tpu.memref_squeeze %dma_wait3A_409 : memref<1x1x64xi32, #tpu.memory_space<hbm>> -> memref<64xi32, #tpu.memory_space<hbm>>
        tpu.wait_dma2 semaphore(%arg34 : memref<!tpu.dma_semaphore, #tpu.memory_space<semaphore_mem>>) src(%dma_wait3A_410 : memref<64xi32, #tpu.memory_space<hbm>>) dst(%arg8 : memref<64xi32, #tpu.memory_space<vmem>>)
        %dma_wait3A_411 = arith.constant 0 : i32
        %dma_wait3A_412 = arith.constant 0 : i32
        %dma_wait3A_413 = tpu.memref_slice %arg4[%add3A, %dma_wait3A_411, %dma_wait3A_412] : memref<32x160x64xi32, #tpu.memory_space<hbm>> -> memref<1x1x64xi32, #tpu.memory_space<hbm>>
        %dma_wait3A_414 = tpu.memref_squeeze %dma_wait3A_413 : memref<1x1x64xi32, #tpu.memory_space<hbm>> -> memref<64xi32, #tpu.memory_space<hbm>>
        %dma_wait3A_415 = arith.constant 0 : i32
        %dma_wait3A_416 = tpu.memref_slice %arg4[%add3A, %dma_wait3A_411, %dma_wait3A_415] : memref<32x160x64xi32, #tpu.memory_space<hbm>> -> memref<1x1x64xi32, #tpu.memory_space<hbm>>
        %dma_wait3A_417 = tpu.memref_squeeze %dma_wait3A_416 : memref<1x1x64xi32, #tpu.memory_space<hbm>> -> memref<64xi32, #tpu.memory_space<hbm>>
        tpu.wait_dma2 semaphore(%arg34 : memref<!tpu.dma_semaphore, #tpu.memory_space<semaphore_mem>>) src(%dma_wait3A_417 : memref<64xi32, #tpu.memory_space<hbm>>) dst(%arg16 : memref<64xi32, #tpu.memory_space<vmem>>)
        %dma_start3A_418 = arith.constant 0 : i32
        %dma_start3A_419 = arith.constant 0 : i32
        %dma_start3A_420 = tpu.memref_slice %arg26[%dma_start3A_418, %dma_start3A_419] : memref<10000x32xbf16, #tpu.memory_space<vmem_shared>> -> memref<10000x32xbf16, #tpu.memory_space<vmem_shared>>
        tpu.enqueue_indirect_dma source(%dma_start3A_420 : memref<10000x32xbf16, #tpu.memory_space<vmem_shared>>) target(%arg24 : memref<64x32xbf16, #tpu.memory_space<vmem>>) offsets(%arg8 : memref<64xi32, #tpu.memory_space<vmem>>) semaphore(%arg30 : memref<!tpu.dma_semaphore, #tpu.memory_space<semaphore_mem>>)
      } else {
      }
      "tpu.region"() ({
        %run_scoped3A = tpu.sem_alloc : memref<!tpu.dma_semaphore, #tpu.memory_space<semaphore_mem>>
        %dma_start3A_404 = arith.constant 0 : i32
        %dma_start3A_405 = arith.constant 0 : i32
        %dma_start3A_406 = tpu.memref_slice %arg27[%dma_start3A_404, %dma_start3A_405] : memref<10240x32xbf16, #tpu.memory_space<vmem_shared>> -> memref<10240x32xbf16, #tpu.memory_space<vmem_shared>>
        tpu.enqueue_indirect_dma source(%arg25 : memref<64x32xbf16, #tpu.memory_space<vmem>>) target(%dma_start3A_406 : memref<10240x32xbf16, #tpu.memory_space<vmem_shared>>) offsets(%arg21 : memref<64xi32, #tpu.memory_space<vmem>>) semaphore(%run_scoped3A : memref<!tpu.dma_semaphore, #tpu.memory_space<semaphore_mem>>) {add = true}
        %dma_wait3A_407 = arith.constant 0 : i32
        %dma_wait3A_408 = arith.constant 0 : i32
        %dma_wait3A_409 = tpu.memref_slice %arg27[%dma_wait3A_407, %dma_wait3A_408] : memref<10240x32xbf16, #tpu.memory_space<vmem_shared>> -> memref<10240x32xbf16, #tpu.memory_space<vmem_shared>>
        tpu.wait_indirect_dma semaphore(%run_scoped3A : memref<!tpu.dma_semaphore, #tpu.memory_space<semaphore_mem>>) src(%arg25 : memref<64x32xbf16, #tpu.memory_space<vmem>>) dst(%dma_wait3A_409 : memref<10240x32xbf16, #tpu.memory_space<vmem_shared>>)
        tpu.yield
      }) : () -> ()
      %add3A_397 = arith.constant 8 : i32
      %add3A_398 = arith.addi %add3A_384, %add3A_397 : i32
      %lt3A_399 = arith.constant 160 : i32
      %lt3A_400 = arith.cmpi slt, %add3A_398, %lt3A_399 : i32
      %convert_element_type3A_401 = arith.extui %lt3A_400 : i1 to i32
      %cond3A_402 = arith.constant 0 : i32
      %cond3A_403 = arith.cmpi ne, %convert_element_type3A_401, %cond3A_402 : i32
      scf.if %cond3A_403 {
        %add3A_404 = arith.constant 8 : i32
        %add3A_405 = arith.addi %add3A_384, %add3A_404 : i32
        %dma_start3A_406 = arith.constant 0 : i32
        %dma_start3A_407 = tpu.memref_slice %arg3[%add3A, %add3A_405, %dma_start3A_406] : memref<32x160x64xi32, #tpu.memory_space<hbm>> -> memref<1x1x64xi32, #tpu.memory_space<hbm>>
        %dma_start3A_408 = tpu.memref_squeeze %dma_start3A_407 : memref<1x1x64xi32, #tpu.memory_space<hbm>> -> memref<64xi32, #tpu.memory_space<hbm>>
        %dma_start3A_409 = arith.constant 0 : i32
        %dma_start3A_410 = tpu.memref_slice %arg3[%add3A, %add3A_405, %dma_start3A_409] : memref<32x160x64xi32, #tpu.memory_space<hbm>> -> memref<1x1x64xi32, #tpu.memory_space<hbm>>
        %dma_start3A_411 = tpu.memref_squeeze %dma_start3A_410 : memref<1x1x64xi32, #tpu.memory_space<hbm>> -> memref<64xi32, #tpu.memory_space<hbm>>
        tpu.enqueue_dma source(%dma_start3A_411 : memref<64xi32, #tpu.memory_space<hbm>>) target(%arg13 : memref<64xi32, #tpu.memory_space<vmem>>) target_semaphore(%arg39 : memref<!tpu.dma_semaphore, #tpu.memory_space<semaphore_mem>>)
        %add3A_412 = arith.constant 8 : i32
        %add3A_413 = arith.addi %add3A_384, %add3A_412 : i32
        %dma_start3A_414 = arith.constant 0 : i32
        %dma_start3A_415 = tpu.memref_slice %arg4[%add3A, %add3A_413, %dma_start3A_414] : memref<32x160x64xi32, #tpu.memory_space<hbm>> -> memref<1x1x64xi32, #tpu.memory_space<hbm>>
        %dma_start3A_416 = tpu.memref_squeeze %dma_start3A_415 : memref<1x1x64xi32, #tpu.memory_space<hbm>> -> memref<64xi32, #tpu.memory_space<hbm>>
        %dma_start3A_417 = arith.constant 0 : i32
        %dma_start3A_418 = tpu.memref_slice %arg4[%add3A, %add3A_413, %dma_start3A_417] : memref<32x160x64xi32, #tpu.memory_space<hbm>> -> memref<1x1x64xi32, #tpu.memory_space<hbm>>
        %dma_start3A_419 = tpu.memref_squeeze %dma_start3A_418 : memref<1x1x64xi32, #tpu.memory_space<hbm>> -> memref<64xi32, #tpu.memory_space<hbm>>
        tpu.enqueue_dma source(%dma_start3A_419 : memref<64xi32, #tpu.memory_space<hbm>>) target(%arg21 : memref<64xi32, #tpu.memory_space<vmem>>) target_semaphore(%arg39 : memref<!tpu.dma_semaphore, #tpu.memory_space<semaphore_mem>>)
      } else {
      }
    }
    %scan3A_217 = arith.constant 20 : i32
    %barrier3A_218 = arith.constant 0 : index
    tpu.barrier barrier_id(%barrier3A_218)
    %mul3A_219 = arith.constant 640 : i32
    %mul3A_220 = arith.muli %arg1, %mul3A_219 : i32
    %mul3A_221 = arith.constant 640 : i32
    %mul3A_222 = arith.muli %arg1, %mul3A_221 : i32
    "tpu.region"() ({
      %run_scoped3A = tpu.sem_alloc : memref<!tpu.dma_semaphore, #tpu.memory_space<semaphore_mem>>
      %dma_start3A_223 = arith.constant 0 : i32
      %dma_start3A_224 = tpu.memref_slice %arg5[%arg0, %mul3A_222, %dma_start3A_223] : memref<2x10240x32xbf16, #tpu.memory_space<hbm>> -> memref<1x640x32xbf16, #tpu.memory_space<hbm>>
      %dma_start3A_225 = tpu.memref_squeeze %dma_start3A_224 : memref<1x640x32xbf16, #tpu.memory_space<hbm>> -> memref<640x32xbf16, #tpu.memory_space<hbm>>
      %dma_start3A_226 = arith.constant 0 : i32
      %dma_start3A_227 = tpu.memref_slice %arg27[%mul3A_220, %dma_start3A_226] : memref<10240x32xbf16, #tpu.memory_space<vmem_shared>> -> memref<640x32xbf16, #tpu.memory_space<vmem_shared>>
      tpu.enqueue_dma source(%dma_start3A_227 : memref<640x32xbf16, #tpu.memory_space<vmem_shared>>) target(%dma_start3A_225 : memref<640x32xbf16, #tpu.memory_space<hbm>>) target_semaphore(%run_scoped3A : memref<!tpu.dma_semaphore, #tpu.memory_space<semaphore_mem>>)
      %dma_wait3A_228 = arith.constant 0 : i32
      %dma_wait3A_229 = tpu.memref_slice %arg5[%arg0, %mul3A_222, %dma_wait3A_228] : memref<2x10240x32xbf16, #tpu.memory_space<hbm>> -> memref<1x640x32xbf16, #tpu.memory_space<hbm>>
      %dma_wait3A_230 = tpu.memref_squeeze %dma_wait3A_229 : memref<1x640x32xbf16, #tpu.memory_space<hbm>> -> memref<640x32xbf16, #tpu.memory_space<hbm>>
      %dma_wait3A_231 = arith.constant 0 : i32
      %dma_wait3A_232 = tpu.memref_slice %arg27[%mul3A_220, %dma_wait3A_231] : memref<10240x32xbf16, #tpu.memory_space<vmem_shared>> -> memref<640x32xbf16, #tpu.memory_space<vmem_shared>>
      tpu.wait_dma2 semaphore(%run_scoped3A : memref<!tpu.dma_semaphore, #tpu.memory_space<semaphore_mem>>) src(%dma_wait3A_232 : memref<640x32xbf16, #tpu.memory_space<vmem_shared>>) dst(%dma_wait3A_230 : memref<640x32xbf16, #tpu.memory_space<hbm>>)
      tpu.yield
    }) : () -> ()
    return
  }
}

#map = affine_map<(d0, d1) -> (0, 0)>
#map1 = affine_map<(d0, d1) -> (0, 0, 0)>
module attributes {stable_mosaic.version = 14 : i64} {
  func.func @k(%arg0: i32, %arg1: i32, %arg2: memref<10000x128xbf16, #tpu.memory_space<hbm>>, %arg3: memref<32x160x64xi32, #tpu.memory_space<hbm>>, %arg4: memref<32x160x64xi32, #tpu.memory_space<hbm>>, %arg5: memref<2x10240x128xbf16, #tpu.memory_space<hbm>>, %arg6: memref<64xi32, #tpu.memory_space<vmem>>, %arg7: memref<64xi32, #tpu.memory_space<vmem>>, %arg8: memref<64xi32, #tpu.memory_space<vmem>>, %arg9: memref<64xi32, #tpu.memory_space<vmem>>, %arg10: memref<64xi32, #tpu.memory_space<vmem>>, %arg11: memref<64xi32, #tpu.memory_space<vmem>>, %arg12: memref<64xi32, #tpu.memory_space<vmem>>, %arg13: memref<64xi32, #tpu.memory_space<vmem>>, %arg14: memref<64xi32, #tpu.memory_space<vmem>>, %arg15: memref<64xi32, #tpu.memory_space<vmem>>, %arg16: memref<64xi32, #tpu.memory_space<vmem>>, %arg17: memref<64xi32, #tpu.memory_space<vmem>>, %arg18: memref<64xi32, #tpu.memory_space<vmem>>, %arg19: memref<64xi32, #tpu.memory_space<vmem>>, %arg20: memref<64xi32, #tpu.memory_space<vmem>>, %arg21: memref<64xi32, #tpu.memory_space<vmem>>, %arg22: memref<64x128xbf16, #tpu.memory_space<vmem>>, %arg23: memref<64x128xbf16, #tpu.memory_space<vmem>>, %arg24: memref<64x128xbf16, #tpu.memory_space<vmem>>, %arg25: memref<64x128xbf16, #tpu.memory_space<vmem>>, %arg26: memref<10000x128xbf16, #tpu.memory_space<vmem_shared>>, %arg27: memref<10240x128xbf16, #tpu.memory_space<vmem_shared>>, %arg28: memref<!tpu.dma_semaphore, #tpu.memory_space<semaphore_mem>>, %arg29: memref<!tpu.dma_semaphore, #tpu.memory_space<semaphore_mem>>, %arg30: memref<!tpu.dma_semaphore, #tpu.memory_space<semaphore_mem>>, %arg31: memref<!tpu.dma_semaphore, #tpu.memory_space<semaphore_mem>>, %arg32: memref<!tpu.dma_semaphore, #tpu.memory_space<semaphore_mem>>, %arg33: memref<!tpu.dma_semaphore, #tpu.memory_space<semaphore_mem>>, %arg34: memref<!tpu.dma_semaphore, #tpu.memory_space<semaphore_mem>>, %arg35: memref<!tpu.dma_semaphore, #tpu.memory_space<semaphore_mem>>, %arg36: memref<!tpu.dma_semaphore, #tpu.memory_space<semaphore_mem>>, %arg37: memref<!tpu.dma_semaphore, #tpu.memory_space<semaphore_mem>>, %arg38: memref<!tpu.dma_semaphore, #tpu.memory_space<semaphore_mem>>, %arg39: memref<!tpu.dma_semaphore, #tpu.memory_space<semaphore_mem>>) attributes {dimension_semantics = [#tpu.dimension_semantics<core_parallel>, #tpu.dimension_semantics<subcore_parallel>], iteration_bounds = array<i64: 2, 16>, scalar_prefetch = 0 : i64, scratch_operands = 34 : i64, tpu.core_type = #tpu.core_type<sc_vector_subcore>, window_params = [{transform_indices = #map}, {transform_indices = #map1}, {transform_indices = #map1}, {transform_indices = #map1}]} {
    %mul3A = arith.constant 16 : i32
    %mul3A_0 = arith.muli %arg0, %mul3A : i32
    %add3A = arith.addi %mul3A_0, %arg1 : i32
    %broadcast_in_dim3A = arith.constant 0.000000e+00 : bf16
    %broadcast_in_dim3A_1 = vector.broadcast %broadcast_in_dim3A : bf16 to vector<32xbf16>
    %dma_start3A = arith.constant 0 : i32
    %dma_start3A_2 = arith.constant 0 : i32
    %dma_start3A_3 = tpu.memref_slice %arg3[%add3A, %dma_start3A, %dma_start3A_2] : memref<32x160x64xi32, #tpu.memory_space<hbm>> -> memref<1x1x64xi32, #tpu.memory_space<hbm>>
    %dma_start3A_4 = tpu.memref_squeeze %dma_start3A_3 : memref<1x1x64xi32, #tpu.memory_space<hbm>> -> memref<64xi32, #tpu.memory_space<hbm>>
    %dma_start3A_5 = arith.constant 0 : i32
    %dma_start3A_6 = tpu.memref_slice %arg3[%add3A, %dma_start3A, %dma_start3A_5] : memref<32x160x64xi32, #tpu.memory_space<hbm>> -> memref<1x1x64xi32, #tpu.memory_space<hbm>>
    %dma_start3A_7 = tpu.memref_squeeze %dma_start3A_6 : memref<1x1x64xi32, #tpu.memory_space<hbm>> -> memref<64xi32, #tpu.memory_space<hbm>>
    tpu.enqueue_dma source(%dma_start3A_7 : memref<64xi32, #tpu.memory_space<hbm>>) target(%arg6 : memref<64xi32, #tpu.memory_space<vmem>>) target_semaphore(%arg32 : memref<!tpu.dma_semaphore, #tpu.memory_space<semaphore_mem>>)
    %dma_start3A_8 = arith.constant 0 : i32
    %dma_start3A_9 = arith.constant 0 : i32
    %dma_start3A_10 = tpu.memref_slice %arg4[%add3A, %dma_start3A_8, %dma_start3A_9] : memref<32x160x64xi32, #tpu.memory_space<hbm>> -> memref<1x1x64xi32, #tpu.memory_space<hbm>>
    %dma_start3A_11 = tpu.memref_squeeze %dma_start3A_10 : memref<1x1x64xi32, #tpu.memory_space<hbm>> -> memref<64xi32, #tpu.memory_space<hbm>>
    %dma_start3A_12 = arith.constant 0 : i32
    %dma_start3A_13 = tpu.memref_slice %arg4[%add3A, %dma_start3A_8, %dma_start3A_12] : memref<32x160x64xi32, #tpu.memory_space<hbm>> -> memref<1x1x64xi32, #tpu.memory_space<hbm>>
    %dma_start3A_14 = tpu.memref_squeeze %dma_start3A_13 : memref<1x1x64xi32, #tpu.memory_space<hbm>> -> memref<64xi32, #tpu.memory_space<hbm>>
    tpu.enqueue_dma source(%dma_start3A_14 : memref<64xi32, #tpu.memory_space<hbm>>) target(%arg14 : memref<64xi32, #tpu.memory_space<vmem>>) target_semaphore(%arg32 : memref<!tpu.dma_semaphore, #tpu.memory_space<semaphore_mem>>)
    %dma_start3A_15 = arith.constant 1 : i32
    %dma_start3A_16 = arith.constant 0 : i32
    %dma_start3A_17 = tpu.memref_slice %arg3[%add3A, %dma_start3A_15, %dma_start3A_16] : memref<32x160x64xi32, #tpu.memory_space<hbm>> -> memref<1x1x64xi32, #tpu.memory_space<hbm>>
    %dma_start3A_18 = tpu.memref_squeeze %dma_start3A_17 : memref<1x1x64xi32, #tpu.memory_space<hbm>> -> memref<64xi32, #tpu.memory_space<hbm>>
    %dma_start3A_19 = arith.constant 0 : i32
    %dma_start3A_20 = tpu.memref_slice %arg3[%add3A, %dma_start3A_15, %dma_start3A_19] : memref<32x160x64xi32, #tpu.memory_space<hbm>> -> memref<1x1x64xi32, #tpu.memory_space<hbm>>
    %dma_start3A_21 = tpu.memref_squeeze %dma_start3A_20 : memref<1x1x64xi32, #tpu.memory_space<hbm>> -> memref<64xi32, #tpu.memory_space<hbm>>
    tpu.enqueue_dma source(%dma_start3A_21 : memref<64xi32, #tpu.memory_space<hbm>>) target(%arg7 : memref<64xi32, #tpu.memory_space<vmem>>) target_semaphore(%arg33 : memref<!tpu.dma_semaphore, #tpu.memory_space<semaphore_mem>>)
    %dma_start3A_22 = arith.constant 1 : i32
    %dma_start3A_23 = arith.constant 0 : i32
    %dma_start3A_24 = tpu.memref_slice %arg4[%add3A, %dma_start3A_22, %dma_start3A_23] : memref<32x160x64xi32, #tpu.memory_space<hbm>> -> memref<1x1x64xi32, #tpu.memory_space<hbm>>
    %dma_start3A_25 = tpu.memref_squeeze %dma_start3A_24 : memref<1x1x64xi32, #tpu.memory_space<hbm>> -> memref<64xi32, #tpu.memory_space<hbm>>
    %dma_start3A_26 = arith.constant 0 : i32
    %dma_start3A_27 = tpu.memref_slice %arg4[%add3A, %dma_start3A_22, %dma_start3A_26] : memref<32x160x64xi32, #tpu.memory_space<hbm>> -> memref<1x1x64xi32, #tpu.memory_space<hbm>>
    %dma_start3A_28 = tpu.memref_squeeze %dma_start3A_27 : memref<1x1x64xi32, #tpu.memory_space<hbm>> -> memref<64xi32, #tpu.memory_space<hbm>>
    tpu.enqueue_dma source(%dma_start3A_28 : memref<64xi32, #tpu.memory_space<hbm>>) target(%arg15 : memref<64xi32, #tpu.memory_space<vmem>>) target_semaphore(%arg33 : memref<!tpu.dma_semaphore, #tpu.memory_space<semaphore_mem>>)
    %dma_start3A_29 = arith.constant 2 : i32
    %dma_start3A_30 = arith.constant 0 : i32
    %dma_start3A_31 = tpu.memref_slice %arg3[%add3A, %dma_start3A_29, %dma_start3A_30] : memref<32x160x64xi32, #tpu.memory_space<hbm>> -> memref<1x1x64xi32, #tpu.memory_space<hbm>>
    %dma_start3A_32 = tpu.memref_squeeze %dma_start3A_31 : memref<1x1x64xi32, #tpu.memory_space<hbm>> -> memref<64xi32, #tpu.memory_space<hbm>>
    %dma_start3A_33 = arith.constant 0 : i32
    %dma_start3A_34 = tpu.memref_slice %arg3[%add3A, %dma_start3A_29, %dma_start3A_33] : memref<32x160x64xi32, #tpu.memory_space<hbm>> -> memref<1x1x64xi32, #tpu.memory_space<hbm>>
    %dma_start3A_35 = tpu.memref_squeeze %dma_start3A_34 : memref<1x1x64xi32, #tpu.memory_space<hbm>> -> memref<64xi32, #tpu.memory_space<hbm>>
    tpu.enqueue_dma source(%dma_start3A_35 : memref<64xi32, #tpu.memory_space<hbm>>) target(%arg8 : memref<64xi32, #tpu.memory_space<vmem>>) target_semaphore(%arg34 : memref<!tpu.dma_semaphore, #tpu.memory_space<semaphore_mem>>)
    %dma_start3A_36 = arith.constant 2 : i32
    %dma_start3A_37 = arith.constant 0 : i32
    %dma_start3A_38 = tpu.memref_slice %arg4[%add3A, %dma_start3A_36, %dma_start3A_37] : memref<32x160x64xi32, #tpu.memory_space<hbm>> -> memref<1x1x64xi32, #tpu.memory_space<hbm>>
    %dma_start3A_39 = tpu.memref_squeeze %dma_start3A_38 : memref<1x1x64xi32, #tpu.memory_space<hbm>> -> memref<64xi32, #tpu.memory_space<hbm>>
    %dma_start3A_40 = arith.constant 0 : i32
    %dma_start3A_41 = tpu.memref_slice %arg4[%add3A, %dma_start3A_36, %dma_start3A_40] : memref<32x160x64xi32, #tpu.memory_space<hbm>> -> memref<1x1x64xi32, #tpu.memory_space<hbm>>
    %dma_start3A_42 = tpu.memref_squeeze %dma_start3A_41 : memref<1x1x64xi32, #tpu.memory_space<hbm>> -> memref<64xi32, #tpu.memory_space<hbm>>
    tpu.enqueue_dma source(%dma_start3A_42 : memref<64xi32, #tpu.memory_space<hbm>>) target(%arg16 : memref<64xi32, #tpu.memory_space<vmem>>) target_semaphore(%arg34 : memref<!tpu.dma_semaphore, #tpu.memory_space<semaphore_mem>>)
    %dma_start3A_43 = arith.constant 3 : i32
    %dma_start3A_44 = arith.constant 0 : i32
    %dma_start3A_45 = tpu.memref_slice %arg3[%add3A, %dma_start3A_43, %dma_start3A_44] : memref<32x160x64xi32, #tpu.memory_space<hbm>> -> memref<1x1x64xi32, #tpu.memory_space<hbm>>
    %dma_start3A_46 = tpu.memref_squeeze %dma_start3A_45 : memref<1x1x64xi32, #tpu.memory_space<hbm>> -> memref<64xi32, #tpu.memory_space<hbm>>
    %dma_start3A_47 = arith.constant 0 : i32
    %dma_start3A_48 = tpu.memref_slice %arg3[%add3A, %dma_start3A_43, %dma_start3A_47] : memref<32x160x64xi32, #tpu.memory_space<hbm>> -> memref<1x1x64xi32, #tpu.memory_space<hbm>>
    %dma_start3A_49 = tpu.memref_squeeze %dma_start3A_48 : memref<1x1x64xi32, #tpu.memory_space<hbm>> -> memref<64xi32, #tpu.memory_space<hbm>>
    tpu.enqueue_dma source(%dma_start3A_49 : memref<64xi32, #tpu.memory_space<hbm>>) target(%arg9 : memref<64xi32, #tpu.memory_space<vmem>>) target_semaphore(%arg35 : memref<!tpu.dma_semaphore, #tpu.memory_space<semaphore_mem>>)
    %dma_start3A_50 = arith.constant 3 : i32
    %dma_start3A_51 = arith.constant 0 : i32
    %dma_start3A_52 = tpu.memref_slice %arg4[%add3A, %dma_start3A_50, %dma_start3A_51] : memref<32x160x64xi32, #tpu.memory_space<hbm>> -> memref<1x1x64xi32, #tpu.memory_space<hbm>>
    %dma_start3A_53 = tpu.memref_squeeze %dma_start3A_52 : memref<1x1x64xi32, #tpu.memory_space<hbm>> -> memref<64xi32, #tpu.memory_space<hbm>>
    %dma_start3A_54 = arith.constant 0 : i32
    %dma_start3A_55 = tpu.memref_slice %arg4[%add3A, %dma_start3A_50, %dma_start3A_54] : memref<32x160x64xi32, #tpu.memory_space<hbm>> -> memref<1x1x64xi32, #tpu.memory_space<hbm>>
    %dma_start3A_56 = tpu.memref_squeeze %dma_start3A_55 : memref<1x1x64xi32, #tpu.memory_space<hbm>> -> memref<64xi32, #tpu.memory_space<hbm>>
    tpu.enqueue_dma source(%dma_start3A_56 : memref<64xi32, #tpu.memory_space<hbm>>) target(%arg17 : memref<64xi32, #tpu.memory_space<vmem>>) target_semaphore(%arg35 : memref<!tpu.dma_semaphore, #tpu.memory_space<semaphore_mem>>)
    %dma_start3A_57 = arith.constant 4 : i32
    %dma_start3A_58 = arith.constant 0 : i32
    %dma_start3A_59 = tpu.memref_slice %arg3[%add3A, %dma_start3A_57, %dma_start3A_58] : memref<32x160x64xi32, #tpu.memory_space<hbm>> -> memref<1x1x64xi32, #tpu.memory_space<hbm>>
    %dma_start3A_60 = tpu.memref_squeeze %dma_start3A_59 : memref<1x1x64xi32, #tpu.memory_space<hbm>> -> memref<64xi32, #tpu.memory_space<hbm>>
    %dma_start3A_61 = arith.constant 0 : i32
    %dma_start3A_62 = tpu.memref_slice %arg3[%add3A, %dma_start3A_57, %dma_start3A_61] : memref<32x160x64xi32, #tpu.memory_space<hbm>> -> memref<1x1x64xi32, #tpu.memory_space<hbm>>
    %dma_start3A_63 = tpu.memref_squeeze %dma_start3A_62 : memref<1x1x64xi32, #tpu.memory_space<hbm>> -> memref<64xi32, #tpu.memory_space<hbm>>
    tpu.enqueue_dma source(%dma_start3A_63 : memref<64xi32, #tpu.memory_space<hbm>>) target(%arg10 : memref<64xi32, #tpu.memory_space<vmem>>) target_semaphore(%arg36 : memref<!tpu.dma_semaphore, #tpu.memory_space<semaphore_mem>>)
    %dma_start3A_64 = arith.constant 4 : i32
    %dma_start3A_65 = arith.constant 0 : i32
    %dma_start3A_66 = tpu.memref_slice %arg4[%add3A, %dma_start3A_64, %dma_start3A_65] : memref<32x160x64xi32, #tpu.memory_space<hbm>> -> memref<1x1x64xi32, #tpu.memory_space<hbm>>
    %dma_start3A_67 = tpu.memref_squeeze %dma_start3A_66 : memref<1x1x64xi32, #tpu.memory_space<hbm>> -> memref<64xi32, #tpu.memory_space<hbm>>
    %dma_start3A_68 = arith.constant 0 : i32
    %dma_start3A_69 = tpu.memref_slice %arg4[%add3A, %dma_start3A_64, %dma_start3A_68] : memref<32x160x64xi32, #tpu.memory_space<hbm>> -> memref<1x1x64xi32, #tpu.memory_space<hbm>>
    %dma_start3A_70 = tpu.memref_squeeze %dma_start3A_69 : memref<1x1x64xi32, #tpu.memory_space<hbm>> -> memref<64xi32, #tpu.memory_space<hbm>>
    tpu.enqueue_dma source(%dma_start3A_70 : memref<64xi32, #tpu.memory_space<hbm>>) target(%arg18 : memref<64xi32, #tpu.memory_space<vmem>>) target_semaphore(%arg36 : memref<!tpu.dma_semaphore, #tpu.memory_space<semaphore_mem>>)
    %dma_start3A_71 = arith.constant 5 : i32
    %dma_start3A_72 = arith.constant 0 : i32
    %dma_start3A_73 = tpu.memref_slice %arg3[%add3A, %dma_start3A_71, %dma_start3A_72] : memref<32x160x64xi32, #tpu.memory_space<hbm>> -> memref<1x1x64xi32, #tpu.memory_space<hbm>>
    %dma_start3A_74 = tpu.memref_squeeze %dma_start3A_73 : memref<1x1x64xi32, #tpu.memory_space<hbm>> -> memref<64xi32, #tpu.memory_space<hbm>>
    %dma_start3A_75 = arith.constant 0 : i32
    %dma_start3A_76 = tpu.memref_slice %arg3[%add3A, %dma_start3A_71, %dma_start3A_75] : memref<32x160x64xi32, #tpu.memory_space<hbm>> -> memref<1x1x64xi32, #tpu.memory_space<hbm>>
    %dma_start3A_77 = tpu.memref_squeeze %dma_start3A_76 : memref<1x1x64xi32, #tpu.memory_space<hbm>> -> memref<64xi32, #tpu.memory_space<hbm>>
    tpu.enqueue_dma source(%dma_start3A_77 : memref<64xi32, #tpu.memory_space<hbm>>) target(%arg11 : memref<64xi32, #tpu.memory_space<vmem>>) target_semaphore(%arg37 : memref<!tpu.dma_semaphore, #tpu.memory_space<semaphore_mem>>)
    %dma_start3A_78 = arith.constant 5 : i32
    %dma_start3A_79 = arith.constant 0 : i32
    %dma_start3A_80 = tpu.memref_slice %arg4[%add3A, %dma_start3A_78, %dma_start3A_79] : memref<32x160x64xi32, #tpu.memory_space<hbm>> -> memref<1x1x64xi32, #tpu.memory_space<hbm>>
    %dma_start3A_81 = tpu.memref_squeeze %dma_start3A_80 : memref<1x1x64xi32, #tpu.memory_space<hbm>> -> memref<64xi32, #tpu.memory_space<hbm>>
    %dma_start3A_82 = arith.constant 0 : i32
    %dma_start3A_83 = tpu.memref_slice %arg4[%add3A, %dma_start3A_78, %dma_start3A_82] : memref<32x160x64xi32, #tpu.memory_space<hbm>> -> memref<1x1x64xi32, #tpu.memory_space<hbm>>
    %dma_start3A_84 = tpu.memref_squeeze %dma_start3A_83 : memref<1x1x64xi32, #tpu.memory_space<hbm>> -> memref<64xi32, #tpu.memory_space<hbm>>
    tpu.enqueue_dma source(%dma_start3A_84 : memref<64xi32, #tpu.memory_space<hbm>>) target(%arg19 : memref<64xi32, #tpu.memory_space<vmem>>) target_semaphore(%arg37 : memref<!tpu.dma_semaphore, #tpu.memory_space<semaphore_mem>>)
    %dma_start3A_85 = arith.constant 6 : i32
    %dma_start3A_86 = arith.constant 0 : i32
    %dma_start3A_87 = tpu.memref_slice %arg3[%add3A, %dma_start3A_85, %dma_start3A_86] : memref<32x160x64xi32, #tpu.memory_space<hbm>> -> memref<1x1x64xi32, #tpu.memory_space<hbm>>
    %dma_start3A_88 = tpu.memref_squeeze %dma_start3A_87 : memref<1x1x64xi32, #tpu.memory_space<hbm>> -> memref<64xi32, #tpu.memory_space<hbm>>
    %dma_start3A_89 = arith.constant 0 : i32
    %dma_start3A_90 = tpu.memref_slice %arg3[%add3A, %dma_start3A_85, %dma_start3A_89] : memref<32x160x64xi32, #tpu.memory_space<hbm>> -> memref<1x1x64xi32, #tpu.memory_space<hbm>>
    %dma_start3A_91 = tpu.memref_squeeze %dma_start3A_90 : memref<1x1x64xi32, #tpu.memory_space<hbm>> -> memref<64xi32, #tpu.memory_space<hbm>>
    tpu.enqueue_dma source(%dma_start3A_91 : memref<64xi32, #tpu.memory_space<hbm>>) target(%arg12 : memref<64xi32, #tpu.memory_space<vmem>>) target_semaphore(%arg38 : memref<!tpu.dma_semaphore, #tpu.memory_space<semaphore_mem>>)
    %dma_start3A_92 = arith.constant 6 : i32
    %dma_start3A_93 = arith.constant 0 : i32
    %dma_start3A_94 = tpu.memref_slice %arg4[%add3A, %dma_start3A_92, %dma_start3A_93] : memref<32x160x64xi32, #tpu.memory_space<hbm>> -> memref<1x1x64xi32, #tpu.memory_space<hbm>>
    %dma_start3A_95 = tpu.memref_squeeze %dma_start3A_94 : memref<1x1x64xi32, #tpu.memory_space<hbm>> -> memref<64xi32, #tpu.memory_space<hbm>>
    %dma_start3A_96 = arith.constant 0 : i32
    %dma_start3A_97 = tpu.memref_slice %arg4[%add3A, %dma_start3A_92, %dma_start3A_96] : memref<32x160x64xi32, #tpu.memory_space<hbm>> -> memref<1x1x64xi32, #tpu.memory_space<hbm>>
    %dma_start3A_98 = tpu.memref_squeeze %dma_start3A_97 : memref<1x1x64xi32, #tpu.memory_space<hbm>> -> memref<64xi32, #tpu.memory_space<hbm>>
    tpu.enqueue_dma source(%dma_start3A_98 : memref<64xi32, #tpu.memory_space<hbm>>) target(%arg20 : memref<64xi32, #tpu.memory_space<vmem>>) target_semaphore(%arg38 : memref<!tpu.dma_semaphore, #tpu.memory_space<semaphore_mem>>)
    %dma_start3A_99 = arith.constant 7 : i32
    %dma_start3A_100 = arith.constant 0 : i32
    %dma_start3A_101 = tpu.memref_slice %arg3[%add3A, %dma_start3A_99, %dma_start3A_100] : memref<32x160x64xi32, #tpu.memory_space<hbm>> -> memref<1x1x64xi32, #tpu.memory_space<hbm>>
    %dma_start3A_102 = tpu.memref_squeeze %dma_start3A_101 : memref<1x1x64xi32, #tpu.memory_space<hbm>> -> memref<64xi32, #tpu.memory_space<hbm>>
    %dma_start3A_103 = arith.constant 0 : i32
    %dma_start3A_104 = tpu.memref_slice %arg3[%add3A, %dma_start3A_99, %dma_start3A_103] : memref<32x160x64xi32, #tpu.memory_space<hbm>> -> memref<1x1x64xi32, #tpu.memory_space<hbm>>
    %dma_start3A_105 = tpu.memref_squeeze %dma_start3A_104 : memref<1x1x64xi32, #tpu.memory_space<hbm>> -> memref<64xi32, #tpu.memory_space<hbm>>
    tpu.enqueue_dma source(%dma_start3A_105 : memref<64xi32, #tpu.memory_space<hbm>>) target(%arg13 : memref<64xi32, #tpu.memory_space<vmem>>) target_semaphore(%arg39 : memref<!tpu.dma_semaphore, #tpu.memory_space<semaphore_mem>>)
    %dma_start3A_106 = arith.constant 7 : i32
    %dma_start3A_107 = arith.constant 0 : i32
    %dma_start3A_108 = tpu.memref_slice %arg4[%add3A, %dma_start3A_106, %dma_start3A_107] : memref<32x160x64xi32, #tpu.memory_space<hbm>> -> memref<1x1x64xi32, #tpu.memory_space<hbm>>
    %dma_start3A_109 = tpu.memref_squeeze %dma_start3A_108 : memref<1x1x64xi32, #tpu.memory_space<hbm>> -> memref<64xi32, #tpu.memory_space<hbm>>
    %dma_start3A_110 = arith.constant 0 : i32
    %dma_start3A_111 = tpu.memref_slice %arg4[%add3A, %dma_start3A_106, %dma_start3A_110] : memref<32x160x64xi32, #tpu.memory_space<hbm>> -> memref<1x1x64xi32, #tpu.memory_space<hbm>>
    %dma_start3A_112 = tpu.memref_squeeze %dma_start3A_111 : memref<1x1x64xi32, #tpu.memory_space<hbm>> -> memref<64xi32, #tpu.memory_space<hbm>>
    tpu.enqueue_dma source(%dma_start3A_112 : memref<64xi32, #tpu.memory_space<hbm>>) target(%arg21 : memref<64xi32, #tpu.memory_space<vmem>>) target_semaphore(%arg39 : memref<!tpu.dma_semaphore, #tpu.memory_space<semaphore_mem>>)
    %mul3A_113 = arith.constant 625 : i32
    %mul3A_114 = arith.muli %arg1, %mul3A_113 : i32
    %mul3A_115 = arith.constant 625 : i32
    %mul3A_116 = arith.muli %arg1, %mul3A_115 : i32
    "tpu.region"() ({
      %run_scoped3A = tpu.sem_alloc : memref<!tpu.dma_semaphore, #tpu.memory_space<semaphore_mem>>
      %dma_start3A_223 = arith.constant 0 : i32
      %dma_start3A_224 = tpu.memref_slice %arg26[%mul3A_116, %dma_start3A_223] : memref<10000x128xbf16, #tpu.memory_space<vmem_shared>> -> memref<625x128xbf16, #tpu.memory_space<vmem_shared>>
      %dma_start3A_225 = arith.constant 0 : i32
      %dma_start3A_226 = tpu.memref_slice %arg2[%mul3A_114, %dma_start3A_225] : memref<10000x128xbf16, #tpu.memory_space<hbm>> -> memref<625x128xbf16, #tpu.memory_space<hbm>>
      tpu.enqueue_dma source(%dma_start3A_226 : memref<625x128xbf16, #tpu.memory_space<hbm>>) target(%dma_start3A_224 : memref<625x128xbf16, #tpu.memory_space<vmem_shared>>) target_semaphore(%run_scoped3A : memref<!tpu.dma_semaphore, #tpu.memory_space<semaphore_mem>>)
      %dma_wait3A_227 = arith.constant 0 : i32
      %dma_wait3A_228 = tpu.memref_slice %arg26[%mul3A_116, %dma_wait3A_227] : memref<10000x128xbf16, #tpu.memory_space<vmem_shared>> -> memref<625x128xbf16, #tpu.memory_space<vmem_shared>>
      %dma_wait3A_229 = arith.constant 0 : i32
      %dma_wait3A_230 = tpu.memref_slice %arg2[%mul3A_114, %dma_wait3A_229] : memref<10000x128xbf16, #tpu.memory_space<hbm>> -> memref<625x128xbf16, #tpu.memory_space<hbm>>
      tpu.wait_dma2 semaphore(%run_scoped3A : memref<!tpu.dma_semaphore, #tpu.memory_space<semaphore_mem>>) src(%dma_wait3A_230 : memref<625x128xbf16, #tpu.memory_space<hbm>>) dst(%dma_wait3A_228 : memref<625x128xbf16, #tpu.memory_space<vmem_shared>>)
      tpu.yield
    }) : () -> ()
    %scan3A = arith.constant 0 : i32
    %scan3A_117 = arith.constant 0 : i32
    %scan3A_118 = arith.constant 64 : i32
    %scan3A_119 = arith.addi %scan3A_117, %scan3A_118 : i32
    %scan3A_120 = arith.constant 1 : i32
    scf.for %scan3A_223 = %scan3A_117 to %scan3A_119 step %scan3A_120  : i32 {
      %swap3A = arith.index_cast %scan3A_223 : i32 to index
      %swap3A_224 = arith.constant 0 : index
      %swap3A_225 = tpu.vector_load %arg22[%swap3A, %swap3A_224] {strides = array<i32>} : memref<64x128xbf16, #tpu.memory_space<vmem>>, vector<1x32xbf16>,
      %swap3A_226 = vector.shape_cast %swap3A_225 : vector<1x32xbf16> to vector<32xbf16>
      %swap3A_227 = vector.shape_cast %broadcast_in_dim3A_1 : vector<32xbf16> to vector<1x32xbf16>
      tpu.vector_store %arg22[%swap3A, %swap3A_224], %swap3A_227 {strides = array<i32>} : memref<64x128xbf16, #tpu.memory_space<vmem>>, vector<1x32xbf16>,
      %swap3A_228 = arith.index_cast %scan3A_223 : i32 to index
      %swap3A_229 = arith.constant 32 : index
      %swap3A_230 = tpu.vector_load %arg22[%swap3A_228, %swap3A_229] {strides = array<i32>} : memref<64x128xbf16, #tpu.memory_space<vmem>>, vector<1x32xbf16>,
      %swap3A_231 = vector.shape_cast %swap3A_230 : vector<1x32xbf16> to vector<32xbf16>
      %swap3A_232 = vector.shape_cast %broadcast_in_dim3A_1 : vector<32xbf16> to vector<1x32xbf16>
      tpu.vector_store %arg22[%swap3A_228, %swap3A_229], %swap3A_232 {strides = array<i32>} : memref<64x128xbf16, #tpu.memory_space<vmem>>, vector<1x32xbf16>,
      %swap3A_233 = arith.index_cast %scan3A_223 : i32 to index
      %swap3A_234 = arith.constant 64 : index
      %swap3A_235 = tpu.vector_load %arg22[%swap3A_233, %swap3A_234] {strides = array<i32>} : memref<64x128xbf16, #tpu.memory_space<vmem>>, vector<1x32xbf16>,
      %swap3A_236 = vector.shape_cast %swap3A_235 : vector<1x32xbf16> to vector<32xbf16>
      %swap3A_237 = vector.shape_cast %broadcast_in_dim3A_1 : vector<32xbf16> to vector<1x32xbf16>
      tpu.vector_store %arg22[%swap3A_233, %swap3A_234], %swap3A_237 {strides = array<i32>} : memref<64x128xbf16, #tpu.memory_space<vmem>>, vector<1x32xbf16>,
      %swap3A_238 = arith.index_cast %scan3A_223 : i32 to index
      %swap3A_239 = arith.constant 96 : index
      %swap3A_240 = tpu.vector_load %arg22[%swap3A_238, %swap3A_239] {strides = array<i32>} : memref<64x128xbf16, #tpu.memory_space<vmem>>, vector<1x32xbf16>,
      %swap3A_241 = vector.shape_cast %swap3A_240 : vector<1x32xbf16> to vector<32xbf16>
      %swap3A_242 = vector.shape_cast %broadcast_in_dim3A_1 : vector<32xbf16> to vector<1x32xbf16>
      tpu.vector_store %arg22[%swap3A_238, %swap3A_239], %swap3A_242 {strides = array<i32>} : memref<64x128xbf16, #tpu.memory_space<vmem>>, vector<1x32xbf16>,
    }
    %scan3A_121 = arith.constant 64 : i32
    %mul3A_122 = arith.constant 640 : i32
    %mul3A_123 = arith.muli %arg1, %mul3A_122 : i32
    %add3A_124 = arith.constant 0 : i32
    %add3A_125 = arith.addi %mul3A_123, %add3A_124 : i32
    "tpu.region"() ({
      %run_scoped3A = tpu.sem_alloc : memref<!tpu.dma_semaphore, #tpu.memory_space<semaphore_mem>>
      %dma_start3A_223 = arith.constant 0 : i32
      %dma_start3A_224 = tpu.memref_slice %arg27[%add3A_125, %dma_start3A_223] : memref<10240x128xbf16, #tpu.memory_space<vmem_shared>> -> memref<64x128xbf16, #tpu.memory_space<vmem_shared>>
      %dma_start3A_225 = arith.constant 0 : i32
      %dma_start3A_226 = tpu.memref_slice %arg27[%add3A_125, %dma_start3A_225] : memref<10240x128xbf16, #tpu.memory_space<vmem_shared>> -> memref<64x128xbf16, #tpu.memory_space<vmem_shared>>
      tpu.enqueue_dma source(%arg22 : memref<64x128xbf16, #tpu.memory_space<vmem>>) target(%dma_start3A_226 : memref<64x128xbf16, #tpu.memory_space<vmem_shared>>) target_semaphore(%run_scoped3A : memref<!tpu.dma_semaphore, #tpu.memory_space<semaphore_mem>>)
      %dma_wait3A_227 = arith.constant 0 : i32
      %dma_wait3A_228 = tpu.memref_slice %arg27[%add3A_125, %dma_wait3A_227] : memref<10240x128xbf16, #tpu.memory_space<vmem_shared>> -> memref<64x128xbf16, #tpu.memory_space<vmem_shared>>
      %dma_wait3A_229 = arith.constant 0 : i32
      %dma_wait3A_230 = tpu.memref_slice %arg27[%add3A_125, %dma_wait3A_229] : memref<10240x128xbf16, #tpu.memory_space<vmem_shared>> -> memref<64x128xbf16, #tpu.memory_space<vmem_shared>>
      tpu.wait_dma2 semaphore(%run_scoped3A : memref<!tpu.dma_semaphore, #tpu.memory_space<semaphore_mem>>) src(%arg22 : memref<64x128xbf16, #tpu.memory_space<vmem>>) dst(%dma_wait3A_230 : memref<64x128xbf16, #tpu.memory_space<vmem_shared>>)
      tpu.yield
    }) : () -> ()
    %mul3A_126 = arith.constant 640 : i32
    %mul3A_127 = arith.muli %arg1, %mul3A_126 : i32
    %add3A_128 = arith.constant 64 : i32
    %add3A_129 = arith.addi %mul3A_127, %add3A_128 : i32
    "tpu.region"() ({
      %run_scoped3A = tpu.sem_alloc : memref<!tpu.dma_semaphore, #tpu.memory_space<semaphore_mem>>
      %dma_start3A_223 = arith.constant 0 : i32
      %dma_start3A_224 = tpu.memref_slice %arg27[%add3A_129, %dma_start3A_223] : memref<10240x128xbf16, #tpu.memory_space<vmem_shared>> -> memref<64x128xbf16, #tpu.memory_space<vmem_shared>>
      %dma_start3A_225 = arith.constant 0 : i32
      %dma_start3A_226 = tpu.memref_slice %arg27[%add3A_129, %dma_start3A_225] : memref<10240x128xbf16, #tpu.memory_space<vmem_shared>> -> memref<64x128xbf16, #tpu.memory_space<vmem_shared>>
      tpu.enqueue_dma source(%arg22 : memref<64x128xbf16, #tpu.memory_space<vmem>>) target(%dma_start3A_226 : memref<64x128xbf16, #tpu.memory_space<vmem_shared>>) target_semaphore(%run_scoped3A : memref<!tpu.dma_semaphore, #tpu.memory_space<semaphore_mem>>)
      %dma_wait3A_227 = arith.constant 0 : i32
      %dma_wait3A_228 = tpu.memref_slice %arg27[%add3A_129, %dma_wait3A_227] : memref<10240x128xbf16, #tpu.memory_space<vmem_shared>> -> memref<64x128xbf16, #tpu.memory_space<vmem_shared>>
      %dma_wait3A_229 = arith.constant 0 : i32
      %dma_wait3A_230 = tpu.memref_slice %arg27[%add3A_129, %dma_wait3A_229] : memref<10240x128xbf16, #tpu.memory_space<vmem_shared>> -> memref<64x128xbf16, #tpu.memory_space<vmem_shared>>
      tpu.wait_dma2 semaphore(%run_scoped3A : memref<!tpu.dma_semaphore, #tpu.memory_space<semaphore_mem>>) src(%arg22 : memref<64x128xbf16, #tpu.memory_space<vmem>>) dst(%dma_wait3A_230 : memref<64x128xbf16, #tpu.memory_space<vmem_shared>>)
      tpu.yield
    }) : () -> ()
    %mul3A_130 = arith.constant 640 : i32
    %mul3A_131 = arith.muli %arg1, %mul3A_130 : i32
    %add3A_132 = arith.constant 128 : i32
    %add3A_133 = arith.addi %mul3A_131, %add3A_132 : i32
    "tpu.region"() ({
      %run_scoped3A = tpu.sem_alloc : memref<!tpu.dma_semaphore, #tpu.memory_space<semaphore_mem>>
      %dma_start3A_223 = arith.constant 0 : i32
      %dma_start3A_224 = tpu.memref_slice %arg27[%add3A_133, %dma_start3A_223] : memref<10240x128xbf16, #tpu.memory_space<vmem_shared>> -> memref<64x128xbf16, #tpu.memory_space<vmem_shared>>
      %dma_start3A_225 = arith.constant 0 : i32
      %dma_start3A_226 = tpu.memref_slice %arg27[%add3A_133, %dma_start3A_225] : memref<10240x128xbf16, #tpu.memory_space<vmem_shared>> -> memref<64x128xbf16, #tpu.memory_space<vmem_shared>>
      tpu.enqueue_dma source(%arg22 : memref<64x128xbf16, #tpu.memory_space<vmem>>) target(%dma_start3A_226 : memref<64x128xbf16, #tpu.memory_space<vmem_shared>>) target_semaphore(%run_scoped3A : memref<!tpu.dma_semaphore, #tpu.memory_space<semaphore_mem>>)
      %dma_wait3A_227 = arith.constant 0 : i32
      %dma_wait3A_228 = tpu.memref_slice %arg27[%add3A_133, %dma_wait3A_227] : memref<10240x128xbf16, #tpu.memory_space<vmem_shared>> -> memref<64x128xbf16, #tpu.memory_space<vmem_shared>>
      %dma_wait3A_229 = arith.constant 0 : i32
      %dma_wait3A_230 = tpu.memref_slice %arg27[%add3A_133, %dma_wait3A_229] : memref<10240x128xbf16, #tpu.memory_space<vmem_shared>> -> memref<64x128xbf16, #tpu.memory_space<vmem_shared>>
      tpu.wait_dma2 semaphore(%run_scoped3A : memref<!tpu.dma_semaphore, #tpu.memory_space<semaphore_mem>>) src(%arg22 : memref<64x128xbf16, #tpu.memory_space<vmem>>) dst(%dma_wait3A_230 : memref<64x128xbf16, #tpu.memory_space<vmem_shared>>)
      tpu.yield
    }) : () -> ()
    %mul3A_134 = arith.constant 640 : i32
    %mul3A_135 = arith.muli %arg1, %mul3A_134 : i32
    %add3A_136 = arith.constant 192 : i32
    %add3A_137 = arith.addi %mul3A_135, %add3A_136 : i32
    "tpu.region"() ({
      %run_scoped3A = tpu.sem_alloc : memref<!tpu.dma_semaphore, #tpu.memory_space<semaphore_mem>>
      %dma_start3A_223 = arith.constant 0 : i32
      %dma_start3A_224 = tpu.memref_slice %arg27[%add3A_137, %dma_start3A_223] : memref<10240x128xbf16, #tpu.memory_space<vmem_shared>> -> memref<64x128xbf16, #tpu.memory_space<vmem_shared>>
      %dma_start3A_225 = arith.constant 0 : i32
      %dma_start3A_226 = tpu.memref_slice %arg27[%add3A_137, %dma_start3A_225] : memref<10240x128xbf16, #tpu.memory_space<vmem_shared>> -> memref<64x128xbf16, #tpu.memory_space<vmem_shared>>
      tpu.enqueue_dma source(%arg22 : memref<64x128xbf16, #tpu.memory_space<vmem>>) target(%dma_start3A_226 : memref<64x128xbf16, #tpu.memory_space<vmem_shared>>) target_semaphore(%run_scoped3A : memref<!tpu.dma_semaphore, #tpu.memory_space<semaphore_mem>>)
      %dma_wait3A_227 = arith.constant 0 : i32
      %dma_wait3A_228 = tpu.memref_slice %arg27[%add3A_137, %dma_wait3A_227] : memref<10240x128xbf16, #tpu.memory_space<vmem_shared>> -> memref<64x128xbf16, #tpu.memory_space<vmem_shared>>
      %dma_wait3A_229 = arith.constant 0 : i32
      %dma_wait3A_230 = tpu.memref_slice %arg27[%add3A_137, %dma_wait3A_229] : memref<10240x128xbf16, #tpu.memory_space<vmem_shared>> -> memref<64x128xbf16, #tpu.memory_space<vmem_shared>>
      tpu.wait_dma2 semaphore(%run_scoped3A : memref<!tpu.dma_semaphore, #tpu.memory_space<semaphore_mem>>) src(%arg22 : memref<64x128xbf16, #tpu.memory_space<vmem>>) dst(%dma_wait3A_230 : memref<64x128xbf16, #tpu.memory_space<vmem_shared>>)
      tpu.yield
    }) : () -> ()
    %mul3A_138 = arith.constant 640 : i32
    %mul3A_139 = arith.muli %arg1, %mul3A_138 : i32
    %add3A_140 = arith.constant 256 : i32
    %add3A_141 = arith.addi %mul3A_139, %add3A_140 : i32
    "tpu.region"() ({
      %run_scoped3A = tpu.sem_alloc : memref<!tpu.dma_semaphore, #tpu.memory_space<semaphore_mem>>
      %dma_start3A_223 = arith.constant 0 : i32
      %dma_start3A_224 = tpu.memref_slice %arg27[%add3A_141, %dma_start3A_223] : memref<10240x128xbf16, #tpu.memory_space<vmem_shared>> -> memref<64x128xbf16, #tpu.memory_space<vmem_shared>>
      %dma_start3A_225 = arith.constant 0 : i32
      %dma_start3A_226 = tpu.memref_slice %arg27[%add3A_141, %dma_start3A_225] : memref<10240x128xbf16, #tpu.memory_space<vmem_shared>> -> memref<64x128xbf16, #tpu.memory_space<vmem_shared>>
      tpu.enqueue_dma source(%arg22 : memref<64x128xbf16, #tpu.memory_space<vmem>>) target(%dma_start3A_226 : memref<64x128xbf16, #tpu.memory_space<vmem_shared>>) target_semaphore(%run_scoped3A : memref<!tpu.dma_semaphore, #tpu.memory_space<semaphore_mem>>)
      %dma_wait3A_227 = arith.constant 0 : i32
      %dma_wait3A_228 = tpu.memref_slice %arg27[%add3A_141, %dma_wait3A_227] : memref<10240x128xbf16, #tpu.memory_space<vmem_shared>> -> memref<64x128xbf16, #tpu.memory_space<vmem_shared>>
      %dma_wait3A_229 = arith.constant 0 : i32
      %dma_wait3A_230 = tpu.memref_slice %arg27[%add3A_141, %dma_wait3A_229] : memref<10240x128xbf16, #tpu.memory_space<vmem_shared>> -> memref<64x128xbf16, #tpu.memory_space<vmem_shared>>
      tpu.wait_dma2 semaphore(%run_scoped3A : memref<!tpu.dma_semaphore, #tpu.memory_space<semaphore_mem>>) src(%arg22 : memref<64x128xbf16, #tpu.memory_space<vmem>>) dst(%dma_wait3A_230 : memref<64x128xbf16, #tpu.memory_space<vmem_shared>>)
      tpu.yield
    }) : () -> ()
    %mul3A_142 = arith.constant 640 : i32
    %mul3A_143 = arith.muli %arg1, %mul3A_142 : i32
    %add3A_144 = arith.constant 320 : i32
    %add3A_145 = arith.addi %mul3A_143, %add3A_144 : i32
    "tpu.region"() ({
      %run_scoped3A = tpu.sem_alloc : memref<!tpu.dma_semaphore, #tpu.memory_space<semaphore_mem>>
      %dma_start3A_223 = arith.constant 0 : i32
      %dma_start3A_224 = tpu.memref_slice %arg27[%add3A_145, %dma_start3A_223] : memref<10240x128xbf16, #tpu.memory_space<vmem_shared>> -> memref<64x128xbf16, #tpu.memory_space<vmem_shared>>
      %dma_start3A_225 = arith.constant 0 : i32
      %dma_start3A_226 = tpu.memref_slice %arg27[%add3A_145, %dma_start3A_225] : memref<10240x128xbf16, #tpu.memory_space<vmem_shared>> -> memref<64x128xbf16, #tpu.memory_space<vmem_shared>>
      tpu.enqueue_dma source(%arg22 : memref<64x128xbf16, #tpu.memory_space<vmem>>) target(%dma_start3A_226 : memref<64x128xbf16, #tpu.memory_space<vmem_shared>>) target_semaphore(%run_scoped3A : memref<!tpu.dma_semaphore, #tpu.memory_space<semaphore_mem>>)
      %dma_wait3A_227 = arith.constant 0 : i32
      %dma_wait3A_228 = tpu.memref_slice %arg27[%add3A_145, %dma_wait3A_227] : memref<10240x128xbf16, #tpu.memory_space<vmem_shared>> -> memref<64x128xbf16, #tpu.memory_space<vmem_shared>>
      %dma_wait3A_229 = arith.constant 0 : i32
      %dma_wait3A_230 = tpu.memref_slice %arg27[%add3A_145, %dma_wait3A_229] : memref<10240x128xbf16, #tpu.memory_space<vmem_shared>> -> memref<64x128xbf16, #tpu.memory_space<vmem_shared>>
      tpu.wait_dma2 semaphore(%run_scoped3A : memref<!tpu.dma_semaphore, #tpu.memory_space<semaphore_mem>>) src(%arg22 : memref<64x128xbf16, #tpu.memory_space<vmem>>) dst(%dma_wait3A_230 : memref<64x128xbf16, #tpu.memory_space<vmem_shared>>)
      tpu.yield
    }) : () -> ()
    %mul3A_146 = arith.constant 640 : i32
    %mul3A_147 = arith.muli %arg1, %mul3A_146 : i32
    %add3A_148 = arith.constant 384 : i32
    %add3A_149 = arith.addi %mul3A_147, %add3A_148 : i32
    "tpu.region"() ({
      %run_scoped3A = tpu.sem_alloc : memref<!tpu.dma_semaphore, #tpu.memory_space<semaphore_mem>>
      %dma_start3A_223 = arith.constant 0 : i32
      %dma_start3A_224 = tpu.memref_slice %arg27[%add3A_149, %dma_start3A_223] : memref<10240x128xbf16, #tpu.memory_space<vmem_shared>> -> memref<64x128xbf16, #tpu.memory_space<vmem_shared>>
      %dma_start3A_225 = arith.constant 0 : i32
      %dma_start3A_226 = tpu.memref_slice %arg27[%add3A_149, %dma_start3A_225] : memref<10240x128xbf16, #tpu.memory_space<vmem_shared>> -> memref<64x128xbf16, #tpu.memory_space<vmem_shared>>
      tpu.enqueue_dma source(%arg22 : memref<64x128xbf16, #tpu.memory_space<vmem>>) target(%dma_start3A_226 : memref<64x128xbf16, #tpu.memory_space<vmem_shared>>) target_semaphore(%run_scoped3A : memref<!tpu.dma_semaphore, #tpu.memory_space<semaphore_mem>>)
      %dma_wait3A_227 = arith.constant 0 : i32
      %dma_wait3A_228 = tpu.memref_slice %arg27[%add3A_149, %dma_wait3A_227] : memref<10240x128xbf16, #tpu.memory_space<vmem_shared>> -> memref<64x128xbf16, #tpu.memory_space<vmem_shared>>
      %dma_wait3A_229 = arith.constant 0 : i32
      %dma_wait3A_230 = tpu.memref_slice %arg27[%add3A_149, %dma_wait3A_229] : memref<10240x128xbf16, #tpu.memory_space<vmem_shared>> -> memref<64x128xbf16, #tpu.memory_space<vmem_shared>>
      tpu.wait_dma2 semaphore(%run_scoped3A : memref<!tpu.dma_semaphore, #tpu.memory_space<semaphore_mem>>) src(%arg22 : memref<64x128xbf16, #tpu.memory_space<vmem>>) dst(%dma_wait3A_230 : memref<64x128xbf16, #tpu.memory_space<vmem_shared>>)
      tpu.yield
    }) : () -> ()
    %mul3A_150 = arith.constant 640 : i32
    %mul3A_151 = arith.muli %arg1, %mul3A_150 : i32
    %add3A_152 = arith.constant 448 : i32
    %add3A_153 = arith.addi %mul3A_151, %add3A_152 : i32
    "tpu.region"() ({
      %run_scoped3A = tpu.sem_alloc : memref<!tpu.dma_semaphore, #tpu.memory_space<semaphore_mem>>
      %dma_start3A_223 = arith.constant 0 : i32
      %dma_start3A_224 = tpu.memref_slice %arg27[%add3A_153, %dma_start3A_223] : memref<10240x128xbf16, #tpu.memory_space<vmem_shared>> -> memref<64x128xbf16, #tpu.memory_space<vmem_shared>>
      %dma_start3A_225 = arith.constant 0 : i32
      %dma_start3A_226 = tpu.memref_slice %arg27[%add3A_153, %dma_start3A_225] : memref<10240x128xbf16, #tpu.memory_space<vmem_shared>> -> memref<64x128xbf16, #tpu.memory_space<vmem_shared>>
      tpu.enqueue_dma source(%arg22 : memref<64x128xbf16, #tpu.memory_space<vmem>>) target(%dma_start3A_226 : memref<64x128xbf16, #tpu.memory_space<vmem_shared>>) target_semaphore(%run_scoped3A : memref<!tpu.dma_semaphore, #tpu.memory_space<semaphore_mem>>)
      %dma_wait3A_227 = arith.constant 0 : i32
      %dma_wait3A_228 = tpu.memref_slice %arg27[%add3A_153, %dma_wait3A_227] : memref<10240x128xbf16, #tpu.memory_space<vmem_shared>> -> memref<64x128xbf16, #tpu.memory_space<vmem_shared>>
      %dma_wait3A_229 = arith.constant 0 : i32
      %dma_wait3A_230 = tpu.memref_slice %arg27[%add3A_153, %dma_wait3A_229] : memref<10240x128xbf16, #tpu.memory_space<vmem_shared>> -> memref<64x128xbf16, #tpu.memory_space<vmem_shared>>
      tpu.wait_dma2 semaphore(%run_scoped3A : memref<!tpu.dma_semaphore, #tpu.memory_space<semaphore_mem>>) src(%arg22 : memref<64x128xbf16, #tpu.memory_space<vmem>>) dst(%dma_wait3A_230 : memref<64x128xbf16, #tpu.memory_space<vmem_shared>>)
      tpu.yield
    }) : () -> ()
    %mul3A_154 = arith.constant 640 : i32
    %mul3A_155 = arith.muli %arg1, %mul3A_154 : i32
    %add3A_156 = arith.constant 512 : i32
    %add3A_157 = arith.addi %mul3A_155, %add3A_156 : i32
    "tpu.region"() ({
      %run_scoped3A = tpu.sem_alloc : memref<!tpu.dma_semaphore, #tpu.memory_space<semaphore_mem>>
      %dma_start3A_223 = arith.constant 0 : i32
      %dma_start3A_224 = tpu.memref_slice %arg27[%add3A_157, %dma_start3A_223] : memref<10240x128xbf16, #tpu.memory_space<vmem_shared>> -> memref<64x128xbf16, #tpu.memory_space<vmem_shared>>
      %dma_start3A_225 = arith.constant 0 : i32
      %dma_start3A_226 = tpu.memref_slice %arg27[%add3A_157, %dma_start3A_225] : memref<10240x128xbf16, #tpu.memory_space<vmem_shared>> -> memref<64x128xbf16, #tpu.memory_space<vmem_shared>>
      tpu.enqueue_dma source(%arg22 : memref<64x128xbf16, #tpu.memory_space<vmem>>) target(%dma_start3A_226 : memref<64x128xbf16, #tpu.memory_space<vmem_shared>>) target_semaphore(%run_scoped3A : memref<!tpu.dma_semaphore, #tpu.memory_space<semaphore_mem>>)
      %dma_wait3A_227 = arith.constant 0 : i32
      %dma_wait3A_228 = tpu.memref_slice %arg27[%add3A_157, %dma_wait3A_227] : memref<10240x128xbf16, #tpu.memory_space<vmem_shared>> -> memref<64x128xbf16, #tpu.memory_space<vmem_shared>>
      %dma_wait3A_229 = arith.constant 0 : i32
      %dma_wait3A_230 = tpu.memref_slice %arg27[%add3A_157, %dma_wait3A_229] : memref<10240x128xbf16, #tpu.memory_space<vmem_shared>> -> memref<64x128xbf16, #tpu.memory_space<vmem_shared>>
      tpu.wait_dma2 semaphore(%run_scoped3A : memref<!tpu.dma_semaphore, #tpu.memory_space<semaphore_mem>>) src(%arg22 : memref<64x128xbf16, #tpu.memory_space<vmem>>) dst(%dma_wait3A_230 : memref<64x128xbf16, #tpu.memory_space<vmem_shared>>)
      tpu.yield
    }) : () -> ()
    %mul3A_158 = arith.constant 640 : i32
    %mul3A_159 = arith.muli %arg1, %mul3A_158 : i32
    %add3A_160 = arith.constant 576 : i32
    %add3A_161 = arith.addi %mul3A_159, %add3A_160 : i32
    "tpu.region"() ({
      %run_scoped3A = tpu.sem_alloc : memref<!tpu.dma_semaphore, #tpu.memory_space<semaphore_mem>>
      %dma_start3A_223 = arith.constant 0 : i32
      %dma_start3A_224 = tpu.memref_slice %arg27[%add3A_161, %dma_start3A_223] : memref<10240x128xbf16, #tpu.memory_space<vmem_shared>> -> memref<64x128xbf16, #tpu.memory_space<vmem_shared>>
      %dma_start3A_225 = arith.constant 0 : i32
      %dma_start3A_226 = tpu.memref_slice %arg27[%add3A_161, %dma_start3A_225] : memref<10240x128xbf16, #tpu.memory_space<vmem_shared>> -> memref<64x128xbf16, #tpu.memory_space<vmem_shared>>
      tpu.enqueue_dma source(%arg22 : memref<64x128xbf16, #tpu.memory_space<vmem>>) target(%dma_start3A_226 : memref<64x128xbf16, #tpu.memory_space<vmem_shared>>) target_semaphore(%run_scoped3A : memref<!tpu.dma_semaphore, #tpu.memory_space<semaphore_mem>>)
      %dma_wait3A_227 = arith.constant 0 : i32
      %dma_wait3A_228 = tpu.memref_slice %arg27[%add3A_161, %dma_wait3A_227] : memref<10240x128xbf16, #tpu.memory_space<vmem_shared>> -> memref<64x128xbf16, #tpu.memory_space<vmem_shared>>
      %dma_wait3A_229 = arith.constant 0 : i32
      %dma_wait3A_230 = tpu.memref_slice %arg27[%add3A_161, %dma_wait3A_229] : memref<10240x128xbf16, #tpu.memory_space<vmem_shared>> -> memref<64x128xbf16, #tpu.memory_space<vmem_shared>>
      tpu.wait_dma2 semaphore(%run_scoped3A : memref<!tpu.dma_semaphore, #tpu.memory_space<semaphore_mem>>) src(%arg22 : memref<64x128xbf16, #tpu.memory_space<vmem>>) dst(%dma_wait3A_230 : memref<64x128xbf16, #tpu.memory_space<vmem_shared>>)
      tpu.yield
    }) : () -> ()
    %barrier3A = arith.constant 0 : index
    tpu.barrier barrier_id(%barrier3A)
    %dma_wait3A = arith.constant 0 : i32
    %dma_wait3A_162 = arith.constant 0 : i32
    %dma_wait3A_163 = tpu.memref_slice %arg3[%add3A, %dma_wait3A, %dma_wait3A_162] : memref<32x160x64xi32, #tpu.memory_space<hbm>> -> memref<1x1x64xi32, #tpu.memory_space<hbm>>
    %dma_wait3A_164 = tpu.memref_squeeze %dma_wait3A_163 : memref<1x1x64xi32, #tpu.memory_space<hbm>> -> memref<64xi32, #tpu.memory_space<hbm>>
    %dma_wait3A_165 = arith.constant 0 : i32
    %dma_wait3A_166 = tpu.memref_slice %arg3[%add3A, %dma_wait3A, %dma_wait3A_165] : memref<32x160x64xi32, #tpu.memory_space<hbm>> -> memref<1x1x64xi32, #tpu.memory_space<hbm>>
    %dma_wait3A_167 = tpu.memref_squeeze %dma_wait3A_166 : memref<1x1x64xi32, #tpu.memory_space<hbm>> -> memref<64xi32, #tpu.memory_space<hbm>>
    tpu.wait_dma2 semaphore(%arg32 : memref<!tpu.dma_semaphore, #tpu.memory_space<semaphore_mem>>) src(%dma_wait3A_167 : memref<64xi32, #tpu.memory_space<hbm>>) dst(%arg6 : memref<64xi32, #tpu.memory_space<vmem>>)
    %dma_wait3A_168 = arith.constant 0 : i32
    %dma_wait3A_169 = arith.constant 0 : i32
    %dma_wait3A_170 = tpu.memref_slice %arg4[%add3A, %dma_wait3A_168, %dma_wait3A_169] : memref<32x160x64xi32, #tpu.memory_space<hbm>> -> memref<1x1x64xi32, #tpu.memory_space<hbm>>
    %dma_wait3A_171 = tpu.memref_squeeze %dma_wait3A_170 : memref<1x1x64xi32, #tpu.memory_space<hbm>> -> memref<64xi32, #tpu.memory_space<hbm>>
    %dma_wait3A_172 = arith.constant 0 : i32
    %dma_wait3A_173 = tpu.memref_slice %arg4[%add3A, %dma_wait3A_168, %dma_wait3A_172] : memref<32x160x64xi32, #tpu.memory_space<hbm>> -> memref<1x1x64xi32, #tpu.memory_space<hbm>>
    %dma_wait3A_174 = tpu.memref_squeeze %dma_wait3A_173 : memref<1x1x64xi32, #tpu.memory_space<hbm>> -> memref<64xi32, #tpu.memory_space<hbm>>
    tpu.wait_dma2 semaphore(%arg32 : memref<!tpu.dma_semaphore, #tpu.memory_space<semaphore_mem>>) src(%dma_wait3A_174 : memref<64xi32, #tpu.memory_space<hbm>>) dst(%arg14 : memref<64xi32, #tpu.memory_space<vmem>>)
    %dma_start3A_175 = arith.constant 0 : i32
    %dma_start3A_176 = arith.constant 0 : i32
    %dma_start3A_177 = tpu.memref_slice %arg26[%dma_start3A_175, %dma_start3A_176] : memref<10000x128xbf16, #tpu.memory_space<vmem_shared>> -> memref<10000x128xbf16, #tpu.memory_space<vmem_shared>>
    tpu.enqueue_indirect_dma source(%dma_start3A_177 : memref<10000x128xbf16, #tpu.memory_space<vmem_shared>>) target(%arg22 : memref<64x128xbf16, #tpu.memory_space<vmem>>) offsets(%arg6 : memref<64xi32, #tpu.memory_space<vmem>>) semaphore(%arg28 : memref<!tpu.dma_semaphore, #tpu.memory_space<semaphore_mem>>)
    %dma_wait3A_178 = arith.constant 1 : i32
    %dma_wait3A_179 = arith.constant 0 : i32
    %dma_wait3A_180 = tpu.memref_slice %arg3[%add3A, %dma_wait3A_178, %dma_wait3A_179] : memref<32x160x64xi32, #tpu.memory_space<hbm>> -> memref<1x1x64xi32, #tpu.memory_space<hbm>>
    %dma_wait3A_181 = tpu.memref_squeeze %dma_wait3A_180 : memref<1x1x64xi32, #tpu.memory_space<hbm>> -> memref<64xi32, #tpu.memory_space<hbm>>
    %dma_wait3A_182 = arith.constant 0 : i32
    %dma_wait3A_183 = tpu.memref_slice %arg3[%add3A, %dma_wait3A_178, %dma_wait3A_182] : memref<32x160x64xi32, #tpu.memory_space<hbm>> -> memref<1x1x64xi32, #tpu.memory_space<hbm>>
    %dma_wait3A_184 = tpu.memref_squeeze %dma_wait3A_183 : memref<1x1x64xi32, #tpu.memory_space<hbm>> -> memref<64xi32, #tpu.memory_space<hbm>>
    tpu.wait_dma2 semaphore(%arg33 : memref<!tpu.dma_semaphore, #tpu.memory_space<semaphore_mem>>) src(%dma_wait3A_184 : memref<64xi32, #tpu.memory_space<hbm>>) dst(%arg7 : memref<64xi32, #tpu.memory_space<vmem>>)
    %dma_wait3A_185 = arith.constant 1 : i32
    %dma_wait3A_186 = arith.constant 0 : i32
    %dma_wait3A_187 = tpu.memref_slice %arg4[%add3A, %dma_wait3A_185, %dma_wait3A_186] : memref<32x160x64xi32, #tpu.memory_space<hbm>> -> memref<1x1x64xi32, #tpu.memory_space<hbm>>
    %dma_wait3A_188 = tpu.memref_squeeze %dma_wait3A_187 : memref<1x1x64xi32, #tpu.memory_space<hbm>> -> memref<64xi32, #tpu.memory_space<hbm>>
    %dma_wait3A_189 = arith.constant 0 : i32
    %dma_wait3A_190 = tpu.memref_slice %arg4[%add3A, %dma_wait3A_185, %dma_wait3A_189] : memref<32x160x64xi32, #tpu.memory_space<hbm>> -> memref<1x1x64xi32, #tpu.memory_space<hbm>>
    %dma_wait3A_191 = tpu.memref_squeeze %dma_wait3A_190 : memref<1x1x64xi32, #tpu.memory_space<hbm>> -> memref<64xi32, #tpu.memory_space<hbm>>
    tpu.wait_dma2 semaphore(%arg33 : memref<!tpu.dma_semaphore, #tpu.memory_space<semaphore_mem>>) src(%dma_wait3A_191 : memref<64xi32, #tpu.memory_space<hbm>>) dst(%arg15 : memref<64xi32, #tpu.memory_space<vmem>>)
    %dma_start3A_192 = arith.constant 0 : i32
    %dma_start3A_193 = arith.constant 0 : i32
    %dma_start3A_194 = tpu.memref_slice %arg26[%dma_start3A_192, %dma_start3A_193] : memref<10000x128xbf16, #tpu.memory_space<vmem_shared>> -> memref<10000x128xbf16, #tpu.memory_space<vmem_shared>>
    tpu.enqueue_indirect_dma source(%dma_start3A_194 : memref<10000x128xbf16, #tpu.memory_space<vmem_shared>>) target(%arg23 : memref<64x128xbf16, #tpu.memory_space<vmem>>) offsets(%arg7 : memref<64xi32, #tpu.memory_space<vmem>>) semaphore(%arg29 : memref<!tpu.dma_semaphore, #tpu.memory_space<semaphore_mem>>)
    %dma_wait3A_195 = arith.constant 2 : i32
    %dma_wait3A_196 = arith.constant 0 : i32
    %dma_wait3A_197 = tpu.memref_slice %arg3[%add3A, %dma_wait3A_195, %dma_wait3A_196] : memref<32x160x64xi32, #tpu.memory_space<hbm>> -> memref<1x1x64xi32, #tpu.memory_space<hbm>>
    %dma_wait3A_198 = tpu.memref_squeeze %dma_wait3A_197 : memref<1x1x64xi32, #tpu.memory_space<hbm>> -> memref<64xi32, #tpu.memory_space<hbm>>
    %dma_wait3A_199 = arith.constant 0 : i32
    %dma_wait3A_200 = tpu.memref_slice %arg3[%add3A, %dma_wait3A_195, %dma_wait3A_199] : memref<32x160x64xi32, #tpu.memory_space<hbm>> -> memref<1x1x64xi32, #tpu.memory_space<hbm>>
    %dma_wait3A_201 = tpu.memref_squeeze %dma_wait3A_200 : memref<1x1x64xi32, #tpu.memory_space<hbm>> -> memref<64xi32, #tpu.memory_space<hbm>>
    tpu.wait_dma2 semaphore(%arg34 : memref<!tpu.dma_semaphore, #tpu.memory_space<semaphore_mem>>) src(%dma_wait3A_201 : memref<64xi32, #tpu.memory_space<hbm>>) dst(%arg8 : memref<64xi32, #tpu.memory_space<vmem>>)
    %dma_wait3A_202 = arith.constant 2 : i32
    %dma_wait3A_203 = arith.constant 0 : i32
    %dma_wait3A_204 = tpu.memref_slice %arg4[%add3A, %dma_wait3A_202, %dma_wait3A_203] : memref<32x160x64xi32, #tpu.memory_space<hbm>> -> memref<1x1x64xi32, #tpu.memory_space<hbm>>
    %dma_wait3A_205 = tpu.memref_squeeze %dma_wait3A_204 : memref<1x1x64xi32, #tpu.memory_space<hbm>> -> memref<64xi32, #tpu.memory_space<hbm>>
    %dma_wait3A_206 = arith.constant 0 : i32
    %dma_wait3A_207 = tpu.memref_slice %arg4[%add3A, %dma_wait3A_202, %dma_wait3A_206] : memref<32x160x64xi32, #tpu.memory_space<hbm>> -> memref<1x1x64xi32, #tpu.memory_space<hbm>>
    %dma_wait3A_208 = tpu.memref_squeeze %dma_wait3A_207 : memref<1x1x64xi32, #tpu.memory_space<hbm>> -> memref<64xi32, #tpu.memory_space<hbm>>
    tpu.wait_dma2 semaphore(%arg34 : memref<!tpu.dma_semaphore, #tpu.memory_space<semaphore_mem>>) src(%dma_wait3A_208 : memref<64xi32, #tpu.memory_space<hbm>>) dst(%arg16 : memref<64xi32, #tpu.memory_space<vmem>>)
    %dma_start3A_209 = arith.constant 0 : i32
    %dma_start3A_210 = arith.constant 0 : i32
    %dma_start3A_211 = tpu.memref_slice %arg26[%dma_start3A_209, %dma_start3A_210] : memref<10000x128xbf16, #tpu.memory_space<vmem_shared>> -> memref<10000x128xbf16, #tpu.memory_space<vmem_shared>>
    tpu.enqueue_indirect_dma source(%dma_start3A_211 : memref<10000x128xbf16, #tpu.memory_space<vmem_shared>>) target(%arg24 : memref<64x128xbf16, #tpu.memory_space<vmem>>) offsets(%arg8 : memref<64xi32, #tpu.memory_space<vmem>>) semaphore(%arg30 : memref<!tpu.dma_semaphore, #tpu.memory_space<semaphore_mem>>)
    %scan3A_212 = arith.constant 0 : i32
    %scan3A_213 = arith.constant 0 : i32
    %scan3A_214 = arith.constant 20 : i32
    %scan3A_215 = arith.addi %scan3A_213, %scan3A_214 : i32
    %scan3A_216 = arith.constant 1 : i32
    scf.for %scan3A_223 = %scan3A_213 to %scan3A_215 step %scan3A_216  : i32 {
      %mul3A_224 = arith.constant 8 : i32
      %mul3A_225 = arith.muli %mul3A_224, %scan3A_223 : i32
      %add3A_226 = arith.constant 0 : i32
      %add3A_227 = arith.addi %mul3A_225, %add3A_226 : i32
      %dma_wait3A_228 = arith.constant 0 : i32
      %dma_wait3A_229 = arith.constant 0 : i32
      %dma_wait3A_230 = tpu.memref_slice %arg26[%dma_wait3A_228, %dma_wait3A_229] : memref<10000x128xbf16, #tpu.memory_space<vmem_shared>> -> memref<10000x128xbf16, #tpu.memory_space<vmem_shared>>
      tpu.wait_indirect_dma semaphore(%arg28 : memref<!tpu.dma_semaphore, #tpu.memory_space<semaphore_mem>>) src(%dma_wait3A_230 : memref<10000x128xbf16, #tpu.memory_space<vmem_shared>>) dst(%arg22 : memref<64x128xbf16, #tpu.memory_space<vmem>>)
      %add3A_231 = arith.constant 4 : i32
      %add3A_232 = arith.addi %add3A_227, %add3A_231 : i32
      %sub3A = arith.constant 1 : i32
      %sub3A_233 = arith.subi %add3A_232, %sub3A : i32
      %lt3A = arith.constant 160 : i32
      %lt3A_234 = arith.cmpi slt, %sub3A_233, %lt3A : i32
      %convert_element_type3A = arith.extui %lt3A_234 : i1 to i32
      %cond3A = arith.constant 0 : i32
      %cond3A_235 = arith.cmpi ne, %convert_element_type3A, %cond3A : i32
      scf.if %cond3A_235 {
        %dma_wait3A_404 = arith.constant 0 : i32
        %dma_wait3A_405 = arith.constant 0 : i32
        %dma_wait3A_406 = tpu.memref_slice %arg3[%add3A, %dma_wait3A_404, %dma_wait3A_405] : memref<32x160x64xi32, #tpu.memory_space<hbm>> -> memref<1x1x64xi32, #tpu.memory_space<hbm>>
        %dma_wait3A_407 = tpu.memref_squeeze %dma_wait3A_406 : memref<1x1x64xi32, #tpu.memory_space<hbm>> -> memref<64xi32, #tpu.memory_space<hbm>>
        %dma_wait3A_408 = arith.constant 0 : i32
        %dma_wait3A_409 = tpu.memref_slice %arg3[%add3A, %dma_wait3A_404, %dma_wait3A_408] : memref<32x160x64xi32, #tpu.memory_space<hbm>> -> memref<1x1x64xi32, #tpu.memory_space<hbm>>
        %dma_wait3A_410 = tpu.memref_squeeze %dma_wait3A_409 : memref<1x1x64xi32, #tpu.memory_space<hbm>> -> memref<64xi32, #tpu.memory_space<hbm>>
        tpu.wait_dma2 semaphore(%arg35 : memref<!tpu.dma_semaphore, #tpu.memory_space<semaphore_mem>>) src(%dma_wait3A_410 : memref<64xi32, #tpu.memory_space<hbm>>) dst(%arg9 : memref<64xi32, #tpu.memory_space<vmem>>)
        %dma_wait3A_411 = arith.constant 0 : i32
        %dma_wait3A_412 = arith.constant 0 : i32
        %dma_wait3A_413 = tpu.memref_slice %arg4[%add3A, %dma_wait3A_411, %dma_wait3A_412] : memref<32x160x64xi32, #tpu.memory_space<hbm>> -> memref<1x1x64xi32, #tpu.memory_space<hbm>>
        %dma_wait3A_414 = tpu.memref_squeeze %dma_wait3A_413 : memref<1x1x64xi32, #tpu.memory_space<hbm>> -> memref<64xi32, #tpu.memory_space<hbm>>
        %dma_wait3A_415 = arith.constant 0 : i32
        %dma_wait3A_416 = tpu.memref_slice %arg4[%add3A, %dma_wait3A_411, %dma_wait3A_415] : memref<32x160x64xi32, #tpu.memory_space<hbm>> -> memref<1x1x64xi32, #tpu.memory_space<hbm>>
        %dma_wait3A_417 = tpu.memref_squeeze %dma_wait3A_416 : memref<1x1x64xi32, #tpu.memory_space<hbm>> -> memref<64xi32, #tpu.memory_space<hbm>>
        tpu.wait_dma2 semaphore(%arg35 : memref<!tpu.dma_semaphore, #tpu.memory_space<semaphore_mem>>) src(%dma_wait3A_417 : memref<64xi32, #tpu.memory_space<hbm>>) dst(%arg17 : memref<64xi32, #tpu.memory_space<vmem>>)
        %dma_start3A_418 = arith.constant 0 : i32
        %dma_start3A_419 = arith.constant 0 : i32
        %dma_start3A_420 = tpu.memref_slice %arg26[%dma_start3A_418, %dma_start3A_419] : memref<10000x128xbf16, #tpu.memory_space<vmem_shared>> -> memref<10000x128xbf16, #tpu.memory_space<vmem_shared>>
        tpu.enqueue_indirect_dma source(%dma_start3A_420 : memref<10000x128xbf16, #tpu.memory_space<vmem_shared>>) target(%arg25 : memref<64x128xbf16, #tpu.memory_space<vmem>>) offsets(%arg9 : memref<64xi32, #tpu.memory_space<vmem>>) semaphore(%arg31 : memref<!tpu.dma_semaphore, #tpu.memory_space<semaphore_mem>>)
      } else {
      }
      "tpu.region"() ({
        %run_scoped3A = tpu.sem_alloc : memref<!tpu.dma_semaphore, #tpu.memory_space<semaphore_mem>>
        %dma_start3A_404 = arith.constant 0 : i32
        %dma_start3A_405 = arith.constant 0 : i32
        %dma_start3A_406 = tpu.memref_slice %arg27[%dma_start3A_404, %dma_start3A_405] : memref<10240x128xbf16, #tpu.memory_space<vmem_shared>> -> memref<10240x128xbf16, #tpu.memory_space<vmem_shared>>
        tpu.enqueue_indirect_dma source(%arg22 : memref<64x128xbf16, #tpu.memory_space<vmem>>) target(%dma_start3A_406 : memref<10240x128xbf16, #tpu.memory_space<vmem_shared>>) offsets(%arg14 : memref<64xi32, #tpu.memory_space<vmem>>) semaphore(%run_scoped3A : memref<!tpu.dma_semaphore, #tpu.memory_space<semaphore_mem>>) {add = true}
        %dma_wait3A_407 = arith.constant 0 : i32
        %dma_wait3A_408 = arith.constant 0 : i32
        %dma_wait3A_409 = tpu.memref_slice %arg27[%dma_wait3A_407, %dma_wait3A_408] : memref<10240x128xbf16, #tpu.memory_space<vmem_shared>> -> memref<10240x128xbf16, #tpu.memory_space<vmem_shared>>
        tpu.wait_indirect_dma semaphore(%run_scoped3A : memref<!tpu.dma_semaphore, #tpu.memory_space<semaphore_mem>>) src(%arg22 : memref<64x128xbf16, #tpu.memory_space<vmem>>) dst(%dma_wait3A_409 : memref<10240x128xbf16, #tpu.memory_space<vmem_shared>>)
        tpu.yield
      }) : () -> ()
      %add3A_236 = arith.constant 8 : i32
      %add3A_237 = arith.addi %add3A_227, %add3A_236 : i32
      %lt3A_238 = arith.constant 160 : i32
      %lt3A_239 = arith.cmpi slt, %add3A_237, %lt3A_238 : i32
      %convert_element_type3A_240 = arith.extui %lt3A_239 : i1 to i32
      %cond3A_241 = arith.constant 0 : i32
      %cond3A_242 = arith.cmpi ne, %convert_element_type3A_240, %cond3A_241 : i32
      scf.if %cond3A_242 {
        %add3A_404 = arith.constant 8 : i32
        %add3A_405 = arith.addi %add3A_227, %add3A_404 : i32
        %dma_start3A_406 = arith.constant 0 : i32
        %dma_start3A_407 = tpu.memref_slice %arg3[%add3A, %add3A_405, %dma_start3A_406] : memref<32x160x64xi32, #tpu.memory_space<hbm>> -> memref<1x1x64xi32, #tpu.memory_space<hbm>>
        %dma_start3A_408 = tpu.memref_squeeze %dma_start3A_407 : memref<1x1x64xi32, #tpu.memory_space<hbm>> -> memref<64xi32, #tpu.memory_space<hbm>>
        %dma_start3A_409 = arith.constant 0 : i32
        %dma_start3A_410 = tpu.memref_slice %arg3[%add3A, %add3A_405, %dma_start3A_409] : memref<32x160x64xi32, #tpu.memory_space<hbm>> -> memref<1x1x64xi32, #tpu.memory_space<hbm>>
        %dma_start3A_411 = tpu.memref_squeeze %dma_start3A_410 : memref<1x1x64xi32, #tpu.memory_space<hbm>> -> memref<64xi32, #tpu.memory_space<hbm>>
        tpu.enqueue_dma source(%dma_start3A_411 : memref<64xi32, #tpu.memory_space<hbm>>) target(%arg6 : memref<64xi32, #tpu.memory_space<vmem>>) target_semaphore(%arg32 : memref<!tpu.dma_semaphore, #tpu.memory_space<semaphore_mem>>)
        %add3A_412 = arith.constant 8 : i32
        %add3A_413 = arith.addi %add3A_227, %add3A_412 : i32
        %dma_start3A_414 = arith.constant 0 : i32
        %dma_start3A_415 = tpu.memref_slice %arg4[%add3A, %add3A_413, %dma_start3A_414] : memref<32x160x64xi32, #tpu.memory_space<hbm>> -> memref<1x1x64xi32, #tpu.memory_space<hbm>>
        %dma_start3A_416 = tpu.memref_squeeze %dma_start3A_415 : memref<1x1x64xi32, #tpu.memory_space<hbm>> -> memref<64xi32, #tpu.memory_space<hbm>>
        %dma_start3A_417 = arith.constant 0 : i32
        %dma_start3A_418 = tpu.memref_slice %arg4[%add3A, %add3A_413, %dma_start3A_417] : memref<32x160x64xi32, #tpu.memory_space<hbm>> -> memref<1x1x64xi32, #tpu.memory_space<hbm>>
        %dma_start3A_419 = tpu.memref_squeeze %dma_start3A_418 : memref<1x1x64xi32, #tpu.memory_space<hbm>> -> memref<64xi32, #tpu.memory_space<hbm>>
        tpu.enqueue_dma source(%dma_start3A_419 : memref<64xi32, #tpu.memory_space<hbm>>) target(%arg14 : memref<64xi32, #tpu.memory_space<vmem>>) target_semaphore(%arg32 : memref<!tpu.dma_semaphore, #tpu.memory_space<semaphore_mem>>)
      } else {
      }
      %mul3A_243 = arith.constant 8 : i32
      %mul3A_244 = arith.muli %mul3A_243, %scan3A_223 : i32
      %add3A_245 = arith.constant 1 : i32
      %add3A_246 = arith.addi %mul3A_244, %add3A_245 : i32
      %dma_wait3A_247 = arith.constant 0 : i32
      %dma_wait3A_248 = arith.constant 0 : i32
      %dma_wait3A_249 = tpu.memref_slice %arg26[%dma_wait3A_247, %dma_wait3A_248] : memref<10000x128xbf16, #tpu.memory_space<vmem_shared>> -> memref<10000x128xbf16, #tpu.memory_space<vmem_shared>>
      tpu.wait_indirect_dma semaphore(%arg29 : memref<!tpu.dma_semaphore, #tpu.memory_space<semaphore_mem>>) src(%dma_wait3A_249 : memref<10000x128xbf16, #tpu.memory_space<vmem_shared>>) dst(%arg23 : memref<64x128xbf16, #tpu.memory_space<vmem>>)
      %add3A_250 = arith.constant 4 : i32
      %add3A_251 = arith.addi %add3A_246, %add3A_250 : i32
      %sub3A_252 = arith.constant 1 : i32
      %sub3A_253 = arith.subi %add3A_251, %sub3A_252 : i32
      %lt3A_254 = arith.constant 160 : i32
      %lt3A_255 = arith.cmpi slt, %sub3A_253, %lt3A_254 : i32
      %convert_element_type3A_256 = arith.extui %lt3A_255 : i1 to i32
      %cond3A_257 = arith.constant 0 : i32
      %cond3A_258 = arith.cmpi ne, %convert_element_type3A_256, %cond3A_257 : i32
      scf.if %cond3A_258 {
        %dma_wait3A_404 = arith.constant 0 : i32
        %dma_wait3A_405 = arith.constant 0 : i32
        %dma_wait3A_406 = tpu.memref_slice %arg3[%add3A, %dma_wait3A_404, %dma_wait3A_405] : memref<32x160x64xi32, #tpu.memory_space<hbm>> -> memref<1x1x64xi32, #tpu.memory_space<hbm>>
        %dma_wait3A_407 = tpu.memref_squeeze %dma_wait3A_406 : memref<1x1x64xi32, #tpu.memory_space<hbm>> -> memref<64xi32, #tpu.memory_space<hbm>>
        %dma_wait3A_408 = arith.constant 0 : i32
        %dma_wait3A_409 = tpu.memref_slice %arg3[%add3A, %dma_wait3A_404, %dma_wait3A_408] : memref<32x160x64xi32, #tpu.memory_space<hbm>> -> memref<1x1x64xi32, #tpu.memory_space<hbm>>
        %dma_wait3A_410 = tpu.memref_squeeze %dma_wait3A_409 : memref<1x1x64xi32, #tpu.memory_space<hbm>> -> memref<64xi32, #tpu.memory_space<hbm>>
        tpu.wait_dma2 semaphore(%arg36 : memref<!tpu.dma_semaphore, #tpu.memory_space<semaphore_mem>>) src(%dma_wait3A_410 : memref<64xi32, #tpu.memory_space<hbm>>) dst(%arg10 : memref<64xi32, #tpu.memory_space<vmem>>)
        %dma_wait3A_411 = arith.constant 0 : i32
        %dma_wait3A_412 = arith.constant 0 : i32
        %dma_wait3A_413 = tpu.memref_slice %arg4[%add3A, %dma_wait3A_411, %dma_wait3A_412] : memref<32x160x64xi32, #tpu.memory_space<hbm>> -> memref<1x1x64xi32, #tpu.memory_space<hbm>>
        %dma_wait3A_414 = tpu.memref_squeeze %dma_wait3A_413 : memref<1x1x64xi32, #tpu.memory_space<hbm>> -> memref<64xi32, #tpu.memory_space<hbm>>
        %dma_wait3A_415 = arith.constant 0 : i32
        %dma_wait3A_416 = tpu.memref_slice %arg4[%add3A, %dma_wait3A_411, %dma_wait3A_415] : memref<32x160x64xi32, #tpu.memory_space<hbm>> -> memref<1x1x64xi32, #tpu.memory_space<hbm>>
        %dma_wait3A_417 = tpu.memref_squeeze %dma_wait3A_416 : memref<1x1x64xi32, #tpu.memory_space<hbm>> -> memref<64xi32, #tpu.memory_space<hbm>>
        tpu.wait_dma2 semaphore(%arg36 : memref<!tpu.dma_semaphore, #tpu.memory_space<semaphore_mem>>) src(%dma_wait3A_417 : memref<64xi32, #tpu.memory_space<hbm>>) dst(%arg18 : memref<64xi32, #tpu.memory_space<vmem>>)
        %dma_start3A_418 = arith.constant 0 : i32
        %dma_start3A_419 = arith.constant 0 : i32
        %dma_start3A_420 = tpu.memref_slice %arg26[%dma_start3A_418, %dma_start3A_419] : memref<10000x128xbf16, #tpu.memory_space<vmem_shared>> -> memref<10000x128xbf16, #tpu.memory_space<vmem_shared>>
        tpu.enqueue_indirect_dma source(%dma_start3A_420 : memref<10000x128xbf16, #tpu.memory_space<vmem_shared>>) target(%arg22 : memref<64x128xbf16, #tpu.memory_space<vmem>>) offsets(%arg10 : memref<64xi32, #tpu.memory_space<vmem>>) semaphore(%arg28 : memref<!tpu.dma_semaphore, #tpu.memory_space<semaphore_mem>>)
      } else {
      }
      "tpu.region"() ({
        %run_scoped3A = tpu.sem_alloc : memref<!tpu.dma_semaphore, #tpu.memory_space<semaphore_mem>>
        %dma_start3A_404 = arith.constant 0 : i32
        %dma_start3A_405 = arith.constant 0 : i32
        %dma_start3A_406 = tpu.memref_slice %arg27[%dma_start3A_404, %dma_start3A_405] : memref<10240x128xbf16, #tpu.memory_space<vmem_shared>> -> memref<10240x128xbf16, #tpu.memory_space<vmem_shared>>
        tpu.enqueue_indirect_dma source(%arg23 : memref<64x128xbf16, #tpu.memory_space<vmem>>) target(%dma_start3A_406 : memref<10240x128xbf16, #tpu.memory_space<vmem_shared>>) offsets(%arg15 : memref<64xi32, #tpu.memory_space<vmem>>) semaphore(%run_scoped3A : memref<!tpu.dma_semaphore, #tpu.memory_space<semaphore_mem>>) {add = true}
        %dma_wait3A_407 = arith.constant 0 : i32
        %dma_wait3A_408 = arith.constant 0 : i32
        %dma_wait3A_409 = tpu.memref_slice %arg27[%dma_wait3A_407, %dma_wait3A_408] : memref<10240x128xbf16, #tpu.memory_space<vmem_shared>> -> memref<10240x128xbf16, #tpu.memory_space<vmem_shared>>
        tpu.wait_indirect_dma semaphore(%run_scoped3A : memref<!tpu.dma_semaphore, #tpu.memory_space<semaphore_mem>>) src(%arg23 : memref<64x128xbf16, #tpu.memory_space<vmem>>) dst(%dma_wait3A_409 : memref<10240x128xbf16, #tpu.memory_space<vmem_shared>>)
        tpu.yield
      }) : () -> ()
      %add3A_259 = arith.constant 8 : i32
      %add3A_260 = arith.addi %add3A_246, %add3A_259 : i32
      %lt3A_261 = arith.constant 160 : i32
      %lt3A_262 = arith.cmpi slt, %add3A_260, %lt3A_261 : i32
      %convert_element_type3A_263 = arith.extui %lt3A_262 : i1 to i32
      %cond3A_264 = arith.constant 0 : i32
      %cond3A_265 = arith.cmpi ne, %convert_element_type3A_263, %cond3A_264 : i32
      scf.if %cond3A_265 {
        %add3A_404 = arith.constant 8 : i32
        %add3A_405 = arith.addi %add3A_246, %add3A_404 : i32
        %dma_start3A_406 = arith.constant 0 : i32
        %dma_start3A_407 = tpu.memref_slice %arg3[%add3A, %add3A_405, %dma_start3A_406] : memref<32x160x64xi32, #tpu.memory_space<hbm>> -> memref<1x1x64xi32, #tpu.memory_space<hbm>>
        %dma_start3A_408 = tpu.memref_squeeze %dma_start3A_407 : memref<1x1x64xi32, #tpu.memory_space<hbm>> -> memref<64xi32, #tpu.memory_space<hbm>>
        %dma_start3A_409 = arith.constant 0 : i32
        %dma_start3A_410 = tpu.memref_slice %arg3[%add3A, %add3A_405, %dma_start3A_409] : memref<32x160x64xi32, #tpu.memory_space<hbm>> -> memref<1x1x64xi32, #tpu.memory_space<hbm>>
        %dma_start3A_411 = tpu.memref_squeeze %dma_start3A_410 : memref<1x1x64xi32, #tpu.memory_space<hbm>> -> memref<64xi32, #tpu.memory_space<hbm>>
        tpu.enqueue_dma source(%dma_start3A_411 : memref<64xi32, #tpu.memory_space<hbm>>) target(%arg7 : memref<64xi32, #tpu.memory_space<vmem>>) target_semaphore(%arg33 : memref<!tpu.dma_semaphore, #tpu.memory_space<semaphore_mem>>)
        %add3A_412 = arith.constant 8 : i32
        %add3A_413 = arith.addi %add3A_246, %add3A_412 : i32
        %dma_start3A_414 = arith.constant 0 : i32
        %dma_start3A_415 = tpu.memref_slice %arg4[%add3A, %add3A_413, %dma_start3A_414] : memref<32x160x64xi32, #tpu.memory_space<hbm>> -> memref<1x1x64xi32, #tpu.memory_space<hbm>>
        %dma_start3A_416 = tpu.memref_squeeze %dma_start3A_415 : memref<1x1x64xi32, #tpu.memory_space<hbm>> -> memref<64xi32, #tpu.memory_space<hbm>>
        %dma_start3A_417 = arith.constant 0 : i32
        %dma_start3A_418 = tpu.memref_slice %arg4[%add3A, %add3A_413, %dma_start3A_417] : memref<32x160x64xi32, #tpu.memory_space<hbm>> -> memref<1x1x64xi32, #tpu.memory_space<hbm>>
        %dma_start3A_419 = tpu.memref_squeeze %dma_start3A_418 : memref<1x1x64xi32, #tpu.memory_space<hbm>> -> memref<64xi32, #tpu.memory_space<hbm>>
        tpu.enqueue_dma source(%dma_start3A_419 : memref<64xi32, #tpu.memory_space<hbm>>) target(%arg15 : memref<64xi32, #tpu.memory_space<vmem>>) target_semaphore(%arg33 : memref<!tpu.dma_semaphore, #tpu.memory_space<semaphore_mem>>)
      } else {
      }
      %mul3A_266 = arith.constant 8 : i32
      %mul3A_267 = arith.muli %mul3A_266, %scan3A_223 : i32
      %add3A_268 = arith.constant 2 : i32
      %add3A_269 = arith.addi %mul3A_267, %add3A_268 : i32
      %dma_wait3A_270 = arith.constant 0 : i32
      %dma_wait3A_271 = arith.constant 0 : i32
      %dma_wait3A_272 = tpu.memref_slice %arg26[%dma_wait3A_270, %dma_wait3A_271] : memref<10000x128xbf16, #tpu.memory_space<vmem_shared>> -> memref<10000x128xbf16, #tpu.memory_space<vmem_shared>>
      tpu.wait_indirect_dma semaphore(%arg30 : memref<!tpu.dma_semaphore, #tpu.memory_space<semaphore_mem>>) src(%dma_wait3A_272 : memref<10000x128xbf16, #tpu.memory_space<vmem_shared>>) dst(%arg24 : memref<64x128xbf16, #tpu.memory_space<vmem>>)
      %add3A_273 = arith.constant 4 : i32
      %add3A_274 = arith.addi %add3A_269, %add3A_273 : i32
      %sub3A_275 = arith.constant 1 : i32
      %sub3A_276 = arith.subi %add3A_274, %sub3A_275 : i32
      %lt3A_277 = arith.constant 160 : i32
      %lt3A_278 = arith.cmpi slt, %sub3A_276, %lt3A_277 : i32
      %convert_element_type3A_279 = arith.extui %lt3A_278 : i1 to i32
      %cond3A_280 = arith.constant 0 : i32
      %cond3A_281 = arith.cmpi ne, %convert_element_type3A_279, %cond3A_280 : i32
      scf.if %cond3A_281 {
        %dma_wait3A_404 = arith.constant 0 : i32
        %dma_wait3A_405 = arith.constant 0 : i32
        %dma_wait3A_406 = tpu.memref_slice %arg3[%add3A, %dma_wait3A_404, %dma_wait3A_405] : memref<32x160x64xi32, #tpu.memory_space<hbm>> -> memref<1x1x64xi32, #tpu.memory_space<hbm>>
        %dma_wait3A_407 = tpu.memref_squeeze %dma_wait3A_406 : memref<1x1x64xi32, #tpu.memory_space<hbm>> -> memref<64xi32, #tpu.memory_space<hbm>>
        %dma_wait3A_408 = arith.constant 0 : i32
        %dma_wait3A_409 = tpu.memref_slice %arg3[%add3A, %dma_wait3A_404, %dma_wait3A_408] : memref<32x160x64xi32, #tpu.memory_space<hbm>> -> memref<1x1x64xi32, #tpu.memory_space<hbm>>
        %dma_wait3A_410 = tpu.memref_squeeze %dma_wait3A_409 : memref<1x1x64xi32, #tpu.memory_space<hbm>> -> memref<64xi32, #tpu.memory_space<hbm>>
        tpu.wait_dma2 semaphore(%arg37 : memref<!tpu.dma_semaphore, #tpu.memory_space<semaphore_mem>>) src(%dma_wait3A_410 : memref<64xi32, #tpu.memory_space<hbm>>) dst(%arg11 : memref<64xi32, #tpu.memory_space<vmem>>)
        %dma_wait3A_411 = arith.constant 0 : i32
        %dma_wait3A_412 = arith.constant 0 : i32
        %dma_wait3A_413 = tpu.memref_slice %arg4[%add3A, %dma_wait3A_411, %dma_wait3A_412] : memref<32x160x64xi32, #tpu.memory_space<hbm>> -> memref<1x1x64xi32, #tpu.memory_space<hbm>>
        %dma_wait3A_414 = tpu.memref_squeeze %dma_wait3A_413 : memref<1x1x64xi32, #tpu.memory_space<hbm>> -> memref<64xi32, #tpu.memory_space<hbm>>
        %dma_wait3A_415 = arith.constant 0 : i32
        %dma_wait3A_416 = tpu.memref_slice %arg4[%add3A, %dma_wait3A_411, %dma_wait3A_415] : memref<32x160x64xi32, #tpu.memory_space<hbm>> -> memref<1x1x64xi32, #tpu.memory_space<hbm>>
        %dma_wait3A_417 = tpu.memref_squeeze %dma_wait3A_416 : memref<1x1x64xi32, #tpu.memory_space<hbm>> -> memref<64xi32, #tpu.memory_space<hbm>>
        tpu.wait_dma2 semaphore(%arg37 : memref<!tpu.dma_semaphore, #tpu.memory_space<semaphore_mem>>) src(%dma_wait3A_417 : memref<64xi32, #tpu.memory_space<hbm>>) dst(%arg19 : memref<64xi32, #tpu.memory_space<vmem>>)
        %dma_start3A_418 = arith.constant 0 : i32
        %dma_start3A_419 = arith.constant 0 : i32
        %dma_start3A_420 = tpu.memref_slice %arg26[%dma_start3A_418, %dma_start3A_419] : memref<10000x128xbf16, #tpu.memory_space<vmem_shared>> -> memref<10000x128xbf16, #tpu.memory_space<vmem_shared>>
        tpu.enqueue_indirect_dma source(%dma_start3A_420 : memref<10000x128xbf16, #tpu.memory_space<vmem_shared>>) target(%arg23 : memref<64x128xbf16, #tpu.memory_space<vmem>>) offsets(%arg11 : memref<64xi32, #tpu.memory_space<vmem>>) semaphore(%arg29 : memref<!tpu.dma_semaphore, #tpu.memory_space<semaphore_mem>>)
      } else {
      }
      "tpu.region"() ({
        %run_scoped3A = tpu.sem_alloc : memref<!tpu.dma_semaphore, #tpu.memory_space<semaphore_mem>>
        %dma_start3A_404 = arith.constant 0 : i32
        %dma_start3A_405 = arith.constant 0 : i32
        %dma_start3A_406 = tpu.memref_slice %arg27[%dma_start3A_404, %dma_start3A_405] : memref<10240x128xbf16, #tpu.memory_space<vmem_shared>> -> memref<10240x128xbf16, #tpu.memory_space<vmem_shared>>
        tpu.enqueue_indirect_dma source(%arg24 : memref<64x128xbf16, #tpu.memory_space<vmem>>) target(%dma_start3A_406 : memref<10240x128xbf16, #tpu.memory_space<vmem_shared>>) offsets(%arg16 : memref<64xi32, #tpu.memory_space<vmem>>) semaphore(%run_scoped3A : memref<!tpu.dma_semaphore, #tpu.memory_space<semaphore_mem>>) {add = true}
        %dma_wait3A_407 = arith.constant 0 : i32
        %dma_wait3A_408 = arith.constant 0 : i32
        %dma_wait3A_409 = tpu.memref_slice %arg27[%dma_wait3A_407, %dma_wait3A_408] : memref<10240x128xbf16, #tpu.memory_space<vmem_shared>> -> memref<10240x128xbf16, #tpu.memory_space<vmem_shared>>
        tpu.wait_indirect_dma semaphore(%run_scoped3A : memref<!tpu.dma_semaphore, #tpu.memory_space<semaphore_mem>>) src(%arg24 : memref<64x128xbf16, #tpu.memory_space<vmem>>) dst(%dma_wait3A_409 : memref<10240x128xbf16, #tpu.memory_space<vmem_shared>>)
        tpu.yield
      }) : () -> ()
      %add3A_282 = arith.constant 8 : i32
      %add3A_283 = arith.addi %add3A_269, %add3A_282 : i32
      %lt3A_284 = arith.constant 160 : i32
      %lt3A_285 = arith.cmpi slt, %add3A_283, %lt3A_284 : i32
      %convert_element_type3A_286 = arith.extui %lt3A_285 : i1 to i32
      %cond3A_287 = arith.constant 0 : i32
      %cond3A_288 = arith.cmpi ne, %convert_element_type3A_286, %cond3A_287 : i32
      scf.if %cond3A_288 {
        %add3A_404 = arith.constant 8 : i32
        %add3A_405 = arith.addi %add3A_269, %add3A_404 : i32
        %dma_start3A_406 = arith.constant 0 : i32
        %dma_start3A_407 = tpu.memref_slice %arg3[%add3A, %add3A_405, %dma_start3A_406] : memref<32x160x64xi32, #tpu.memory_space<hbm>> -> memref<1x1x64xi32, #tpu.memory_space<hbm>>
        %dma_start3A_408 = tpu.memref_squeeze %dma_start3A_407 : memref<1x1x64xi32, #tpu.memory_space<hbm>> -> memref<64xi32, #tpu.memory_space<hbm>>
        %dma_start3A_409 = arith.constant 0 : i32
        %dma_start3A_410 = tpu.memref_slice %arg3[%add3A, %add3A_405, %dma_start3A_409] : memref<32x160x64xi32, #tpu.memory_space<hbm>> -> memref<1x1x64xi32, #tpu.memory_space<hbm>>
        %dma_start3A_411 = tpu.memref_squeeze %dma_start3A_410 : memref<1x1x64xi32, #tpu.memory_space<hbm>> -> memref<64xi32, #tpu.memory_space<hbm>>
        tpu.enqueue_dma source(%dma_start3A_411 : memref<64xi32, #tpu.memory_space<hbm>>) target(%arg8 : memref<64xi32, #tpu.memory_space<vmem>>) target_semaphore(%arg34 : memref<!tpu.dma_semaphore, #tpu.memory_space<semaphore_mem>>)
        %add3A_412 = arith.constant 8 : i32
        %add3A_413 = arith.addi %add3A_269, %add3A_412 : i32
        %dma_start3A_414 = arith.constant 0 : i32
        %dma_start3A_415 = tpu.memref_slice %arg4[%add3A, %add3A_413, %dma_start3A_414] : memref<32x160x64xi32, #tpu.memory_space<hbm>> -> memref<1x1x64xi32, #tpu.memory_space<hbm>>
        %dma_start3A_416 = tpu.memref_squeeze %dma_start3A_415 : memref<1x1x64xi32, #tpu.memory_space<hbm>> -> memref<64xi32, #tpu.memory_space<hbm>>
        %dma_start3A_417 = arith.constant 0 : i32
        %dma_start3A_418 = tpu.memref_slice %arg4[%add3A, %add3A_413, %dma_start3A_417] : memref<32x160x64xi32, #tpu.memory_space<hbm>> -> memref<1x1x64xi32, #tpu.memory_space<hbm>>
        %dma_start3A_419 = tpu.memref_squeeze %dma_start3A_418 : memref<1x1x64xi32, #tpu.memory_space<hbm>> -> memref<64xi32, #tpu.memory_space<hbm>>
        tpu.enqueue_dma source(%dma_start3A_419 : memref<64xi32, #tpu.memory_space<hbm>>) target(%arg16 : memref<64xi32, #tpu.memory_space<vmem>>) target_semaphore(%arg34 : memref<!tpu.dma_semaphore, #tpu.memory_space<semaphore_mem>>)
      } else {
      }
      %mul3A_289 = arith.constant 8 : i32
      %mul3A_290 = arith.muli %mul3A_289, %scan3A_223 : i32
      %add3A_291 = arith.constant 3 : i32
      %add3A_292 = arith.addi %mul3A_290, %add3A_291 : i32
      %dma_wait3A_293 = arith.constant 0 : i32
      %dma_wait3A_294 = arith.constant 0 : i32
      %dma_wait3A_295 = tpu.memref_slice %arg26[%dma_wait3A_293, %dma_wait3A_294] : memref<10000x128xbf16, #tpu.memory_space<vmem_shared>> -> memref<10000x128xbf16, #tpu.memory_space<vmem_shared>>
      tpu.wait_indirect_dma semaphore(%arg31 : memref<!tpu.dma_semaphore, #tpu.memory_space<semaphore_mem>>) src(%dma_wait3A_295 : memref<10000x128xbf16, #tpu.memory_space<vmem_shared>>) dst(%arg25 : memref<64x128xbf16, #tpu.memory_space<vmem>>)
      %add3A_296 = arith.constant 4 : i32
      %add3A_297 = arith.addi %add3A_292, %add3A_296 : i32
      %sub3A_298 = arith.constant 1 : i32
      %sub3A_299 = arith.subi %add3A_297, %sub3A_298 : i32
      %lt3A_300 = arith.constant 160 : i32
      %lt3A_301 = arith.cmpi slt, %sub3A_299, %lt3A_300 : i32
      %convert_element_type3A_302 = arith.extui %lt3A_301 : i1 to i32
      %cond3A_303 = arith.constant 0 : i32
      %cond3A_304 = arith.cmpi ne, %convert_element_type3A_302, %cond3A_303 : i32
      scf.if %cond3A_304 {
        %dma_wait3A_404 = arith.constant 0 : i32
        %dma_wait3A_405 = arith.constant 0 : i32
        %dma_wait3A_406 = tpu.memref_slice %arg3[%add3A, %dma_wait3A_404, %dma_wait3A_405] : memref<32x160x64xi32, #tpu.memory_space<hbm>> -> memref<1x1x64xi32, #tpu.memory_space<hbm>>
        %dma_wait3A_407 = tpu.memref_squeeze %dma_wait3A_406 : memref<1x1x64xi32, #tpu.memory_space<hbm>> -> memref<64xi32, #tpu.memory_space<hbm>>
        %dma_wait3A_408 = arith.constant 0 : i32
        %dma_wait3A_409 = tpu.memref_slice %arg3[%add3A, %dma_wait3A_404, %dma_wait3A_408] : memref<32x160x64xi32, #tpu.memory_space<hbm>> -> memref<1x1x64xi32, #tpu.memory_space<hbm>>
        %dma_wait3A_410 = tpu.memref_squeeze %dma_wait3A_409 : memref<1x1x64xi32, #tpu.memory_space<hbm>> -> memref<64xi32, #tpu.memory_space<hbm>>
        tpu.wait_dma2 semaphore(%arg38 : memref<!tpu.dma_semaphore, #tpu.memory_space<semaphore_mem>>) src(%dma_wait3A_410 : memref<64xi32, #tpu.memory_space<hbm>>) dst(%arg12 : memref<64xi32, #tpu.memory_space<vmem>>)
        %dma_wait3A_411 = arith.constant 0 : i32
        %dma_wait3A_412 = arith.constant 0 : i32
        %dma_wait3A_413 = tpu.memref_slice %arg4[%add3A, %dma_wait3A_411, %dma_wait3A_412] : memref<32x160x64xi32, #tpu.memory_space<hbm>> -> memref<1x1x64xi32, #tpu.memory_space<hbm>>
        %dma_wait3A_414 = tpu.memref_squeeze %dma_wait3A_413 : memref<1x1x64xi32, #tpu.memory_space<hbm>> -> memref<64xi32, #tpu.memory_space<hbm>>
        %dma_wait3A_415 = arith.constant 0 : i32
        %dma_wait3A_416 = tpu.memref_slice %arg4[%add3A, %dma_wait3A_411, %dma_wait3A_415] : memref<32x160x64xi32, #tpu.memory_space<hbm>> -> memref<1x1x64xi32, #tpu.memory_space<hbm>>
        %dma_wait3A_417 = tpu.memref_squeeze %dma_wait3A_416 : memref<1x1x64xi32, #tpu.memory_space<hbm>> -> memref<64xi32, #tpu.memory_space<hbm>>
        tpu.wait_dma2 semaphore(%arg38 : memref<!tpu.dma_semaphore, #tpu.memory_space<semaphore_mem>>) src(%dma_wait3A_417 : memref<64xi32, #tpu.memory_space<hbm>>) dst(%arg20 : memref<64xi32, #tpu.memory_space<vmem>>)
        %dma_start3A_418 = arith.constant 0 : i32
        %dma_start3A_419 = arith.constant 0 : i32
        %dma_start3A_420 = tpu.memref_slice %arg26[%dma_start3A_418, %dma_start3A_419] : memref<10000x128xbf16, #tpu.memory_space<vmem_shared>> -> memref<10000x128xbf16, #tpu.memory_space<vmem_shared>>
        tpu.enqueue_indirect_dma source(%dma_start3A_420 : memref<10000x128xbf16, #tpu.memory_space<vmem_shared>>) target(%arg24 : memref<64x128xbf16, #tpu.memory_space<vmem>>) offsets(%arg12 : memref<64xi32, #tpu.memory_space<vmem>>) semaphore(%arg30 : memref<!tpu.dma_semaphore, #tpu.memory_space<semaphore_mem>>)
      } else {
      }
      "tpu.region"() ({
        %run_scoped3A = tpu.sem_alloc : memref<!tpu.dma_semaphore, #tpu.memory_space<semaphore_mem>>
        %dma_start3A_404 = arith.constant 0 : i32
        %dma_start3A_405 = arith.constant 0 : i32
        %dma_start3A_406 = tpu.memref_slice %arg27[%dma_start3A_404, %dma_start3A_405] : memref<10240x128xbf16, #tpu.memory_space<vmem_shared>> -> memref<10240x128xbf16, #tpu.memory_space<vmem_shared>>
        tpu.enqueue_indirect_dma source(%arg25 : memref<64x128xbf16, #tpu.memory_space<vmem>>) target(%dma_start3A_406 : memref<10240x128xbf16, #tpu.memory_space<vmem_shared>>) offsets(%arg17 : memref<64xi32, #tpu.memory_space<vmem>>) semaphore(%run_scoped3A : memref<!tpu.dma_semaphore, #tpu.memory_space<semaphore_mem>>) {add = true}
        %dma_wait3A_407 = arith.constant 0 : i32
        %dma_wait3A_408 = arith.constant 0 : i32
        %dma_wait3A_409 = tpu.memref_slice %arg27[%dma_wait3A_407, %dma_wait3A_408] : memref<10240x128xbf16, #tpu.memory_space<vmem_shared>> -> memref<10240x128xbf16, #tpu.memory_space<vmem_shared>>
        tpu.wait_indirect_dma semaphore(%run_scoped3A : memref<!tpu.dma_semaphore, #tpu.memory_space<semaphore_mem>>) src(%arg25 : memref<64x128xbf16, #tpu.memory_space<vmem>>) dst(%dma_wait3A_409 : memref<10240x128xbf16, #tpu.memory_space<vmem_shared>>)
        tpu.yield
      }) : () -> ()
      %add3A_305 = arith.constant 8 : i32
      %add3A_306 = arith.addi %add3A_292, %add3A_305 : i32
      %lt3A_307 = arith.constant 160 : i32
      %lt3A_308 = arith.cmpi slt, %add3A_306, %lt3A_307 : i32
      %convert_element_type3A_309 = arith.extui %lt3A_308 : i1 to i32
      %cond3A_310 = arith.constant 0 : i32
      %cond3A_311 = arith.cmpi ne, %convert_element_type3A_309, %cond3A_310 : i32
      scf.if %cond3A_311 {
        %add3A_404 = arith.constant 8 : i32
        %add3A_405 = arith.addi %add3A_292, %add3A_404 : i32
        %dma_start3A_406 = arith.constant 0 : i32
        %dma_start3A_407 = tpu.memref_slice %arg3[%add3A, %add3A_405, %dma_start3A_406] : memref<32x160x64xi32, #tpu.memory_space<hbm>> -> memref<1x1x64xi32, #tpu.memory_space<hbm>>
        %dma_start3A_408 = tpu.memref_squeeze %dma_start3A_407 : memref<1x1x64xi32, #tpu.memory_space<hbm>> -> memref<64xi32, #tpu.memory_space<hbm>>
        %dma_start3A_409 = arith.constant 0 : i32
        %dma_start3A_410 = tpu.memref_slice %arg3[%add3A, %add3A_405, %dma_start3A_409] : memref<32x160x64xi32, #tpu.memory_space<hbm>> -> memref<1x1x64xi32, #tpu.memory_space<hbm>>
        %dma_start3A_411 = tpu.memref_squeeze %dma_start3A_410 : memref<1x1x64xi32, #tpu.memory_space<hbm>> -> memref<64xi32, #tpu.memory_space<hbm>>
        tpu.enqueue_dma source(%dma_start3A_411 : memref<64xi32, #tpu.memory_space<hbm>>) target(%arg9 : memref<64xi32, #tpu.memory_space<vmem>>) target_semaphore(%arg35 : memref<!tpu.dma_semaphore, #tpu.memory_space<semaphore_mem>>)
        %add3A_412 = arith.constant 8 : i32
        %add3A_413 = arith.addi %add3A_292, %add3A_412 : i32
        %dma_start3A_414 = arith.constant 0 : i32
        %dma_start3A_415 = tpu.memref_slice %arg4[%add3A, %add3A_413, %dma_start3A_414] : memref<32x160x64xi32, #tpu.memory_space<hbm>> -> memref<1x1x64xi32, #tpu.memory_space<hbm>>
        %dma_start3A_416 = tpu.memref_squeeze %dma_start3A_415 : memref<1x1x64xi32, #tpu.memory_space<hbm>> -> memref<64xi32, #tpu.memory_space<hbm>>
        %dma_start3A_417 = arith.constant 0 : i32
        %dma_start3A_418 = tpu.memref_slice %arg4[%add3A, %add3A_413, %dma_start3A_417] : memref<32x160x64xi32, #tpu.memory_space<hbm>> -> memref<1x1x64xi32, #tpu.memory_space<hbm>>
        %dma_start3A_419 = tpu.memref_squeeze %dma_start3A_418 : memref<1x1x64xi32, #tpu.memory_space<hbm>> -> memref<64xi32, #tpu.memory_space<hbm>>
        tpu.enqueue_dma source(%dma_start3A_419 : memref<64xi32, #tpu.memory_space<hbm>>) target(%arg17 : memref<64xi32, #tpu.memory_space<vmem>>) target_semaphore(%arg35 : memref<!tpu.dma_semaphore, #tpu.memory_space<semaphore_mem>>)
      } else {
      }
      %mul3A_312 = arith.constant 8 : i32
      %mul3A_313 = arith.muli %mul3A_312, %scan3A_223 : i32
      %add3A_314 = arith.constant 4 : i32
      %add3A_315 = arith.addi %mul3A_313, %add3A_314 : i32
      %dma_wait3A_316 = arith.constant 0 : i32
      %dma_wait3A_317 = arith.constant 0 : i32
      %dma_wait3A_318 = tpu.memref_slice %arg26[%dma_wait3A_316, %dma_wait3A_317] : memref<10000x128xbf16, #tpu.memory_space<vmem_shared>> -> memref<10000x128xbf16, #tpu.memory_space<vmem_shared>>
      tpu.wait_indirect_dma semaphore(%arg28 : memref<!tpu.dma_semaphore, #tpu.memory_space<semaphore_mem>>) src(%dma_wait3A_318 : memref<10000x128xbf16, #tpu.memory_space<vmem_shared>>) dst(%arg22 : memref<64x128xbf16, #tpu.memory_space<vmem>>)
      %add3A_319 = arith.constant 4 : i32
      %add3A_320 = arith.addi %add3A_315, %add3A_319 : i32
      %sub3A_321 = arith.constant 1 : i32
      %sub3A_322 = arith.subi %add3A_320, %sub3A_321 : i32
      %lt3A_323 = arith.constant 160 : i32
      %lt3A_324 = arith.cmpi slt, %sub3A_322, %lt3A_323 : i32
      %convert_element_type3A_325 = arith.extui %lt3A_324 : i1 to i32
      %cond3A_326 = arith.constant 0 : i32
      %cond3A_327 = arith.cmpi ne, %convert_element_type3A_325, %cond3A_326 : i32
      scf.if %cond3A_327 {
        %dma_wait3A_404 = arith.constant 0 : i32
        %dma_wait3A_405 = arith.constant 0 : i32
        %dma_wait3A_406 = tpu.memref_slice %arg3[%add3A, %dma_wait3A_404, %dma_wait3A_405] : memref<32x160x64xi32, #tpu.memory_space<hbm>> -> memref<1x1x64xi32, #tpu.memory_space<hbm>>
        %dma_wait3A_407 = tpu.memref_squeeze %dma_wait3A_406 : memref<1x1x64xi32, #tpu.memory_space<hbm>> -> memref<64xi32, #tpu.memory_space<hbm>>
        %dma_wait3A_408 = arith.constant 0 : i32
        %dma_wait3A_409 = tpu.memref_slice %arg3[%add3A, %dma_wait3A_404, %dma_wait3A_408] : memref<32x160x64xi32, #tpu.memory_space<hbm>> -> memref<1x1x64xi32, #tpu.memory_space<hbm>>
        %dma_wait3A_410 = tpu.memref_squeeze %dma_wait3A_409 : memref<1x1x64xi32, #tpu.memory_space<hbm>> -> memref<64xi32, #tpu.memory_space<hbm>>
        tpu.wait_dma2 semaphore(%arg39 : memref<!tpu.dma_semaphore, #tpu.memory_space<semaphore_mem>>) src(%dma_wait3A_410 : memref<64xi32, #tpu.memory_space<hbm>>) dst(%arg13 : memref<64xi32, #tpu.memory_space<vmem>>)
        %dma_wait3A_411 = arith.constant 0 : i32
        %dma_wait3A_412 = arith.constant 0 : i32
        %dma_wait3A_413 = tpu.memref_slice %arg4[%add3A, %dma_wait3A_411, %dma_wait3A_412] : memref<32x160x64xi32, #tpu.memory_space<hbm>> -> memref<1x1x64xi32, #tpu.memory_space<hbm>>
        %dma_wait3A_414 = tpu.memref_squeeze %dma_wait3A_413 : memref<1x1x64xi32, #tpu.memory_space<hbm>> -> memref<64xi32, #tpu.memory_space<hbm>>
        %dma_wait3A_415 = arith.constant 0 : i32
        %dma_wait3A_416 = tpu.memref_slice %arg4[%add3A, %dma_wait3A_411, %dma_wait3A_415] : memref<32x160x64xi32, #tpu.memory_space<hbm>> -> memref<1x1x64xi32, #tpu.memory_space<hbm>>
        %dma_wait3A_417 = tpu.memref_squeeze %dma_wait3A_416 : memref<1x1x64xi32, #tpu.memory_space<hbm>> -> memref<64xi32, #tpu.memory_space<hbm>>
        tpu.wait_dma2 semaphore(%arg39 : memref<!tpu.dma_semaphore, #tpu.memory_space<semaphore_mem>>) src(%dma_wait3A_417 : memref<64xi32, #tpu.memory_space<hbm>>) dst(%arg21 : memref<64xi32, #tpu.memory_space<vmem>>)
        %dma_start3A_418 = arith.constant 0 : i32
        %dma_start3A_419 = arith.constant 0 : i32
        %dma_start3A_420 = tpu.memref_slice %arg26[%dma_start3A_418, %dma_start3A_419] : memref<10000x128xbf16, #tpu.memory_space<vmem_shared>> -> memref<10000x128xbf16, #tpu.memory_space<vmem_shared>>
        tpu.enqueue_indirect_dma source(%dma_start3A_420 : memref<10000x128xbf16, #tpu.memory_space<vmem_shared>>) target(%arg25 : memref<64x128xbf16, #tpu.memory_space<vmem>>) offsets(%arg13 : memref<64xi32, #tpu.memory_space<vmem>>) semaphore(%arg31 : memref<!tpu.dma_semaphore, #tpu.memory_space<semaphore_mem>>)
      } else {
      }
      "tpu.region"() ({
        %run_scoped3A = tpu.sem_alloc : memref<!tpu.dma_semaphore, #tpu.memory_space<semaphore_mem>>
        %dma_start3A_404 = arith.constant 0 : i32
        %dma_start3A_405 = arith.constant 0 : i32
        %dma_start3A_406 = tpu.memref_slice %arg27[%dma_start3A_404, %dma_start3A_405] : memref<10240x128xbf16, #tpu.memory_space<vmem_shared>> -> memref<10240x128xbf16, #tpu.memory_space<vmem_shared>>
        tpu.enqueue_indirect_dma source(%arg22 : memref<64x128xbf16, #tpu.memory_space<vmem>>) target(%dma_start3A_406 : memref<10240x128xbf16, #tpu.memory_space<vmem_shared>>) offsets(%arg18 : memref<64xi32, #tpu.memory_space<vmem>>) semaphore(%run_scoped3A : memref<!tpu.dma_semaphore, #tpu.memory_space<semaphore_mem>>) {add = true}
        %dma_wait3A_407 = arith.constant 0 : i32
        %dma_wait3A_408 = arith.constant 0 : i32
        %dma_wait3A_409 = tpu.memref_slice %arg27[%dma_wait3A_407, %dma_wait3A_408] : memref<10240x128xbf16, #tpu.memory_space<vmem_shared>> -> memref<10240x128xbf16, #tpu.memory_space<vmem_shared>>
        tpu.wait_indirect_dma semaphore(%run_scoped3A : memref<!tpu.dma_semaphore, #tpu.memory_space<semaphore_mem>>) src(%arg22 : memref<64x128xbf16, #tpu.memory_space<vmem>>) dst(%dma_wait3A_409 : memref<10240x128xbf16, #tpu.memory_space<vmem_shared>>)
        tpu.yield
      }) : () -> ()
      %add3A_328 = arith.constant 8 : i32
      %add3A_329 = arith.addi %add3A_315, %add3A_328 : i32
      %lt3A_330 = arith.constant 160 : i32
      %lt3A_331 = arith.cmpi slt, %add3A_329, %lt3A_330 : i32
      %convert_element_type3A_332 = arith.extui %lt3A_331 : i1 to i32
      %cond3A_333 = arith.constant 0 : i32
      %cond3A_334 = arith.cmpi ne, %convert_element_type3A_332, %cond3A_333 : i32
      scf.if %cond3A_334 {
        %add3A_404 = arith.constant 8 : i32
        %add3A_405 = arith.addi %add3A_315, %add3A_404 : i32
        %dma_start3A_406 = arith.constant 0 : i32
        %dma_start3A_407 = tpu.memref_slice %arg3[%add3A, %add3A_405, %dma_start3A_406] : memref<32x160x64xi32, #tpu.memory_space<hbm>> -> memref<1x1x64xi32, #tpu.memory_space<hbm>>
        %dma_start3A_408 = tpu.memref_squeeze %dma_start3A_407 : memref<1x1x64xi32, #tpu.memory_space<hbm>> -> memref<64xi32, #tpu.memory_space<hbm>>
        %dma_start3A_409 = arith.constant 0 : i32
        %dma_start3A_410 = tpu.memref_slice %arg3[%add3A, %add3A_405, %dma_start3A_409] : memref<32x160x64xi32, #tpu.memory_space<hbm>> -> memref<1x1x64xi32, #tpu.memory_space<hbm>>
        %dma_start3A_411 = tpu.memref_squeeze %dma_start3A_410 : memref<1x1x64xi32, #tpu.memory_space<hbm>> -> memref<64xi32, #tpu.memory_space<hbm>>
        tpu.enqueue_dma source(%dma_start3A_411 : memref<64xi32, #tpu.memory_space<hbm>>) target(%arg10 : memref<64xi32, #tpu.memory_space<vmem>>) target_semaphore(%arg36 : memref<!tpu.dma_semaphore, #tpu.memory_space<semaphore_mem>>)
        %add3A_412 = arith.constant 8 : i32
        %add3A_413 = arith.addi %add3A_315, %add3A_412 : i32
        %dma_start3A_414 = arith.constant 0 : i32
        %dma_start3A_415 = tpu.memref_slice %arg4[%add3A, %add3A_413, %dma_start3A_414] : memref<32x160x64xi32, #tpu.memory_space<hbm>> -> memref<1x1x64xi32, #tpu.memory_space<hbm>>
        %dma_start3A_416 = tpu.memref_squeeze %dma_start3A_415 : memref<1x1x64xi32, #tpu.memory_space<hbm>> -> memref<64xi32, #tpu.memory_space<hbm>>
        %dma_start3A_417 = arith.constant 0 : i32
        %dma_start3A_418 = tpu.memref_slice %arg4[%add3A, %add3A_413, %dma_start3A_417] : memref<32x160x64xi32, #tpu.memory_space<hbm>> -> memref<1x1x64xi32, #tpu.memory_space<hbm>>
        %dma_start3A_419 = tpu.memref_squeeze %dma_start3A_418 : memref<1x1x64xi32, #tpu.memory_space<hbm>> -> memref<64xi32, #tpu.memory_space<hbm>>
        tpu.enqueue_dma source(%dma_start3A_419 : memref<64xi32, #tpu.memory_space<hbm>>) target(%arg18 : memref<64xi32, #tpu.memory_space<vmem>>) target_semaphore(%arg36 : memref<!tpu.dma_semaphore, #tpu.memory_space<semaphore_mem>>)
      } else {
      }
      %mul3A_335 = arith.constant 8 : i32
      %mul3A_336 = arith.muli %mul3A_335, %scan3A_223 : i32
      %add3A_337 = arith.constant 5 : i32
      %add3A_338 = arith.addi %mul3A_336, %add3A_337 : i32
      %dma_wait3A_339 = arith.constant 0 : i32
      %dma_wait3A_340 = arith.constant 0 : i32
      %dma_wait3A_341 = tpu.memref_slice %arg26[%dma_wait3A_339, %dma_wait3A_340] : memref<10000x128xbf16, #tpu.memory_space<vmem_shared>> -> memref<10000x128xbf16, #tpu.memory_space<vmem_shared>>
      tpu.wait_indirect_dma semaphore(%arg29 : memref<!tpu.dma_semaphore, #tpu.memory_space<semaphore_mem>>) src(%dma_wait3A_341 : memref<10000x128xbf16, #tpu.memory_space<vmem_shared>>) dst(%arg23 : memref<64x128xbf16, #tpu.memory_space<vmem>>)
      %add3A_342 = arith.constant 4 : i32
      %add3A_343 = arith.addi %add3A_338, %add3A_342 : i32
      %sub3A_344 = arith.constant 1 : i32
      %sub3A_345 = arith.subi %add3A_343, %sub3A_344 : i32
      %lt3A_346 = arith.constant 160 : i32
      %lt3A_347 = arith.cmpi slt, %sub3A_345, %lt3A_346 : i32
      %convert_element_type3A_348 = arith.extui %lt3A_347 : i1 to i32
      %cond3A_349 = arith.constant 0 : i32
      %cond3A_350 = arith.cmpi ne, %convert_element_type3A_348, %cond3A_349 : i32
      scf.if %cond3A_350 {
        %dma_wait3A_404 = arith.constant 0 : i32
        %dma_wait3A_405 = arith.constant 0 : i32
        %dma_wait3A_406 = tpu.memref_slice %arg3[%add3A, %dma_wait3A_404, %dma_wait3A_405] : memref<32x160x64xi32, #tpu.memory_space<hbm>> -> memref<1x1x64xi32, #tpu.memory_space<hbm>>
        %dma_wait3A_407 = tpu.memref_squeeze %dma_wait3A_406 : memref<1x1x64xi32, #tpu.memory_space<hbm>> -> memref<64xi32, #tpu.memory_space<hbm>>
        %dma_wait3A_408 = arith.constant 0 : i32
        %dma_wait3A_409 = tpu.memref_slice %arg3[%add3A, %dma_wait3A_404, %dma_wait3A_408] : memref<32x160x64xi32, #tpu.memory_space<hbm>> -> memref<1x1x64xi32, #tpu.memory_space<hbm>>
        %dma_wait3A_410 = tpu.memref_squeeze %dma_wait3A_409 : memref<1x1x64xi32, #tpu.memory_space<hbm>> -> memref<64xi32, #tpu.memory_space<hbm>>
        tpu.wait_dma2 semaphore(%arg32 : memref<!tpu.dma_semaphore, #tpu.memory_space<semaphore_mem>>) src(%dma_wait3A_410 : memref<64xi32, #tpu.memory_space<hbm>>) dst(%arg6 : memref<64xi32, #tpu.memory_space<vmem>>)
        %dma_wait3A_411 = arith.constant 0 : i32
        %dma_wait3A_412 = arith.constant 0 : i32
        %dma_wait3A_413 = tpu.memref_slice %arg4[%add3A, %dma_wait3A_411, %dma_wait3A_412] : memref<32x160x64xi32, #tpu.memory_space<hbm>> -> memref<1x1x64xi32, #tpu.memory_space<hbm>>
        %dma_wait3A_414 = tpu.memref_squeeze %dma_wait3A_413 : memref<1x1x64xi32, #tpu.memory_space<hbm>> -> memref<64xi32, #tpu.memory_space<hbm>>
        %dma_wait3A_415 = arith.constant 0 : i32
        %dma_wait3A_416 = tpu.memref_slice %arg4[%add3A, %dma_wait3A_411, %dma_wait3A_415] : memref<32x160x64xi32, #tpu.memory_space<hbm>> -> memref<1x1x64xi32, #tpu.memory_space<hbm>>
        %dma_wait3A_417 = tpu.memref_squeeze %dma_wait3A_416 : memref<1x1x64xi32, #tpu.memory_space<hbm>> -> memref<64xi32, #tpu.memory_space<hbm>>
        tpu.wait_dma2 semaphore(%arg32 : memref<!tpu.dma_semaphore, #tpu.memory_space<semaphore_mem>>) src(%dma_wait3A_417 : memref<64xi32, #tpu.memory_space<hbm>>) dst(%arg14 : memref<64xi32, #tpu.memory_space<vmem>>)
        %dma_start3A_418 = arith.constant 0 : i32
        %dma_start3A_419 = arith.constant 0 : i32
        %dma_start3A_420 = tpu.memref_slice %arg26[%dma_start3A_418, %dma_start3A_419] : memref<10000x128xbf16, #tpu.memory_space<vmem_shared>> -> memref<10000x128xbf16, #tpu.memory_space<vmem_shared>>
        tpu.enqueue_indirect_dma source(%dma_start3A_420 : memref<10000x128xbf16, #tpu.memory_space<vmem_shared>>) target(%arg22 : memref<64x128xbf16, #tpu.memory_space<vmem>>) offsets(%arg6 : memref<64xi32, #tpu.memory_space<vmem>>) semaphore(%arg28 : memref<!tpu.dma_semaphore, #tpu.memory_space<semaphore_mem>>)
      } else {
      }
      "tpu.region"() ({
        %run_scoped3A = tpu.sem_alloc : memref<!tpu.dma_semaphore, #tpu.memory_space<semaphore_mem>>
        %dma_start3A_404 = arith.constant 0 : i32
        %dma_start3A_405 = arith.constant 0 : i32
        %dma_start3A_406 = tpu.memref_slice %arg27[%dma_start3A_404, %dma_start3A_405] : memref<10240x128xbf16, #tpu.memory_space<vmem_shared>> -> memref<10240x128xbf16, #tpu.memory_space<vmem_shared>>
        tpu.enqueue_indirect_dma source(%arg23 : memref<64x128xbf16, #tpu.memory_space<vmem>>) target(%dma_start3A_406 : memref<10240x128xbf16, #tpu.memory_space<vmem_shared>>) offsets(%arg19 : memref<64xi32, #tpu.memory_space<vmem>>) semaphore(%run_scoped3A : memref<!tpu.dma_semaphore, #tpu.memory_space<semaphore_mem>>) {add = true}
        %dma_wait3A_407 = arith.constant 0 : i32
        %dma_wait3A_408 = arith.constant 0 : i32
        %dma_wait3A_409 = tpu.memref_slice %arg27[%dma_wait3A_407, %dma_wait3A_408] : memref<10240x128xbf16, #tpu.memory_space<vmem_shared>> -> memref<10240x128xbf16, #tpu.memory_space<vmem_shared>>
        tpu.wait_indirect_dma semaphore(%run_scoped3A : memref<!tpu.dma_semaphore, #tpu.memory_space<semaphore_mem>>) src(%arg23 : memref<64x128xbf16, #tpu.memory_space<vmem>>) dst(%dma_wait3A_409 : memref<10240x128xbf16, #tpu.memory_space<vmem_shared>>)
        tpu.yield
      }) : () -> ()
      %add3A_351 = arith.constant 8 : i32
      %add3A_352 = arith.addi %add3A_338, %add3A_351 : i32
      %lt3A_353 = arith.constant 160 : i32
      %lt3A_354 = arith.cmpi slt, %add3A_352, %lt3A_353 : i32
      %convert_element_type3A_355 = arith.extui %lt3A_354 : i1 to i32
      %cond3A_356 = arith.constant 0 : i32
      %cond3A_357 = arith.cmpi ne, %convert_element_type3A_355, %cond3A_356 : i32
      scf.if %cond3A_357 {
        %add3A_404 = arith.constant 8 : i32
        %add3A_405 = arith.addi %add3A_338, %add3A_404 : i32
        %dma_start3A_406 = arith.constant 0 : i32
        %dma_start3A_407 = tpu.memref_slice %arg3[%add3A, %add3A_405, %dma_start3A_406] : memref<32x160x64xi32, #tpu.memory_space<hbm>> -> memref<1x1x64xi32, #tpu.memory_space<hbm>>
        %dma_start3A_408 = tpu.memref_squeeze %dma_start3A_407 : memref<1x1x64xi32, #tpu.memory_space<hbm>> -> memref<64xi32, #tpu.memory_space<hbm>>
        %dma_start3A_409 = arith.constant 0 : i32
        %dma_start3A_410 = tpu.memref_slice %arg3[%add3A, %add3A_405, %dma_start3A_409] : memref<32x160x64xi32, #tpu.memory_space<hbm>> -> memref<1x1x64xi32, #tpu.memory_space<hbm>>
        %dma_start3A_411 = tpu.memref_squeeze %dma_start3A_410 : memref<1x1x64xi32, #tpu.memory_space<hbm>> -> memref<64xi32, #tpu.memory_space<hbm>>
        tpu.enqueue_dma source(%dma_start3A_411 : memref<64xi32, #tpu.memory_space<hbm>>) target(%arg11 : memref<64xi32, #tpu.memory_space<vmem>>) target_semaphore(%arg37 : memref<!tpu.dma_semaphore, #tpu.memory_space<semaphore_mem>>)
        %add3A_412 = arith.constant 8 : i32
        %add3A_413 = arith.addi %add3A_338, %add3A_412 : i32
        %dma_start3A_414 = arith.constant 0 : i32
        %dma_start3A_415 = tpu.memref_slice %arg4[%add3A, %add3A_413, %dma_start3A_414] : memref<32x160x64xi32, #tpu.memory_space<hbm>> -> memref<1x1x64xi32, #tpu.memory_space<hbm>>
        %dma_start3A_416 = tpu.memref_squeeze %dma_start3A_415 : memref<1x1x64xi32, #tpu.memory_space<hbm>> -> memref<64xi32, #tpu.memory_space<hbm>>
        %dma_start3A_417 = arith.constant 0 : i32
        %dma_start3A_418 = tpu.memref_slice %arg4[%add3A, %add3A_413, %dma_start3A_417] : memref<32x160x64xi32, #tpu.memory_space<hbm>> -> memref<1x1x64xi32, #tpu.memory_space<hbm>>
        %dma_start3A_419 = tpu.memref_squeeze %dma_start3A_418 : memref<1x1x64xi32, #tpu.memory_space<hbm>> -> memref<64xi32, #tpu.memory_space<hbm>>
        tpu.enqueue_dma source(%dma_start3A_419 : memref<64xi32, #tpu.memory_space<hbm>>) target(%arg19 : memref<64xi32, #tpu.memory_space<vmem>>) target_semaphore(%arg37 : memref<!tpu.dma_semaphore, #tpu.memory_space<semaphore_mem>>)
      } else {
      }
      %mul3A_358 = arith.constant 8 : i32
      %mul3A_359 = arith.muli %mul3A_358, %scan3A_223 : i32
      %add3A_360 = arith.constant 6 : i32
      %add3A_361 = arith.addi %mul3A_359, %add3A_360 : i32
      %dma_wait3A_362 = arith.constant 0 : i32
      %dma_wait3A_363 = arith.constant 0 : i32
      %dma_wait3A_364 = tpu.memref_slice %arg26[%dma_wait3A_362, %dma_wait3A_363] : memref<10000x128xbf16, #tpu.memory_space<vmem_shared>> -> memref<10000x128xbf16, #tpu.memory_space<vmem_shared>>
      tpu.wait_indirect_dma semaphore(%arg30 : memref<!tpu.dma_semaphore, #tpu.memory_space<semaphore_mem>>) src(%dma_wait3A_364 : memref<10000x128xbf16, #tpu.memory_space<vmem_shared>>) dst(%arg24 : memref<64x128xbf16, #tpu.memory_space<vmem>>)
      %add3A_365 = arith.constant 4 : i32
      %add3A_366 = arith.addi %add3A_361, %add3A_365 : i32
      %sub3A_367 = arith.constant 1 : i32
      %sub3A_368 = arith.subi %add3A_366, %sub3A_367 : i32
      %lt3A_369 = arith.constant 160 : i32
      %lt3A_370 = arith.cmpi slt, %sub3A_368, %lt3A_369 : i32
      %convert_element_type3A_371 = arith.extui %lt3A_370 : i1 to i32
      %cond3A_372 = arith.constant 0 : i32
      %cond3A_373 = arith.cmpi ne, %convert_element_type3A_371, %cond3A_372 : i32
      scf.if %cond3A_373 {
        %dma_wait3A_404 = arith.constant 0 : i32
        %dma_wait3A_405 = arith.constant 0 : i32
        %dma_wait3A_406 = tpu.memref_slice %arg3[%add3A, %dma_wait3A_404, %dma_wait3A_405] : memref<32x160x64xi32, #tpu.memory_space<hbm>> -> memref<1x1x64xi32, #tpu.memory_space<hbm>>
        %dma_wait3A_407 = tpu.memref_squeeze %dma_wait3A_406 : memref<1x1x64xi32, #tpu.memory_space<hbm>> -> memref<64xi32, #tpu.memory_space<hbm>>
        %dma_wait3A_408 = arith.constant 0 : i32
        %dma_wait3A_409 = tpu.memref_slice %arg3[%add3A, %dma_wait3A_404, %dma_wait3A_408] : memref<32x160x64xi32, #tpu.memory_space<hbm>> -> memref<1x1x64xi32, #tpu.memory_space<hbm>>
        %dma_wait3A_410 = tpu.memref_squeeze %dma_wait3A_409 : memref<1x1x64xi32, #tpu.memory_space<hbm>> -> memref<64xi32, #tpu.memory_space<hbm>>
        tpu.wait_dma2 semaphore(%arg33 : memref<!tpu.dma_semaphore, #tpu.memory_space<semaphore_mem>>) src(%dma_wait3A_410 : memref<64xi32, #tpu.memory_space<hbm>>) dst(%arg7 : memref<64xi32, #tpu.memory_space<vmem>>)
        %dma_wait3A_411 = arith.constant 0 : i32
        %dma_wait3A_412 = arith.constant 0 : i32
        %dma_wait3A_413 = tpu.memref_slice %arg4[%add3A, %dma_wait3A_411, %dma_wait3A_412] : memref<32x160x64xi32, #tpu.memory_space<hbm>> -> memref<1x1x64xi32, #tpu.memory_space<hbm>>
        %dma_wait3A_414 = tpu.memref_squeeze %dma_wait3A_413 : memref<1x1x64xi32, #tpu.memory_space<hbm>> -> memref<64xi32, #tpu.memory_space<hbm>>
        %dma_wait3A_415 = arith.constant 0 : i32
        %dma_wait3A_416 = tpu.memref_slice %arg4[%add3A, %dma_wait3A_411, %dma_wait3A_415] : memref<32x160x64xi32, #tpu.memory_space<hbm>> -> memref<1x1x64xi32, #tpu.memory_space<hbm>>
        %dma_wait3A_417 = tpu.memref_squeeze %dma_wait3A_416 : memref<1x1x64xi32, #tpu.memory_space<hbm>> -> memref<64xi32, #tpu.memory_space<hbm>>
        tpu.wait_dma2 semaphore(%arg33 : memref<!tpu.dma_semaphore, #tpu.memory_space<semaphore_mem>>) src(%dma_wait3A_417 : memref<64xi32, #tpu.memory_space<hbm>>) dst(%arg15 : memref<64xi32, #tpu.memory_space<vmem>>)
        %dma_start3A_418 = arith.constant 0 : i32
        %dma_start3A_419 = arith.constant 0 : i32
        %dma_start3A_420 = tpu.memref_slice %arg26[%dma_start3A_418, %dma_start3A_419] : memref<10000x128xbf16, #tpu.memory_space<vmem_shared>> -> memref<10000x128xbf16, #tpu.memory_space<vmem_shared>>
        tpu.enqueue_indirect_dma source(%dma_start3A_420 : memref<10000x128xbf16, #tpu.memory_space<vmem_shared>>) target(%arg23 : memref<64x128xbf16, #tpu.memory_space<vmem>>) offsets(%arg7 : memref<64xi32, #tpu.memory_space<vmem>>) semaphore(%arg29 : memref<!tpu.dma_semaphore, #tpu.memory_space<semaphore_mem>>)
      } else {
      }
      "tpu.region"() ({
        %run_scoped3A = tpu.sem_alloc : memref<!tpu.dma_semaphore, #tpu.memory_space<semaphore_mem>>
        %dma_start3A_404 = arith.constant 0 : i32
        %dma_start3A_405 = arith.constant 0 : i32
        %dma_start3A_406 = tpu.memref_slice %arg27[%dma_start3A_404, %dma_start3A_405] : memref<10240x128xbf16, #tpu.memory_space<vmem_shared>> -> memref<10240x128xbf16, #tpu.memory_space<vmem_shared>>
        tpu.enqueue_indirect_dma source(%arg24 : memref<64x128xbf16, #tpu.memory_space<vmem>>) target(%dma_start3A_406 : memref<10240x128xbf16, #tpu.memory_space<vmem_shared>>) offsets(%arg20 : memref<64xi32, #tpu.memory_space<vmem>>) semaphore(%run_scoped3A : memref<!tpu.dma_semaphore, #tpu.memory_space<semaphore_mem>>) {add = true}
        %dma_wait3A_407 = arith.constant 0 : i32
        %dma_wait3A_408 = arith.constant 0 : i32
        %dma_wait3A_409 = tpu.memref_slice %arg27[%dma_wait3A_407, %dma_wait3A_408] : memref<10240x128xbf16, #tpu.memory_space<vmem_shared>> -> memref<10240x128xbf16, #tpu.memory_space<vmem_shared>>
        tpu.wait_indirect_dma semaphore(%run_scoped3A : memref<!tpu.dma_semaphore, #tpu.memory_space<semaphore_mem>>) src(%arg24 : memref<64x128xbf16, #tpu.memory_space<vmem>>) dst(%dma_wait3A_409 : memref<10240x128xbf16, #tpu.memory_space<vmem_shared>>)
        tpu.yield
      }) : () -> ()
      %add3A_374 = arith.constant 8 : i32
      %add3A_375 = arith.addi %add3A_361, %add3A_374 : i32
      %lt3A_376 = arith.constant 160 : i32
      %lt3A_377 = arith.cmpi slt, %add3A_375, %lt3A_376 : i32
      %convert_element_type3A_378 = arith.extui %lt3A_377 : i1 to i32
      %cond3A_379 = arith.constant 0 : i32
      %cond3A_380 = arith.cmpi ne, %convert_element_type3A_378, %cond3A_379 : i32
      scf.if %cond3A_380 {
        %add3A_404 = arith.constant 8 : i32
        %add3A_405 = arith.addi %add3A_361, %add3A_404 : i32
        %dma_start3A_406 = arith.constant 0 : i32
        %dma_start3A_407 = tpu.memref_slice %arg3[%add3A, %add3A_405, %dma_start3A_406] : memref<32x160x64xi32, #tpu.memory_space<hbm>> -> memref<1x1x64xi32, #tpu.memory_space<hbm>>
        %dma_start3A_408 = tpu.memref_squeeze %dma_start3A_407 : memref<1x1x64xi32, #tpu.memory_space<hbm>> -> memref<64xi32, #tpu.memory_space<hbm>>
        %dma_start3A_409 = arith.constant 0 : i32
        %dma_start3A_410 = tpu.memref_slice %arg3[%add3A, %add3A_405, %dma_start3A_409] : memref<32x160x64xi32, #tpu.memory_space<hbm>> -> memref<1x1x64xi32, #tpu.memory_space<hbm>>
        %dma_start3A_411 = tpu.memref_squeeze %dma_start3A_410 : memref<1x1x64xi32, #tpu.memory_space<hbm>> -> memref<64xi32, #tpu.memory_space<hbm>>
        tpu.enqueue_dma source(%dma_start3A_411 : memref<64xi32, #tpu.memory_space<hbm>>) target(%arg12 : memref<64xi32, #tpu.memory_space<vmem>>) target_semaphore(%arg38 : memref<!tpu.dma_semaphore, #tpu.memory_space<semaphore_mem>>)
        %add3A_412 = arith.constant 8 : i32
        %add3A_413 = arith.addi %add3A_361, %add3A_412 : i32
        %dma_start3A_414 = arith.constant 0 : i32
        %dma_start3A_415 = tpu.memref_slice %arg4[%add3A, %add3A_413, %dma_start3A_414] : memref<32x160x64xi32, #tpu.memory_space<hbm>> -> memref<1x1x64xi32, #tpu.memory_space<hbm>>
        %dma_start3A_416 = tpu.memref_squeeze %dma_start3A_415 : memref<1x1x64xi32, #tpu.memory_space<hbm>> -> memref<64xi32, #tpu.memory_space<hbm>>
        %dma_start3A_417 = arith.constant 0 : i32
        %dma_start3A_418 = tpu.memref_slice %arg4[%add3A, %add3A_413, %dma_start3A_417] : memref<32x160x64xi32, #tpu.memory_space<hbm>> -> memref<1x1x64xi32, #tpu.memory_space<hbm>>
        %dma_start3A_419 = tpu.memref_squeeze %dma_start3A_418 : memref<1x1x64xi32, #tpu.memory_space<hbm>> -> memref<64xi32, #tpu.memory_space<hbm>>
        tpu.enqueue_dma source(%dma_start3A_419 : memref<64xi32, #tpu.memory_space<hbm>>) target(%arg20 : memref<64xi32, #tpu.memory_space<vmem>>) target_semaphore(%arg38 : memref<!tpu.dma_semaphore, #tpu.memory_space<semaphore_mem>>)
      } else {
      }
      %mul3A_381 = arith.constant 8 : i32
      %mul3A_382 = arith.muli %mul3A_381, %scan3A_223 : i32
      %add3A_383 = arith.constant 7 : i32
      %add3A_384 = arith.addi %mul3A_382, %add3A_383 : i32
      %dma_wait3A_385 = arith.constant 0 : i32
      %dma_wait3A_386 = arith.constant 0 : i32
      %dma_wait3A_387 = tpu.memref_slice %arg26[%dma_wait3A_385, %dma_wait3A_386] : memref<10000x128xbf16, #tpu.memory_space<vmem_shared>> -> memref<10000x128xbf16, #tpu.memory_space<vmem_shared>>
      tpu.wait_indirect_dma semaphore(%arg31 : memref<!tpu.dma_semaphore, #tpu.memory_space<semaphore_mem>>) src(%dma_wait3A_387 : memref<10000x128xbf16, #tpu.memory_space<vmem_shared>>) dst(%arg25 : memref<64x128xbf16, #tpu.memory_space<vmem>>)
      %add3A_388 = arith.constant 4 : i32
      %add3A_389 = arith.addi %add3A_384, %add3A_388 : i32
      %sub3A_390 = arith.constant 1 : i32
      %sub3A_391 = arith.subi %add3A_389, %sub3A_390 : i32
      %lt3A_392 = arith.constant 160 : i32
      %lt3A_393 = arith.cmpi slt, %sub3A_391, %lt3A_392 : i32
      %convert_element_type3A_394 = arith.extui %lt3A_393 : i1 to i32
      %cond3A_395 = arith.constant 0 : i32
      %cond3A_396 = arith.cmpi ne, %convert_element_type3A_394, %cond3A_395 : i32
      scf.if %cond3A_396 {
        %dma_wait3A_404 = arith.constant 0 : i32
        %dma_wait3A_405 = arith.constant 0 : i32
        %dma_wait3A_406 = tpu.memref_slice %arg3[%add3A, %dma_wait3A_404, %dma_wait3A_405] : memref<32x160x64xi32, #tpu.memory_space<hbm>> -> memref<1x1x64xi32, #tpu.memory_space<hbm>>
        %dma_wait3A_407 = tpu.memref_squeeze %dma_wait3A_406 : memref<1x1x64xi32, #tpu.memory_space<hbm>> -> memref<64xi32, #tpu.memory_space<hbm>>
        %dma_wait3A_408 = arith.constant 0 : i32
        %dma_wait3A_409 = tpu.memref_slice %arg3[%add3A, %dma_wait3A_404, %dma_wait3A_408] : memref<32x160x64xi32, #tpu.memory_space<hbm>> -> memref<1x1x64xi32, #tpu.memory_space<hbm>>
        %dma_wait3A_410 = tpu.memref_squeeze %dma_wait3A_409 : memref<1x1x64xi32, #tpu.memory_space<hbm>> -> memref<64xi32, #tpu.memory_space<hbm>>
        tpu.wait_dma2 semaphore(%arg34 : memref<!tpu.dma_semaphore, #tpu.memory_space<semaphore_mem>>) src(%dma_wait3A_410 : memref<64xi32, #tpu.memory_space<hbm>>) dst(%arg8 : memref<64xi32, #tpu.memory_space<vmem>>)
        %dma_wait3A_411 = arith.constant 0 : i32
        %dma_wait3A_412 = arith.constant 0 : i32
        %dma_wait3A_413 = tpu.memref_slice %arg4[%add3A, %dma_wait3A_411, %dma_wait3A_412] : memref<32x160x64xi32, #tpu.memory_space<hbm>> -> memref<1x1x64xi32, #tpu.memory_space<hbm>>
        %dma_wait3A_414 = tpu.memref_squeeze %dma_wait3A_413 : memref<1x1x64xi32, #tpu.memory_space<hbm>> -> memref<64xi32, #tpu.memory_space<hbm>>
        %dma_wait3A_415 = arith.constant 0 : i32
        %dma_wait3A_416 = tpu.memref_slice %arg4[%add3A, %dma_wait3A_411, %dma_wait3A_415] : memref<32x160x64xi32, #tpu.memory_space<hbm>> -> memref<1x1x64xi32, #tpu.memory_space<hbm>>
        %dma_wait3A_417 = tpu.memref_squeeze %dma_wait3A_416 : memref<1x1x64xi32, #tpu.memory_space<hbm>> -> memref<64xi32, #tpu.memory_space<hbm>>
        tpu.wait_dma2 semaphore(%arg34 : memref<!tpu.dma_semaphore, #tpu.memory_space<semaphore_mem>>) src(%dma_wait3A_417 : memref<64xi32, #tpu.memory_space<hbm>>) dst(%arg16 : memref<64xi32, #tpu.memory_space<vmem>>)
        %dma_start3A_418 = arith.constant 0 : i32
        %dma_start3A_419 = arith.constant 0 : i32
        %dma_start3A_420 = tpu.memref_slice %arg26[%dma_start3A_418, %dma_start3A_419] : memref<10000x128xbf16, #tpu.memory_space<vmem_shared>> -> memref<10000x128xbf16, #tpu.memory_space<vmem_shared>>
        tpu.enqueue_indirect_dma source(%dma_start3A_420 : memref<10000x128xbf16, #tpu.memory_space<vmem_shared>>) target(%arg24 : memref<64x128xbf16, #tpu.memory_space<vmem>>) offsets(%arg8 : memref<64xi32, #tpu.memory_space<vmem>>) semaphore(%arg30 : memref<!tpu.dma_semaphore, #tpu.memory_space<semaphore_mem>>)
      } else {
      }
      "tpu.region"() ({
        %run_scoped3A = tpu.sem_alloc : memref<!tpu.dma_semaphore, #tpu.memory_space<semaphore_mem>>
        %dma_start3A_404 = arith.constant 0 : i32
        %dma_start3A_405 = arith.constant 0 : i32
        %dma_start3A_406 = tpu.memref_slice %arg27[%dma_start3A_404, %dma_start3A_405] : memref<10240x128xbf16, #tpu.memory_space<vmem_shared>> -> memref<10240x128xbf16, #tpu.memory_space<vmem_shared>>
        tpu.enqueue_indirect_dma source(%arg25 : memref<64x128xbf16, #tpu.memory_space<vmem>>) target(%dma_start3A_406 : memref<10240x128xbf16, #tpu.memory_space<vmem_shared>>) offsets(%arg21 : memref<64xi32, #tpu.memory_space<vmem>>) semaphore(%run_scoped3A : memref<!tpu.dma_semaphore, #tpu.memory_space<semaphore_mem>>) {add = true}
        %dma_wait3A_407 = arith.constant 0 : i32
        %dma_wait3A_408 = arith.constant 0 : i32
        %dma_wait3A_409 = tpu.memref_slice %arg27[%dma_wait3A_407, %dma_wait3A_408] : memref<10240x128xbf16, #tpu.memory_space<vmem_shared>> -> memref<10240x128xbf16, #tpu.memory_space<vmem_shared>>
        tpu.wait_indirect_dma semaphore(%run_scoped3A : memref<!tpu.dma_semaphore, #tpu.memory_space<semaphore_mem>>) src(%arg25 : memref<64x128xbf16, #tpu.memory_space<vmem>>) dst(%dma_wait3A_409 : memref<10240x128xbf16, #tpu.memory_space<vmem_shared>>)
        tpu.yield
      }) : () -> ()
      %add3A_397 = arith.constant 8 : i32
      %add3A_398 = arith.addi %add3A_384, %add3A_397 : i32
      %lt3A_399 = arith.constant 160 : i32
      %lt3A_400 = arith.cmpi slt, %add3A_398, %lt3A_399 : i32
      %convert_element_type3A_401 = arith.extui %lt3A_400 : i1 to i32
      %cond3A_402 = arith.constant 0 : i32
      %cond3A_403 = arith.cmpi ne, %convert_element_type3A_401, %cond3A_402 : i32
      scf.if %cond3A_403 {
        %add3A_404 = arith.constant 8 : i32
        %add3A_405 = arith.addi %add3A_384, %add3A_404 : i32
        %dma_start3A_406 = arith.constant 0 : i32
        %dma_start3A_407 = tpu.memref_slice %arg3[%add3A, %add3A_405, %dma_start3A_406] : memref<32x160x64xi32, #tpu.memory_space<hbm>> -> memref<1x1x64xi32, #tpu.memory_space<hbm>>
        %dma_start3A_408 = tpu.memref_squeeze %dma_start3A_407 : memref<1x1x64xi32, #tpu.memory_space<hbm>> -> memref<64xi32, #tpu.memory_space<hbm>>
        %dma_start3A_409 = arith.constant 0 : i32
        %dma_start3A_410 = tpu.memref_slice %arg3[%add3A, %add3A_405, %dma_start3A_409] : memref<32x160x64xi32, #tpu.memory_space<hbm>> -> memref<1x1x64xi32, #tpu.memory_space<hbm>>
        %dma_start3A_411 = tpu.memref_squeeze %dma_start3A_410 : memref<1x1x64xi32, #tpu.memory_space<hbm>> -> memref<64xi32, #tpu.memory_space<hbm>>
        tpu.enqueue_dma source(%dma_start3A_411 : memref<64xi32, #tpu.memory_space<hbm>>) target(%arg13 : memref<64xi32, #tpu.memory_space<vmem>>) target_semaphore(%arg39 : memref<!tpu.dma_semaphore, #tpu.memory_space<semaphore_mem>>)
        %add3A_412 = arith.constant 8 : i32
        %add3A_413 = arith.addi %add3A_384, %add3A_412 : i32
        %dma_start3A_414 = arith.constant 0 : i32
        %dma_start3A_415 = tpu.memref_slice %arg4[%add3A, %add3A_413, %dma_start3A_414] : memref<32x160x64xi32, #tpu.memory_space<hbm>> -> memref<1x1x64xi32, #tpu.memory_space<hbm>>
        %dma_start3A_416 = tpu.memref_squeeze %dma_start3A_415 : memref<1x1x64xi32, #tpu.memory_space<hbm>> -> memref<64xi32, #tpu.memory_space<hbm>>
        %dma_start3A_417 = arith.constant 0 : i32
        %dma_start3A_418 = tpu.memref_slice %arg4[%add3A, %add3A_413, %dma_start3A_417] : memref<32x160x64xi32, #tpu.memory_space<hbm>> -> memref<1x1x64xi32, #tpu.memory_space<hbm>>
        %dma_start3A_419 = tpu.memref_squeeze %dma_start3A_418 : memref<1x1x64xi32, #tpu.memory_space<hbm>> -> memref<64xi32, #tpu.memory_space<hbm>>
        tpu.enqueue_dma source(%dma_start3A_419 : memref<64xi32, #tpu.memory_space<hbm>>) target(%arg21 : memref<64xi32, #tpu.memory_space<vmem>>) target_semaphore(%arg39 : memref<!tpu.dma_semaphore, #tpu.memory_space<semaphore_mem>>)
      } else {
      }
    }
    %scan3A_217 = arith.constant 20 : i32
    %barrier3A_218 = arith.constant 0 : index
    tpu.barrier barrier_id(%barrier3A_218)
    %mul3A_219 = arith.constant 640 : i32
    %mul3A_220 = arith.muli %arg1, %mul3A_219 : i32
    %mul3A_221 = arith.constant 640 : i32
    %mul3A_222 = arith.muli %arg1, %mul3A_221 : i32
    "tpu.region"() ({
      %run_scoped3A = tpu.sem_alloc : memref<!tpu.dma_semaphore, #tpu.memory_space<semaphore_mem>>
      %dma_start3A_223 = arith.constant 0 : i32
      %dma_start3A_224 = tpu.memref_slice %arg5[%arg0, %mul3A_222, %dma_start3A_223] : memref<2x10240x128xbf16, #tpu.memory_space<hbm>> -> memref<1x640x128xbf16, #tpu.memory_space<hbm>>
      %dma_start3A_225 = tpu.memref_squeeze %dma_start3A_224 : memref<1x640x128xbf16, #tpu.memory_space<hbm>> -> memref<640x128xbf16, #tpu.memory_space<hbm>>
      %dma_start3A_226 = arith.constant 0 : i32
      %dma_start3A_227 = tpu.memref_slice %arg27[%mul3A_220, %dma_start3A_226] : memref<10240x128xbf16, #tpu.memory_space<vmem_shared>> -> memref<640x128xbf16, #tpu.memory_space<vmem_shared>>
      tpu.enqueue_dma source(%dma_start3A_227 : memref<640x128xbf16, #tpu.memory_space<vmem_shared>>) target(%dma_start3A_225 : memref<640x128xbf16, #tpu.memory_space<hbm>>) target_semaphore(%run_scoped3A : memref<!tpu.dma_semaphore, #tpu.memory_space<semaphore_mem>>)
      %dma_wait3A_228 = arith.constant 0 : i32
      %dma_wait3A_229 = tpu.memref_slice %arg5[%arg0, %mul3A_222, %dma_wait3A_228] : memref<2x10240x128xbf16, #tpu.memory_space<hbm>> -> memref<1x640x128xbf16, #tpu.memory_space<hbm>>
      %dma_wait3A_230 = tpu.memref_squeeze %dma_wait3A_229 : memref<1x640x128xbf16, #tpu.memory_space<hbm>> -> memref<640x128xbf16, #tpu.memory_space<hbm>>
      %dma_wait3A_231 = arith.constant 0 : i32
      %dma_wait3A_232 = tpu.memref_slice %arg27[%mul3A_220, %dma_wait3A_231] : memref<10240x128xbf16, #tpu.memory_space<vmem_shared>> -> memref<640x128xbf16, #tpu.memory_space<vmem_shared>>
      tpu.wait_dma2 semaphore(%run_scoped3A : memref<!tpu.dma_semaphore, #tpu.memory_space<semaphore_mem>>) src(%dma_wait3A_232 : memref<640x128xbf16, #tpu.memory_space<vmem_shared>>) dst(%dma_wait3A_230 : memref<640x128xbf16, #tpu.memory_space<hbm>>)
      tpu.yield
    }) : () -> ()
    return
  }
}

module attributes {stable_mosaic.version = 14 : i64} {
  func.func @body(%arg0: i32, %arg1: memref<2000x128xf32, #tpu.memory_space<vmem>>, %arg2: memref<2x2000x16xf32, #tpu.memory_space<vmem>>, %arg3: memref<128x128xf32, #tpu.memory_space<vmem>>, %arg4: memref<1x128xf32, #tpu.memory_space<vmem>>, %arg5: memref<128x32xf32, #tpu.memory_space<vmem>>, %arg6: memref<1x32xf32, #tpu.memory_space<vmem>>, %arg7: memref<1x32xf32, #tpu.memory_space<vmem>>, %arg8: memref<2000x128xbf16, #tpu.memory_space<vmem>>, %arg9: memref<2000x32xf32, #tpu.memory_space<vmem>>) attributes {dimension_semantics = [#tpu.dimension_semantics<arbitrary>], iteration_bounds = array<i64: 5>, scalar_prefetch = 0 : i64, scratch_operands = 0 : i64, tpu.core_type = #tpu.core_type<tc>, window_params = [{transform_indices = @transform_0, window_bounds = array<i64: 2000, 128>}, {transform_indices = @transform_1, window_bounds = array<i64: 2, 2000, 16>}, {pipeline_mode = #tpu.pipeline_mode<synchronous>, transform_indices = @transform_2, window_bounds = array<i64: 128, 128>}, {pipeline_mode = #tpu.pipeline_mode<synchronous>, transform_indices = @transform_3, window_bounds = array<i64: 1, 128>}, {pipeline_mode = #tpu.pipeline_mode<synchronous>, transform_indices = @transform_4, window_bounds = array<i64: 128, 32>}, {pipeline_mode = #tpu.pipeline_mode<synchronous>, transform_indices = @transform_5, window_bounds = array<i64: 1, 32>}, {pipeline_mode = #tpu.pipeline_mode<synchronous>, transform_indices = @transform_6, window_bounds = array<i64: 1, 32>}, {transform_indices = @transform_7, window_bounds = array<i64: 2000, 128>}, {transform_indices = @transform_8, window_bounds = array<i64: 2000, 32>}]} {
    %get3A = arith.constant 0 : index
    %get3A_0 = arith.constant 0 : index
    %get3A_1 = arith.constant 0 : index
    %get3A_2 = vector.load %arg2[%get3A, %get3A_0, %get3A_1] : memref<2x2000x16xf32, #tpu.memory_space<vmem>>, vector<1x2000x1xf32>
    %get3A_3 = vector.shape_cast %get3A_2 : vector<1x2000x1xf32> to vector<2000x1xf32>
    %get3A_4 = arith.constant 1 : index
    %get3A_5 = arith.constant 0 : index
    %get3A_6 = arith.constant 0 : index
    %get3A_7 = vector.load %arg2[%get3A_4, %get3A_5, %get3A_6] : memref<2x2000x16xf32, #tpu.memory_space<vmem>>, vector<1x2000x1xf32>
    %get3A_8 = vector.shape_cast %get3A_7 : vector<1x2000x1xf32> to vector<2000x1xf32>
    %add3A = arith.addf %get3A_3, %get3A_8 : vector<2000x1xf32>
    %get3A_9 = arith.constant 0 : index
    %get3A_10 = arith.constant 0 : index
    %get3A_11 = vector.load %arg1[%get3A_9, %get3A_10] : memref<2000x128xf32, #tpu.memory_space<vmem>>, vector<2000x128xf32>
    %get3A_12 = arith.constant 0 : index
    %get3A_13 = arith.constant 0 : index
    %get3A_14 = vector.load %arg3[%get3A_12, %get3A_13] : memref<128x128xf32, #tpu.memory_space<vmem>>, vector<128x128xf32>
    %dot_general3A = arith.constant dense<0.000000e+00> : vector<2000x128xf32>
    %dot_general3A_15 = tpu.matmul %get3A_11, %get3A_14, %dot_general3A {dimension_numbers = #tpu.dot_dimension_numbers<[1], [0], [0], [1], [0, 0, 1, 1], [], []>, transpose_lhs_hint = false} : vector<2000x128xf32>, vector<128x128xf32>, vector<2000x128xf32> -> vector<2000x128xf32>
    %get3A_16 = arith.constant 0 : index
    %get3A_17 = arith.constant 0 : index
    %get3A_18 = vector.load %arg4[%get3A_16, %get3A_17] : memref<1x128xf32, #tpu.memory_space<vmem>>, vector<1x128xf32>
    %mul3A = vector.broadcast %add3A : vector<2000x1xf32> to vector<2000x128xf32>
    %mul3A_19 = vector.broadcast %get3A_18 : vector<1x128xf32> to vector<2000x128xf32>
    %mul3A_20 = arith.mulf %mul3A, %mul3A_19 : vector<2000x128xf32>
    %add3A_21 = arith.addf %dot_general3A_15, %mul3A_20 : vector<2000x128xf32>
    %convert_element_type3A = arith.truncf %add3A_21 : vector<2000x128xf32> to vector<2000x128xbf16>
    %swap3A = arith.constant 0 : index
    %swap3A_22 = arith.constant 0 : index
    %swap3A_23 = vector.load %arg8[%swap3A, %swap3A_22] : memref<2000x128xbf16, #tpu.memory_space<vmem>>, vector<2000x128xbf16>
    tpu.vector_store %arg8[%swap3A, %swap3A_22], %convert_element_type3A {strides = array<i32>} : memref<2000x128xbf16, #tpu.memory_space<vmem>>, vector<2000x128xbf16>,
    %get3A_24 = arith.constant 0 : index
    %get3A_25 = arith.constant 0 : index
    %get3A_26 = vector.load %arg5[%get3A_24, %get3A_25] : memref<128x32xf32, #tpu.memory_space<vmem>>, vector<128x32xf32>
    %dot_general3A_27 = arith.constant dense<0.000000e+00> : vector<2000x32xf32>
    %dot_general3A_28 = tpu.matmul %get3A_11, %get3A_26, %dot_general3A_27 {dimension_numbers = #tpu.dot_dimension_numbers<[1], [0], [0], [1], [0, 0, 1, 1], [], []>, transpose_lhs_hint = false} : vector<2000x128xf32>, vector<128x32xf32>, vector<2000x32xf32> -> vector<2000x32xf32>
    %get3A_29 = arith.constant 0 : index
    %get3A_30 = arith.constant 0 : index
    %get3A_31 = vector.load %arg6[%get3A_29, %get3A_30] : memref<1x32xf32, #tpu.memory_space<vmem>>, vector<1x32xf32>
    %mul3A_32 = vector.broadcast %add3A : vector<2000x1xf32> to vector<2000x32xf32>
    %mul3A_33 = vector.broadcast %get3A_31 : vector<1x32xf32> to vector<2000x32xf32>
    %mul3A_34 = arith.mulf %mul3A_32, %mul3A_33 : vector<2000x32xf32>
    %add3A_35 = arith.addf %dot_general3A_28, %mul3A_34 : vector<2000x32xf32>
    %get3A_36 = arith.constant 0 : index
    %get3A_37 = arith.constant 0 : index
    %get3A_38 = vector.load %arg7[%get3A_36, %get3A_37] : memref<1x32xf32, #tpu.memory_space<vmem>>, vector<1x32xf32>
    %add3A_39 = vector.broadcast %get3A_38 : vector<1x32xf32> to vector<2000x32xf32>
    %add3A_40 = arith.addf %add3A_35, %add3A_39 : vector<2000x32xf32>
    %swap3A_41 = arith.constant 0 : index
    %swap3A_42 = arith.constant 0 : index
    %swap3A_43 = vector.load %arg9[%swap3A_41, %swap3A_42] : memref<2000x32xf32, #tpu.memory_space<vmem>>, vector<2000x32xf32>
    tpu.vector_store %arg9[%swap3A_41, %swap3A_42], %add3A_40 {strides = array<i32>} : memref<2000x32xf32, #tpu.memory_space<vmem>>, vector<2000x32xf32>,
    return
  }
  func.func @transform_0(%arg0: i32) -> (i32, i32) {
    %c0_i32 = arith.constant 0 : i32
    %c0_i32_0 = arith.constant 0 : i32
    return %arg0, %c0_i32 : i32, i32
  }
  func.func @transform_1(%arg0: i32) -> (i32, i32, i32) {
    %c0_i32 = arith.constant 0 : i32
    %c0_i32_0 = arith.constant 0 : i32
    %c0_i32_1 = arith.constant 0 : i32
    return %c0_i32, %arg0, %c0_i32_0 : i32, i32, i32
  }
  func.func @transform_2(%arg0: i32) -> (i32, i32) {
    %c0_i32 = arith.constant 0 : i32
    %c0_i32_0 = arith.constant 0 : i32
    %c0_i32_1 = arith.constant 0 : i32
    return %c0_i32, %c0_i32_0 : i32, i32
  }
  func.func @transform_3(%arg0: i32) -> (i32, i32) {
    %c0_i32 = arith.constant 0 : i32
    %c0_i32_0 = arith.constant 0 : i32
    %c0_i32_1 = arith.constant 0 : i32
    return %c0_i32, %c0_i32_0 : i32, i32
  }
  func.func @transform_4(%arg0: i32) -> (i32, i32) {
    %c0_i32 = arith.constant 0 : i32
    %c0_i32_0 = arith.constant 0 : i32
    %c0_i32_1 = arith.constant 0 : i32
    return %c0_i32, %c0_i32_0 : i32, i32
  }
  func.func @transform_5(%arg0: i32) -> (i32, i32) {
    %c0_i32 = arith.constant 0 : i32
    %c0_i32_0 = arith.constant 0 : i32
    %c0_i32_1 = arith.constant 0 : i32
    return %c0_i32, %c0_i32_0 : i32, i32
  }
  func.func @transform_6(%arg0: i32) -> (i32, i32) {
    %c0_i32 = arith.constant 0 : i32
    %c0_i32_0 = arith.constant 0 : i32
    %c0_i32_1 = arith.constant 0 : i32
    return %c0_i32, %c0_i32_0 : i32, i32
  }
  func.func @transform_7(%arg0: i32) -> (i32, i32) {
    %c0_i32 = arith.constant 0 : i32
    %c0_i32_0 = arith.constant 0 : i32
    return %arg0, %c0_i32 : i32, i32
  }
  func.func @transform_8(%arg0: i32) -> (i32, i32) {
    %c0_i32 = arith.constant 0 : i32
    %c0_i32_0 = arith.constant 0 : i32
    return %arg0, %c0_i32 : i32, i32
  }
}

module attributes {stable_mosaic.version = 14 : i64} {
  func.func @body(%arg0: i32, %arg1: memref<2x2000x128xbf16, #tpu.memory_space<vmem>>, %arg2: memref<2x2000x16xf32, #tpu.memory_space<vmem>>, %arg3: memref<2000x128xbf16, #tpu.memory_space<vmem>>, %arg4: memref<1x128xf32, #tpu.memory_space<vmem>>, %arg5: memref<128x32xf32, #tpu.memory_space<vmem>>, %arg6: memref<128x32xf32, #tpu.memory_space<vmem>>, %arg7: memref<2000x32xf32, #tpu.memory_space<vmem>>, %arg8: memref<2000x32xbf16, #tpu.memory_space<vmem>>, %arg9: memref<2000x32xf32, #tpu.memory_space<vmem>>) attributes {dimension_semantics = [#tpu.dimension_semantics<arbitrary>], iteration_bounds = array<i64: 5>, scalar_prefetch = 0 : i64, scratch_operands = 0 : i64, tpu.core_type = #tpu.core_type<tc>, window_params = [{transform_indices = @transform_0, window_bounds = array<i64: 2, 2000, 128>}, {transform_indices = @transform_1, window_bounds = array<i64: 2, 2000, 16>}, {transform_indices = @transform_2, window_bounds = array<i64: 2000, 128>}, {pipeline_mode = #tpu.pipeline_mode<synchronous>, transform_indices = @transform_3, window_bounds = array<i64: 1, 128>}, {pipeline_mode = #tpu.pipeline_mode<synchronous>, transform_indices = @transform_4, window_bounds = array<i64: 128, 32>}, {pipeline_mode = #tpu.pipeline_mode<synchronous>, transform_indices = @transform_5, window_bounds = array<i64: 128, 32>}, {transform_indices = @transform_6, window_bounds = array<i64: 2000, 32>}, {transform_indices = @transform_7, window_bounds = array<i64: 2000, 32>}, {transform_indices = @transform_8, window_bounds = array<i64: 2000, 32>}]} {
    %get3A = arith.constant 0 : index
    %get3A_0 = arith.constant 0 : index
    %get3A_1 = arith.constant 0 : index
    %get3A_2 = vector.load %arg2[%get3A, %get3A_0, %get3A_1] : memref<2x2000x16xf32, #tpu.memory_space<vmem>>, vector<1x2000x1xf32>
    %get3A_3 = vector.shape_cast %get3A_2 : vector<1x2000x1xf32> to vector<2000x1xf32>
    %get3A_4 = arith.constant 1 : index
    %get3A_5 = arith.constant 0 : index
    %get3A_6 = arith.constant 0 : index
    %get3A_7 = vector.load %arg2[%get3A_4, %get3A_5, %get3A_6] : memref<2x2000x16xf32, #tpu.memory_space<vmem>>, vector<1x2000x1xf32>
    %get3A_8 = vector.shape_cast %get3A_7 : vector<1x2000x1xf32> to vector<2000x1xf32>
    %add3A = arith.addf %get3A_3, %get3A_8 : vector<2000x1xf32>
    %max3A = arith.constant 1.000000e+00 : f32
    %max3A_9 = vector.broadcast %max3A : f32 to vector<2000x1xf32>
    %max3A_10 = arith.maximumf %add3A, %max3A_9 : vector<2000x1xf32>
    %gt3A = arith.constant 0.000000e+00 : f32
    %gt3A_11 = vector.broadcast %gt3A : f32 to vector<2000x1xf32>
    %gt3A_12 = arith.cmpf ogt, %add3A, %gt3A_11 : vector<2000x1xf32>
    %get3A_13 = arith.constant 0 : index
    %get3A_14 = arith.constant 0 : index
    %get3A_15 = arith.constant 0 : index
    %get3A_16 = vector.load %arg1[%get3A_13, %get3A_14, %get3A_15] : memref<2x2000x128xbf16, #tpu.memory_space<vmem>>, vector<1x2000x128xbf16>
    %get3A_17 = vector.shape_cast %get3A_16 : vector<1x2000x128xbf16> to vector<2000x128xbf16>
    %convert_element_type3A = arith.extf %get3A_17 : vector<2000x128xbf16> to vector<2000x128xf32>
    %get3A_18 = arith.constant 1 : index
    %get3A_19 = arith.constant 0 : index
    %get3A_20 = arith.constant 0 : index
    %get3A_21 = vector.load %arg1[%get3A_18, %get3A_19, %get3A_20] : memref<2x2000x128xbf16, #tpu.memory_space<vmem>>, vector<1x2000x128xbf16>
    %get3A_22 = vector.shape_cast %get3A_21 : vector<1x2000x128xbf16> to vector<2000x128xbf16>
    %convert_element_type3A_23 = arith.extf %get3A_22 : vector<2000x128xbf16> to vector<2000x128xf32>
    %add3A_24 = arith.addf %convert_element_type3A, %convert_element_type3A_23 : vector<2000x128xf32>
    %div3A = vector.broadcast %max3A_10 : vector<2000x1xf32> to vector<2000x128xf32>
    %div3A_25 = arith.divf %add3A_24, %div3A : vector<2000x128xf32>
    %get3A_26 = arith.constant 0 : index
    %get3A_27 = arith.constant 0 : index
    %get3A_28 = vector.load %arg3[%get3A_26, %get3A_27] : memref<2000x128xbf16, #tpu.memory_space<vmem>>, vector<2000x128xbf16>
    %convert_element_type3A_29 = arith.extf %get3A_28 : vector<2000x128xbf16> to vector<2000x128xf32>
    %broadcast_in_dim3A = vector.shape_cast %gt3A_12 : vector<2000x1xi1> to vector<2000x1xi1>
    %broadcast_in_dim3A_30 = vector.broadcast %broadcast_in_dim3A : vector<2000x1xi1> to vector<2000x128xi1>
    %select_n3A = arith.select %broadcast_in_dim3A_30, %div3A_25, %convert_element_type3A_29 : vector<2000x128xi1>, vector<2000x128xf32>
    %get3A_31 = arith.constant 0 : index
    %get3A_32 = arith.constant 0 : index
    %get3A_33 = vector.load %arg4[%get3A_31, %get3A_32] : memref<1x128xf32, #tpu.memory_space<vmem>>, vector<1x128xf32>
    %add3A_34 = vector.broadcast %get3A_33 : vector<1x128xf32> to vector<2000x128xf32>
    %add3A_35 = arith.addf %select_n3A, %add3A_34 : vector<2000x128xf32>
    %max3A_36 = arith.constant 0.000000e+00 : f32
    %max3A_37 = vector.broadcast %max3A_36 : f32 to vector<2000x128xf32>
    %max3A_38 = arith.maximumf %add3A_35, %max3A_37 : vector<2000x128xf32>
    %get3A_39 = arith.constant 0 : index
    %get3A_40 = arith.constant 0 : index
    %get3A_41 = vector.load %arg5[%get3A_39, %get3A_40] : memref<128x32xf32, #tpu.memory_space<vmem>>, vector<128x32xf32>
    %dot_general3A = arith.constant dense<0.000000e+00> : vector<2000x32xf32>
    %dot_general3A_42 = tpu.matmul %max3A_38, %get3A_41, %dot_general3A {dimension_numbers = #tpu.dot_dimension_numbers<[1], [0], [0], [1], [0, 0, 1, 1], [], []>, transpose_lhs_hint = false} : vector<2000x128xf32>, vector<128x32xf32>, vector<2000x32xf32> -> vector<2000x32xf32>
    %convert_element_type3A_43 = arith.truncf %dot_general3A_42 : vector<2000x32xf32> to vector<2000x32xbf16>
    %swap3A = arith.constant 0 : index
    %swap3A_44 = arith.constant 0 : index
    %swap3A_45 = vector.load %arg8[%swap3A, %swap3A_44] : memref<2000x32xbf16, #tpu.memory_space<vmem>>, vector<2000x32xbf16>
    tpu.vector_store %arg8[%swap3A, %swap3A_44], %convert_element_type3A_43 {strides = array<i32>} : memref<2000x32xbf16, #tpu.memory_space<vmem>>, vector<2000x32xbf16>,
    %get3A_46 = arith.constant 0 : index
    %get3A_47 = arith.constant 0 : index
    %get3A_48 = vector.load %arg7[%get3A_46, %get3A_47] : memref<2000x32xf32, #tpu.memory_space<vmem>>, vector<2000x32xf32>
    %get3A_49 = arith.constant 0 : index
    %get3A_50 = arith.constant 0 : index
    %get3A_51 = vector.load %arg6[%get3A_49, %get3A_50] : memref<128x32xf32, #tpu.memory_space<vmem>>, vector<128x32xf32>
    %dot_general3A_52 = arith.constant dense<0.000000e+00> : vector<2000x32xf32>
    %dot_general3A_53 = tpu.matmul %max3A_38, %get3A_51, %dot_general3A_52 {dimension_numbers = #tpu.dot_dimension_numbers<[1], [0], [0], [1], [0, 0, 1, 1], [], []>, transpose_lhs_hint = false} : vector<2000x128xf32>, vector<128x32xf32>, vector<2000x32xf32> -> vector<2000x32xf32>
    %add3A_54 = arith.addf %get3A_48, %dot_general3A_53 : vector<2000x32xf32>
    %swap3A_55 = arith.constant 0 : index
    %swap3A_56 = arith.constant 0 : index
    %swap3A_57 = vector.load %arg9[%swap3A_55, %swap3A_56] : memref<2000x32xf32, #tpu.memory_space<vmem>>, vector<2000x32xf32>
    tpu.vector_store %arg9[%swap3A_55, %swap3A_56], %add3A_54 {strides = array<i32>} : memref<2000x32xf32, #tpu.memory_space<vmem>>, vector<2000x32xf32>,
    return
  }
  func.func @transform_0(%arg0: i32) -> (i32, i32, i32) {
    %c0_i32 = arith.constant 0 : i32
    %c0_i32_0 = arith.constant 0 : i32
    %c0_i32_1 = arith.constant 0 : i32
    return %c0_i32, %arg0, %c0_i32_0 : i32, i32, i32
  }
  func.func @transform_1(%arg0: i32) -> (i32, i32, i32) {
    %c0_i32 = arith.constant 0 : i32
    %c0_i32_0 = arith.constant 0 : i32
    %c0_i32_1 = arith.constant 0 : i32
    return %c0_i32, %arg0, %c0_i32_0 : i32, i32, i32
  }
  func.func @transform_2(%arg0: i32) -> (i32, i32) {
    %c0_i32 = arith.constant 0 : i32
    %c0_i32_0 = arith.constant 0 : i32
    return %arg0, %c0_i32 : i32, i32
  }
  func.func @transform_3(%arg0: i32) -> (i32, i32) {
    %c0_i32 = arith.constant 0 : i32
    %c0_i32_0 = arith.constant 0 : i32
    %c0_i32_1 = arith.constant 0 : i32
    return %c0_i32, %c0_i32_0 : i32, i32
  }
  func.func @transform_4(%arg0: i32) -> (i32, i32) {
    %c0_i32 = arith.constant 0 : i32
    %c0_i32_0 = arith.constant 0 : i32
    %c0_i32_1 = arith.constant 0 : i32
    return %c0_i32, %c0_i32_0 : i32, i32
  }
  func.func @transform_5(%arg0: i32) -> (i32, i32) {
    %c0_i32 = arith.constant 0 : i32
    %c0_i32_0 = arith.constant 0 : i32
    %c0_i32_1 = arith.constant 0 : i32
    return %c0_i32, %c0_i32_0 : i32, i32
  }
  func.func @transform_6(%arg0: i32) -> (i32, i32) {
    %c0_i32 = arith.constant 0 : i32
    %c0_i32_0 = arith.constant 0 : i32
    return %arg0, %c0_i32 : i32, i32
  }
  func.func @transform_7(%arg0: i32) -> (i32, i32) {
    %c0_i32 = arith.constant 0 : i32
    %c0_i32_0 = arith.constant 0 : i32
    return %arg0, %c0_i32 : i32, i32
  }
  func.func @transform_8(%arg0: i32) -> (i32, i32) {
    %c0_i32 = arith.constant 0 : i32
    %c0_i32_0 = arith.constant 0 : i32
    return %arg0, %c0_i32 : i32, i32
  }
}

module attributes {stable_mosaic.version = 14 : i64} {
  func.func @body(%arg0: i32, %arg1: memref<2x2000x32xbf16, #tpu.memory_space<vmem>>, %arg2: memref<2x2000x16xf32, #tpu.memory_space<vmem>>, %arg3: memref<2000x32xbf16, #tpu.memory_space<vmem>>, %arg4: memref<1x32xf32, #tpu.memory_space<vmem>>, %arg5: memref<32x32xf32, #tpu.memory_space<vmem>>, %arg6: memref<2000x32xf32, #tpu.memory_space<vmem>>, %arg7: memref<2000x32xf32, #tpu.memory_space<vmem>>) attributes {dimension_semantics = [#tpu.dimension_semantics<arbitrary>], iteration_bounds = array<i64: 5>, scalar_prefetch = 0 : i64, scratch_operands = 0 : i64, tpu.core_type = #tpu.core_type<tc>, window_params = [{transform_indices = @transform_0, window_bounds = array<i64: 2, 2000, 32>}, {transform_indices = @transform_1, window_bounds = array<i64: 2, 2000, 16>}, {transform_indices = @transform_2, window_bounds = array<i64: 2000, 32>}, {pipeline_mode = #tpu.pipeline_mode<synchronous>, transform_indices = @transform_3, window_bounds = array<i64: 1, 32>}, {pipeline_mode = #tpu.pipeline_mode<synchronous>, transform_indices = @transform_4, window_bounds = array<i64: 32, 32>}, {transform_indices = @transform_5, window_bounds = array<i64: 2000, 32>}, {transform_indices = @transform_6, window_bounds = array<i64: 2000, 32>}]} {
    %get3A = arith.constant 0 : index
    %get3A_0 = arith.constant 0 : index
    %get3A_1 = arith.constant 0 : index
    %get3A_2 = vector.load %arg2[%get3A, %get3A_0, %get3A_1] : memref<2x2000x16xf32, #tpu.memory_space<vmem>>, vector<1x2000x1xf32>
    %get3A_3 = vector.shape_cast %get3A_2 : vector<1x2000x1xf32> to vector<2000x1xf32>
    %get3A_4 = arith.constant 1 : index
    %get3A_5 = arith.constant 0 : index
    %get3A_6 = arith.constant 0 : index
    %get3A_7 = vector.load %arg2[%get3A_4, %get3A_5, %get3A_6] : memref<2x2000x16xf32, #tpu.memory_space<vmem>>, vector<1x2000x1xf32>
    %get3A_8 = vector.shape_cast %get3A_7 : vector<1x2000x1xf32> to vector<2000x1xf32>
    %add3A = arith.addf %get3A_3, %get3A_8 : vector<2000x1xf32>
    %get3A_9 = arith.constant 0 : index
    %get3A_10 = arith.constant 0 : index
    %get3A_11 = arith.constant 0 : index
    %get3A_12 = vector.load %arg1[%get3A_9, %get3A_10, %get3A_11] : memref<2x2000x32xbf16, #tpu.memory_space<vmem>>, vector<1x2000x32xbf16>
    %get3A_13 = vector.shape_cast %get3A_12 : vector<1x2000x32xbf16> to vector<2000x32xbf16>
    %convert_element_type3A = arith.extf %get3A_13 : vector<2000x32xbf16> to vector<2000x32xf32>
    %get3A_14 = arith.constant 1 : index
    %get3A_15 = arith.constant 0 : index
    %get3A_16 = arith.constant 0 : index
    %get3A_17 = vector.load %arg1[%get3A_14, %get3A_15, %get3A_16] : memref<2x2000x32xbf16, #tpu.memory_space<vmem>>, vector<1x2000x32xbf16>
    %get3A_18 = vector.shape_cast %get3A_17 : vector<1x2000x32xbf16> to vector<2000x32xbf16>
    %convert_element_type3A_19 = arith.extf %get3A_18 : vector<2000x32xbf16> to vector<2000x32xf32>
    %add3A_20 = arith.addf %convert_element_type3A, %convert_element_type3A_19 : vector<2000x32xf32>
    %max3A = arith.constant 1.000000e+00 : f32
    %max3A_21 = vector.broadcast %max3A : f32 to vector<2000x1xf32>
    %max3A_22 = arith.maximumf %add3A, %max3A_21 : vector<2000x1xf32>
    %div3A = vector.broadcast %max3A_22 : vector<2000x1xf32> to vector<2000x32xf32>
    %div3A_23 = arith.divf %add3A_20, %div3A : vector<2000x32xf32>
    %gt3A = arith.constant 0.000000e+00 : f32
    %gt3A_24 = vector.broadcast %gt3A : f32 to vector<2000x1xf32>
    %gt3A_25 = arith.cmpf ogt, %add3A, %gt3A_24 : vector<2000x1xf32>
    %get3A_26 = arith.constant 0 : index
    %get3A_27 = arith.constant 0 : index
    %get3A_28 = vector.load %arg3[%get3A_26, %get3A_27] : memref<2000x32xbf16, #tpu.memory_space<vmem>>, vector<2000x32xbf16>
    %convert_element_type3A_29 = arith.extf %get3A_28 : vector<2000x32xbf16> to vector<2000x32xf32>
    %broadcast_in_dim3A = vector.shape_cast %gt3A_25 : vector<2000x1xi1> to vector<2000x1xi1>
    %broadcast_in_dim3A_30 = vector.broadcast %broadcast_in_dim3A : vector<2000x1xi1> to vector<2000x32xi1>
    %select_n3A = arith.select %broadcast_in_dim3A_30, %div3A_23, %convert_element_type3A_29 : vector<2000x32xi1>, vector<2000x32xf32>
    %get3A_31 = arith.constant 0 : index
    %get3A_32 = arith.constant 0 : index
    %get3A_33 = vector.load %arg4[%get3A_31, %get3A_32] : memref<1x32xf32, #tpu.memory_space<vmem>>, vector<1x32xf32>
    %add3A_34 = vector.broadcast %get3A_33 : vector<1x32xf32> to vector<2000x32xf32>
    %add3A_35 = arith.addf %select_n3A, %add3A_34 : vector<2000x32xf32>
    %max3A_36 = arith.constant 0.000000e+00 : f32
    %max3A_37 = vector.broadcast %max3A_36 : f32 to vector<2000x32xf32>
    %max3A_38 = arith.maximumf %add3A_35, %max3A_37 : vector<2000x32xf32>
    %get3A_39 = arith.constant 0 : index
    %get3A_40 = arith.constant 0 : index
    %get3A_41 = vector.load %arg6[%get3A_39, %get3A_40] : memref<2000x32xf32, #tpu.memory_space<vmem>>, vector<2000x32xf32>
    %get3A_42 = arith.constant 0 : index
    %get3A_43 = arith.constant 0 : index
    %get3A_44 = vector.load %arg5[%get3A_42, %get3A_43] : memref<32x32xf32, #tpu.memory_space<vmem>>, vector<32x32xf32>
    %dot_general3A = arith.constant dense<0.000000e+00> : vector<2000x32xf32>
    %dot_general3A_45 = tpu.matmul %max3A_38, %get3A_44, %dot_general3A {dimension_numbers = #tpu.dot_dimension_numbers<[1], [0], [0], [1], [0, 0, 1, 1], [], []>, transpose_lhs_hint = false} : vector<2000x32xf32>, vector<32x32xf32>, vector<2000x32xf32> -> vector<2000x32xf32>
    %add3A_46 = arith.addf %get3A_41, %dot_general3A_45 : vector<2000x32xf32>
    %swap3A = arith.constant 0 : index
    %swap3A_47 = arith.constant 0 : index
    %swap3A_48 = vector.load %arg7[%swap3A, %swap3A_47] : memref<2000x32xf32, #tpu.memory_space<vmem>>, vector<2000x32xf32>
    tpu.vector_store %arg7[%swap3A, %swap3A_47], %add3A_46 {strides = array<i32>} : memref<2000x32xf32, #tpu.memory_space<vmem>>, vector<2000x32xf32>,
    return
  }
  func.func @transform_0(%arg0: i32) -> (i32, i32, i32) {
    %c0_i32 = arith.constant 0 : i32
    %c0_i32_0 = arith.constant 0 : i32
    %c0_i32_1 = arith.constant 0 : i32
    return %c0_i32, %arg0, %c0_i32_0 : i32, i32, i32
  }
  func.func @transform_1(%arg0: i32) -> (i32, i32, i32) {
    %c0_i32 = arith.constant 0 : i32
    %c0_i32_0 = arith.constant 0 : i32
    %c0_i32_1 = arith.constant 0 : i32
    return %c0_i32, %arg0, %c0_i32_0 : i32, i32, i32
  }
  func.func @transform_2(%arg0: i32) -> (i32, i32) {
    %c0_i32 = arith.constant 0 : i32
    %c0_i32_0 = arith.constant 0 : i32
    return %arg0, %c0_i32 : i32, i32
  }
  func.func @transform_3(%arg0: i32) -> (i32, i32) {
    %c0_i32 = arith.constant 0 : i32
    %c0_i32_0 = arith.constant 0 : i32
    %c0_i32_1 = arith.constant 0 : i32
    return %c0_i32, %c0_i32_0 : i32, i32
  }
  func.func @transform_4(%arg0: i32) -> (i32, i32) {
    %c0_i32 = arith.constant 0 : i32
    %c0_i32_0 = arith.constant 0 : i32
    %c0_i32_1 = arith.constant 0 : i32
    return %c0_i32, %c0_i32_0 : i32, i32
  }
  func.func @transform_5(%arg0: i32) -> (i32, i32) {
    %c0_i32 = arith.constant 0 : i32
    %c0_i32_0 = arith.constant 0 : i32
    return %arg0, %c0_i32 : i32, i32
  }
  func.func @transform_6(%arg0: i32) -> (i32, i32) {
    %c0_i32 = arith.constant 0 : i32
    %c0_i32_0 = arith.constant 0 : i32
    return %arg0, %c0_i32 : i32, i32
  }
}

</mosaic_0001>

<sc_bundles>
// kernel: kernel.11.cloned.1.call-start
scs
__scs_entry_jumppad:
0x0: {  	(pc) =	sbr.rel $0x88, $3  }
0x1: {  	(tag) =	ssettag $0x0;
	lr =	simm.s32 $0x1  }
0x2: {  	[smem:$0x3F99] =	sst lr;
	_ =	strace $0xD0000000  }
0x3: {  	_ = 	snop  }
0x4: {  	_ = 	snop  }
0x5: {  	_ = 	snop  }
0x6: {  	_ = 	snop  }
0x7: {  	_ = 	snop  }
__scs_overlays_trampoline_lowered:
0x8: {  	[smem:$0x3FA8] =	sst s0  }
0x9: {  	[smem:$0x3FA9] =	sst s1  }
0xa: {  	[smem:$0x3FAA] =	sst s2  }
0xb: {  	[smem:$0x3FAB] =	sst s3  }
0xc: {  	[smem:$0x3FAC] =	sst s4  }
0xd: {  	[smem:$0x3FAD] =	sst s5  }
0xe: {  	[smem:$0x3FAE] =	sst s6  }
0xf: {  	[smem:$0x3FAF] =	sst s7  }
0x10: {  	[smem:$0x3FB0] =	sst s8  }
0x11: {  	[smem:$0x3FB1] =	sst s9;
	s0 =	simm.s32 @!p0 $0x0  }
0x12: {  	s1 =	sld [smem:$0x3F97];
	s0 =	simm.s32 @p0 $0x1  }
0x13: {  	[smem:$0x3FB2] =	sst s0;
	s0 =	simm.s32 @!p1 $0x0  }
0x14: {  	s2 =	sld [smem:$0x3F96];
	s0 =	simm.s32 @p1 $0x1  }
0x15: {  	[smem:$0x3FB3] =	sst s0;
	s0 =	simm.s32 @!p2 $0x0  }
0x16: {  	s3 =	sld [smem:$0x3FDB];
	s0 =	simm.s32 @p2 $0x1  }
0x17: {  	s4 =	simm.s32 $0x1BF5;
	[smem:$0x3FB5] =	sst s0  }
0x18: {  	s0 =	sld [smem:$0x3F98];
	_ =	swait.ge [sflag:s4], $0x0  }
0x19: {  	s7 =	sld [smem:$0x3F99]  }
0x1a: {  	s8 =	sadd.s32 $0xFFFFE003, lr  }
0x1b: {  	s9 =	sadd.s32 $0xFFFFFEF7, lr;
	s5 =	simm.s32 $0xFFFFFFFF;
	p2 =	slt.u32 s8, $0xFFFFF086  }
0x1c: {  	p1 =	slt.u32 s9, $0xF7A;
	s5 =	simm.s32 @!p2 $0x0  }
0x1d: {  	s5 =	simm.s32 @p1 $0x1;
	p0 =	seq.s32 s7, s2  }
0x1e: {  	s7 =	smul.u32 @!p0 $0xF7A, s2;
	p2 =	seq.s32 @!p0 s5, $0x0  }
0x1f: {  	s9 =	smul.u32 $0xF7A, s1;
	s8 =	simm.s32 @!p0 $0x1BF5;
	p2 =	por !p2, p0  }
0x20: {  	[sflag:s8] =	ssyncset.s32 @!p0 $0xFFFFF086;
	s6 =	sadd.s32 @!p0 s3, s7;
	s7 =	simm.s32 @!p0 $0x108  }
0x21: {  	s3 =	sadd.s32 s3, s9;
	s6 =	sadd.s32 @!p0 $0x88, s6;
	s7 =	simm.s32 @p2 $0x1082  }
0x22: {  	[simem:s7], [sflag:s8] =	dma.local @!p0 [hbm:s6], $0xF7A  }
0x23: {  	s9 =	sor.u32 $0xD0000000, s2;
	s6 =	simm.s32 $0x108;
	_ =	swait.ge @!p0 [sflag:s8], $0x0  }
0x24: {  	s3 =	sadd.s32 $0x88, s3;
	s6 =	simm.s32 @!p1 $0x1082;
	[sflag:s4] =	ssyncset.s32 $0xFFFFF086  }
0x25: {  	[simem:s6], [sflag:s4] =	dma.local [hbm:s3], $0xF7A  }
0x26: {  	[smem:$0x3F99] =	sst s1;
	(tag) =	ssettag s2;
	_ =	strace s9  }
0x27: {  	s1 =	sld [smem:$0x3FA9]  }
0x28: {  	s2 =	sld [smem:$0x3FAA]  }
0x29: {  	s4 =	sld [smem:$0x3FAC]  }
0x2a: {  	p0 =	seq.s32 s5, $0x0;
	s5 =	sld [smem:$0x3FAD]  }
0x2b: {  	s6 =	sld [smem:$0x3FAE]  }
0x2c: {  	s7 =	sld [smem:$0x3FAF]  }
0x2d: {  	s3 =	simm.s32 $0x108;
	s8 =	sld [smem:$0x3FB0]  }
0x2e: {  	s3 =	simm.s32 @!p0 $0x1082;
	s9 =	sld [smem:$0x3FB1]  }
0x2f: {  	lr =	sadd.s32 s0, s3;
	s0 =	sld [smem:$0x3FA8]  }
0x30: {  	s3 =	sld [smem:$0x3FAB]  }
0x31: {  	[smem:$0x3FB4] =	sst s10  }
0x32: {  	s10 =	sld [smem:$0x3FB2];
	_ =	sdelay $0x3  }
0x33: {  	p0 =	seq.s32 s10, $0x1;
	s10 =	sld [smem:$0x3FB4];
	_ =	sdelay $0x3  }
0x34: {  	[smem:$0x3FB4] =	sst s10  }
0x35: {  	s10 =	sld [smem:$0x3FB3];
	_ =	sdelay $0x3  }
0x36: {  	p1 =	seq.s32 s10, $0x1;
	s10 =	sld [smem:$0x3FB4];
	_ =	sdelay $0x3  }
0x37: {  	[smem:$0x3FB4] =	sst s10  }
0x38: {  	s10 =	sld [smem:$0x3FB5]  }
0x39: {  	_ = 	snop;
	(pc) =	sbr.ind lr, $3  }
0x3a: {  	_ = 	snop  }
0x3b: {  	_ = 	snop  }
0x3c: {  	p2 =	seq.s32 s10, $0x1;
	s10 =	sld [smem:$0x3FB4]  }
0x3d: {  	_ =	shalt  }
0x3e: {  	_ =	shalt  }
0x3f: {  	_ =	shalt  }
0x40: {  	_ =	shalt  }
0x41: {  	_ =	shalt  }
0x42: {  	_ =	shalt  }
0x43: {  	_ =	shalt  }
0x44: {  	_ =	shalt  }
0x45: {  	_ =	shalt  }
0x46: {  	_ =	shalt  }
0x47: {  	_ =	shalt  }
0x48: {  	_ =	shalt  }
0x49: {  	_ =	shalt  }
0x4a: {  	_ =	shalt  }
0x4b: {  	_ =	shalt  }
0x4c: {  	_ =	shalt  }
0x4d: {  	_ =	shalt  }
0x4e: {  	_ =	shalt  }
0x4f: {  	_ =	shalt  }
0x50: {  	_ =	shalt  }
0x51: {  	_ =	shalt  }
0x52: {  	_ =	shalt  }
0x53: {  	_ =	shalt  }
0x54: {  	_ =	shalt  }
0x55: {  	_ =	shalt  }
0x56: {  	_ =	shalt  }
0x57: {  	_ =	shalt  }
0x58: {  	_ =	shalt  }
0x59: {  	_ =	shalt  }
0x5a: {  	_ =	shalt  }
0x5b: {  	_ =	shalt  }
0x5c: {  	_ =	shalt  }
0x5d: {  	_ =	shalt  }
0x5e: {  	_ =	shalt  }
0x5f: {  	_ =	shalt  }
0x60: {  	_ =	shalt  }
0x61: {  	_ =	shalt  }
0x62: {  	_ =	shalt  }
0x63: {  	_ =	shalt  }
0x64: {  	_ =	shalt  }
0x65: {  	_ =	shalt  }
0x66: {  	_ =	shalt  }
0x67: {  	_ =	shalt  }
0x68: {  	_ =	shalt  }
0x69: {  	_ =	shalt  }
0x6a: {  	_ =	shalt  }
0x6b: {  	_ =	shalt  }
0x6c: {  	_ =	shalt  }
0x6d: {  	_ =	shalt  }
0x6e: {  	_ =	shalt  }
0x6f: {  	_ =	shalt  }
0x70: {  	_ =	shalt  }
0x71: {  	_ =	shalt  }
0x72: {  	_ =	shalt  }
0x73: {  	_ =	shalt  }
0x74: {  	_ =	shalt  }
0x75: {  	_ =	shalt  }
0x76: {  	_ =	shalt  }
0x77: {  	_ =	shalt  }
0x78: {  	_ =	shalt  }
0x79: {  	_ =	shalt  }
0x7a: {  	_ =	shalt  }
0x7b: {  	_ =	shalt  }
0x7c: {  	_ =	shalt  }
0x7d: {  	_ =	shalt  }
0x7e: {  	_ =	shalt  }
0x7f: {  	_ =	shalt  }
0x80: {  	_ =	shalt  }
0x81: {  	_ =	shalt  }
0x82: {  	_ =	shalt  }
0x83: {  	_ =	shalt  }
0x84: {  	_ =	shalt  }
0x85: {  	_ =	shalt  }
0x86: {  	_ =	shalt  }
0x87: {  	_ =	shalt  }
.Lfunc_end0:
.L_simem_size_0:
called_computation.1_lowered:
.L_overlay_start_0:
0x88: {  	s2 =	sld [smem:$0x3FD9]  }
0x89: {  	s3 =	sld [smem:$0x3FFE];
	_ =	sdelay $0x1  }
0x8a: {  	s1 =	srdreg.scid  }
0x8b: {  	s0 =	sand.u32 $0x1, s1  }
0x8c: {  	s16 =	sshll.u32 s0, $0xA;
	s2 =	sadd.s32 s3, s2  }
0x8d: {  	s2 =	sadd.s32 s2, s16  }
0x8e: {  	[smem:$0x3FC0] =	sst s2  }
0x8f: {  	_ = 	snop  }
0x90: {  	(tm) =	ssettm $0x1  }
0x91: {  	s17 =	sld [smem:$0x3FFB];
	_ =	sdelay $0x3  }
0x92: {  	_ =	strace s17  }
0x93: {  	s2 =	sld [smem:$0x3FFC];
	_ =	sdelay $0x3  }
0x94: {  	_ =	strace s2  }
0x95: {  	s2 =	sld [smem:$0x3FFD];
	_ =	sdelay $0x3  }
0x96: {  	_ =	strace s2  }
0x97: {  	_ =	strace $0x8FFFFFFF  }
0x98: {  	s18 =	sld [smem:$0x3FDB];
	_ =	sdelay $0x1  }
0x99: {  	s19 =	simm.s32 $_scs_section_size  }
0x9a: {  	s4 =	simm.s32 $_size__tile_overlayer_lowered;
	s5 =	simm.s32 $_tile_overlayer_lowered  }
0x9b: {  	s22 =	simm.s32 $0x1BFF;
	s21 =	sshll.u32 s5, $0x1;
	s2 =	sadd.s32 s19, s18  }
0x9c: {  	s6 =	simm.s32 $0x0;
	s20 =	sshll.u32 s4, $0x1;
	s4 =	sadd.s32 s21, s2  }
0x9d: {  	[timem:s6], [sflag:s22] =	dma.local [hbm:s4], s20  }
0x9e: {  	_ =	swait.ge [sflag:s22], s20  }
0x9f: {  	s3 =	ssub.s32 $0x0, s20;
	[sflag:s22] =	ssyncset.done $0x0  }
0xa0: {  	[sflag:s22] =	ssyncadd.s32 s3;
	_ =	sdelay $0x1  }
0xa1: {  	s23 =	simm.s32 $0x1B8B  }
0xa2: {  	_ =	swait.ge [sflag:s23], $0x1  }
0xa3: {  	[sflag:s23] =	ssyncset.done $0x0  }
0xa4: {  	s25 =	simm.s32 $0x1B8E;
	s24 =	sld [smem:$0x3FFE];
	[sflag:s23] =	ssyncadd.s32 $0xFFFFFFFF  }
0xa5: {  	s26 =	simm.s32 $execute0_lowered;
	[smem:$0x3FD2] =	sst s25  }
0xa6: {  	s4 =	sshll.u32 s26, $0x1;
	_ =	strace $0x80000049;
	[dreg:$0x1] =	wrdreg $0xFFFFFFFF  }
0xa7: {  	s28 =	simm.s32 $_size_execute0_lowered;
	s2 =	sadd.s32 s2, s4;
	[dreg:$0x0] =	wrdreg $0x0  }
0xa8: {  	s4 =	sshll.u32 s28, $0x1;
	[dreg:$0x2] =	wrdreg s2  }
0xa9: {  	[dreg:$0x3] =	wrdreg s4  }
0xaa: {  	[dreg:$0x4] =	wrdreg $0xC0  }
0xab: {  	_ =	task [dreg:s6], $0x5FFFF  }
0xac: {  	[dreg:$0x1] =	wrdreg $0xFFFFFFFF  }
0xad: {  	[dreg:$0x0] =	wrdreg $0x60  }
0xae: {  	[dreg:$0x2] =	wrdreg s24  }
0xaf: {  	[dreg:$0x3] =	wrdreg $0x44000  }
0xb0: {  	[dreg:$0x4] =	wrdreg $0xE0400  }
0xb1: {  	[dreg:$0x5] =	wrdreg $0x9  }
0xb2: {  	_ =	task.clear_ibuf [dreg:s6], $0x6FFFF;
	_ =	strace $0x90000049  }
0xb3: {  	s29 =	simm.s32 $0x9;
	_ =	strace $0x8000004B  }
0xb4: {  	_ =	swait.ge [sflag:s29], $0x1  }
0xb5: {  	[sflag:s29] =	ssyncadd.s32 $0xFFFFFFFF  }
0xb6: {  	_ =	strace $0x9000004B  }
0xb7: {  	_ =	sfence  }
0xb8: {  	s30 =	sld [smem:$0x0];
	_ =	sdelay $0x2  }
0xb9: {  	s31 =	sshll.u32 s1, $0xD;
	s1 =	sshrl.u32 s1, $0x2  }
0xba: {  	s3 =	sand.u32 $0x4000, s31;
	s1 =	sadd.s32 s1, s30  }
0xbb: {  	s0 =	sor.u32 s3, s0;
	s1 =	sshll.u32 s1, $0x11  }
0xbc: {  	s0 =	sor.u32 s1, s0  }
0xbd: {  	s0 =	sadd.s32 $0x8F2B, s0  }
0xbe: {  	[sflag:s0] =	ssyncadd.remote.s32 $0x1  }
0xbf: {  	_ =	sfence.sel $0xFFFF  }
0xc0: {  	[dreg:$0x0] =	wrdreg $0xFFFFFFFF;
	(pc) =	sbr.abs _section_cstart, $3  }
0xc1: {  	[dreg:$0x1] =	wrdreg $0xFFFFFFFF  }
0xc2: {  	_ =	task.clear_ibuf [dreg:s6], $0x2FFFF;
	_ =	strace $0x9FFFFFFF  }
0xc3: {  	(tm) =	ssettm $0x7FFFFFFF  }
tec
execute0_lowered:
.L_overlay_start_1:
0x0: {  	(tag) =	ssettag $0x1  }
0x1: {  	s13 =	stileid.u32  }
0x2: {  	s0 =	rddreg [dreg:$0x0];
	s9 =	smul.u32 $0x13880, s13  }
0x3: {  	s2 =	srdreg.scid;
	s8 =	smul.u32 $0x14000, s13  }
0x4: {  	s1 =	simm.s32 $0x0;
	s2 =	sand.u32 $0x1, s2;
	s18 =	smul.u32 $0x2800, s13  }
0x5: {  	[smem:$0x7FF] =	sst s1;
	s4 =	sadd.s32 $0x16200, s0;
	s5 =	smul.u32 $0x140000, s2  }
0x6: {  	s6 =	sshll.u32 s2, $0x4;
	s7 =	ssub.s32 $0x2, s2;
	s2 =	smul.u32 $0x28000, s2  }
0x7: {  	s3 =	sshrl.u32 s9, $0x4;
	s21 =	sor.u32 s13, s6;
	s12 =	sshrl.u32 s7, $0x1  }
0x8: {  	s9 =	sshrl.u32 s9, $0x1;
	s5 =	sadd.s32 s8, s5;
	s11 =	smul.u32 $0x2800, s21  }
0x9: {  	s10 =	sadd.s32 s3, s0;
	s3 =	sadd.s32 $0x2200, s0;
	s5 =	sshrl.u32 s5, $0x4  }
0xa: {  	s7 =	ssub.s32 s7, s12;
	s6 =	sadd.s32 s5, s0;
	s0 =	sshrl.u32 s11, $0x3  }
0xb: {  	s2 =	sadd.s32 s18, s2;
	s8 =	sshrl.u32 s8, $0x1;
	s22 =	sadd.s32 s4, s0  }
0xc: {  	s23 =	sadd.s32 s3, s0;
	s24 =	sor.u32 $0x8, s0;
	[dreg:$0x4] =	wrdreg s22  }
0xd: {  	s10 =	sadd.s32 $0x70200, s10;
	[dreg:$0x5] =	wrdreg s23;
	s25 =	sadd.s32 s4, s24  }
0xe: {  	s26 =	sor.u32 $0x10, s0;
	s5 =	sadd.s32 s3, s24;
	[dreg:$0x6] =	wrdreg s25  }
0xf: {  	s14 =	sor.u32 $0x18, s0;
	s12 =	sadd.s32 s4, s26;
	[dreg:$0x7] =	wrdreg s5  }
0x10: {  	s17 =	sor.u32 $0x28, s0;
	s15 =	sadd.s32 s4, s14;
	[dreg:$0x8] =	wrdreg s12  }
0x11: {  	s11 =	sor.u32 $0x380, s2;
	s19 =	sadd.s32 s4, s17;
	[dreg:$0xa] =	wrdreg s15  }
0x12: {  	s21 =	sor.u32 $0x30, s0;
	s20 =	sadd.s32 s3, s17;
	[dreg:$0xe] =	wrdreg s19  }
0x13: {  	s16 =	sor.u32 $0x20, s0;
	s22 =	sadd.s32 s4, s21;
	[dreg:$0xf] =	wrdreg s20  }
0x14: {  	s0 =	sor.u32 $0x38, s0;
	s5 =	sadd.s32 s3, s26;
	[dreg:$0x10] =	wrdreg s22  }
0x15: {  	s6 =	sadd.s32 $0x83C00, s6;
	s25 =	sadd.s32 s4, s0;
	[dreg:$0x9] =	wrdreg s5  }
0x16: {  	s23 =	sor.u32 $0x3C0, s2;
	s0 =	sadd.s32 s3, s0;
	[dreg:$0x12] =	wrdreg s25  }
0x17: {  	s24 =	sshrl.u32 s23, $0x3;
	s5 =	sadd.s32 s3, s14;
	[dreg:$0x13] =	wrdreg s0  }
0x18: {  	s12 =	sor.u32 $0x340, s2;
	s14 =	sadd.s32 s4, s16;
	[dreg:$0xb] =	wrdreg s5  }
0x19: {  	s15 =	sor.u32 $0x300, s2;
	s26 =	sadd.s32 s24, s3;
	[dreg:$0xc] =	wrdreg s14  }
0x1a: {  	s0 =	sshrl.u32 s11, $0x3;
	s5 =	sadd.s32 s3, s16;
	[dreg:$0x14] =	wrdreg s26  }
0x1b: {  	s19 =	sor.u32 $0x2C0, s2;
	s14 =	sadd.s32 s0, s3;
	[dreg:$0xd] =	wrdreg s5  }
0x1c: {  	s20 =	sshrl.u32 s19, $0x3;
	s0 =	sadd.s32 s0, s4;
	[dreg:$0x16] =	wrdreg s14  }
0x1d: {  	s23 =	sor.u32 $0x240, s2;
	s22 =	sadd.s32 s20, s3;
	[dreg:$0x17] =	wrdreg s0  }
0x1e: {  	s16 =	sshrl.u32 s15, $0x3;
	s5 =	sadd.s32 s3, s21;
	[dreg:$0x1c] =	wrdreg s22  }
0x1f: {  	s26 =	smul.u32 $0x28000, s13;
	s18 =	sadd.s32 s16, s3;
	[dreg:$0x11] =	wrdreg s5  }
0x20: {  	s0 =	sadd.s32 s16, s4;
	s21 =	sor.u32 $0x280, s2;
	[dreg:$0x1a] =	wrdreg s18  }
0x21: {  	s2 =	sor.u32 $0x200, s2;
	s14 =	sshll.u32 s13, $0x6;
	[dreg:$0x1b] =	wrdreg s0  }
0x22: {  	s5 =	sadd.s32 s24, s4;
	s25 =	sshrl.u32 s2, $0x3;
	s2 =	rddreg [dreg:$0x1]  }
0x23: {  	s0 =	sadd.s32 s20, s4;
	[dreg:$0x15] =	wrdreg s5;
	s5 =	sshrl.u32 s12, $0x3  }
0x24: {  	s24 =	sshrl.u32 s23, $0x3;
	[dreg:$0x1d] =	wrdreg s0;
	s17 =	sadd.s32 s5, s3  }
0x25: {  	s23 =	smax.u32 s7, $0x1;
	s5 =	sadd.s32 s5, s4;
	[dreg:$0x18] =	wrdreg s17  }
0x26: {  	s31 =	sadd.s32 s24, s3;
	[dreg:$0x19] =	wrdreg s5;
	s5 =	sshrl.u32 s21, $0x3  }
0x27: {  	s29 =	sadd.s32 s5, s3;
	s30 =	sadd.s32 s5, s4;
	s5 =	rddreg [dreg:$0x2]  }
0x28: {  	s0 =	sadd.s32 s24, s4;
	_ =	strace $0x8000004A;
	[dreg:$0x1e] =	wrdreg s10  }
0x29: {  	s9 =	sadd.s32 s9, s2;
	s12 =	sshrl.u32 s26, $0x2;
	[smem:$0x7FA] =	sst s6  }
0x2a: {  	s24 =	sor.u32 $0x1C0D, s14;
	s3 =	sadd.s32 s25, s3;
	[smem:$0x7FB] =	sst s23  }
0x2b: {  	s4 =	sadd.s32 s25, s4;
	s25 =	sshrl.u32 s9, $0x3;
	[dreg:$0x1f] =	wrdreg s24  }
0x2c: {  	s26 =	sadd.s32 s8, s5;
	s15 =	sadd.s32 s12, s5;
	[smem:$0x7FC] =	sst s25  }
0x2d: {  	s28 =	simm.s32 $0x80;
	s10 =	sadd.s32 $0x1000, s15;
	[smem:$0x7FD] =	sst s26  }
0x2e: {  	s11 =	simm.s32 $0x1C0;
	s16 =	sadd.s32 $0x2000, s15;
	[smem:$0x7F1] =	sst s10  }
0x2f: {  	s13 =	simm.s32 $0x3C0;
	s17 =	sadd.s32 $0x3000, s15;
	[smem:$0x7F2] =	sst s16  }
0x30: {  	s7 =	simm.s32 $0x2;
	s18 =	sadd.s32 $0x4000, s15;
	[smem:$0x7F3] =	sst s17  }
0x31: {  	s14 =	simm.s32 $0x1;
	s19 =	sadd.s32 $0x5000, s15;
	[smem:$0x7F4] =	sst s18  }
0x32: {  	s6 =	simm.s32 $0x2400;
	s20 =	sadd.s32 $0x6000, s15;
	[smem:$0x7F5] =	sst s19  }
0x33: {  	s9 =	simm.s32 $0x8;
	s21 =	sadd.s32 $0x7000, s15;
	[smem:$0x7F6] =	sst s20  }
0x34: {  	s12 =	simm.s32 $0x40;
	s22 =	sadd.s32 $0x8000, s15;
	[smem:$0x7F7] =	sst s21  }
.Ltmp0:
0x35: {  	s8 =	sadd.s32 $0x9000, s15;
	[smem:$0x7F8] =	sst s22;
	(pc) =	sbr.rel .LBB2_1-.Ltmp0, $4  }
0x36: {  	s25 =	simm.s32 $0x0;
	s15 =	simm.s32 $0xD;
	[smem:$0x7F9] =	sst s8  }
0x37: {  	s16 =	simm.s32 $0x400;
	s17 =	simm.s32 $0x1400;
	s10 =	simm.s32 $0x3400  }
0x38: {  	s8 =	simm.s32 $0x9;
	s18 =	simm.s32 $0x3;
	s19 =	simm.s32 $0xA  }
0x39: {  	v0 =	vimm.bf16 $0.0e+00;
	s20 =	simm.s32 $0x4;
	s21 =	simm.s32 $0xB;
	s22 =	simm.s32 $0xC  }
.LBB2_6:
0x3a: {  	[bflag:$0x0] =	sbarrier.arrive $0xFFFF  }
0x3b: {  	s26 =	sld [smem:$0x7FD]  }
0x3c: {  	s25 =	sld [smem:$0x7FA];
	_ =	sdelay $0x1  }
0x3d: {  	s24 =	rddreg [dreg:$0x1f];
	s23 =	sshrl.u32 s26, $0x3  }
0x3e: {  	[hbm:s25], [sflag:s24] =	dma.local [spmem:s23], $0x1400  }
0x3f: {  	_ =	swait.ge [sflag:s15], $0x1400  }
0x40: {  	s23 =	sld [smem:$0x7F0];
	_ =	sdelay $0x2  }
0x41: {  	s25 =	sadd.s32 $0x1, s23;
	s23 =	sld [smem:$0x7FB];
	_ =	sdelay $0x2  }
0x42: {  	p0 =	sne.s32 s25, s23  }
.Ltmp1:
0x43: {  	_ = 	snop;
	(pc) =	sbr.rel @!p0 .LBB2_7-.Ltmp1, $3  }
0x44: {  	_ =	sdelay $0x1  }
0x45: {  	[sflag:s15] =	ssyncset.done $0x0  }
0x46: {  	s28 =	simm.s32 $0x80;
	[sflag:s15] =	ssyncadd.s32 $0xFFFFEC00  }
.LBB2_1:
0x47: {  	[smem:$0x7F0] =	sst s25  }
0x48: {  	s23 =	rddreg [dreg:$0x4]  }
0x49: {  	[tilespmem:s1], [sflag:$0x5] =	stream.linear.gather [hbm4b:s23+s1], $0x40, $0x38;
	[tilespmem:$0x18040] =	vst v63  }
0x4a: {  	s25 =	simm.s32 $0x200;
	s23 =	rddreg [dreg:$0x5]  }
0x4b: {  	[tilespmem:s25], [sflag:$0x5] =	stream.linear.gather [hbm4b:s23+s1], $0x40, $0x38;
	[tilespmem:$0x18040] =	vst v63  }
0x4c: {  	s25 =	rddreg [dreg:$0x6]  }
0x4d: {  	[tilespmem:s12], [sflag:$0x6] =	stream.linear.gather [hbm4b:s25+s1], $0x40, $0x38;
	[tilespmem:$0x18040] =	vst v63  }
0x4e: {  	s23 =	rddreg [dreg:$0x7];
	s25 =	simm.s32 $0x240  }
0x4f: {  	[tilespmem:s25], [sflag:$0x6] =	stream.linear.gather [hbm4b:s23+s1], $0x40, $0x38;
	[tilespmem:$0x18040] =	vst v63  }
0x50: {  	s25 =	rddreg [dreg:$0x8]  }
0x51: {  	[tilespmem:s28], [sflag:$0x7] =	stream.linear.gather [hbm4b:s25+s1], $0x40, $0x38;
	[tilespmem:$0x18040] =	vst v63  }
0x52: {  	s23 =	rddreg [dreg:$0x9];
	s25 =	simm.s32 $0x280  }
0x53: {  	[tilespmem:s25], [sflag:$0x7] =	stream.linear.gather [hbm4b:s23+s1], $0x40, $0x38;
	[tilespmem:$0x18040] =	vst v63  }
0x54: {  	s23 =	rddreg [dreg:$0xa];
	s25 =	simm.s32 $0xC0  }
0x55: {  	[tilespmem:s25], [sflag:$0x8] =	stream.linear.gather [hbm4b:s23+s1], $0x40, $0x38;
	[tilespmem:$0x18040] =	vst v63  }
0x56: {  	s23 =	rddreg [dreg:$0xb];
	s25 =	simm.s32 $0x2C0  }
0x57: {  	[tilespmem:s25], [sflag:$0x8] =	stream.linear.gather [hbm4b:s23+s1], $0x40, $0x38;
	[tilespmem:$0x18040] =	vst v63  }
0x58: {  	s23 =	rddreg [dreg:$0xc];
	s25 =	simm.s32 $0x100  }
0x59: {  	[tilespmem:s25], [sflag:$0x9] =	stream.linear.gather [hbm4b:s23+s1], $0x40, $0x38;
	[tilespmem:$0x18040] =	vst v63  }
0x5a: {  	s23 =	rddreg [dreg:$0xd];
	s25 =	simm.s32 $0x300  }
0x5b: {  	[tilespmem:s25], [sflag:$0x9] =	stream.linear.gather [hbm4b:s23+s1], $0x40, $0x38;
	[tilespmem:$0x18040] =	vst v63  }
0x5c: {  	s23 =	rddreg [dreg:$0xe];
	s25 =	simm.s32 $0x140  }
0x5d: {  	[tilespmem:s25], [sflag:$0xA] =	stream.linear.gather [hbm4b:s23+s1], $0x40, $0x38;
	[tilespmem:$0x18040] =	vst v63  }
0x5e: {  	s23 =	rddreg [dreg:$0xf];
	s25 =	simm.s32 $0x340  }
0x5f: {  	[tilespmem:s25], [sflag:$0xA] =	stream.linear.gather [hbm4b:s23+s1], $0x40, $0x38;
	[tilespmem:$0x18040] =	vst v63  }
0x60: {  	s23 =	rddreg [dreg:$0x10];
	s25 =	simm.s32 $0x180  }
0x61: {  	[tilespmem:s25], [sflag:$0xB] =	stream.linear.gather [hbm4b:s23+s1], $0x40, $0x38;
	[tilespmem:$0x18040] =	vst v63  }
0x62: {  	s23 =	rddreg [dreg:$0x11];
	s25 =	simm.s32 $0x380  }
0x63: {  	[tilespmem:s25], [sflag:$0xB] =	stream.linear.gather [hbm4b:s23+s1], $0x40, $0x38;
	[tilespmem:$0x18040] =	vst v63  }
0x64: {  	s25 =	rddreg [dreg:$0x12]  }
0x65: {  	[tilespmem:s11], [sflag:$0xC] =	stream.linear.gather [hbm4b:s25+s1], $0x40, $0x38;
	[tilespmem:$0x18040] =	vst v63  }
0x66: {  	s25 =	rddreg [dreg:$0x13]  }
0x67: {  	[tilespmem:s13], [sflag:$0xC] =	stream.linear.gather [hbm4b:s25+s1], $0x40, $0x38;
	[tilespmem:$0x18040] =	vst v63  }
0x68: {  	s25 =	sld [smem:$0x7FC];
	_ =	sdelay $0x1  }
0x69: {  	s23 =	rddreg [dreg:$0x1e]  }
0x6a: {  	[spmem:s25], [sflag:s24] =	dma.local [hbm:s23], $0x1388  }
0x6b: {  	_ =	swait.ge [sflag:s15], $0x1388  }
0x6c: {  	[sflag:s15] =	ssyncset.done $0x0  }
0x6d: {  	s24 =	simm.s32 $0x100;
	s23 =	simm.s32 $0x0;
	[sflag:s15] =	ssyncadd.s32 $0xFFFFEC78  }
.LBB2_2:
0x6e: {  	p0 =	sne.s32 s24, $0x3F00;
	[tilespmem:s23+$0x430] =	vst v0;
	s25 =	smov.u32 s24;
	s24 =	sadd.s32 $0x100, s24  }
.Ltmp2:
0x6f: {  	[tilespmem:s23+$0x420] =	vst v0;
	(pc) =	sbr.rel @p0 .LBB2_2-.Ltmp2, $3  }
0x70: {  	[tilespmem:s23+$0x400] =	vst v0  }
0x71: {  	[tilespmem:s23+$0x410] =	vst v0;
	_ =	sdelay $0x1  }
0x72: {  	s23 =	sshra.s32 s25, $0x2  }
0x73: {  	[tilespmem:s23+$0x430] =	vst v0  }
0x74: {  	[tilespmem:s23+$0x420] =	vst v0  }
0x75: {  	[tilespmem:s23+$0x400] =	vst v0  }
0x76: {  	[tilespmem:s23+$0x410] =	vst v0  }
0x77: {  	[spmem:s26] =	stream.linear.scatter [tilespmem:s16], [sflag:$0xD], $0x1000, $0x38;
	[tilespmem:$0x18040] =	vst v63  }
0x78: {  	_ =	swait.ge [sflag:s15], $0x1000  }
0x79: {  	s25 =	sld [smem:$0x7F1]  }
0x7a: {  	[sflag:s15] =	ssyncset.done $0x0  }
0x7b: {  	[sflag:s15] =	ssyncadd.s32 $0xFFFFF000  }
0x7c: {  	[spmem:s25] =	stream.linear.scatter [tilespmem:s16], [sflag:$0xD], $0x1000, $0x38;
	[tilespmem:$0x18040] =	vst v63  }
0x7d: {  	_ =	swait.ge [sflag:s15], $0x1000  }
0x7e: {  	s26 =	sld [smem:$0x7F2]  }
0x7f: {  	[sflag:s15] =	ssyncset.done $0x0  }
0x80: {  	[sflag:s15] =	ssyncadd.s32 $0xFFFFF000  }
0x81: {  	[spmem:s26] =	stream.linear.scatter [tilespmem:s16], [sflag:$0xD], $0x1000, $0x38;
	[tilespmem:$0x18040] =	vst v63  }
0x82: {  	_ =	swait.ge [sflag:s15], $0x1000  }
0x83: {  	s24 =	sld [smem:$0x7F3]  }
0x84: {  	[sflag:s15] =	ssyncset.done $0x0  }
0x85: {  	[sflag:s15] =	ssyncadd.s32 $0xFFFFF000  }
0x86: {  	[spmem:s24] =	stream.linear.scatter [tilespmem:s16], [sflag:$0xD], $0x1000, $0x38;
	[tilespmem:$0x18040] =	vst v63  }
0x87: {  	_ =	swait.ge [sflag:s15], $0x1000  }
0x88: {  	s25 =	sld [smem:$0x7F4]  }
0x89: {  	[sflag:s15] =	ssyncset.done $0x0  }
0x8a: {  	[sflag:s15] =	ssyncadd.s32 $0xFFFFF000  }
0x8b: {  	[spmem:s25] =	stream.linear.scatter [tilespmem:s16], [sflag:$0xD], $0x1000, $0x38;
	[tilespmem:$0x18040] =	vst v63  }
0x8c: {  	_ =	swait.ge [sflag:s15], $0x1000  }
0x8d: {  	s26 =	sld [smem:$0x7F5]  }
0x8e: {  	[sflag:s15] =	ssyncset.done $0x0  }
0x8f: {  	[sflag:s15] =	ssyncadd.s32 $0xFFFFF000  }
0x90: {  	[spmem:s26] =	stream.linear.scatter [tilespmem:s16], [sflag:$0xD], $0x1000, $0x38;
	[tilespmem:$0x18040] =	vst v63  }
0x91: {  	_ =	swait.ge [sflag:s15], $0x1000  }
0x92: {  	s24 =	sld [smem:$0x7F6]  }
0x93: {  	[sflag:s15] =	ssyncset.done $0x0  }
0x94: {  	[sflag:s15] =	ssyncadd.s32 $0xFFFFF000  }
0x95: {  	[spmem:s24] =	stream.linear.scatter [tilespmem:s16], [sflag:$0xD], $0x1000, $0x38;
	[tilespmem:$0x18040] =	vst v63  }
0x96: {  	_ =	swait.ge [sflag:s15], $0x1000  }
0x97: {  	s25 =	sld [smem:$0x7F7]  }
0x98: {  	[sflag:s15] =	ssyncset.done $0x0  }
0x99: {  	[sflag:s15] =	ssyncadd.s32 $0xFFFFF000  }
0x9a: {  	[spmem:s25] =	stream.linear.scatter [tilespmem:s16], [sflag:$0xD], $0x1000, $0x38;
	[tilespmem:$0x18040] =	vst v63  }
0x9b: {  	_ =	swait.ge [sflag:s15], $0x1000  }
0x9c: {  	s26 =	sld [smem:$0x7F8]  }
0x9d: {  	[sflag:s15] =	ssyncset.done $0x0  }
0x9e: {  	[sflag:s15] =	ssyncadd.s32 $0xFFFFF000  }
0x9f: {  	[spmem:s26] =	stream.linear.scatter [tilespmem:s16], [sflag:$0xD], $0x1000, $0x38;
	[tilespmem:$0x18040] =	vst v63  }
0xa0: {  	_ =	swait.ge [sflag:s15], $0x1000  }
0xa1: {  	s24 =	sld [smem:$0x7F9]  }
0xa2: {  	[sflag:s15] =	ssyncset.done $0x0  }
0xa3: {  	[sflag:s15] =	ssyncadd.s32 $0xFFFFF000  }
0xa4: {  	[spmem:s24] =	stream.linear.scatter [tilespmem:s16], [sflag:$0xD], $0x1000, $0x38;
	[tilespmem:$0x18040] =	vst v63  }
0xa5: {  	_ =	swait.ge [sflag:s15], $0x1000  }
0xa6: {  	[sflag:s15] =	ssyncset.done $0x0  }
0xa7: {  	[sflag:s15] =	ssyncadd.s32 $0xFFFFF000  }
0xa8: {  	s25 =	simm.s32 $0x5;
	[bflag:$0x0] =	sbarrier.arrive $0xFFFF  }
0xa9: {  	_ =	swait.ge [sflag:s25], $0x40  }
0xaa: {  	[sflag:s25] =	ssyncset.done $0x0  }
0xab: {  	[sflag:s25] =	ssyncadd.s32 $0xFFFFFFC0  }
0xac: {  	_ =	swait.ge [sflag:s25], $0x40  }
0xad: {  	[sflag:s25] =	ssyncset.done $0x0  }
0xae: {  	s23 =	simm.s32 $0x0;
	s24 =	simm.s32 $0x6;
	[sflag:s25] =	ssyncadd.s32 $0xFFFFFFC0  }
0xaf: {  	[tilespmem:s16], [sflag:$0x1] =	stream.indirect.gather [spmem:s2], $0x40, s23, s12, $0xb8;
	[tilespmem:$0x18040] =	vst v63  }
0xb0: {  	_ =	swait.ge [sflag:s24], $0x40  }
0xb1: {  	[sflag:s24] =	ssyncset.done $0x0  }
0xb2: {  	[sflag:s24] =	ssyncadd.s32 $0xFFFFFFC0  }
0xb3: {  	_ =	swait.ge [sflag:s24], $0x40  }
0xb4: {  	[sflag:s24] =	ssyncset.done $0x0  }
0xb5: {  	s26 =	simm.s32 $0x7;
	[sflag:s24] =	ssyncadd.s32 $0xFFFFFFC0  }
0xb6: {  	[tilespmem:s17], [sflag:$0x2] =	stream.indirect.gather [spmem:s2], $0x40, s12, s12, $0xb8;
	[tilespmem:$0x18040] =	vst v63  }
0xb7: {  	_ =	swait.ge [sflag:s26], $0x40  }
0xb8: {  	[sflag:s26] =	ssyncset.done $0x0  }
0xb9: {  	[sflag:s26] =	ssyncadd.s32 $0xFFFFFFC0  }
0xba: {  	_ =	swait.ge [sflag:s26], $0x40  }
0xbb: {  	[sflag:s26] =	ssyncset.done $0x0  }
0xbc: {  	[sflag:s26] =	ssyncadd.s32 $0xFFFFFFC0  }
0xbd: {  	[tilespmem:s6], [sflag:$0x3] =	stream.indirect.gather [spmem:s2], $0x40, s28, s12, $0xb8;
	[tilespmem:$0x18040] =	vst v63  }
.LBB2_4:
0xbe: {  	_ =	swait.ge [sflag:s14], $0x1000  }
0xbf: {  	[sflag:s14] =	ssyncset.done $0x0  }
0xc0: {  	[sflag:s14] =	ssyncadd.s32 $0xFFFFF000  }
0xc1: {  	_ =	swait.ge [sflag:s9], $0x40  }
0xc2: {  	[sflag:s9] =	ssyncset.done $0x0  }
0xc3: {  	[sflag:s9] =	ssyncadd.s32 $0xFFFFFFC0  }
0xc4: {  	_ =	swait.ge [sflag:s9], $0x40  }
0xc5: {  	[sflag:s9] =	ssyncset.done $0x0  }
0xc6: {  	s24 =	simm.s32 $0xC0;
	[sflag:s9] =	ssyncadd.s32 $0xFFFFFFC0  }
0xc7: {  	[tilespmem:s10], [sflag:$0x4] =	stream.indirect.gather [spmem:s2], $0x40, s24, s12, $0xb8;
	[tilespmem:$0x18040] =	vst v63  }
0xc8: {  	s25 =	simm.s32 $0x200  }
0xc9: {  	[spmem:s5] =	stream.indirect.scatter.add.bf16 [tilespmem:s16], [sflag:$0xD], $0x40, s25, s12, $0xb8;
	[tilespmem:$0x18040] =	vst v63  }
0xca: {  	_ =	swait.ge [sflag:s15], $0x1000  }
0xcb: {  	p0 =	seq.s32 s23, $0x4C0;
	[sflag:s15] =	ssyncset.done $0x0  }
0xcc: {  	s24 =	simm.s32 @!p0 $0x0;
	s25 =	sadd.s32 @!p0 s23, s4;
	[sflag:s15] =	ssyncadd.s32 $0xFFFFF000  }
0xcd: {  	[tilespmem:s24], [sflag:$0x5] =	stream.linear.gather @!p0 [hbm4b:s25+s24], $0x40, $0x38;
	[tilespmem:$0x18040] =	vst v63  }
0xce: {  	s26 =	simm.s32 @!p0 $0x200;
	s25 =	sadd.s32 @!p0 s23, s3  }
0xcf: {  	[tilespmem:s26], [sflag:$0x5] =	stream.linear.gather @!p0 [hbm4b:s25+s24], $0x40, $0x38;
	[tilespmem:$0x18040] =	vst v63  }
0xd0: {  	_ =	swait.ge [sflag:s7], $0x1000  }
0xd1: {  	[sflag:s7] =	ssyncset.done $0x0  }
0xd2: {  	[sflag:s7] =	ssyncadd.s32 $0xFFFFF000  }
0xd3: {  	_ =	swait.ge [sflag:s8], $0x40  }
0xd4: {  	[sflag:s8] =	ssyncset.done $0x0  }
0xd5: {  	[sflag:s8] =	ssyncadd.s32 $0xFFFFFFC0  }
0xd6: {  	_ =	swait.ge [sflag:s8], $0x40  }
0xd7: {  	[sflag:s8] =	ssyncset.done $0x0  }
0xd8: {  	s26 =	simm.s32 $0x100;
	[sflag:s8] =	ssyncadd.s32 $0xFFFFFFC0  }
0xd9: {  	[tilespmem:s16], [sflag:$0x1] =	stream.indirect.gather [spmem:s2], $0x40, s26, s12, $0xb8;
	[tilespmem:$0x18040] =	vst v63  }
0xda: {  	s28 =	simm.s32 $0x240  }
0xdb: {  	[spmem:s5] =	stream.indirect.scatter.add.bf16 [tilespmem:s17], [sflag:$0xD], $0x40, s28, s12, $0xb8;
	[tilespmem:$0x18040] =	vst v63  }
0xdc: {  	_ =	swait.ge [sflag:s15], $0x1000  }
0xdd: {  	[sflag:s15] =	ssyncset.done $0x0  }
0xde: {  	s25 =	sadd.s32 @!p0 s23, s0;
	s26 =	simm.s32 @!p0 $0x40;
	[sflag:s15] =	ssyncadd.s32 $0xFFFFF000  }
0xdf: {  	[tilespmem:s26], [sflag:$0x6] =	stream.linear.gather @!p0 [hbm4b:s25+s24], $0x40, $0x38;
	[tilespmem:$0x18040] =	vst v63  }
0xe0: {  	s25 =	sadd.s32 @!p0 s23, s31;
	s26 =	simm.s32 @!p0 $0x240  }
0xe1: {  	[tilespmem:s26], [sflag:$0x6] =	stream.linear.gather @!p0 [hbm4b:s25+s24], $0x40, $0x38;
	[tilespmem:$0x18040] =	vst v63  }
0xe2: {  	_ =	swait.ge [sflag:s18], $0x1000  }
0xe3: {  	[sflag:s18] =	ssyncset.done $0x0  }
0xe4: {  	[sflag:s18] =	ssyncadd.s32 $0xFFFFF000  }
0xe5: {  	_ =	swait.ge [sflag:s19], $0x40  }
0xe6: {  	[sflag:s19] =	ssyncset.done $0x0  }
0xe7: {  	[sflag:s19] =	ssyncadd.s32 $0xFFFFFFC0  }
0xe8: {  	_ =	swait.ge [sflag:s19], $0x40  }
0xe9: {  	[sflag:s19] =	ssyncset.done $0x0  }
0xea: {  	s26 =	simm.s32 $0x140;
	[sflag:s19] =	ssyncadd.s32 $0xFFFFFFC0  }
0xeb: {  	[tilespmem:s17], [sflag:$0x2] =	stream.indirect.gather [spmem:s2], $0x40, s26, s12, $0xb8;
	[tilespmem:$0x18040] =	vst v63  }
0xec: {  	s28 =	simm.s32 $0x280  }
0xed: {  	[spmem:s5] =	stream.indirect.scatter.add.bf16 [tilespmem:s6], [sflag:$0xD], $0x40, s28, s12, $0xb8;
	[tilespmem:$0x18040] =	vst v63  }
0xee: {  	_ =	swait.ge [sflag:s15], $0x1000  }
0xef: {  	[sflag:s15] =	ssyncset.done $0x0  }
0xf0: {  	s25 =	sadd.s32 @!p0 s23, s30;
	s26 =	simm.s32 @!p0 $0x80;
	[sflag:s15] =	ssyncadd.s32 $0xFFFFF000  }
0xf1: {  	[tilespmem:s26], [sflag:$0x7] =	stream.linear.gather @!p0 [hbm4b:s25+s24], $0x40, $0x38;
	[tilespmem:$0x18040] =	vst v63  }
0xf2: {  	s25 =	sadd.s32 @!p0 s23, s29;
	s26 =	simm.s32 @!p0 $0x280  }
0xf3: {  	[tilespmem:s26], [sflag:$0x7] =	stream.linear.gather @!p0 [hbm4b:s25+s24], $0x40, $0x38;
	[tilespmem:$0x18040] =	vst v63  }
0xf4: {  	_ =	swait.ge [sflag:s20], $0x1000  }
0xf5: {  	[sflag:s20] =	ssyncset.done $0x0  }
0xf6: {  	[sflag:s20] =	ssyncadd.s32 $0xFFFFF000  }
0xf7: {  	_ =	swait.ge [sflag:s21], $0x40  }
0xf8: {  	[sflag:s21] =	ssyncset.done $0x0  }
0xf9: {  	[sflag:s21] =	ssyncadd.s32 $0xFFFFFFC0  }
0xfa: {  	_ =	swait.ge [sflag:s21], $0x40  }
0xfb: {  	[sflag:s21] =	ssyncset.done $0x0  }
0xfc: {  	s26 =	simm.s32 $0x180;
	[sflag:s21] =	ssyncadd.s32 $0xFFFFFFC0  }
0xfd: {  	[tilespmem:s6], [sflag:$0x3] =	stream.indirect.gather [spmem:s2], $0x40, s26, s12, $0xb8;
	[tilespmem:$0x18040] =	vst v63  }
0xfe: {  	s28 =	simm.s32 $0x2C0  }
0xff: {  	[spmem:s5] =	stream.indirect.scatter.add.bf16 [tilespmem:s10], [sflag:$0xD], $0x40, s28, s12, $0xb8;
	[tilespmem:$0x18040] =	vst v63  }
0x100: {  	_ =	swait.ge [sflag:s15], $0x1000  }
0x101: {  	[sflag:s15] =	ssyncset.done $0x0;
	s25 =	rddreg [dreg:$0x1d]  }
0x102: {  	s26 =	simm.s32 @!p0 $0xC0;
	[sflag:s15] =	ssyncadd.s32 $0xFFFFF000;
	s25 =	sadd.s32 @!p0 s23, s25  }
0x103: {  	[tilespmem:s26], [sflag:$0x8] =	stream.linear.gather @!p0 [hbm4b:s25+s24], $0x40, $0x38;
	[tilespmem:$0x18040] =	vst v63  }
0x104: {  	s25 =	rddreg [dreg:$0x1c]  }
0x105: {  	s26 =	simm.s32 @!p0 $0x2C0;
	s25 =	sadd.s32 @!p0 s23, s25  }
0x106: {  	[tilespmem:s26], [sflag:$0x8] =	stream.linear.gather @!p0 [hbm4b:s25+s24], $0x40, $0x38;
	[tilespmem:$0x18040] =	vst v63  }
0x107: {  	_ =	swait.ge [sflag:s14], $0x1000  }
0x108: {  	[sflag:s14] =	ssyncset.done $0x0  }
0x109: {  	[sflag:s14] =	ssyncadd.s32 $0xFFFFF000  }
0x10a: {  	_ =	swait.ge [sflag:s22], $0x40  }
0x10b: {  	[sflag:s22] =	ssyncset.done $0x0  }
0x10c: {  	[sflag:s22] =	ssyncadd.s32 $0xFFFFFFC0  }
0x10d: {  	_ =	swait.ge [sflag:s22], $0x40  }
0x10e: {  	[sflag:s22] =	ssyncset.done $0x0  }
0x10f: {  	[sflag:s22] =	ssyncadd.s32 $0xFFFFFFC0  }
0x110: {  	[tilespmem:s10], [sflag:$0x4] =	stream.indirect.gather [spmem:s2], $0x40, s11, s12, $0xb8;
	[tilespmem:$0x18040] =	vst v63  }
0x111: {  	s26 =	simm.s32 $0x300  }
0x112: {  	[spmem:s5] =	stream.indirect.scatter.add.bf16 [tilespmem:s16], [sflag:$0xD], $0x40, s26, s12, $0xb8;
	[tilespmem:$0x18040] =	vst v63  }
0x113: {  	p1 =	sne.s32 s23, $0x4C0;
	_ =	swait.ge [sflag:s15], $0x1000  }
0x114: {  	s25 =	simm.s32 @p1 $0x0;
	[sflag:s15] =	ssyncset.done $0x0;
	s24 =	rddreg [dreg:$0x1b]  }
0x115: {  	s26 =	simm.s32 @p1 $0x100;
	[sflag:s15] =	ssyncadd.s32 $0xFFFFF000;
	s24 =	sadd.s32 @p1 s23, s24  }
0x116: {  	[tilespmem:s26], [sflag:$0x9] =	stream.linear.gather @p1 [hbm4b:s24+s25], $0x40, $0x38;
	[tilespmem:$0x18040] =	vst v63  }
0x117: {  	s24 =	rddreg [dreg:$0x1a]  }
0x118: {  	s26 =	simm.s32 @p1 $0x300;
	s24 =	sadd.s32 @p1 s23, s24  }
0x119: {  	[tilespmem:s26], [sflag:$0x9] =	stream.linear.gather @p1 [hbm4b:s24+s25], $0x40, $0x38;
	[tilespmem:$0x18040] =	vst v63  }
0x11a: {  	s24 =	simm.s32 @p1 $0x2  }
0x11b: {  	_ =	swait.ge @p1 [sflag:s24], $0x1000  }
0x11c: {  	[sflag:s24] =	ssyncset.done @p1 $0x0  }
0x11d: {  	[sflag:s24] =	ssyncadd.s32 @p1 $0xFFFFF000;
	s24 =	simm.s32 @p1 $0x5  }
0x11e: {  	_ =	swait.ge @p1 [sflag:s24], $0x40  }
0x11f: {  	[sflag:s24] =	ssyncset.done @p1 $0x0  }
0x120: {  	[sflag:s24] =	ssyncadd.s32 @p1 $0xFFFFFFC0  }
0x121: {  	_ =	swait.ge @p1 [sflag:s24], $0x40  }
0x122: {  	[sflag:s24] =	ssyncset.done @p1 $0x0  }
0x123: {  	s26 =	simm.s32 @p1 $0x400;
	[sflag:s24] =	ssyncadd.s32 @p1 $0xFFFFFFC0;
	s24 =	simm.s32 @p1 $0x40  }
0x124: {  	[tilespmem:s26], [sflag:$0x1] =	stream.indirect.gather @p1 [spmem:s2], $0x40, s25, s24, $0xb8;
	[tilespmem:$0x18040] =	vst v63  }
0x125: {  	s26 =	simm.s32 @!p1 $0x2  }
0x126: {  	_ =	swait.ge @!p1 [sflag:s26], $0x1000  }
0x127: {  	[sflag:s26] =	ssyncset.done @!p1 $0x0  }
0x128: {  	s28 =	simm.s32 $0x340;
	[sflag:s26] =	ssyncadd.s32 @!p1 $0xFFFFF000  }
0x129: {  	[spmem:s5] =	stream.indirect.scatter.add.bf16 [tilespmem:s17], [sflag:$0xD], $0x40, s28, s12, $0xb8;
	[tilespmem:$0x18040] =	vst v63  }
0x12a: {  	_ =	swait.ge [sflag:s15], $0x1000  }
0x12b: {  	[sflag:s15] =	ssyncset.done $0x0;
	s26 =	rddreg [dreg:$0x19]  }
0x12c: {  	s28 =	simm.s32 @p1 $0x140;
	[sflag:s15] =	ssyncadd.s32 $0xFFFFF000;
	s26 =	sadd.s32 @p1 s23, s26  }
0x12d: {  	[tilespmem:s28], [sflag:$0xA] =	stream.linear.gather @p1 [hbm4b:s26+s25], $0x40, $0x38;
	[tilespmem:$0x18040] =	vst v63  }
0x12e: {  	s26 =	rddreg [dreg:$0x18]  }
0x12f: {  	s28 =	simm.s32 @p1 $0x340;
	s26 =	sadd.s32 @p1 s23, s26  }
0x130: {  	[tilespmem:s28], [sflag:$0xA] =	stream.linear.gather @p1 [hbm4b:s26+s25], $0x40, $0x38;
	[tilespmem:$0x18040] =	vst v63  }
0x131: {  	s26 =	simm.s32 @p1 $0x3  }
0x132: {  	_ =	swait.ge @p1 [sflag:s26], $0x1000  }
0x133: {  	[sflag:s26] =	ssyncset.done @p1 $0x0  }
0x134: {  	[sflag:s26] =	ssyncadd.s32 @p1 $0xFFFFF000;
	s26 =	simm.s32 @p1 $0x6  }
0x135: {  	_ =	swait.ge @p1 [sflag:s26], $0x40  }
0x136: {  	[sflag:s26] =	ssyncset.done @p1 $0x0  }
0x137: {  	[sflag:s26] =	ssyncadd.s32 @p1 $0xFFFFFFC0  }
0x138: {  	_ =	swait.ge @p1 [sflag:s26], $0x40  }
0x139: {  	[sflag:s26] =	ssyncset.done @p1 $0x0  }
0x13a: {  	[sflag:s26] =	ssyncadd.s32 @p1 $0xFFFFFFC0;
	s26 =	simm.s32 @p1 $0x1400  }
0x13b: {  	[tilespmem:s26], [sflag:$0x2] =	stream.indirect.gather @p1 [spmem:s2], $0x40, s24, s24, $0xb8;
	[tilespmem:$0x18040] =	vst v63  }
0x13c: {  	s26 =	simm.s32 @!p1 $0x3  }
0x13d: {  	_ =	swait.ge @!p1 [sflag:s26], $0x1000  }
0x13e: {  	[sflag:s26] =	ssyncset.done @!p1 $0x0  }
0x13f: {  	s28 =	simm.s32 $0x380;
	[sflag:s26] =	ssyncadd.s32 @!p1 $0xFFFFF000  }
0x140: {  	[spmem:s5] =	stream.indirect.scatter.add.bf16 [tilespmem:s6], [sflag:$0xD], $0x40, s28, s12, $0xb8;
	[tilespmem:$0x18040] =	vst v63  }
0x141: {  	_ =	swait.ge [sflag:s15], $0x1000  }
0x142: {  	[sflag:s15] =	ssyncset.done $0x0;
	s26 =	rddreg [dreg:$0x17]  }
0x143: {  	s28 =	simm.s32 @p1 $0x180;
	[sflag:s15] =	ssyncadd.s32 $0xFFFFF000;
	s26 =	sadd.s32 @p1 s23, s26  }
0x144: {  	[tilespmem:s28], [sflag:$0xB] =	stream.linear.gather @p1 [hbm4b:s26+s25], $0x40, $0x38;
	[tilespmem:$0x18040] =	vst v63  }
0x145: {  	s26 =	rddreg [dreg:$0x16]  }
0x146: {  	s28 =	simm.s32 @p1 $0x380;
	s26 =	sadd.s32 @p1 s23, s26  }
0x147: {  	[tilespmem:s28], [sflag:$0xB] =	stream.linear.gather @p1 [hbm4b:s26+s25], $0x40, $0x38;
	[tilespmem:$0x18040] =	vst v63  }
0x148: {  	s25 =	simm.s32 @p1 $0x4  }
0x149: {  	_ =	swait.ge @p1 [sflag:s25], $0x1000  }
0x14a: {  	[sflag:s25] =	ssyncset.done @p1 $0x0  }
0x14b: {  	[sflag:s25] =	ssyncadd.s32 @p1 $0xFFFFF000;
	s25 =	simm.s32 @p1 $0x7  }
0x14c: {  	_ =	swait.ge @p1 [sflag:s25], $0x40  }
0x14d: {  	[sflag:s25] =	ssyncset.done @p1 $0x0  }
0x14e: {  	[sflag:s25] =	ssyncadd.s32 @p1 $0xFFFFFFC0  }
0x14f: {  	_ =	swait.ge @p1 [sflag:s25], $0x40  }
0x150: {  	[sflag:s25] =	ssyncset.done @p1 $0x0  }
0x151: {  	s26 =	simm.s32 @p1 $0x2400;
	[sflag:s25] =	ssyncadd.s32 @p1 $0xFFFFFFC0;
	s25 =	simm.s32 @p1 $0x80  }
0x152: {  	[tilespmem:s26], [sflag:$0x3] =	stream.indirect.gather @p1 [spmem:s2], $0x40, s25, s24, $0xb8;
	[tilespmem:$0x18040] =	vst v63  }
0x153: {  	s24 =	simm.s32 @!p1 $0x4  }
0x154: {  	_ =	swait.ge @!p1 [sflag:s24], $0x1000  }
0x155: {  	[sflag:s24] =	ssyncset.done @!p1 $0x0  }
.Ltmp3:
0x156: {  	[sflag:s24] =	ssyncadd.s32 @!p1 $0xFFFFF000;
	(pc) =	sbr.rel @p0 .LBB2_6-.Ltmp3, $4  }
0x157: {  	[spmem:s5] =	stream.indirect.scatter.add.bf16 [tilespmem:s10], [sflag:$0xD], $0x40, s13, s12, $0xb8;
	[tilespmem:$0x18040] =	vst v63  }
0x158: {  	_ =	swait.ge [sflag:s15], $0x1000  }
0x159: {  	[sflag:s15] =	ssyncset.done $0x0  }
0x15a: {  	[sflag:s15] =	ssyncadd.s32 $0xFFFFF000  }
.Ltmp4:
0x15b: {  	s24 =	rddreg [dreg:$0x15];
	(pc) =	sbr.rel .LBB2_4-.Ltmp4, $4  }
0x15c: {  	s28 =	rddreg [dreg:$0x14];
	s24 =	sadd.s32 s23, s24  }
0x15d: {  	[tilespmem:s11], [sflag:$0xC] =	stream.linear.gather [hbm4b:s24+s1], $0x40, $0x38;
	[tilespmem:$0x18040] =	vst v63  }
0x15e: {  	s24 =	sadd.s32 s23, s28;
	s23 =	sadd.s32 $0x40, s23  }
0x15f: {  	[tilespmem:s13], [sflag:$0xC] =	stream.linear.gather [hbm4b:s24+s1], $0x40, $0x38;
	[tilespmem:$0x18040] =	vst v63  }
.LBB2_7:
0x160: {  	_ =	sfence.sel $0x180000  }
0x161: {  	[bflag:$0x0] =	sbarrier.arrive $0xFFFF  }
0x162: {  	_ =	strace $0x9000004A  }
0x163: {  	s0 =	stileid.u32;
	[bflag:$0x2] =	sbarrier.arrive $0xFFFF  }
0x164: {  	p0 =	sne.s32 s0, $0x0;
	s0 =	rddreg [dreg:$0x3]  }
0x165: {  	s0 =	sadd.s32 @!p0 $0x100000, s0  }
0x166: {  	[sflag:s0] =	ssyncadd.tile.s32 @!p0 $0x1;
	_ =	shalt  }
.Lfunc_end2:
_tile_overlayer_lowered:
.L_overlay_start_2:
0x167: {  	(tag) =	ssettag $0x2  }
0x168: {  	s0 =	rddreg [dreg:$0x0];
	s2 =	stileid.u32  }
0x169: {  	s1 =	rddreg [dreg:$0x1];
	p0 =	sne.s32 s2, $0x0  }
0x16a: {  	s3 =	rddreg [dreg:$0x2];
	[bflag:$0x3] =	sbarrier.arrive $0xFFFF;
	s2 =	simm.s32 @!p0 $0x1C0D  }
0x16b: {  	[timem:s3], [sflag:s2] =	dma.local @!p0 [hbm:s0], s1  }
0x16c: {  	s0 =	simm.s32 @!p0 $0xD  }
0x16d: {  	_ =	swait.ge @!p0 [sflag:s0], s1  }
0x16e: {  	s1 =	ssub.s32 @!p0 $0x0, s1;
	[sflag:s0] =	ssyncset.done @!p0 $0x0  }
0x16f: {  	[sflag:s0] =	ssyncadd.s32 @!p0 s1  }
0x170: {  	[bflag:$0x3] =	sbarrier.arrive $0xFFFF  }
0x171: {  	_ =	shalt  }

// kernel: kernel.14.cloned.1.call-start
scs
__scs_entry_jumppad:
0x0: {  	(pc) =	sbr.rel $0x88, $3  }
0x1: {  	(tag) =	ssettag $0x0;
	lr =	simm.s32 $0x1  }
0x2: {  	[smem:$0x3F99] =	sst lr;
	_ =	strace $0xD0000000  }
0x3: {  	_ = 	snop  }
0x4: {  	_ = 	snop  }
0x5: {  	_ = 	snop  }
0x6: {  	_ = 	snop  }
0x7: {  	_ = 	snop  }
__scs_overlays_trampoline_lowered:
0x8: {  	[smem:$0x3FA8] =	sst s0  }
0x9: {  	[smem:$0x3FA9] =	sst s1  }
0xa: {  	[smem:$0x3FAA] =	sst s2  }
0xb: {  	[smem:$0x3FAB] =	sst s3  }
0xc: {  	[smem:$0x3FAC] =	sst s4  }
0xd: {  	[smem:$0x3FAD] =	sst s5  }
0xe: {  	[smem:$0x3FAE] =	sst s6  }
0xf: {  	[smem:$0x3FAF] =	sst s7  }
0x10: {  	[smem:$0x3FB0] =	sst s8  }
0x11: {  	[smem:$0x3FB1] =	sst s9;
	s0 =	simm.s32 @!p0 $0x0  }
0x12: {  	s1 =	sld [smem:$0x3F97];
	s0 =	simm.s32 @p0 $0x1  }
0x13: {  	[smem:$0x3FB2] =	sst s0;
	s0 =	simm.s32 @!p1 $0x0  }
0x14: {  	s2 =	sld [smem:$0x3F96];
	s0 =	simm.s32 @p1 $0x1  }
0x15: {  	[smem:$0x3FB3] =	sst s0;
	s0 =	simm.s32 @!p2 $0x0  }
0x16: {  	s3 =	sld [smem:$0x3FDB];
	s0 =	simm.s32 @p2 $0x1  }
0x17: {  	s4 =	simm.s32 $0x1BF5;
	[smem:$0x3FB5] =	sst s0  }
0x18: {  	s0 =	sld [smem:$0x3F98];
	_ =	swait.ge [sflag:s4], $0x0  }
0x19: {  	s7 =	sld [smem:$0x3F99]  }
0x1a: {  	s8 =	sadd.s32 $0xFFFFE003, lr  }
0x1b: {  	s9 =	sadd.s32 $0xFFFFFEF7, lr;
	s5 =	simm.s32 $0xFFFFFFFF;
	p2 =	slt.u32 s8, $0xFFFFF086  }
0x1c: {  	p1 =	slt.u32 s9, $0xF7A;
	s5 =	simm.s32 @!p2 $0x0  }
0x1d: {  	s5 =	simm.s32 @p1 $0x1;
	p0 =	seq.s32 s7, s2  }
0x1e: {  	s7 =	smul.u32 @!p0 $0xF7A, s2;
	p2 =	seq.s32 @!p0 s5, $0x0  }
0x1f: {  	s9 =	smul.u32 $0xF7A, s1;
	s8 =	simm.s32 @!p0 $0x1BF5;
	p2 =	por !p2, p0  }
0x20: {  	[sflag:s8] =	ssyncset.s32 @!p0 $0xFFFFF086;
	s6 =	sadd.s32 @!p0 s3, s7;
	s7 =	simm.s32 @!p0 $0x108  }
0x21: {  	s3 =	sadd.s32 s3, s9;
	s6 =	sadd.s32 @!p0 $0x88, s6;
	s7 =	simm.s32 @p2 $0x1082  }
0x22: {  	[simem:s7], [sflag:s8] =	dma.local @!p0 [hbm:s6], $0xF7A  }
0x23: {  	s9 =	sor.u32 $0xD0000000, s2;
	s6 =	simm.s32 $0x108;
	_ =	swait.ge @!p0 [sflag:s8], $0x0  }
0x24: {  	s3 =	sadd.s32 $0x88, s3;
	s6 =	simm.s32 @!p1 $0x1082;
	[sflag:s4] =	ssyncset.s32 $0xFFFFF086  }
0x25: {  	[simem:s6], [sflag:s4] =	dma.local [hbm:s3], $0xF7A  }
0x26: {  	[smem:$0x3F99] =	sst s1;
	(tag) =	ssettag s2;
	_ =	strace s9  }
0x27: {  	s1 =	sld [smem:$0x3FA9]  }
0x28: {  	s2 =	sld [smem:$0x3FAA]  }
0x29: {  	s4 =	sld [smem:$0x3FAC]  }
0x2a: {  	p0 =	seq.s32 s5, $0x0;
	s5 =	sld [smem:$0x3FAD]  }
0x2b: {  	s6 =	sld [smem:$0x3FAE]  }
0x2c: {  	s7 =	sld [smem:$0x3FAF]  }
0x2d: {  	s3 =	simm.s32 $0x108;
	s8 =	sld [smem:$0x3FB0]  }
0x2e: {  	s3 =	simm.s32 @!p0 $0x1082;
	s9 =	sld [smem:$0x3FB1]  }
0x2f: {  	lr =	sadd.s32 s0, s3;
	s0 =	sld [smem:$0x3FA8]  }
0x30: {  	s3 =	sld [smem:$0x3FAB]  }
0x31: {  	[smem:$0x3FB4] =	sst s10  }
0x32: {  	s10 =	sld [smem:$0x3FB2];
	_ =	sdelay $0x3  }
0x33: {  	p0 =	seq.s32 s10, $0x1;
	s10 =	sld [smem:$0x3FB4];
	_ =	sdelay $0x3  }
0x34: {  	[smem:$0x3FB4] =	sst s10  }
0x35: {  	s10 =	sld [smem:$0x3FB3];
	_ =	sdelay $0x3  }
0x36: {  	p1 =	seq.s32 s10, $0x1;
	s10 =	sld [smem:$0x3FB4];
	_ =	sdelay $0x3  }
0x37: {  	[smem:$0x3FB4] =	sst s10  }
0x38: {  	s10 =	sld [smem:$0x3FB5]  }
0x39: {  	_ = 	snop;
	(pc) =	sbr.ind lr, $3  }
0x3a: {  	_ = 	snop  }
0x3b: {  	_ = 	snop  }
0x3c: {  	p2 =	seq.s32 s10, $0x1;
	s10 =	sld [smem:$0x3FB4]  }
0x3d: {  	_ =	shalt  }
0x3e: {  	_ =	shalt  }
0x3f: {  	_ =	shalt  }
0x40: {  	_ =	shalt  }
0x41: {  	_ =	shalt  }
0x42: {  	_ =	shalt  }
0x43: {  	_ =	shalt  }
0x44: {  	_ =	shalt  }
0x45: {  	_ =	shalt  }
0x46: {  	_ =	shalt  }
0x47: {  	_ =	shalt  }
0x48: {  	_ =	shalt  }
0x49: {  	_ =	shalt  }
0x4a: {  	_ =	shalt  }
0x4b: {  	_ =	shalt  }
0x4c: {  	_ =	shalt  }
0x4d: {  	_ =	shalt  }
0x4e: {  	_ =	shalt  }
0x4f: {  	_ =	shalt  }
0x50: {  	_ =	shalt  }
0x51: {  	_ =	shalt  }
0x52: {  	_ =	shalt  }
0x53: {  	_ =	shalt  }
0x54: {  	_ =	shalt  }
0x55: {  	_ =	shalt  }
0x56: {  	_ =	shalt  }
0x57: {  	_ =	shalt  }
0x58: {  	_ =	shalt  }
0x59: {  	_ =	shalt  }
0x5a: {  	_ =	shalt  }
0x5b: {  	_ =	shalt  }
0x5c: {  	_ =	shalt  }
0x5d: {  	_ =	shalt  }
0x5e: {  	_ =	shalt  }
0x5f: {  	_ =	shalt  }
0x60: {  	_ =	shalt  }
0x61: {  	_ =	shalt  }
0x62: {  	_ =	shalt  }
0x63: {  	_ =	shalt  }
0x64: {  	_ =	shalt  }
0x65: {  	_ =	shalt  }
0x66: {  	_ =	shalt  }
0x67: {  	_ =	shalt  }
0x68: {  	_ =	shalt  }
0x69: {  	_ =	shalt  }
0x6a: {  	_ =	shalt  }
0x6b: {  	_ =	shalt  }
0x6c: {  	_ =	shalt  }
0x6d: {  	_ =	shalt  }
0x6e: {  	_ =	shalt  }
0x6f: {  	_ =	shalt  }
0x70: {  	_ =	shalt  }
0x71: {  	_ =	shalt  }
0x72: {  	_ =	shalt  }
0x73: {  	_ =	shalt  }
0x74: {  	_ =	shalt  }
0x75: {  	_ =	shalt  }
0x76: {  	_ =	shalt  }
0x77: {  	_ =	shalt  }
0x78: {  	_ =	shalt  }
0x79: {  	_ =	shalt  }
0x7a: {  	_ =	shalt  }
0x7b: {  	_ =	shalt  }
0x7c: {  	_ =	shalt  }
0x7d: {  	_ =	shalt  }
0x7e: {  	_ =	shalt  }
0x7f: {  	_ =	shalt  }
0x80: {  	_ =	shalt  }
0x81: {  	_ =	shalt  }
0x82: {  	_ =	shalt  }
0x83: {  	_ =	shalt  }
0x84: {  	_ =	shalt  }
0x85: {  	_ =	shalt  }
0x86: {  	_ =	shalt  }
0x87: {  	_ =	shalt  }
.Lfunc_end0:
.L_simem_size_0:
called_computation.2_lowered:
.L_overlay_start_0:
0x88: {  	s2 =	sld [smem:$0x3FD9]  }
0x89: {  	s3 =	sld [smem:$0x3FFE];
	_ =	sdelay $0x1  }
0x8a: {  	s1 =	srdreg.scid  }
0x8b: {  	s0 =	sand.u32 $0x1, s1  }
0x8c: {  	s17 =	sshll.u32 s0, $0xA;
	s2 =	sadd.s32 s3, s2  }
0x8d: {  	s2 =	sadd.s32 s2, s17  }
0x8e: {  	[smem:$0x3FC0] =	sst s2  }
0x8f: {  	_ = 	snop  }
0x90: {  	s2 =	sld [smem:$0x3FD0];
	(tm) =	ssettm $0x1  }
0x91: {  	s18 =	sld [smem:$0x3FFB];
	_ =	sdelay $0x3  }
0x92: {  	_ =	strace s18  }
0x93: {  	s3 =	sld [smem:$0x3FFC];
	_ =	sdelay $0x3  }
0x94: {  	_ =	strace s3  }
0x95: {  	s3 =	sld [smem:$0x3FFD];
	_ =	sdelay $0x3  }
0x96: {  	_ =	strace s3  }
0x97: {  	_ =	strace $0x8FFFFFFF  }
0x98: {  	s19 =	sld [smem:$0x3FDB];
	_ =	sdelay $0x1  }
0x99: {  	s4 =	simm.s32 $_scs_section_size  }
0x9a: {  	s5 =	simm.s32 $_size__tile_overlayer_lowered;
	s6 =	simm.s32 $_tile_overlayer_lowered  }
0x9b: {  	s22 =	simm.s32 $0x1BFF;
	s21 =	sshll.u32 s6, $0x1;
	s3 =	sadd.s32 s4, s19  }
0x9c: {  	s7 =	simm.s32 $0x0;
	s20 =	sshll.u32 s5, $0x1;
	s5 =	sadd.s32 s21, s3  }
0x9d: {  	[timem:s7], [sflag:s22] =	dma.local [hbm:s5], s20  }
0x9e: {  	_ =	swait.ge [sflag:s22], s20  }
0x9f: {  	s4 =	ssub.s32 $0x0, s20;
	[sflag:s22] =	ssyncset.done $0x0  }
0xa0: {  	[sflag:s22] =	ssyncadd.s32 s4;
	_ =	sdelay $0x1  }
0xa1: {  	s23 =	simm.s32 $0x1B8B  }
0xa2: {  	_ =	swait.ge [sflag:s23], $0x1  }
0xa3: {  	[sflag:s23] =	ssyncset.done $0x0  }
0xa4: {  	s25 =	simm.s32 $0x1B8E;
	s24 =	sld [smem:$0x3FFE];
	[sflag:s23] =	ssyncadd.s32 $0xFFFFFFFF  }
0xa5: {  	s26 =	simm.s32 $execute0_lowered;
	[smem:$0x3FD2] =	sst s25  }
0xa6: {  	s5 =	sshll.u32 s26, $0x1;
	_ =	strace $0x8000004C;
	[dreg:$0x1] =	wrdreg $0xFFFFFFFF  }
0xa7: {  	s28 =	simm.s32 $_size_execute0_lowered;
	s3 =	sadd.s32 s3, s5;
	[dreg:$0x0] =	wrdreg $0x0  }
0xa8: {  	s5 =	sshll.u32 s28, $0x1;
	[dreg:$0x2] =	wrdreg s3  }
0xa9: {  	[dreg:$0x3] =	wrdreg s5  }
0xaa: {  	[dreg:$0x4] =	wrdreg $0xC0  }
0xab: {  	_ =	task [dreg:s7], $0x5FFFF  }
0xac: {  	[dreg:$0x1] =	wrdreg $0xFFFFFFFF  }
0xad: {  	[dreg:$0x0] =	wrdreg $0x60  }
0xae: {  	[dreg:$0x2] =	wrdreg s2  }
0xaf: {  	[dreg:$0x3] =	wrdreg s24  }
0xb0: {  	[dreg:$0x4] =	wrdreg $0x14000  }
0xb1: {  	[dreg:$0x5] =	wrdreg $0x3B100  }
0xb2: {  	[dreg:$0x6] =	wrdreg $0x9  }
0xb3: {  	_ =	task.clear_ibuf [dreg:s7], $0x7FFFF;
	_ =	strace $0x9000004C  }
0xb4: {  	s29 =	simm.s32 $0x9;
	_ =	strace $0x8000004E  }
0xb5: {  	_ =	swait.ge [sflag:s29], $0x1  }
0xb6: {  	[sflag:s29] =	ssyncadd.s32 $0xFFFFFFFF  }
0xb7: {  	_ =	strace $0x9000004E  }
0xb8: {  	_ =	sfence  }
0xb9: {  	s30 =	sld [smem:$0x0];
	_ =	sdelay $0x2  }
0xba: {  	s31 =	sshll.u32 s1, $0xD;
	s1 =	sshrl.u32 s1, $0x2  }
0xbb: {  	s3 =	sand.u32 $0x4000, s31;
	s1 =	sadd.s32 s1, s30  }
0xbc: {  	s0 =	sor.u32 s3, s0;
	s1 =	sshll.u32 s1, $0x11  }
0xbd: {  	s0 =	sor.u32 s1, s0  }
0xbe: {  	s0 =	sadd.s32 $0x8F2B, s0  }
0xbf: {  	[sflag:s0] =	ssyncadd.remote.s32 $0x1  }
0xc0: {  	_ =	sfence.sel $0xFFFF  }
0xc1: {  	[dreg:$0x0] =	wrdreg $0xFFFFFFFF;
	(pc) =	sbr.abs _section_cstart, $3  }
0xc2: {  	[dreg:$0x1] =	wrdreg $0xFFFFFFFF  }
0xc3: {  	_ =	task.clear_ibuf [dreg:s7], $0x2FFFF;
	_ =	strace $0x9FFFFFFF  }
0xc4: {  	(tm) =	ssettm $0x7FFFFFFF  }
0xc5: {  	_ =	shalt  }
tec
execute0_lowered:
.L_overlay_start_1:
0x0: {  	(tag) =	ssettag $0x1  }
0x1: {  	s1 =	srdreg.scid;
	s13 =	stileid.u32  }
0x2: {  	s3 =	sand.u32 $0x1, s1;
	s9 =	smul.u32 $0x5000, s13  }
0x3: {  	s4 =	smul.u32 $0x50000, s3;
	s5 =	sshll.u32 s3, $0x4  }
0x4: {  	s0 =	rddreg [dreg:$0x0];
	s5 =	sor.u32 s13, s5  }
0x5: {  	s2 =	rddreg [dreg:$0x1];
	s4 =	sadd.s32 s9, s4;
	s8 =	smul.u32 $0x2800, s5  }
0x6: {  	s1 =	simm.s32 $0x0;
	s6 =	sadd.s32 $0x16200, s2;
	s4 =	sshrl.u32 s4, $0x4  }
0x7: {  	[smem:$0x7FF] =	sst s1;
	s7 =	sadd.s32 s4, s2;
	s4 =	sshrl.u32 s8, $0x3  }
0x8: {  	s10 =	ssub.s32 $0x2, s3;
	s5 =	sadd.s32 $0x2200, s2;
	s20 =	sadd.s32 s6, s4  }
0x9: {  	s21 =	sor.u32 $0x8, s4;
	s22 =	sadd.s32 s5, s4;
	[dreg:$0x5] =	wrdreg s20  }
0xa: {  	s19 =	sshrl.u32 s10, $0x1;
	[dreg:$0x6] =	wrdreg s22;
	s23 =	sadd.s32 s6, s21  }
0xb: {  	s24 =	sor.u32 $0x10, s4;
	s2 =	sadd.s32 s5, s21;
	[dreg:$0x7] =	wrdreg s23  }
0xc: {  	s8 =	ssub.s32 s10, s19;
	s25 =	sadd.s32 s6, s24;
	[dreg:$0x8] =	wrdreg s2  }
0xd: {  	s26 =	sor.u32 $0x18, s4;
	s10 =	sadd.s32 s5, s24;
	[dreg:$0x9] =	wrdreg s25  }
0xe: {  	s12 =	sor.u32 $0x20, s4;
	s11 =	sadd.s32 s6, s26;
	[dreg:$0xa] =	wrdreg s10  }
0xf: {  	s17 =	sor.u32 $0x30, s4;
	s14 =	sadd.s32 s6, s12;
	[dreg:$0xb] =	wrdreg s11  }
0x10: {  	s16 =	sor.u32 $0x28, s4;
	s18 =	sadd.s32 s6, s17;
	[dreg:$0xd] =	wrdreg s14  }
0x11: {  	s4 =	sor.u32 $0x38, s4;
	s19 =	sadd.s32 s5, s17;
	[dreg:$0x11] =	wrdreg s18  }
0x12: {  	s29 =	simm.s32 $0x80;
	s21 =	sadd.s32 s6, s4;
	[dreg:$0x12] =	wrdreg s19  }
0x13: {  	s28 =	simm.s32 $0x0;
	s4 =	sadd.s32 s5, s4;
	[dreg:$0x14] =	wrdreg s21  }
0x14: {  	s15 =	smul.u32 $0x4E20, s13;
	s2 =	sadd.s32 s5, s26;
	[dreg:$0x15] =	wrdreg s4  }
0x15: {  	s3 =	smul.u32 $0x28000, s3;
	s10 =	sadd.s32 s5, s12;
	[dreg:$0xc] =	wrdreg s2  }
0x16: {  	s20 =	sshrl.u32 s15, $0x4;
	s11 =	sadd.s32 s6, s16;
	[dreg:$0xe] =	wrdreg s10  }
0x17: {  	s12 =	smul.u32 $0x2800, s13;
	s0 =	sadd.s32 s0, s20;
	[dreg:$0xf] =	wrdreg s11  }
0x18: {  	s9 =	sshrl.u32 s9, $0x1;
	s10 =	sadd.s32 s5, s16;
	[dreg:$0x13] =	wrdreg s0  }
0x19: {  	[dreg:$0x10] =	wrdreg s10;
	s3 =	sadd.s32 s12, s3;
	s10 =	sshrl.u32 s15, $0x1  }
0x1a: {  	s22 =	sor.u32 $0x3C0, s3;
	s23 =	sor.u32 $0x380, s3;
	s4 =	sor.u32 $0x340, s3  }
0x1b: {  	s11 =	sor.u32 $0x300, s3;
	s14 =	sor.u32 $0x2C0, s3;
	s18 =	sor.u32 $0x280, s3  }
0x1c: {  	s20 =	sor.u32 $0x240, s3;
	s0 =	sshrl.u32 s22, $0x3;
	s24 =	sshrl.u32 s23, $0x3  }
0x1d: {  	s15 =	sshrl.u32 s14, $0x3;
	s19 =	sshrl.u32 s18, $0x3;
	s25 =	sadd.s32 s0, s5  }
0x1e: {  	s21 =	sshrl.u32 s20, $0x3;
	s0 =	sadd.s32 s0, s6;
	[dreg:$0x16] =	wrdreg s25  }
0x1f: {  	s22 =	sor.u32 $0x200, s3;
	s26 =	sadd.s32 s24, s5;
	[dreg:$0x17] =	wrdreg s0  }
0x20: {  	s23 =	smul.u32 $0xA000, s13;
	s2 =	sadd.s32 s24, s6;
	[dreg:$0x18] =	wrdreg s26  }
0x21: {  	s17 =	sadd.s32 s15, s5;
	s30 =	sadd.s32 s19, s5;
	[dreg:$0x19] =	wrdreg s2  }
0x22: {  	s31 =	sadd.s32 s19, s6;
	s0 =	sshrl.u32 s4, $0x3;
	[dreg:$0x1e] =	wrdreg s17  }
0x23: {  	s3 =	sadd.s32 s21, s6;
	s4 =	rddreg [dreg:$0x3];
	s12 =	sadd.s32 s0, s5  }
0x24: {  	s2 =	sshrl.u32 s11, $0x3;
	s0 =	sadd.s32 s0, s6;
	[dreg:$0x1a] =	wrdreg s12  }
0x25: {  	s11 =	sshrl.u32 s22, $0x3;
	s16 =	sadd.s32 s2, s5;
	[dreg:$0x1b] =	wrdreg s0  }
0x26: {  	s24 =	sshrl.u32 s23, $0x2;
	s2 =	sadd.s32 s2, s6;
	[dreg:$0x1c] =	wrdreg s16  }
0x27: {  	[dreg:$0x1d] =	wrdreg s2;
	s0 =	sadd.s32 s15, s6;
	s2 =	sadd.s32 s21, s5  }
0x28: {  	s5 =	sadd.s32 s11, s5;
	s15 =	sadd.s32 s24, s4;
	[dreg:$0x1f] =	wrdreg s0  }
0x29: {  	s6 =	sadd.s32 s11, s6;
	s0 =	rddreg [dreg:$0x2];
	s11 =	sadd.s32 $0x400, s15  }
0x2a: {  	s16 =	sadd.s32 $0x800, s15;
	_ =	strace $0x8000004D;
	[smem:$0x7F0] =	sst s11  }
0x2b: {  	s7 =	sadd.s32 $0xC200, s7;
	s17 =	sadd.s32 $0xC00, s15;
	[smem:$0x7F1] =	sst s16  }
0x2c: {  	s14 =	sshll.u32 s13, $0x6;
	s18 =	sadd.s32 $0x1000, s15;
	[smem:$0x7F2] =	sst s17  }
0x2d: {  	s13 =	simm.s32 $0x3C0;
	s19 =	sadd.s32 $0x1400, s15;
	[smem:$0x7F3] =	sst s18  }
0x2e: {  	s25 =	sor.u32 $0x1C0D, s14;
	s20 =	sadd.s32 $0x1800, s15;
	[smem:$0x7F4] =	sst s19  }
0x2f: {  	s23 =	smax.u32 s8, $0x1;
	s21 =	sadd.s32 $0x1C00, s15;
	[smem:$0x7F5] =	sst s20  }
0x30: {  	s14 =	simm.s32 $0x1;
	s22 =	sadd.s32 $0x2000, s15;
	[smem:$0x7F6] =	sst s21  }
0x31: {  	s26 =	sadd.s32 s9, s4;
	s9 =	sadd.s32 $0x2400, s15;
	[smem:$0x7F7] =	sst s22  }
0x32: {  	s8 =	simm.s32 $0x9;
	s12 =	simm.s32 $0x40;
	[smem:$0x7F8] =	sst s9  }
0x33: {  	s15 =	simm.s32 $0xD;
	s10 =	sadd.s32 s10, s0;
	[smem:$0x7F9] =	sst s7  }
0x34: {  	[smem:$0x7FA] =	sst s23;
	s11 =	simm.s32 $0x1C0;
	s16 =	simm.s32 $0x400  }
.Ltmp0:
0x35: {  	s17 =	simm.s32 $0x800;
	s18 =	simm.s32 $0xC00;
	(pc) =	sbr.rel .LBB2_1-.Ltmp0, $4  }
0x36: {  	s9 =	simm.s32 $0x8;
	s7 =	simm.s32 $0x2;
	s19 =	simm.s32 $0x3  }
0x37: {  	s20 =	simm.s32 $0xA;
	s21 =	simm.s32 $0x4;
	[smem:$0x7FC] =	sst s25  }
0x38: {  	s22 =	simm.s32 $0xB;
	[smem:$0x7FD] =	sst s26;
	s24 =	sshrl.u32 s10, $0x3  }
0x39: {  	v0 =	vimm.bf16 $0.0e+00;
	s23 =	simm.s32 $0xC;
	s10 =	simm.s32 $0x1000;
	[smem:$0x7FB] =	sst s24  }
.LBB2_6:
0x3a: {  	[bflag:$0x0] =	sbarrier.arrive $0xFFFF  }
0x3b: {  	s26 =	sld [smem:$0x7FD]  }
0x3c: {  	s25 =	sld [smem:$0x7FC]  }
0x3d: {  	s28 =	sld [smem:$0x7F9];
	_ =	sdelay $0x1  }
0x3e: {  	s24 =	sshrl.u32 s26, $0x3  }
0x3f: {  	[hbm:s28], [sflag:s25] =	dma.local [spmem:s24], $0x500  }
0x40: {  	_ =	swait.ge [sflag:s15], $0x500  }
0x41: {  	s28 =	sld [smem:$0x7EF]  }
0x42: {  	s24 =	sld [smem:$0x7FA];
	_ =	sdelay $0x1  }
0x43: {  	s28 =	sadd.s32 $0x1, s28  }
0x44: {  	p0 =	sne.s32 s28, s24  }
.Ltmp1:
0x45: {  	_ = 	snop;
	(pc) =	sbr.rel @!p0 .LBB2_7-.Ltmp1, $3  }
0x46: {  	_ =	sdelay $0x1  }
0x47: {  	[sflag:s15] =	ssyncset.done $0x0  }
0x48: {  	s29 =	simm.s32 $0x80;
	[sflag:s15] =	ssyncadd.s32 $0xFFFFFB00  }
.LBB2_1:
0x49: {  	[smem:$0x7EF] =	sst s28  }
0x4a: {  	s24 =	rddreg [dreg:$0x5]  }
0x4b: {  	[tilespmem:s1], [sflag:$0x5] =	stream.linear.gather [hbm4b:s24+s1], $0x40, $0x38;
	[tilespmem:$0x6310] =	vst v63  }
0x4c: {  	s28 =	simm.s32 $0x200;
	s24 =	rddreg [dreg:$0x6]  }
0x4d: {  	[tilespmem:s28], [sflag:$0x5] =	stream.linear.gather [hbm4b:s24+s1], $0x40, $0x38;
	[tilespmem:$0x6310] =	vst v63  }
0x4e: {  	s28 =	rddreg [dreg:$0x7]  }
0x4f: {  	[tilespmem:s12], [sflag:$0x6] =	stream.linear.gather [hbm4b:s28+s1], $0x40, $0x38;
	[tilespmem:$0x6310] =	vst v63  }
0x50: {  	s24 =	rddreg [dreg:$0x8];
	s28 =	simm.s32 $0x240  }
0x51: {  	[tilespmem:s28], [sflag:$0x6] =	stream.linear.gather [hbm4b:s24+s1], $0x40, $0x38;
	[tilespmem:$0x6310] =	vst v63  }
0x52: {  	s28 =	rddreg [dreg:$0x9]  }
0x53: {  	[tilespmem:s29], [sflag:$0x7] =	stream.linear.gather [hbm4b:s28+s1], $0x40, $0x38;
	[tilespmem:$0x6310] =	vst v63  }
0x54: {  	s24 =	rddreg [dreg:$0xa];
	s28 =	simm.s32 $0x280  }
0x55: {  	[tilespmem:s28], [sflag:$0x7] =	stream.linear.gather [hbm4b:s24+s1], $0x40, $0x38;
	[tilespmem:$0x6310] =	vst v63  }
0x56: {  	s24 =	rddreg [dreg:$0xb];
	s28 =	simm.s32 $0xC0  }
0x57: {  	[tilespmem:s28], [sflag:$0x8] =	stream.linear.gather [hbm4b:s24+s1], $0x40, $0x38;
	[tilespmem:$0x6310] =	vst v63  }
0x58: {  	s24 =	rddreg [dreg:$0xc];
	s28 =	simm.s32 $0x2C0  }
0x59: {  	[tilespmem:s28], [sflag:$0x8] =	stream.linear.gather [hbm4b:s24+s1], $0x40, $0x38;
	[tilespmem:$0x6310] =	vst v63  }
0x5a: {  	s24 =	rddreg [dreg:$0xd];
	s28 =	simm.s32 $0x100  }
0x5b: {  	[tilespmem:s28], [sflag:$0x9] =	stream.linear.gather [hbm4b:s24+s1], $0x40, $0x38;
	[tilespmem:$0x6310] =	vst v63  }
0x5c: {  	s24 =	rddreg [dreg:$0xe];
	s28 =	simm.s32 $0x300  }
0x5d: {  	[tilespmem:s28], [sflag:$0x9] =	stream.linear.gather [hbm4b:s24+s1], $0x40, $0x38;
	[tilespmem:$0x6310] =	vst v63  }
0x5e: {  	s24 =	rddreg [dreg:$0xf];
	s28 =	simm.s32 $0x140  }
0x5f: {  	[tilespmem:s28], [sflag:$0xA] =	stream.linear.gather [hbm4b:s24+s1], $0x40, $0x38;
	[tilespmem:$0x6310] =	vst v63  }
0x60: {  	s24 =	rddreg [dreg:$0x10];
	s28 =	simm.s32 $0x340  }
0x61: {  	[tilespmem:s28], [sflag:$0xA] =	stream.linear.gather [hbm4b:s24+s1], $0x40, $0x38;
	[tilespmem:$0x6310] =	vst v63  }
0x62: {  	s24 =	rddreg [dreg:$0x11];
	s28 =	simm.s32 $0x180  }
0x63: {  	[tilespmem:s28], [sflag:$0xB] =	stream.linear.gather [hbm4b:s24+s1], $0x40, $0x38;
	[tilespmem:$0x6310] =	vst v63  }
0x64: {  	s24 =	rddreg [dreg:$0x12];
	s28 =	simm.s32 $0x380  }
0x65: {  	[tilespmem:s28], [sflag:$0xB] =	stream.linear.gather [hbm4b:s24+s1], $0x40, $0x38;
	[tilespmem:$0x6310] =	vst v63  }
0x66: {  	s28 =	rddreg [dreg:$0x14]  }
0x67: {  	[tilespmem:s11], [sflag:$0xC] =	stream.linear.gather [hbm4b:s28+s1], $0x40, $0x38;
	[tilespmem:$0x6310] =	vst v63  }
0x68: {  	s28 =	rddreg [dreg:$0x15]  }
0x69: {  	[tilespmem:s13], [sflag:$0xC] =	stream.linear.gather [hbm4b:s28+s1], $0x40, $0x38;
	[tilespmem:$0x6310] =	vst v63  }
0x6a: {  	s28 =	sld [smem:$0x7FB];
	_ =	sdelay $0x1  }
0x6b: {  	s24 =	rddreg [dreg:$0x13]  }
0x6c: {  	[spmem:s28], [sflag:s25] =	dma.local [hbm:s24], $0x4E2  }
0x6d: {  	_ =	swait.ge [sflag:s15], $0x4E2  }
0x6e: {  	[sflag:s15] =	ssyncset.done $0x0  }
0x6f: {  	s24 =	simm.s32 $0x40;
	s25 =	simm.s32 $0x0;
	[sflag:s15] =	ssyncadd.s32 $0xFFFFFB1E  }
.LBB2_2:
0x70: {  	p0 =	sne.s32 s24, $0xFC0;
	[tilespmem:s25+$0x400] =	vst v0;
	s25 =	smov.u32 s24;
	s24 =	sadd.s32 $0x40, s24  }
.Ltmp2:
0x71: {  	(pc) =	sbr.rel @p0 .LBB2_2-.Ltmp2, $2  }
0x72: {  	_ =	sdelay $0x2  }
0x73: {  	s25 =	sshra.s32 s25, $0x2  }
0x74: {  	[tilespmem:s25+$0x400] =	vst v0  }
0x75: {  	[spmem:s26] =	stream.linear.scatter [tilespmem:s16], [sflag:$0xD], $0x400, $0x38;
	[tilespmem:$0x6310] =	vst v63  }
0x76: {  	_ =	swait.ge [sflag:s15], $0x400  }
0x77: {  	s24 =	sld [smem:$0x7F0]  }
0x78: {  	[sflag:s15] =	ssyncset.done $0x0  }
0x79: {  	[sflag:s15] =	ssyncadd.s32 $0xFFFFFC00  }
0x7a: {  	[spmem:s24] =	stream.linear.scatter [tilespmem:s16], [sflag:$0xD], $0x400, $0x38;
	[tilespmem:$0x6310] =	vst v63  }
0x7b: {  	_ =	swait.ge [sflag:s15], $0x400  }
0x7c: {  	s26 =	sld [smem:$0x7F1]  }
0x7d: {  	[sflag:s15] =	ssyncset.done $0x0  }
0x7e: {  	[sflag:s15] =	ssyncadd.s32 $0xFFFFFC00  }
0x7f: {  	[spmem:s26] =	stream.linear.scatter [tilespmem:s16], [sflag:$0xD], $0x400, $0x38;
	[tilespmem:$0x6310] =	vst v63  }
0x80: {  	_ =	swait.ge [sflag:s15], $0x400  }
0x81: {  	s28 =	sld [smem:$0x7F2]  }
0x82: {  	[sflag:s15] =	ssyncset.done $0x0  }
0x83: {  	[sflag:s15] =	ssyncadd.s32 $0xFFFFFC00  }
0x84: {  	[spmem:s28] =	stream.linear.scatter [tilespmem:s16], [sflag:$0xD], $0x400, $0x38;
	[tilespmem:$0x6310] =	vst v63  }
0x85: {  	_ =	swait.ge [sflag:s15], $0x400  }
0x86: {  	s25 =	sld [smem:$0x7F3]  }
0x87: {  	[sflag:s15] =	ssyncset.done $0x0  }
0x88: {  	[sflag:s15] =	ssyncadd.s32 $0xFFFFFC00  }
0x89: {  	[spmem:s25] =	stream.linear.scatter [tilespmem:s16], [sflag:$0xD], $0x400, $0x38;
	[tilespmem:$0x6310] =	vst v63  }
0x8a: {  	_ =	swait.ge [sflag:s15], $0x400  }
0x8b: {  	s26 =	sld [smem:$0x7F4]  }
0x8c: {  	[sflag:s15] =	ssyncset.done $0x0  }
0x8d: {  	[sflag:s15] =	ssyncadd.s32 $0xFFFFFC00  }
0x8e: {  	[spmem:s26] =	stream.linear.scatter [tilespmem:s16], [sflag:$0xD], $0x400, $0x38;
	[tilespmem:$0x6310] =	vst v63  }
0x8f: {  	_ =	swait.ge [sflag:s15], $0x400  }
0x90: {  	s28 =	sld [smem:$0x7F5]  }
0x91: {  	[sflag:s15] =	ssyncset.done $0x0  }
0x92: {  	[sflag:s15] =	ssyncadd.s32 $0xFFFFFC00  }
0x93: {  	[spmem:s28] =	stream.linear.scatter [tilespmem:s16], [sflag:$0xD], $0x400, $0x38;
	[tilespmem:$0x6310] =	vst v63  }
0x94: {  	_ =	swait.ge [sflag:s15], $0x400  }
0x95: {  	s25 =	sld [smem:$0x7F6]  }
0x96: {  	[sflag:s15] =	ssyncset.done $0x0  }
0x97: {  	[sflag:s15] =	ssyncadd.s32 $0xFFFFFC00  }
0x98: {  	[spmem:s25] =	stream.linear.scatter [tilespmem:s16], [sflag:$0xD], $0x400, $0x38;
	[tilespmem:$0x6310] =	vst v63  }
0x99: {  	_ =	swait.ge [sflag:s15], $0x400  }
0x9a: {  	s26 =	sld [smem:$0x7F7]  }
0x9b: {  	[sflag:s15] =	ssyncset.done $0x0  }
0x9c: {  	[sflag:s15] =	ssyncadd.s32 $0xFFFFFC00  }
0x9d: {  	[spmem:s26] =	stream.linear.scatter [tilespmem:s16], [sflag:$0xD], $0x400, $0x38;
	[tilespmem:$0x6310] =	vst v63  }
0x9e: {  	_ =	swait.ge [sflag:s15], $0x400  }
0x9f: {  	s28 =	sld [smem:$0x7F8]  }
0xa0: {  	[sflag:s15] =	ssyncset.done $0x0  }
0xa1: {  	[sflag:s15] =	ssyncadd.s32 $0xFFFFFC00  }
0xa2: {  	[spmem:s28] =	stream.linear.scatter [tilespmem:s16], [sflag:$0xD], $0x400, $0x38;
	[tilespmem:$0x6310] =	vst v63  }
0xa3: {  	_ =	swait.ge [sflag:s15], $0x400  }
0xa4: {  	[sflag:s15] =	ssyncset.done $0x0  }
0xa5: {  	[sflag:s15] =	ssyncadd.s32 $0xFFFFFC00  }
0xa6: {  	s25 =	simm.s32 $0x5;
	[bflag:$0x0] =	sbarrier.arrive $0xFFFF  }
0xa7: {  	_ =	swait.ge [sflag:s25], $0x40  }
0xa8: {  	[sflag:s25] =	ssyncset.done $0x0  }
0xa9: {  	[sflag:s25] =	ssyncadd.s32 $0xFFFFFFC0  }
0xaa: {  	_ =	swait.ge [sflag:s25], $0x40  }
0xab: {  	[sflag:s25] =	ssyncset.done $0x0  }
0xac: {  	s24 =	simm.s32 $0x0;
	s26 =	simm.s32 $0x6;
	[sflag:s25] =	ssyncadd.s32 $0xFFFFFFC0  }
0xad: {  	[tilespmem:s16], [sflag:$0x1] =	stream.indirect.gather [spmem:s0], $0x10, s24, s12, $0xb8;
	[tilespmem:$0x6310] =	vst v63  }
0xae: {  	_ =	swait.ge [sflag:s26], $0x40  }
0xaf: {  	[sflag:s26] =	ssyncset.done $0x0  }
0xb0: {  	[sflag:s26] =	ssyncadd.s32 $0xFFFFFFC0  }
0xb1: {  	_ =	swait.ge [sflag:s26], $0x40  }
0xb2: {  	[sflag:s26] =	ssyncset.done $0x0  }
0xb3: {  	s28 =	simm.s32 $0x7;
	[sflag:s26] =	ssyncadd.s32 $0xFFFFFFC0  }
0xb4: {  	[tilespmem:s17], [sflag:$0x2] =	stream.indirect.gather [spmem:s0], $0x10, s12, s12, $0xb8;
	[tilespmem:$0x6310] =	vst v63  }
0xb5: {  	_ =	swait.ge [sflag:s28], $0x40  }
0xb6: {  	[sflag:s28] =	ssyncset.done $0x0  }
0xb7: {  	[sflag:s28] =	ssyncadd.s32 $0xFFFFFFC0  }
0xb8: {  	_ =	swait.ge [sflag:s28], $0x40  }
0xb9: {  	[sflag:s28] =	ssyncset.done $0x0  }
0xba: {  	[sflag:s28] =	ssyncadd.s32 $0xFFFFFFC0  }
0xbb: {  	[tilespmem:s18], [sflag:$0x3] =	stream.indirect.gather [spmem:s0], $0x10, s29, s12, $0xb8;
	[tilespmem:$0x6310] =	vst v63  }
.LBB2_4:
0xbc: {  	_ =	swait.ge [sflag:s14], $0x400  }
0xbd: {  	[sflag:s14] =	ssyncset.done $0x0  }
0xbe: {  	[sflag:s14] =	ssyncadd.s32 $0xFFFFFC00  }
0xbf: {  	_ =	swait.ge [sflag:s9], $0x40  }
0xc0: {  	[sflag:s9] =	ssyncset.done $0x0  }
0xc1: {  	[sflag:s9] =	ssyncadd.s32 $0xFFFFFFC0  }
0xc2: {  	_ =	swait.ge [sflag:s9], $0x40  }
0xc3: {  	[sflag:s9] =	ssyncset.done $0x0  }
0xc4: {  	s25 =	simm.s32 $0xC0;
	[sflag:s9] =	ssyncadd.s32 $0xFFFFFFC0  }
0xc5: {  	[tilespmem:s10], [sflag:$0x4] =	stream.indirect.gather [spmem:s0], $0x10, s25, s12, $0xb8;
	[tilespmem:$0x6310] =	vst v63  }
0xc6: {  	s26 =	simm.s32 $0x200  }
0xc7: {  	[spmem:s4] =	stream.indirect.scatter.add.bf16 [tilespmem:s16], [sflag:$0xD], $0x10, s26, s12, $0xb8;
	[tilespmem:$0x6310] =	vst v63  }
0xc8: {  	_ =	swait.ge [sflag:s15], $0x400  }
0xc9: {  	p0 =	seq.s32 s24, $0x4C0;
	[sflag:s15] =	ssyncset.done $0x0  }
0xca: {  	s25 =	simm.s32 @!p0 $0x0;
	s26 =	sadd.s32 @!p0 s24, s6;
	[sflag:s15] =	ssyncadd.s32 $0xFFFFFC00  }
0xcb: {  	[tilespmem:s25], [sflag:$0x5] =	stream.linear.gather @!p0 [hbm4b:s26+s25], $0x40, $0x38;
	[tilespmem:$0x6310] =	vst v63  }
0xcc: {  	s28 =	simm.s32 @!p0 $0x200;
	s26 =	sadd.s32 @!p0 s24, s5  }
0xcd: {  	[tilespmem:s28], [sflag:$0x5] =	stream.linear.gather @!p0 [hbm4b:s26+s25], $0x40, $0x38;
	[tilespmem:$0x6310] =	vst v63  }
0xce: {  	_ =	swait.ge [sflag:s7], $0x400  }
0xcf: {  	[sflag:s7] =	ssyncset.done $0x0  }
0xd0: {  	[sflag:s7] =	ssyncadd.s32 $0xFFFFFC00  }
0xd1: {  	_ =	swait.ge [sflag:s8], $0x40  }
0xd2: {  	[sflag:s8] =	ssyncset.done $0x0  }
0xd3: {  	[sflag:s8] =	ssyncadd.s32 $0xFFFFFFC0  }
0xd4: {  	_ =	swait.ge [sflag:s8], $0x40  }
0xd5: {  	[sflag:s8] =	ssyncset.done $0x0  }
0xd6: {  	s28 =	simm.s32 $0x100;
	[sflag:s8] =	ssyncadd.s32 $0xFFFFFFC0  }
0xd7: {  	[tilespmem:s16], [sflag:$0x1] =	stream.indirect.gather [spmem:s0], $0x10, s28, s12, $0xb8;
	[tilespmem:$0x6310] =	vst v63  }
0xd8: {  	s29 =	simm.s32 $0x240  }
0xd9: {  	[spmem:s4] =	stream.indirect.scatter.add.bf16 [tilespmem:s17], [sflag:$0xD], $0x10, s29, s12, $0xb8;
	[tilespmem:$0x6310] =	vst v63  }
0xda: {  	_ =	swait.ge [sflag:s15], $0x400  }
0xdb: {  	[sflag:s15] =	ssyncset.done $0x0  }
0xdc: {  	s26 =	sadd.s32 @!p0 s24, s3;
	s28 =	simm.s32 @!p0 $0x40;
	[sflag:s15] =	ssyncadd.s32 $0xFFFFFC00  }
0xdd: {  	[tilespmem:s28], [sflag:$0x6] =	stream.linear.gather @!p0 [hbm4b:s26+s25], $0x40, $0x38;
	[tilespmem:$0x6310] =	vst v63  }
0xde: {  	s26 =	sadd.s32 @!p0 s24, s2;
	s28 =	simm.s32 @!p0 $0x240  }
0xdf: {  	[tilespmem:s28], [sflag:$0x6] =	stream.linear.gather @!p0 [hbm4b:s26+s25], $0x40, $0x38;
	[tilespmem:$0x6310] =	vst v63  }
0xe0: {  	_ =	swait.ge [sflag:s19], $0x400  }
0xe1: {  	[sflag:s19] =	ssyncset.done $0x0  }
0xe2: {  	[sflag:s19] =	ssyncadd.s32 $0xFFFFFC00  }
0xe3: {  	_ =	swait.ge [sflag:s20], $0x40  }
0xe4: {  	[sflag:s20] =	ssyncset.done $0x0  }
0xe5: {  	[sflag:s20] =	ssyncadd.s32 $0xFFFFFFC0  }
0xe6: {  	_ =	swait.ge [sflag:s20], $0x40  }
0xe7: {  	[sflag:s20] =	ssyncset.done $0x0  }
0xe8: {  	s28 =	simm.s32 $0x140;
	[sflag:s20] =	ssyncadd.s32 $0xFFFFFFC0  }
0xe9: {  	[tilespmem:s17], [sflag:$0x2] =	stream.indirect.gather [spmem:s0], $0x10, s28, s12, $0xb8;
	[tilespmem:$0x6310] =	vst v63  }
0xea: {  	s29 =	simm.s32 $0x280  }
0xeb: {  	[spmem:s4] =	stream.indirect.scatter.add.bf16 [tilespmem:s18], [sflag:$0xD], $0x10, s29, s12, $0xb8;
	[tilespmem:$0x6310] =	vst v63  }
0xec: {  	_ =	swait.ge [sflag:s15], $0x400  }
0xed: {  	[sflag:s15] =	ssyncset.done $0x0  }
0xee: {  	s26 =	sadd.s32 @!p0 s24, s31;
	s28 =	simm.s32 @!p0 $0x80;
	[sflag:s15] =	ssyncadd.s32 $0xFFFFFC00  }
0xef: {  	[tilespmem:s28], [sflag:$0x7] =	stream.linear.gather @!p0 [hbm4b:s26+s25], $0x40, $0x38;
	[tilespmem:$0x6310] =	vst v63  }
0xf0: {  	s26 =	sadd.s32 @!p0 s24, s30;
	s28 =	simm.s32 @!p0 $0x280  }
0xf1: {  	[tilespmem:s28], [sflag:$0x7] =	stream.linear.gather @!p0 [hbm4b:s26+s25], $0x40, $0x38;
	[tilespmem:$0x6310] =	vst v63  }
0xf2: {  	_ =	swait.ge [sflag:s21], $0x400  }
0xf3: {  	[sflag:s21] =	ssyncset.done $0x0  }
0xf4: {  	[sflag:s21] =	ssyncadd.s32 $0xFFFFFC00  }
0xf5: {  	_ =	swait.ge [sflag:s22], $0x40  }
0xf6: {  	[sflag:s22] =	ssyncset.done $0x0  }
0xf7: {  	[sflag:s22] =	ssyncadd.s32 $0xFFFFFFC0  }
0xf8: {  	_ =	swait.ge [sflag:s22], $0x40  }
0xf9: {  	[sflag:s22] =	ssyncset.done $0x0  }
0xfa: {  	s28 =	simm.s32 $0x180;
	[sflag:s22] =	ssyncadd.s32 $0xFFFFFFC0  }
0xfb: {  	[tilespmem:s18], [sflag:$0x3] =	stream.indirect.gather [spmem:s0], $0x10, s28, s12, $0xb8;
	[tilespmem:$0x6310] =	vst v63  }
0xfc: {  	s29 =	simm.s32 $0x2C0  }
0xfd: {  	[spmem:s4] =	stream.indirect.scatter.add.bf16 [tilespmem:s10], [sflag:$0xD], $0x10, s29, s12, $0xb8;
	[tilespmem:$0x6310] =	vst v63  }
0xfe: {  	_ =	swait.ge [sflag:s15], $0x400  }
0xff: {  	[sflag:s15] =	ssyncset.done $0x0;
	s26 =	rddreg [dreg:$0x1f]  }
0x100: {  	s28 =	simm.s32 @!p0 $0xC0;
	[sflag:s15] =	ssyncadd.s32 $0xFFFFFC00;
	s26 =	sadd.s32 @!p0 s24, s26  }
0x101: {  	[tilespmem:s28], [sflag:$0x8] =	stream.linear.gather @!p0 [hbm4b:s26+s25], $0x40, $0x38;
	[tilespmem:$0x6310] =	vst v63  }
0x102: {  	s26 =	rddreg [dreg:$0x1e]  }
0x103: {  	s28 =	simm.s32 @!p0 $0x2C0;
	s26 =	sadd.s32 @!p0 s24, s26  }
0x104: {  	[tilespmem:s28], [sflag:$0x8] =	stream.linear.gather @!p0 [hbm4b:s26+s25], $0x40, $0x38;
	[tilespmem:$0x6310] =	vst v63  }
0x105: {  	_ =	swait.ge [sflag:s14], $0x400  }
0x106: {  	[sflag:s14] =	ssyncset.done $0x0  }
0x107: {  	[sflag:s14] =	ssyncadd.s32 $0xFFFFFC00  }
0x108: {  	_ =	swait.ge [sflag:s23], $0x40  }
0x109: {  	[sflag:s23] =	ssyncset.done $0x0  }
0x10a: {  	[sflag:s23] =	ssyncadd.s32 $0xFFFFFFC0  }
0x10b: {  	_ =	swait.ge [sflag:s23], $0x40  }
0x10c: {  	[sflag:s23] =	ssyncset.done $0x0  }
0x10d: {  	[sflag:s23] =	ssyncadd.s32 $0xFFFFFFC0  }
0x10e: {  	[tilespmem:s10], [sflag:$0x4] =	stream.indirect.gather [spmem:s0], $0x10, s11, s12, $0xb8;
	[tilespmem:$0x6310] =	vst v63  }
0x10f: {  	s28 =	simm.s32 $0x300  }
0x110: {  	[spmem:s4] =	stream.indirect.scatter.add.bf16 [tilespmem:s16], [sflag:$0xD], $0x10, s28, s12, $0xb8;
	[tilespmem:$0x6310] =	vst v63  }
0x111: {  	p1 =	sne.s32 s24, $0x4C0;
	_ =	swait.ge [sflag:s15], $0x400  }
0x112: {  	s26 =	simm.s32 @p1 $0x0;
	[sflag:s15] =	ssyncset.done $0x0;
	s25 =	rddreg [dreg:$0x1d]  }
0x113: {  	s28 =	simm.s32 @p1 $0x100;
	[sflag:s15] =	ssyncadd.s32 $0xFFFFFC00;
	s25 =	sadd.s32 @p1 s24, s25  }
0x114: {  	[tilespmem:s28], [sflag:$0x9] =	stream.linear.gather @p1 [hbm4b:s25+s26], $0x40, $0x38;
	[tilespmem:$0x6310] =	vst v63  }
0x115: {  	s25 =	rddreg [dreg:$0x1c]  }
0x116: {  	s28 =	simm.s32 @p1 $0x300;
	s25 =	sadd.s32 @p1 s24, s25  }
0x117: {  	[tilespmem:s28], [sflag:$0x9] =	stream.linear.gather @p1 [hbm4b:s25+s26], $0x40, $0x38;
	[tilespmem:$0x6310] =	vst v63  }
0x118: {  	s25 =	simm.s32 @p1 $0x2  }
0x119: {  	_ =	swait.ge @p1 [sflag:s25], $0x400  }
0x11a: {  	[sflag:s25] =	ssyncset.done @p1 $0x0  }
0x11b: {  	[sflag:s25] =	ssyncadd.s32 @p1 $0xFFFFFC00;
	s25 =	simm.s32 @p1 $0x5  }
0x11c: {  	_ =	swait.ge @p1 [sflag:s25], $0x40  }
0x11d: {  	[sflag:s25] =	ssyncset.done @p1 $0x0  }
0x11e: {  	[sflag:s25] =	ssyncadd.s32 @p1 $0xFFFFFFC0  }
0x11f: {  	_ =	swait.ge @p1 [sflag:s25], $0x40  }
0x120: {  	[sflag:s25] =	ssyncset.done @p1 $0x0  }
0x121: {  	s28 =	simm.s32 @p1 $0x400;
	[sflag:s25] =	ssyncadd.s32 @p1 $0xFFFFFFC0;
	s25 =	simm.s32 @p1 $0x40  }
0x122: {  	[tilespmem:s28], [sflag:$0x1] =	stream.indirect.gather @p1 [spmem:s0], $0x10, s26, s25, $0xb8;
	[tilespmem:$0x6310] =	vst v63  }
0x123: {  	s28 =	simm.s32 @!p1 $0x2  }
0x124: {  	_ =	swait.ge @!p1 [sflag:s28], $0x400  }
0x125: {  	[sflag:s28] =	ssyncset.done @!p1 $0x0  }
0x126: {  	s29 =	simm.s32 $0x340;
	[sflag:s28] =	ssyncadd.s32 @!p1 $0xFFFFFC00  }
0x127: {  	[spmem:s4] =	stream.indirect.scatter.add.bf16 [tilespmem:s17], [sflag:$0xD], $0x10, s29, s12, $0xb8;
	[tilespmem:$0x6310] =	vst v63  }
0x128: {  	_ =	swait.ge [sflag:s15], $0x400  }
0x129: {  	[sflag:s15] =	ssyncset.done $0x0;
	s28 =	rddreg [dreg:$0x1b]  }
0x12a: {  	s29 =	simm.s32 @p1 $0x140;
	[sflag:s15] =	ssyncadd.s32 $0xFFFFFC00;
	s28 =	sadd.s32 @p1 s24, s28  }
0x12b: {  	[tilespmem:s29], [sflag:$0xA] =	stream.linear.gather @p1 [hbm4b:s28+s26], $0x40, $0x38;
	[tilespmem:$0x6310] =	vst v63  }
0x12c: {  	s28 =	rddreg [dreg:$0x1a]  }
0x12d: {  	s29 =	simm.s32 @p1 $0x340;
	s28 =	sadd.s32 @p1 s24, s28  }
0x12e: {  	[tilespmem:s29], [sflag:$0xA] =	stream.linear.gather @p1 [hbm4b:s28+s26], $0x40, $0x38;
	[tilespmem:$0x6310] =	vst v63  }
0x12f: {  	s28 =	simm.s32 @p1 $0x3  }
0x130: {  	_ =	swait.ge @p1 [sflag:s28], $0x400  }
0x131: {  	[sflag:s28] =	ssyncset.done @p1 $0x0  }
0x132: {  	[sflag:s28] =	ssyncadd.s32 @p1 $0xFFFFFC00;
	s28 =	simm.s32 @p1 $0x6  }
0x133: {  	_ =	swait.ge @p1 [sflag:s28], $0x40  }
0x134: {  	[sflag:s28] =	ssyncset.done @p1 $0x0  }
0x135: {  	[sflag:s28] =	ssyncadd.s32 @p1 $0xFFFFFFC0  }
0x136: {  	_ =	swait.ge @p1 [sflag:s28], $0x40  }
0x137: {  	[sflag:s28] =	ssyncset.done @p1 $0x0  }
0x138: {  	[sflag:s28] =	ssyncadd.s32 @p1 $0xFFFFFFC0;
	s28 =	simm.s32 @p1 $0x800  }
0x139: {  	[tilespmem:s28], [sflag:$0x2] =	stream.indirect.gather @p1 [spmem:s0], $0x10, s25, s25, $0xb8;
	[tilespmem:$0x6310] =	vst v63  }
0x13a: {  	s28 =	simm.s32 @!p1 $0x3  }
0x13b: {  	_ =	swait.ge @!p1 [sflag:s28], $0x400  }
0x13c: {  	[sflag:s28] =	ssyncset.done @!p1 $0x0  }
0x13d: {  	s29 =	simm.s32 $0x380;
	[sflag:s28] =	ssyncadd.s32 @!p1 $0xFFFFFC00  }
0x13e: {  	[spmem:s4] =	stream.indirect.scatter.add.bf16 [tilespmem:s18], [sflag:$0xD], $0x10, s29, s12, $0xb8;
	[tilespmem:$0x6310] =	vst v63  }
0x13f: {  	_ =	swait.ge [sflag:s15], $0x400  }
0x140: {  	[sflag:s15] =	ssyncset.done $0x0;
	s28 =	rddreg [dreg:$0x19]  }
0x141: {  	s29 =	simm.s32 @p1 $0x180;
	[sflag:s15] =	ssyncadd.s32 $0xFFFFFC00;
	s28 =	sadd.s32 @p1 s24, s28  }
0x142: {  	[tilespmem:s29], [sflag:$0xB] =	stream.linear.gather @p1 [hbm4b:s28+s26], $0x40, $0x38;
	[tilespmem:$0x6310] =	vst v63  }
0x143: {  	s28 =	rddreg [dreg:$0x18]  }
0x144: {  	s29 =	simm.s32 @p1 $0x380;
	s28 =	sadd.s32 @p1 s24, s28  }
0x145: {  	[tilespmem:s29], [sflag:$0xB] =	stream.linear.gather @p1 [hbm4b:s28+s26], $0x40, $0x38;
	[tilespmem:$0x6310] =	vst v63  }
0x146: {  	s26 =	simm.s32 @p1 $0x4  }
0x147: {  	_ =	swait.ge @p1 [sflag:s26], $0x400  }
0x148: {  	[sflag:s26] =	ssyncset.done @p1 $0x0  }
0x149: {  	[sflag:s26] =	ssyncadd.s32 @p1 $0xFFFFFC00;
	s26 =	simm.s32 @p1 $0x7  }
0x14a: {  	_ =	swait.ge @p1 [sflag:s26], $0x40  }
0x14b: {  	[sflag:s26] =	ssyncset.done @p1 $0x0  }
0x14c: {  	[sflag:s26] =	ssyncadd.s32 @p1 $0xFFFFFFC0  }
0x14d: {  	_ =	swait.ge @p1 [sflag:s26], $0x40  }
0x14e: {  	[sflag:s26] =	ssyncset.done @p1 $0x0  }
0x14f: {  	s28 =	simm.s32 @p1 $0xC00;
	[sflag:s26] =	ssyncadd.s32 @p1 $0xFFFFFFC0;
	s26 =	simm.s32 @p1 $0x80  }
0x150: {  	[tilespmem:s28], [sflag:$0x3] =	stream.indirect.gather @p1 [spmem:s0], $0x10, s26, s25, $0xb8;
	[tilespmem:$0x6310] =	vst v63  }
0x151: {  	s25 =	simm.s32 @!p1 $0x4  }
0x152: {  	_ =	swait.ge @!p1 [sflag:s25], $0x400  }
0x153: {  	[sflag:s25] =	ssyncset.done @!p1 $0x0  }
.Ltmp3:
0x154: {  	[sflag:s25] =	ssyncadd.s32 @!p1 $0xFFFFFC00;
	(pc) =	sbr.rel @p0 .LBB2_6-.Ltmp3, $4  }
0x155: {  	[spmem:s4] =	stream.indirect.scatter.add.bf16 [tilespmem:s10], [sflag:$0xD], $0x10, s13, s12, $0xb8;
	[tilespmem:$0x6310] =	vst v63  }
0x156: {  	_ =	swait.ge [sflag:s15], $0x400  }
0x157: {  	[sflag:s15] =	ssyncset.done $0x0  }
0x158: {  	[sflag:s15] =	ssyncadd.s32 $0xFFFFFC00  }
.Ltmp4:
0x159: {  	s25 =	rddreg [dreg:$0x17];
	(pc) =	sbr.rel .LBB2_4-.Ltmp4, $4  }
0x15a: {  	s29 =	rddreg [dreg:$0x16];
	s25 =	sadd.s32 s24, s25  }
0x15b: {  	[tilespmem:s11], [sflag:$0xC] =	stream.linear.gather [hbm4b:s25+s1], $0x40, $0x38;
	[tilespmem:$0x6310] =	vst v63  }
0x15c: {  	s25 =	sadd.s32 s24, s29;
	s24 =	sadd.s32 $0x40, s24  }
0x15d: {  	[tilespmem:s13], [sflag:$0xC] =	stream.linear.gather [hbm4b:s25+s1], $0x40, $0x38;
	[tilespmem:$0x6310] =	vst v63  }
.LBB2_7:
0x15e: {  	_ =	sfence.sel $0x180000  }
0x15f: {  	[bflag:$0x0] =	sbarrier.arrive $0xFFFF  }
0x160: {  	_ =	strace $0x9000004D  }
0x161: {  	s0 =	stileid.u32;
	[bflag:$0x2] =	sbarrier.arrive $0xFFFF  }
0x162: {  	p0 =	sne.s32 s0, $0x0;
	s0 =	rddreg [dreg:$0x4]  }
0x163: {  	s0 =	sadd.s32 @!p0 $0x100000, s0  }
0x164: {  	[sflag:s0] =	ssyncadd.tile.s32 @!p0 $0x1;
	_ =	shalt  }
.Lfunc_end2:
_tile_overlayer_lowered:
.L_overlay_start_2:
0x165: {  	(tag) =	ssettag $0x2  }
0x166: {  	s0 =	rddreg [dreg:$0x0];
	s2 =	stileid.u32  }
0x167: {  	s1 =	rddreg [dreg:$0x1];
	p0 =	sne.s32 s2, $0x0  }
0x168: {  	s3 =	rddreg [dreg:$0x2];
	[bflag:$0x3] =	sbarrier.arrive $0xFFFF;
	s2 =	simm.s32 @!p0 $0x1C0D  }
0x169: {  	[timem:s3], [sflag:s2] =	dma.local @!p0 [hbm:s0], s1  }
0x16a: {  	s0 =	simm.s32 @!p0 $0xD  }
0x16b: {  	_ =	swait.ge @!p0 [sflag:s0], s1  }
0x16c: {  	s1 =	ssub.s32 @!p0 $0x0, s1;
	[sflag:s0] =	ssyncset.done @!p0 $0x0  }
0x16d: {  	[sflag:s0] =	ssyncadd.s32 @!p0 s1  }
0x16e: {  	[bflag:$0x3] =	sbarrier.arrive $0xFFFF  }
0x16f: {  	_ =	shalt  }

// kernel: kernel.8.cloned.1.call-start
scs
__scs_entry_jumppad:
0x0: {  	(pc) =	sbr.rel $0x88, $3  }
0x1: {  	(tag) =	ssettag $0x0;
	lr =	simm.s32 $0x1  }
0x2: {  	[smem:$0x3F99] =	sst lr;
	_ =	strace $0xD0000000  }
0x3: {  	_ = 	snop  }
0x4: {  	_ = 	snop  }
0x5: {  	_ = 	snop  }
0x6: {  	_ = 	snop  }
0x7: {  	_ = 	snop  }
__scs_overlays_trampoline_lowered:
0x8: {  	[smem:$0x3FA8] =	sst s0  }
0x9: {  	[smem:$0x3FA9] =	sst s1  }
0xa: {  	[smem:$0x3FAA] =	sst s2  }
0xb: {  	[smem:$0x3FAB] =	sst s3  }
0xc: {  	[smem:$0x3FAC] =	sst s4  }
0xd: {  	[smem:$0x3FAD] =	sst s5  }
0xe: {  	[smem:$0x3FAE] =	sst s6  }
0xf: {  	[smem:$0x3FAF] =	sst s7  }
0x10: {  	[smem:$0x3FB0] =	sst s8  }
0x11: {  	[smem:$0x3FB1] =	sst s9;
	s0 =	simm.s32 @!p0 $0x0  }
0x12: {  	s1 =	sld [smem:$0x3F97];
	s0 =	simm.s32 @p0 $0x1  }
0x13: {  	[smem:$0x3FB2] =	sst s0;
	s0 =	simm.s32 @!p1 $0x0  }
0x14: {  	s2 =	sld [smem:$0x3F96];
	s0 =	simm.s32 @p1 $0x1  }
0x15: {  	[smem:$0x3FB3] =	sst s0;
	s0 =	simm.s32 @!p2 $0x0  }
0x16: {  	s3 =	sld [smem:$0x3FDB];
	s0 =	simm.s32 @p2 $0x1  }
0x17: {  	s4 =	simm.s32 $0x1BF5;
	[smem:$0x3FB5] =	sst s0  }
0x18: {  	s0 =	sld [smem:$0x3F98];
	_ =	swait.ge [sflag:s4], $0x0  }
0x19: {  	s7 =	sld [smem:$0x3F99]  }
0x1a: {  	s8 =	sadd.s32 $0xFFFFE003, lr  }
0x1b: {  	s9 =	sadd.s32 $0xFFFFFEF7, lr;
	s5 =	simm.s32 $0xFFFFFFFF;
	p2 =	slt.u32 s8, $0xFFFFF086  }
0x1c: {  	p1 =	slt.u32 s9, $0xF7A;
	s5 =	simm.s32 @!p2 $0x0  }
0x1d: {  	s5 =	simm.s32 @p1 $0x1;
	p0 =	seq.s32 s7, s2  }
0x1e: {  	s7 =	smul.u32 @!p0 $0xF7A, s2;
	p2 =	seq.s32 @!p0 s5, $0x0  }
0x1f: {  	s9 =	smul.u32 $0xF7A, s1;
	s8 =	simm.s32 @!p0 $0x1BF5;
	p2 =	por !p2, p0  }
0x20: {  	[sflag:s8] =	ssyncset.s32 @!p0 $0xFFFFF086;
	s6 =	sadd.s32 @!p0 s3, s7;
	s7 =	simm.s32 @!p0 $0x108  }
0x21: {  	s3 =	sadd.s32 s3, s9;
	s6 =	sadd.s32 @!p0 $0x88, s6;
	s7 =	simm.s32 @p2 $0x1082  }
0x22: {  	[simem:s7], [sflag:s8] =	dma.local @!p0 [hbm:s6], $0xF7A  }
0x23: {  	s9 =	sor.u32 $0xD0000000, s2;
	s6 =	simm.s32 $0x108;
	_ =	swait.ge @!p0 [sflag:s8], $0x0  }
0x24: {  	s3 =	sadd.s32 $0x88, s3;
	s6 =	simm.s32 @!p1 $0x1082;
	[sflag:s4] =	ssyncset.s32 $0xFFFFF086  }
0x25: {  	[simem:s6], [sflag:s4] =	dma.local [hbm:s3], $0xF7A  }
0x26: {  	[smem:$0x3F99] =	sst s1;
	(tag) =	ssettag s2;
	_ =	strace s9  }
0x27: {  	s1 =	sld [smem:$0x3FA9]  }
0x28: {  	s2 =	sld [smem:$0x3FAA]  }
0x29: {  	s4 =	sld [smem:$0x3FAC]  }
0x2a: {  	p0 =	seq.s32 s5, $0x0;
	s5 =	sld [smem:$0x3FAD]  }
0x2b: {  	s6 =	sld [smem:$0x3FAE]  }
0x2c: {  	s7 =	sld [smem:$0x3FAF]  }
0x2d: {  	s3 =	simm.s32 $0x108;
	s8 =	sld [smem:$0x3FB0]  }
0x2e: {  	s3 =	simm.s32 @!p0 $0x1082;
	s9 =	sld [smem:$0x3FB1]  }
0x2f: {  	lr =	sadd.s32 s0, s3;
	s0 =	sld [smem:$0x3FA8]  }
0x30: {  	s3 =	sld [smem:$0x3FAB]  }
0x31: {  	[smem:$0x3FB4] =	sst s10  }
0x32: {  	s10 =	sld [smem:$0x3FB2];
	_ =	sdelay $0x3  }
0x33: {  	p0 =	seq.s32 s10, $0x1;
	s10 =	sld [smem:$0x3FB4];
	_ =	sdelay $0x3  }
0x34: {  	[smem:$0x3FB4] =	sst s10  }
0x35: {  	s10 =	sld [smem:$0x3FB3];
	_ =	sdelay $0x3  }
0x36: {  	p1 =	seq.s32 s10, $0x1;
	s10 =	sld [smem:$0x3FB4];
	_ =	sdelay $0x3  }
0x37: {  	[smem:$0x3FB4] =	sst s10  }
0x38: {  	s10 =	sld [smem:$0x3FB5]  }
0x39: {  	_ = 	snop;
	(pc) =	sbr.ind lr, $3  }
0x3a: {  	_ = 	snop  }
0x3b: {  	_ = 	snop  }
0x3c: {  	p2 =	seq.s32 s10, $0x1;
	s10 =	sld [smem:$0x3FB4]  }
0x3d: {  	_ =	shalt  }
0x3e: {  	_ =	shalt  }
0x3f: {  	_ =	shalt  }
0x40: {  	_ =	shalt  }
0x41: {  	_ =	shalt  }
0x42: {  	_ =	shalt  }
0x43: {  	_ =	shalt  }
0x44: {  	_ =	shalt  }
0x45: {  	_ =	shalt  }
0x46: {  	_ =	shalt  }
0x47: {  	_ =	shalt  }
0x48: {  	_ =	shalt  }
0x49: {  	_ =	shalt  }
0x4a: {  	_ =	shalt  }
0x4b: {  	_ =	shalt  }
0x4c: {  	_ =	shalt  }
0x4d: {  	_ =	shalt  }
0x4e: {  	_ =	shalt  }
0x4f: {  	_ =	shalt  }
0x50: {  	_ =	shalt  }
0x51: {  	_ =	shalt  }
0x52: {  	_ =	shalt  }
0x53: {  	_ =	shalt  }
0x54: {  	_ =	shalt  }
0x55: {  	_ =	shalt  }
0x56: {  	_ =	shalt  }
0x57: {  	_ =	shalt  }
0x58: {  	_ =	shalt  }
0x59: {  	_ =	shalt  }
0x5a: {  	_ =	shalt  }
0x5b: {  	_ =	shalt  }
0x5c: {  	_ =	shalt  }
0x5d: {  	_ =	shalt  }
0x5e: {  	_ =	shalt  }
0x5f: {  	_ =	shalt  }
0x60: {  	_ =	shalt  }
0x61: {  	_ =	shalt  }
0x62: {  	_ =	shalt  }
0x63: {  	_ =	shalt  }
0x64: {  	_ =	shalt  }
0x65: {  	_ =	shalt  }
0x66: {  	_ =	shalt  }
0x67: {  	_ =	shalt  }
0x68: {  	_ =	shalt  }
0x69: {  	_ =	shalt  }
0x6a: {  	_ =	shalt  }
0x6b: {  	_ =	shalt  }
0x6c: {  	_ =	shalt  }
0x6d: {  	_ =	shalt  }
0x6e: {  	_ =	shalt  }
0x6f: {  	_ =	shalt  }
0x70: {  	_ =	shalt  }
0x71: {  	_ =	shalt  }
0x72: {  	_ =	shalt  }
0x73: {  	_ =	shalt  }
0x74: {  	_ =	shalt  }
0x75: {  	_ =	shalt  }
0x76: {  	_ =	shalt  }
0x77: {  	_ =	shalt  }
0x78: {  	_ =	shalt  }
0x79: {  	_ =	shalt  }
0x7a: {  	_ =	shalt  }
0x7b: {  	_ =	shalt  }
0x7c: {  	_ =	shalt  }
0x7d: {  	_ =	shalt  }
0x7e: {  	_ =	shalt  }
0x7f: {  	_ =	shalt  }
0x80: {  	_ =	shalt  }
0x81: {  	_ =	shalt  }
0x82: {  	_ =	shalt  }
0x83: {  	_ =	shalt  }
0x84: {  	_ =	shalt  }
0x85: {  	_ =	shalt  }
0x86: {  	_ =	shalt  }
0x87: {  	_ =	shalt  }
.Lfunc_end0:
.L_simem_size_0:
called_computation_lowered:
.L_overlay_start_0:
0x88: {  	s2 =	sld [smem:$0x3FD9]  }
0x89: {  	s3 =	sld [smem:$0x3FFE];
	_ =	sdelay $0x1  }
0x8a: {  	s1 =	srdreg.scid  }
0x8b: {  	s0 =	sand.u32 $0x1, s1  }
0x8c: {  	s16 =	sshll.u32 s0, $0xA;
	s2 =	sadd.s32 s3, s2  }
0x8d: {  	s2 =	sadd.s32 s2, s16  }
0x8e: {  	[smem:$0x3FC0] =	sst s2  }
0x8f: {  	_ = 	snop  }
0x90: {  	(tm) =	ssettm $0x1  }
0x91: {  	s17 =	sld [smem:$0x3FFB];
	_ =	sdelay $0x3  }
0x92: {  	_ =	strace s17  }
0x93: {  	s2 =	sld [smem:$0x3FFC];
	_ =	sdelay $0x3  }
0x94: {  	_ =	strace s2  }
0x95: {  	s2 =	sld [smem:$0x3FFD];
	_ =	sdelay $0x3  }
0x96: {  	_ =	strace s2  }
0x97: {  	_ =	strace $0x8FFFFFFF  }
0x98: {  	s18 =	sld [smem:$0x3FDB];
	_ =	sdelay $0x1  }
0x99: {  	s19 =	simm.s32 $_scs_section_size  }
0x9a: {  	s4 =	simm.s32 $_size__tile_overlayer_lowered;
	s5 =	simm.s32 $_tile_overlayer_lowered  }
0x9b: {  	s22 =	simm.s32 $0x1BFF;
	s21 =	sshll.u32 s5, $0x1;
	s2 =	sadd.s32 s19, s18  }
0x9c: {  	s6 =	simm.s32 $0x0;
	s20 =	sshll.u32 s4, $0x1;
	s4 =	sadd.s32 s21, s2  }
0x9d: {  	[timem:s6], [sflag:s22] =	dma.local [hbm:s4], s20  }
0x9e: {  	_ =	swait.ge [sflag:s22], s20  }
0x9f: {  	s3 =	ssub.s32 $0x0, s20;
	[sflag:s22] =	ssyncset.done $0x0  }
0xa0: {  	[sflag:s22] =	ssyncadd.s32 s3;
	_ =	sdelay $0x1  }
0xa1: {  	s23 =	simm.s32 $0x1B8B  }
0xa2: {  	_ =	swait.ge [sflag:s23], $0x1  }
0xa3: {  	[sflag:s23] =	ssyncset.done $0x0  }
0xa4: {  	s25 =	simm.s32 $0x1B8E;
	s24 =	sld [smem:$0x3FFE];
	[sflag:s23] =	ssyncadd.s32 $0xFFFFFFFF  }
0xa5: {  	s26 =	simm.s32 $execute0_lowered;
	[smem:$0x3FD2] =	sst s25  }
0xa6: {  	s4 =	sshll.u32 s26, $0x1;
	_ =	strace $0x80000046;
	[dreg:$0x1] =	wrdreg $0xFFFFFFFF  }
0xa7: {  	s28 =	simm.s32 $_size_execute0_lowered;
	s2 =	sadd.s32 s2, s4;
	[dreg:$0x0] =	wrdreg $0x0  }
0xa8: {  	s4 =	sshll.u32 s28, $0x1;
	[dreg:$0x2] =	wrdreg s2  }
0xa9: {  	[dreg:$0x3] =	wrdreg s4  }
0xaa: {  	[dreg:$0x4] =	wrdreg $0xC0  }
0xab: {  	_ =	task [dreg:s6], $0x5FFFF  }
0xac: {  	[dreg:$0x1] =	wrdreg $0xFFFFFFFF  }
0xad: {  	[dreg:$0x0] =	wrdreg $0x60  }
0xae: {  	[dreg:$0x2] =	wrdreg s24  }
0xaf: {  	[dreg:$0x3] =	wrdreg $0x30000  }
0xb0: {  	[dreg:$0x4] =	wrdreg $0x9  }
0xb1: {  	_ =	task.clear_ibuf [dreg:s6], $0x5FFFF;
	_ =	strace $0x90000046  }
0xb2: {  	s29 =	simm.s32 $0x9;
	_ =	strace $0x80000048  }
0xb3: {  	_ =	swait.ge [sflag:s29], $0x1  }
0xb4: {  	[sflag:s29] =	ssyncadd.s32 $0xFFFFFFFF  }
0xb5: {  	_ =	strace $0x90000048  }
0xb6: {  	_ =	sfence  }
0xb7: {  	s30 =	sld [smem:$0x0];
	_ =	sdelay $0x2  }
0xb8: {  	s31 =	sshll.u32 s1, $0xD;
	s1 =	sshrl.u32 s1, $0x2  }
0xb9: {  	s3 =	sand.u32 $0x4000, s31;
	s1 =	sadd.s32 s1, s30  }
0xba: {  	s0 =	sor.u32 s3, s0;
	s1 =	sshll.u32 s1, $0x11  }
0xbb: {  	s0 =	sor.u32 s1, s0  }
0xbc: {  	s0 =	sadd.s32 $0x8F2B, s0  }
0xbd: {  	[sflag:s0] =	ssyncadd.remote.s32 $0x1  }
0xbe: {  	_ =	sfence.sel $0xFFFF  }
0xbf: {  	[dreg:$0x0] =	wrdreg $0xFFFFFFFF;
	(pc) =	sbr.abs _section_cstart, $3  }
0xc0: {  	[dreg:$0x1] =	wrdreg $0xFFFFFFFF  }
0xc1: {  	_ =	task.clear_ibuf [dreg:s6], $0x2FFFF;
	_ =	strace $0x9FFFFFFF  }
0xc2: {  	(tm) =	ssettm $0x7FFFFFFF  }
0xc3: {  	_ =	shalt  }
tec
execute0_lowered:
.L_overlay_start_1:
0x0: {  	(tag) =	ssettag $0x1  }
0x1: {  	s4 =	rddreg [dreg:$0x0];
	s0 =	srdreg.scid  }
0x2: {  	s2 =	rddreg [dreg:$0x1];
	s1 =	stileid.u32  }
0x3: {  	s3 =	simm.s32 $0x0;
	s17 =	simm.s32 $0x2;
	s18 =	simm.s32 $0x2C00  }
0x4: {  	s19 =	simm.s32 $0x40;
	s20 =	simm.s32 $0x2800;
	s21 =	simm.s32 $0x1  }
0x5: {  	s5 =	sand.u32 $0x1, s0;
	s0 =	rddreg [dreg:$0x2];
	s7 =	smul.u32 $0x2800, s1  }
0x6: {  	s22 =	simm.s32 $0x0;
	[smem:$0x7FF] =	sst s3;
	s9 =	smul.u32 $0xA000, s1  }
0x7: {  	s6 =	sshll.u32 s5, $0x4;
	s8 =	smul.u32 $0x28000, s5;
	s5 =	ssub.s32 $0x2, s5  }
0x8: {  	_ =	strace $0x80000047;
	s6 =	sor.u32 s1, s6;
	s30 =	sshrl.u32 s5, $0x1  }
0x9: {  	s31 =	sshrl.u32 s9, $0x2;
	s6 =	smul.u32 $0x500, s6;
	s8 =	sadd.s32 s7, s8  }
0xa: {  	s16 =	ssub.s32 s5, s30;
	s14 =	sadd.s32 s31, s2;
	s5 =	sadd.s32 s7, s2  }
0xb: {  	s8 =	sshrl.u32 s8, $0x3;
	s7 =	sadd.s32 $0x800, s14;
	s9 =	sadd.s32 $0x1000, s14  }
0xc: {  	s10 =	sadd.s32 $0x1400, s14;
	s11 =	sadd.s32 $0x1800, s14;
	s12 =	sadd.s32 $0x1C00, s14  }
0xd: {  	s13 =	sadd.s32 $0x2000, s14;
	s16 =	smax.u32 s16, $0x1;
	s6 =	sadd.s32 s6, s4  }
0xe: {  	s15 =	sadd.s32 s8, s4;
	s8 =	sadd.s32 $0xC00, s14;
	s4 =	sadd.s32 $0x2200, s6  }
0xf: {  	v0 =	vimm.f32 $1.000000000e+00;
	v1 =	vimm.f32 $0.0e+00;
	s6 =	sadd.s32 $0x400, s14;
	s14 =	sadd.s32 $0x2400, s14;
	s15 =	sadd.s32 $0xC200, s15  }
.LBB2_1:
0x10: {  	[tilespmem:s3], [sflag:$0x2] =	stream.linear.gather [hbm4b:s4+s3], $0x2800, $0x38;
	[tilespmem:$0x5800] =	vst v63  }
0x11: {  	_ =	swait.ge [sflag:s17], $0x2800  }
0x12: {  	[sflag:s17] =	ssyncset.done $0x0  }
0x13: {  	s23 =	simm.s32 $0x40;
	s24 =	simm.s32 $0x0;
	[sflag:s17] =	ssyncadd.s32 $0xFFFFD800  }
.LBB2_2:
0x14: {  	p0 =	sne.s32 s23, $0xFC0;
	[tilespmem:s24+$0x2800] =	vst v0;
	s25 =	smov.u32 s23;
	s23 =	sadd.s32 $0x40, s23  }
.Ltmp0:
0x15: {  	[tilespmem:s24+$0x2C00] =	vst v1;
	(pc) =	sbr.rel @p0 .LBB2_2-.Ltmp0, $2  }
0x16: {  	_ =	sdelay $0x2  }
0x17: {  	s24 =	sshra.s32 s25, $0x2  }
0x18: {  	[tilespmem:s24+$0x2800] =	vst v0  }
0x19: {  	[tilespmem:s24+$0x2C00] =	vst v1  }
0x1a: {  	[spmem:s5] =	stream.linear.scatter [tilespmem:s18], [sflag:$0x2], $0x400, $0x38;
	[tilespmem:$0x5800] =	vst v63  }
0x1b: {  	_ =	swait.ge [sflag:s17], $0x400  }
0x1c: {  	[sflag:s17] =	ssyncset.done $0x0  }
0x1d: {  	[sflag:s17] =	ssyncadd.s32 $0xFFFFFC00  }
0x1e: {  	[spmem:s6] =	stream.linear.scatter [tilespmem:s18], [sflag:$0x2], $0x400, $0x38;
	[tilespmem:$0x5800] =	vst v63  }
0x1f: {  	_ =	swait.ge [sflag:s17], $0x400  }
0x20: {  	[sflag:s17] =	ssyncset.done $0x0  }
0x21: {  	[sflag:s17] =	ssyncadd.s32 $0xFFFFFC00  }
0x22: {  	[spmem:s7] =	stream.linear.scatter [tilespmem:s18], [sflag:$0x2], $0x400, $0x38;
	[tilespmem:$0x5800] =	vst v63  }
0x23: {  	_ =	swait.ge [sflag:s17], $0x400  }
0x24: {  	[sflag:s17] =	ssyncset.done $0x0  }
0x25: {  	[sflag:s17] =	ssyncadd.s32 $0xFFFFFC00  }
0x26: {  	[spmem:s8] =	stream.linear.scatter [tilespmem:s18], [sflag:$0x2], $0x400, $0x38;
	[tilespmem:$0x5800] =	vst v63  }
0x27: {  	_ =	swait.ge [sflag:s17], $0x400  }
0x28: {  	[sflag:s17] =	ssyncset.done $0x0  }
0x29: {  	[sflag:s17] =	ssyncadd.s32 $0xFFFFFC00  }
0x2a: {  	[spmem:s9] =	stream.linear.scatter [tilespmem:s18], [sflag:$0x2], $0x400, $0x38;
	[tilespmem:$0x5800] =	vst v63  }
0x2b: {  	_ =	swait.ge [sflag:s17], $0x400  }
0x2c: {  	[sflag:s17] =	ssyncset.done $0x0  }
0x2d: {  	[sflag:s17] =	ssyncadd.s32 $0xFFFFFC00  }
0x2e: {  	[spmem:s10] =	stream.linear.scatter [tilespmem:s18], [sflag:$0x2], $0x400, $0x38;
	[tilespmem:$0x5800] =	vst v63  }
0x2f: {  	_ =	swait.ge [sflag:s17], $0x400  }
0x30: {  	[sflag:s17] =	ssyncset.done $0x0  }
0x31: {  	[sflag:s17] =	ssyncadd.s32 $0xFFFFFC00  }
0x32: {  	[spmem:s11] =	stream.linear.scatter [tilespmem:s18], [sflag:$0x2], $0x400, $0x38;
	[tilespmem:$0x5800] =	vst v63  }
0x33: {  	_ =	swait.ge [sflag:s17], $0x400  }
0x34: {  	[sflag:s17] =	ssyncset.done $0x0  }
0x35: {  	[sflag:s17] =	ssyncadd.s32 $0xFFFFFC00  }
0x36: {  	[spmem:s12] =	stream.linear.scatter [tilespmem:s18], [sflag:$0x2], $0x400, $0x38;
	[tilespmem:$0x5800] =	vst v63  }
0x37: {  	_ =	swait.ge [sflag:s17], $0x400  }
0x38: {  	[sflag:s17] =	ssyncset.done $0x0  }
0x39: {  	[sflag:s17] =	ssyncadd.s32 $0xFFFFFC00  }
0x3a: {  	[spmem:s13] =	stream.linear.scatter [tilespmem:s18], [sflag:$0x2], $0x400, $0x38;
	[tilespmem:$0x5800] =	vst v63  }
0x3b: {  	_ =	swait.ge [sflag:s17], $0x400  }
0x3c: {  	[sflag:s17] =	ssyncset.done $0x0  }
0x3d: {  	[sflag:s17] =	ssyncadd.s32 $0xFFFFFC00  }
0x3e: {  	[spmem:s14] =	stream.linear.scatter [tilespmem:s18], [sflag:$0x2], $0x400, $0x38;
	[tilespmem:$0x5800] =	vst v63  }
0x3f: {  	_ =	swait.ge [sflag:s17], $0x400  }
0x40: {  	[sflag:s17] =	ssyncset.done $0x0  }
0x41: {  	[sflag:s17] =	ssyncadd.s32 $0xFFFFFC00  }
0x42: {  	[bflag:$0x0] =	sbarrier.arrive $0xFFFF  }
0x43: {  	[spmem:s2] =	stream.indirect.scatter.add.f32 [tilespmem:s20], [sflag:$0x1], $0x10, s3, s19, $0xb8;
	[tilespmem:$0x5800] =	vst v63  }
0x44: {  	s23 =	simm.s32 $0x40  }
0x45: {  	[spmem:s2] =	stream.indirect.scatter.add.f32 [tilespmem:s20], [sflag:$0x1], $0x10, s23, s19, $0xb8;
	[tilespmem:$0x5800] =	vst v63  }
0x46: {  	_ =	swait.ge [sflag:s21], $0x400  }
0x47: {  	s23 =	simm.s32 $0x200;
	[sflag:s21] =	ssyncset.done $0x0  }
.LBB2_4:
0x48: {  	s24 =	sshra.s32 s23, $0x2;
	[sflag:s21] =	ssyncadd.s32 $0xFFFFFC00;
	p0 =	sne.s32 s23, $0x9F00  }
0x49: {  	[spmem:s2] =	stream.indirect.scatter.add.f32 [tilespmem:s20], [sflag:$0x1], $0x10, s24, s19, $0xb8;
	[tilespmem:$0x5800] =	vst v63  }
.Ltmp1:
0x4a: {  	_ = 	snop;
	(pc) =	sbr.rel @p0 .LBB2_4-.Ltmp1, $4  }
0x4b: {  	_ = 	snop  }
0x4c: {  	s23 =	sadd.s32 $0x100, s23  }
0x4d: {  	_ =	swait.ge [sflag:s21], $0x400  }
0x4e: {  	[sflag:s21] =	ssyncset.done $0x0  }
0x4f: {  	[sflag:s21] =	ssyncadd.s32 $0xFFFFFC00  }
0x50: {  	_ =	swait.ge [sflag:s21], $0x400  }
0x51: {  	s23 =	sshll.u32 s1, $0x6;
	s22 =	sadd.s32 $0x1, s22;
	[sflag:s21] =	ssyncset.done $0x0  }
0x52: {  	s24 =	sshrl.u32 s5, $0x3;
	p0 =	sne.s32 s22, s16;
	[sflag:s21] =	ssyncadd.s32 $0xFFFFFC00  }
.Ltmp2:
0x53: {  	s23 =	sor.u32 $0x1C02, s23;
	[bflag:$0x0] =	sbarrier.arrive $0xFFFF;
	(pc) =	sbr.rel @p0 .LBB2_1-.Ltmp2, $4  }
0x54: {  	[hbm:s15], [sflag:s23] =	dma.local [spmem:s24], $0x500  }
0x55: {  	_ =	swait.ge [sflag:s17], $0x500  }
0x56: {  	[sflag:s17] =	ssyncset.done $0x0  }
0x57: {  	[sflag:s17] =	ssyncadd.s32 $0xFFFFFB00  }
0x58: {  	_ =	sfence.sel $0x180000  }
0x59: {  	[bflag:$0x0] =	sbarrier.arrive $0xFFFF  }
0x5a: {  	p0 =	sne.s32 s1, $0x0;
	_ =	strace $0x90000047  }
0x5b: {  	s0 =	sadd.s32 @!p0 $0x100000, s0;
	[bflag:$0x2] =	sbarrier.arrive $0xFFFF  }
0x5c: {  	[sflag:s0] =	ssyncadd.tile.s32 @!p0 $0x1;
	_ =	shalt  }
.Lfunc_end2:
_tile_overlayer_lowered:
.L_overlay_start_2:
0x5d: {  	(tag) =	ssettag $0x2  }
0x5e: {  	s0 =	rddreg [dreg:$0x0];
	s2 =	stileid.u32  }
0x5f: {  	s1 =	rddreg [dreg:$0x1];
	p0 =	sne.s32 s2, $0x0  }
0x60: {  	s3 =	rddreg [dreg:$0x2];
	[bflag:$0x3] =	sbarrier.arrive $0xFFFF;
	s2 =	simm.s32 @!p0 $0x1C02  }
0x61: {  	[timem:s3], [sflag:s2] =	dma.local @!p0 [hbm:s0], s1  }
0x62: {  	s0 =	simm.s32 @!p0 $0x2  }
0x63: {  	_ =	swait.ge @!p0 [sflag:s0], s1  }
0x64: {  	s1 =	ssub.s32 @!p0 $0x0, s1;
	[sflag:s0] =	ssyncset.done @!p0 $0x0  }
0x65: {  	[sflag:s0] =	ssyncadd.s32 @!p0 s1  }
0x66: {  	[bflag:$0x3] =	sbarrier.arrive $0xFFFF  }
0x67: {  	_ =	shalt  }

</sc_bundles>
